<compile_context>
chip_gen: v7x
topology: tpu7x:2x2x1
jax: 0.10.2.dev20260603
libtpu: 0.0.44.dev20260713+nightly
codegen_flags: <defaults>
</compile_context>

<pallas_src>
import functools

import jax
import jax.numpy as jnp
from jax import lax
from jax.experimental import pallas as pl
from jax.experimental.pallas import tpu as pltpu
from jax.experimental.pallas import tpu_sc as plsc

B, N = 4, 4096
D = 768
H = 768
M = B * N
POS = 10240
NC, NS = 2, 16
NW = NC * NS
C = 64
BM = 1024
GROUPS = (4096, 8192, 4096)


@functools.cache
def _pe_gather_kernel(mg):
    mpw = mg // NW
    nchunk = mpw // C
    ipw = mpw * 2
    mesh = plsc.VectorSubcoreMesh(core_axis_name="c", subcore_axis_name="s")

    @functools.partial(
        pl.kernel,
        mesh=mesh,
        out_type=jax.ShapeDtypeStruct((mg, H), jnp.float32),
        scratch_types=[
            pltpu.VMEM((ipw,), jnp.int32),
            pltpu.VMEM((2 * C, H), jnp.float32),
            pltpu.SemaphoreType.DMA,
        ],
    )
    def k(tab_hbm, idx_hbm, out_hbm, idxv, rows, sem):
        wid = lax.axis_index("s") * NC + lax.axis_index("c")
        pltpu.sync_copy(idx_hbm.at[pl.ds(wid * ipw, ipw)], idxv)

        def chunk(j, carry):
            pltpu.async_copy(
                tab_hbm.at[idxv.at[pl.ds(j * 2 * C, 2 * C)]], rows, sem
            ).wait()

            def add_row(r, c2):
                for c in range(H // 16):
                    sl = pl.ds(c * 16, 16)
                    rows[r, sl] = rows[r, sl] + rows[C + r, sl]
                return c2

            lax.fori_loop(0, C, add_row, 0)
            off = wid * mpw + j * C
            pltpu.sync_copy(rows.at[pl.ds(0, C)], out_hbm.at[pl.ds(off, C)])
            return carry

        lax.fori_loop(0, nchunk, chunk, 0)

    return k


def _proj(px_ref, w_ref):
    pxn = 2.0 * px_ref[...] - 1.0
    return lax.dot_general(
        pxn,
        w_ref[...],
        (((1,), (1,)), ((), ())),
        preferred_element_type=jnp.float32,
        precision=lax.Precision.DEFAULT,
    )


def _mm_body(px_ref, w_ref, pe_ref, out_ref):
    out_ref[...] = _proj(px_ref, w_ref) + pe_ref[...]


def _mm_body_acc(px_ref, w_ref, pe_ref, h_ref, out_ref):
    del h_ref
    _mm_body(px_ref, w_ref, pe_ref, out_ref)


def _mm_group(tok0, mg, px, w, pe_g, h):
    b0 = tok0 // BM
    out_spec = pl.BlockSpec((BM, H), lambda i, b0=b0: (b0 + i, 0))
    in_specs = [
        pl.BlockSpec((BM, D), lambda i, b0=b0: (b0 + i, 0)),
        pl.BlockSpec((H, D), lambda i: (0, 0)),
        pl.BlockSpec((BM, H), lambda i: (i, 0)),
    ]
    if h is None:
        return pl.pallas_call(
            _mm_body,
            grid=(mg // BM,),
            in_specs=in_specs,
            out_specs=out_spec,
            out_shape=jax.ShapeDtypeStruct((M, H), jnp.float32),
        )(px, w, pe_g)
    return pl.pallas_call(
        _mm_body_acc,
        grid=(mg // BM,),
        in_specs=in_specs + [pl.BlockSpec(memory_space=pl.ANY)],
        out_specs=out_spec,
        out_shape=jax.ShapeDtypeStruct((M, H), jnp.float32),
        input_output_aliases={3: 0},
    )(px, w, pe_g, h)


def kernel(pixel_values, pixel_position_ids, padding_mask, W, pos_table):
    del padding_mask
    px = pixel_values.reshape(M, D)
    table2 = pos_table.reshape(2 * POS, H)
    ids = pixel_position_ids.reshape(M, 2)
    ix = ids[:, 0].reshape(M // C, C)
    iy = ids[:, 1].reshape(M // C, C) + POS
    idx2 = jnp.stack([ix, iy], axis=1).reshape(2 * M)
    starts = [sum(GROUPS[:g]) for g in range(len(GROUPS))]
    pes = []
    for tok0, mg in zip(starts, GROUPS):
        idx_g = lax.slice(idx2, (tok0 * 2,), ((tok0 + mg) * 2,))
        pes.append(_pe_gather_kernel(mg)(table2, idx_g))
    h = None
    for tok0, mg, pe_g in zip(starts, GROUPS, pes):
        h = _mm_group(tok0, mg, px, W, pe_g, h)
    return h.reshape(B, N, H)

# --- scband reference (transcript-rebuilt; emitter-appended) ---
"""Pipeline reference for scband-vision-patch-embedder-20976620273964 (READ-ONLY COPY).

The authoritative reference and input builder live on the scoring server;
editing this copy changes nothing except your own understanding.
"""

import jax, jax.numpy as jnp
import numpy as np

B, N = 4, 4096
PATCH_DIM = 16 * 16 * 3  # 768
HIDDEN = 768
POS_SIZE = 10240


def setup_inputs(seed: int = 0) -> dict:
    key = jax.random.key(seed)
    k1, k2, k3, k4 = jax.random.split(key, 4)
    pixel_values = jax.random.uniform(k1, (B, N, PATCH_DIM), dtype=jnp.float32)
    pixel_position_ids = jax.random.randint(k2, (B, N, 2), 0, POS_SIZE, dtype=jnp.int64 if jax.config.jax_enable_x64 else jnp.int32).astype(jnp.int32)
    padding_mask = jnp.zeros((B, N), dtype=bool)
    # Learned parameters
    W = jax.random.normal(k3, (HIDDEN, PATCH_DIM), dtype=jnp.float32) * (1.0 / np.sqrt(PATCH_DIM))
    pos_table = jax.random.normal(k4, (2, POS_SIZE, HIDDEN), dtype=jnp.float32) * 0.02
    return {
        "pixel_values": pixel_values,
        "pixel_position_ids": pixel_position_ids,
        "padding_mask": padding_mask,
        "W": W,
        "pos_table": pos_table,
    }


def reference(pixel_values, pixel_position_ids, padding_mask, W, pos_table):
    # pixel normalization: 2 * (x - 0.5)
    px = 2.0 * (pixel_values - 0.5)
    # input_proj: Linear(patch_dim, hidden, bias=False); torch weight is [out, in]
    h = jnp.einsum("bnd,hd->bnh", px, W)
    # positional embeddings: one-hot @ table summed over the 2 axes == gather per axis + sum
    pos = jnp.clip(pixel_position_ids, 0, None)
    pe_x = jnp.take(pos_table[0], pos[..., 0], axis=0)  # [B, N, H]
    pe_y = jnp.take(pos_table[1], pos[..., 1], axis=0)  # [B, N, H]
    pos_embed = pe_x + pe_y
    pos_embed = jnp.where(padding_mask[..., None], jnp.zeros_like(pos_embed), pos_embed)
    h = h + pos_embed
    h = jnp.where(padding_mask[..., None], jnp.zeros_like(h), h)
    return h

if __name__ == "__main__":
    import jax
    _d = setup_inputs()
    print(jax.jit(kernel)(*tuple(_d.values())))

</pallas_src>

<mosaic_0001>
#map = affine_map<(d0, d1) -> (0, 0)>
#map1 = affine_map<(d0, d1) -> (0)>
module attributes {stable_mosaic.version = 14 : i64} {
  func.func @k(%arg0: i32, %arg1: i32, %arg2: memref<20480x768xf32, #tpu.memory_space<hbm>>, %arg3: memref<16384xi32, #tpu.memory_space<hbm>>, %arg4: memref<8192x768xf32, #tpu.memory_space<hbm>>, %arg5: memref<512xi32, #tpu.memory_space<vmem>>, %arg6: memref<128x768xf32, #tpu.memory_space<vmem>>, %arg7: memref<!tpu.dma_semaphore, #tpu.memory_space<semaphore_mem>>) attributes {dimension_semantics = [#tpu.dimension_semantics<core_parallel>, #tpu.dimension_semantics<subcore_parallel>], iteration_bounds = array<i64: 2, 16>, scalar_prefetch = 0 : i64, scratch_operands = 3 : i64, tpu.core_type = #tpu.core_type<sc_vector_subcore>, window_params = [{transform_indices = #map}, {transform_indices = #map1}, {transform_indices = #map}]} {
    %mul3A = arith.constant 2 : i32
    %mul3A_0 = arith.muli %arg1, %mul3A : i32
    %add3A = arith.addi %mul3A_0, %arg0 : i32
    %mul3A_1 = arith.constant 512 : i32
    %mul3A_2 = arith.muli %add3A, %mul3A_1 : i32
    "tpu.region"() ({
      %run_scoped3A = tpu.sem_alloc : memref<!tpu.dma_semaphore, #tpu.memory_space<semaphore_mem>>
      %dma_start3A = tpu.memref_slice %arg3[%mul3A_2] : memref<16384xi32, #tpu.memory_space<hbm>> -> memref<512xi32, #tpu.memory_space<hbm>>
      %dma_start3A_8 = tpu.memref_slice %arg3[%mul3A_2] : memref<16384xi32, #tpu.memory_space<hbm>> -> memref<512xi32, #tpu.memory_space<hbm>>
      tpu.enqueue_dma source(%dma_start3A_8 : memref<512xi32, #tpu.memory_space<hbm>>) target(%arg5 : memref<512xi32, #tpu.memory_space<vmem>>) target_semaphore(%run_scoped3A : memref<!tpu.dma_semaphore, #tpu.memory_space<semaphore_mem>>)
      %dma_wait3A = tpu.memref_slice %arg3[%mul3A_2] : memref<16384xi32, #tpu.memory_space<hbm>> -> memref<512xi32, #tpu.memory_space<hbm>>
      %dma_wait3A_9 = tpu.memref_slice %arg3[%mul3A_2] : memref<16384xi32, #tpu.memory_space<hbm>> -> memref<512xi32, #tpu.memory_space<hbm>>
      tpu.wait_dma2 semaphore(%run_scoped3A : memref<!tpu.dma_semaphore, #tpu.memory_space<semaphore_mem>>) src(%dma_wait3A_9 : memref<512xi32, #tpu.memory_space<hbm>>) dst(%arg5 : memref<512xi32, #tpu.memory_space<vmem>>)
      tpu.yield
    }) : () -> ()
    %scan3A = arith.constant 0 : i32
    %scan3A_3 = arith.constant 0 : i32
    %scan3A_4 = arith.constant 4 : i32
    %scan3A_5 = arith.addi %scan3A_3, %scan3A_4 : i32
    %scan3A_6 = arith.constant 1 : i32
    scf.for %scan3A_8 = %scan3A_3 to %scan3A_5 step %scan3A_6  : i32 {
      %mul3A_9 = arith.constant 2 : i32
      %mul3A_10 = arith.muli %scan3A_8, %mul3A_9 : i32
      %mul3A_11 = arith.constant 64 : i32
      %mul3A_12 = arith.muli %mul3A_10, %mul3A_11 : i32
      %dma_start3A = tpu.memref_slice %arg5[%mul3A_12] : memref<512xi32, #tpu.memory_space<vmem>> -> memref<128xi32, #tpu.memory_space<vmem>>
      %dma_start3A_13 = arith.constant 0 : i32
      %dma_start3A_14 = arith.constant 0 : i32
      %dma_start3A_15 = tpu.memref_slice %arg2[%dma_start3A_13, %dma_start3A_14] : memref<20480x768xf32, #tpu.memory_space<hbm>> -> memref<20480x768xf32, #tpu.memory_space<hbm>>
      tpu.enqueue_indirect_dma source(%dma_start3A_15 : memref<20480x768xf32, #tpu.memory_space<hbm>>) target(%arg6 : memref<128x768xf32, #tpu.memory_space<vmem>>) offsets(%dma_start3A : memref<128xi32, #tpu.memory_space<vmem>>) semaphore(%arg7 : memref<!tpu.dma_semaphore, #tpu.memory_space<semaphore_mem>>)
      %dma_wait3A = tpu.memref_slice %arg5[%mul3A_12] : memref<512xi32, #tpu.memory_space<vmem>> -> memref<128xi32, #tpu.memory_space<vmem>>
      %dma_wait3A_16 = arith.constant 0 : i32
      %dma_wait3A_17 = arith.constant 0 : i32
      %dma_wait3A_18 = tpu.memref_slice %arg2[%dma_wait3A_16, %dma_wait3A_17] : memref<20480x768xf32, #tpu.memory_space<hbm>> -> memref<20480x768xf32, #tpu.memory_space<hbm>>
      tpu.wait_indirect_dma semaphore(%arg7 : memref<!tpu.dma_semaphore, #tpu.memory_space<semaphore_mem>>) src(%dma_wait3A_18 : memref<20480x768xf32, #tpu.memory_space<hbm>>) dst(%arg6 : memref<128x768xf32, #tpu.memory_space<vmem>>)
      %scan3A_19 = arith.constant 0 : i32
      %scan3A_20 = arith.constant 0 : i32
      %scan3A_21 = arith.constant 64 : i32
      %scan3A_22 = arith.addi %scan3A_20, %scan3A_21 : i32
      %scan3A_23 = arith.constant 1 : i32
      scf.for %scan3A_30 = %scan3A_20 to %scan3A_22 step %scan3A_23  : i32 {
        %get3A = arith.index_cast %scan3A_30 : i32 to index
        %get3A_31 = arith.constant 0 : index
        %get3A_32 = tpu.vector_load %arg6[%get3A, %get3A_31] {strides = array<i32>} : memref<128x768xf32, #tpu.memory_space<vmem>>, vector<1x16xf32>,
        %get3A_33 = vector.shape_cast %get3A_32 : vector<1x16xf32> to vector<16xf32>
        %add3A_34 = arith.constant 64 : i32
        %add3A_35 = arith.addi %add3A_34, %scan3A_30 : i32
        %get3A_36 = arith.index_cast %add3A_35 : i32 to index
        %get3A_37 = arith.constant 0 : index
        %get3A_38 = tpu.vector_load %arg6[%get3A_36, %get3A_37] {strides = array<i32>} : memref<128x768xf32, #tpu.memory_space<vmem>>, vector<1x16xf32>,
        %get3A_39 = vector.shape_cast %get3A_38 : vector<1x16xf32> to vector<16xf32>
        %add3A_40 = arith.addf %get3A_33, %get3A_39 : vector<16xf32>
        %swap3A = arith.index_cast %scan3A_30 : i32 to index
        %swap3A_41 = arith.constant 0 : index
        %swap3A_42 = tpu.vector_load %arg6[%swap3A, %swap3A_41] {strides = array<i32>} : memref<128x768xf32, #tpu.memory_space<vmem>>, vector<1x16xf32>,
        %swap3A_43 = vector.shape_cast %swap3A_42 : vector<1x16xf32> to vector<16xf32>
        %swap3A_44 = vector.shape_cast %add3A_40 : vector<16xf32> to vector<1x16xf32>
        tpu.vector_store %arg6[%swap3A, %swap3A_41], %swap3A_44 {strides = array<i32>} : memref<128x768xf32, #tpu.memory_space<vmem>>, vector<1x16xf32>,
        %get3A_45 = arith.index_cast %scan3A_30 : i32 to index
        %get3A_46 = arith.constant 16 : index
        %get3A_47 = tpu.vector_load %arg6[%get3A_45, %get3A_46] {strides = array<i32>} : memref<128x768xf32, #tpu.memory_space<vmem>>, vector<1x16xf32>,
        %get3A_48 = vector.shape_cast %get3A_47 : vector<1x16xf32> to vector<16xf32>
        %add3A_49 = arith.constant 64 : i32
        %add3A_50 = arith.addi %add3A_49, %scan3A_30 : i32
        %get3A_51 = arith.index_cast %add3A_50 : i32 to index
        %get3A_52 = arith.constant 16 : index
        %get3A_53 = tpu.vector_load %arg6[%get3A_51, %get3A_52] {strides = array<i32>} : memref<128x768xf32, #tpu.memory_space<vmem>>, vector<1x16xf32>,
        %get3A_54 = vector.shape_cast %get3A_53 : vector<1x16xf32> to vector<16xf32>
        %add3A_55 = arith.addf %get3A_48, %get3A_54 : vector<16xf32>
        %swap3A_56 = arith.index_cast %scan3A_30 : i32 to index
        %swap3A_57 = arith.constant 16 : index
        %swap3A_58 = tpu.vector_load %arg6[%swap3A_56, %swap3A_57] {strides = array<i32>} : memref<128x768xf32, #tpu.memory_space<vmem>>, vector<1x16xf32>,
        %swap3A_59 = vector.shape_cast %swap3A_58 : vector<1x16xf32> to vector<16xf32>
        %swap3A_60 = vector.shape_cast %add3A_55 : vector<16xf32> to vector<1x16xf32>
        tpu.vector_store %arg6[%swap3A_56, %swap3A_57], %swap3A_60 {strides = array<i32>} : memref<128x768xf32, #tpu.memory_space<vmem>>, vector<1x16xf32>,
        %get3A_61 = arith.index_cast %scan3A_30 : i32 to index
        %get3A_62 = arith.constant 32 : index
        %get3A_63 = tpu.vector_load %arg6[%get3A_61, %get3A_62] {strides = array<i32>} : memref<128x768xf32, #tpu.memory_space<vmem>>, vector<1x16xf32>,
        %get3A_64 = vector.shape_cast %get3A_63 : vector<1x16xf32> to vector<16xf32>
        %add3A_65 = arith.constant 64 : i32
        %add3A_66 = arith.addi %add3A_65, %scan3A_30 : i32
        %get3A_67 = arith.index_cast %add3A_66 : i32 to index
        %get3A_68 = arith.constant 32 : index
        %get3A_69 = tpu.vector_load %arg6[%get3A_67, %get3A_68] {strides = array<i32>} : memref<128x768xf32, #tpu.memory_space<vmem>>, vector<1x16xf32>,
        %get3A_70 = vector.shape_cast %get3A_69 : vector<1x16xf32> to vector<16xf32>
        %add3A_71 = arith.addf %get3A_64, %get3A_70 : vector<16xf32>
        %swap3A_72 = arith.index_cast %scan3A_30 : i32 to index
        %swap3A_73 = arith.constant 32 : index
        %swap3A_74 = tpu.vector_load %arg6[%swap3A_72, %swap3A_73] {strides = array<i32>} : memref<128x768xf32, #tpu.memory_space<vmem>>, vector<1x16xf32>,
        %swap3A_75 = vector.shape_cast %swap3A_74 : vector<1x16xf32> to vector<16xf32>
        %swap3A_76 = vector.shape_cast %add3A_71 : vector<16xf32> to vector<1x16xf32>
        tpu.vector_store %arg6[%swap3A_72, %swap3A_73], %swap3A_76 {strides = array<i32>} : memref<128x768xf32, #tpu.memory_space<vmem>>, vector<1x16xf32>,
        %get3A_77 = arith.index_cast %scan3A_30 : i32 to index
        %get3A_78 = arith.constant 48 : index
        %get3A_79 = tpu.vector_load %arg6[%get3A_77, %get3A_78] {strides = array<i32>} : memref<128x768xf32, #tpu.memory_space<vmem>>, vector<1x16xf32>,
        %get3A_80 = vector.shape_cast %get3A_79 : vector<1x16xf32> to vector<16xf32>
        %add3A_81 = arith.constant 64 : i32
        %add3A_82 = arith.addi %add3A_81, %scan3A_30 : i32
        %get3A_83 = arith.index_cast %add3A_82 : i32 to index
        %get3A_84 = arith.constant 48 : index
        %get3A_85 = tpu.vector_load %arg6[%get3A_83, %get3A_84] {strides = array<i32>} : memref<128x768xf32, #tpu.memory_space<vmem>>, vector<1x16xf32>,
        %get3A_86 = vector.shape_cast %get3A_85 : vector<1x16xf32> to vector<16xf32>
        %add3A_87 = arith.addf %get3A_80, %get3A_86 : vector<16xf32>
        %swap3A_88 = arith.index_cast %scan3A_30 : i32 to index
        %swap3A_89 = arith.constant 48 : index
        %swap3A_90 = tpu.vector_load %arg6[%swap3A_88, %swap3A_89] {strides = array<i32>} : memref<128x768xf32, #tpu.memory_space<vmem>>, vector<1x16xf32>,
        %swap3A_91 = vector.shape_cast %swap3A_90 : vector<1x16xf32> to vector<16xf32>
        %swap3A_92 = vector.shape_cast %add3A_87 : vector<16xf32> to vector<1x16xf32>
        tpu.vector_store %arg6[%swap3A_88, %swap3A_89], %swap3A_92 {strides = array<i32>} : memref<128x768xf32, #tpu.memory_space<vmem>>, vector<1x16xf32>,
        %get3A_93 = arith.index_cast %scan3A_30 : i32 to index
        %get3A_94 = arith.constant 64 : index
        %get3A_95 = tpu.vector_load %arg6[%get3A_93, %get3A_94] {strides = array<i32>} : memref<128x768xf32, #tpu.memory_space<vmem>>, vector<1x16xf32>,
        %get3A_96 = vector.shape_cast %get3A_95 : vector<1x16xf32> to vector<16xf32>
        %add3A_97 = arith.constant 64 : i32
        %add3A_98 = arith.addi %add3A_97, %scan3A_30 : i32
        %get3A_99 = arith.index_cast %add3A_98 : i32 to index
        %get3A_100 = arith.constant 64 : index
        %get3A_101 = tpu.vector_load %arg6[%get3A_99, %get3A_100] {strides = array<i32>} : memref<128x768xf32, #tpu.memory_space<vmem>>, vector<1x16xf32>,
        %get3A_102 = vector.shape_cast %get3A_101 : vector<1x16xf32> to vector<16xf32>
        %add3A_103 = arith.addf %get3A_96, %get3A_102 : vector<16xf32>
        %swap3A_104 = arith.index_cast %scan3A_30 : i32 to index
        %swap3A_105 = arith.constant 64 : index
        %swap3A_106 = tpu.vector_load %arg6[%swap3A_104, %swap3A_105] {strides = array<i32>} : memref<128x768xf32, #tpu.memory_space<vmem>>, vector<1x16xf32>,
        %swap3A_107 = vector.shape_cast %swap3A_106 : vector<1x16xf32> to vector<16xf32>
        %swap3A_108 = vector.shape_cast %add3A_103 : vector<16xf32> to vector<1x16xf32>
        tpu.vector_store %arg6[%swap3A_104, %swap3A_105], %swap3A_108 {strides = array<i32>} : memref<128x768xf32, #tpu.memory_space<vmem>>, vector<1x16xf32>,
        %get3A_109 = arith.index_cast %scan3A_30 : i32 to index
        %get3A_110 = arith.constant 80 : index
        %get3A_111 = tpu.vector_load %arg6[%get3A_109, %get3A_110] {strides = array<i32>} : memref<128x768xf32, #tpu.memory_space<vmem>>, vector<1x16xf32>,
        %get3A_112 = vector.shape_cast %get3A_111 : vector<1x16xf32> to vector<16xf32>
        %add3A_113 = arith.constant 64 : i32
        %add3A_114 = arith.addi %add3A_113, %scan3A_30 : i32
        %get3A_115 = arith.index_cast %add3A_114 : i32 to index
        %get3A_116 = arith.constant 80 : index
        %get3A_117 = tpu.vector_load %arg6[%get3A_115, %get3A_116] {strides = array<i32>} : memref<128x768xf32, #tpu.memory_space<vmem>>, vector<1x16xf32>,
        %get3A_118 = vector.shape_cast %get3A_117 : vector<1x16xf32> to vector<16xf32>
        %add3A_119 = arith.addf %get3A_112, %get3A_118 : vector<16xf32>
        %swap3A_120 = arith.index_cast %scan3A_30 : i32 to index
        %swap3A_121 = arith.constant 80 : index
        %swap3A_122 = tpu.vector_load %arg6[%swap3A_120, %swap3A_121] {strides = array<i32>} : memref<128x768xf32, #tpu.memory_space<vmem>>, vector<1x16xf32>,
        %swap3A_123 = vector.shape_cast %swap3A_122 : vector<1x16xf32> to vector<16xf32>
        %swap3A_124 = vector.shape_cast %add3A_119 : vector<16xf32> to vector<1x16xf32>
        tpu.vector_store %arg6[%swap3A_120, %swap3A_121], %swap3A_124 {strides = array<i32>} : memref<128x768xf32, #tpu.memory_space<vmem>>, vector<1x16xf32>,
        %get3A_125 = arith.index_cast %scan3A_30 : i32 to index
        %get3A_126 = arith.constant 96 : index
        %get3A_127 = tpu.vector_load %arg6[%get3A_125, %get3A_126] {strides = array<i32>} : memref<128x768xf32, #tpu.memory_space<vmem>>, vector<1x16xf32>,
        %get3A_128 = vector.shape_cast %get3A_127 : vector<1x16xf32> to vector<16xf32>
        %add3A_129 = arith.constant 64 : i32
        %add3A_130 = arith.addi %add3A_129, %scan3A_30 : i32
        %get3A_131 = arith.index_cast %add3A_130 : i32 to index
        %get3A_132 = arith.constant 96 : index
        %get3A_133 = tpu.vector_load %arg6[%get3A_131, %get3A_132] {strides = array<i32>} : memref<128x768xf32, #tpu.memory_space<vmem>>, vector<1x16xf32>,
        %get3A_134 = vector.shape_cast %get3A_133 : vector<1x16xf32> to vector<16xf32>
        %add3A_135 = arith.addf %get3A_128, %get3A_134 : vector<16xf32>
        %swap3A_136 = arith.index_cast %scan3A_30 : i32 to index
        %swap3A_137 = arith.constant 96 : index
        %swap3A_138 = tpu.vector_load %arg6[%swap3A_136, %swap3A_137] {strides = array<i32>} : memref<128x768xf32, #tpu.memory_space<vmem>>, vector<1x16xf32>,
        %swap3A_139 = vector.shape_cast %swap3A_138 : vector<1x16xf32> to vector<16xf32>
        %swap3A_140 = vector.shape_cast %add3A_135 : vector<16xf32> to vector<1x16xf32>
        tpu.vector_store %arg6[%swap3A_136, %swap3A_137], %swap3A_140 {strides = array<i32>} : memref<128x768xf32, #tpu.memory_space<vmem>>, vector<1x16xf32>,
        %get3A_141 = arith.index_cast %scan3A_30 : i32 to index
        %get3A_142 = arith.constant 112 : index
        %get3A_143 = tpu.vector_load %arg6[%get3A_141, %get3A_142] {strides = array<i32>} : memref<128x768xf32, #tpu.memory_space<vmem>>, vector<1x16xf32>,
        %get3A_144 = vector.shape_cast %get3A_143 : vector<1x16xf32> to vector<16xf32>
        %add3A_145 = arith.constant 64 : i32
        %add3A_146 = arith.addi %add3A_145, %scan3A_30 : i32
        %get3A_147 = arith.index_cast %add3A_146 : i32 to index
        %get3A_148 = arith.constant 112 : index
        %get3A_149 = tpu.vector_load %arg6[%get3A_147, %get3A_148] {strides = array<i32>} : memref<128x768xf32, #tpu.memory_space<vmem>>, vector<1x16xf32>,
        %get3A_150 = vector.shape_cast %get3A_149 : vector<1x16xf32> to vector<16xf32>
        %add3A_151 = arith.addf %get3A_144, %get3A_150 : vector<16xf32>
        %swap3A_152 = arith.index_cast %scan3A_30 : i32 to index
        %swap3A_153 = arith.constant 112 : index
        %swap3A_154 = tpu.vector_load %arg6[%swap3A_152, %swap3A_153] {strides = array<i32>} : memref<128x768xf32, #tpu.memory_space<vmem>>, vector<1x16xf32>,
        %swap3A_155 = vector.shape_cast %swap3A_154 : vector<1x16xf32> to vector<16xf32>
        %swap3A_156 = vector.shape_cast %add3A_151 : vector<16xf32> to vector<1x16xf32>
        tpu.vector_store %arg6[%swap3A_152, %swap3A_153], %swap3A_156 {strides = array<i32>} : memref<128x768xf32, #tpu.memory_space<vmem>>, vector<1x16xf32>,
        %get3A_157 = arith.index_cast %scan3A_30 : i32 to index
        %get3A_158 = arith.constant 128 : index
        %get3A_159 = tpu.vector_load %arg6[%get3A_157, %get3A_158] {strides = array<i32>} : memref<128x768xf32, #tpu.memory_space<vmem>>, vector<1x16xf32>,
        %get3A_160 = vector.shape_cast %get3A_159 : vector<1x16xf32> to vector<16xf32>
        %add3A_161 = arith.constant 64 : i32
        %add3A_162 = arith.addi %add3A_161, %scan3A_30 : i32
        %get3A_163 = arith.index_cast %add3A_162 : i32 to index
        %get3A_164 = arith.constant 128 : index
        %get3A_165 = tpu.vector_load %arg6[%get3A_163, %get3A_164] {strides = array<i32>} : memref<128x768xf32, #tpu.memory_space<vmem>>, vector<1x16xf32>,
        %get3A_166 = vector.shape_cast %get3A_165 : vector<1x16xf32> to vector<16xf32>
        %add3A_167 = arith.addf %get3A_160, %get3A_166 : vector<16xf32>
        %swap3A_168 = arith.index_cast %scan3A_30 : i32 to index
        %swap3A_169 = arith.constant 128 : index
        %swap3A_170 = tpu.vector_load %arg6[%swap3A_168, %swap3A_169] {strides = array<i32>} : memref<128x768xf32, #tpu.memory_space<vmem>>, vector<1x16xf32>,
        %swap3A_171 = vector.shape_cast %swap3A_170 : vector<1x16xf32> to vector<16xf32>
        %swap3A_172 = vector.shape_cast %add3A_167 : vector<16xf32> to vector<1x16xf32>
        tpu.vector_store %arg6[%swap3A_168, %swap3A_169], %swap3A_172 {strides = array<i32>} : memref<128x768xf32, #tpu.memory_space<vmem>>, vector<1x16xf32>,
        %get3A_173 = arith.index_cast %scan3A_30 : i32 to index
        %get3A_174 = arith.constant 144 : index
        %get3A_175 = tpu.vector_load %arg6[%get3A_173, %get3A_174] {strides = array<i32>} : memref<128x768xf32, #tpu.memory_space<vmem>>, vector<1x16xf32>,
        %get3A_176 = vector.shape_cast %get3A_175 : vector<1x16xf32> to vector<16xf32>
        %add3A_177 = arith.constant 64 : i32
        %add3A_178 = arith.addi %add3A_177, %scan3A_30 : i32
        %get3A_179 = arith.index_cast %add3A_178 : i32 to index
        %get3A_180 = arith.constant 144 : index
        %get3A_181 = tpu.vector_load %arg6[%get3A_179, %get3A_180] {strides = array<i32>} : memref<128x768xf32, #tpu.memory_space<vmem>>, vector<1x16xf32>,
        %get3A_182 = vector.shape_cast %get3A_181 : vector<1x16xf32> to vector<16xf32>
        %add3A_183 = arith.addf %get3A_176, %get3A_182 : vector<16xf32>
        %swap3A_184 = arith.index_cast %scan3A_30 : i32 to index
        %swap3A_185 = arith.constant 144 : index
        %swap3A_186 = tpu.vector_load %arg6[%swap3A_184, %swap3A_185] {strides = array<i32>} : memref<128x768xf32, #tpu.memory_space<vmem>>, vector<1x16xf32>,
        %swap3A_187 = vector.shape_cast %swap3A_186 : vector<1x16xf32> to vector<16xf32>
        %swap3A_188 = vector.shape_cast %add3A_183 : vector<16xf32> to vector<1x16xf32>
        tpu.vector_store %arg6[%swap3A_184, %swap3A_185], %swap3A_188 {strides = array<i32>} : memref<128x768xf32, #tpu.memory_space<vmem>>, vector<1x16xf32>,
        %get3A_189 = arith.index_cast %scan3A_30 : i32 to index
        %get3A_190 = arith.constant 160 : index
        %get3A_191 = tpu.vector_load %arg6[%get3A_189, %get3A_190] {strides = array<i32>} : memref<128x768xf32, #tpu.memory_space<vmem>>, vector<1x16xf32>,
        %get3A_192 = vector.shape_cast %get3A_191 : vector<1x16xf32> to vector<16xf32>
        %add3A_193 = arith.constant 64 : i32
        %add3A_194 = arith.addi %add3A_193, %scan3A_30 : i32
        %get3A_195 = arith.index_cast %add3A_194 : i32 to index
        %get3A_196 = arith.constant 160 : index
        %get3A_197 = tpu.vector_load %arg6[%get3A_195, %get3A_196] {strides = array<i32>} : memref<128x768xf32, #tpu.memory_space<vmem>>, vector<1x16xf32>,
        %get3A_198 = vector.shape_cast %get3A_197 : vector<1x16xf32> to vector<16xf32>
        %add3A_199 = arith.addf %get3A_192, %get3A_198 : vector<16xf32>
        %swap3A_200 = arith.index_cast %scan3A_30 : i32 to index
        %swap3A_201 = arith.constant 160 : index
        %swap3A_202 = tpu.vector_load %arg6[%swap3A_200, %swap3A_201] {strides = array<i32>} : memref<128x768xf32, #tpu.memory_space<vmem>>, vector<1x16xf32>,
        %swap3A_203 = vector.shape_cast %swap3A_202 : vector<1x16xf32> to vector<16xf32>
        %swap3A_204 = vector.shape_cast %add3A_199 : vector<16xf32> to vector<1x16xf32>
        tpu.vector_store %arg6[%swap3A_200, %swap3A_201], %swap3A_204 {strides = array<i32>} : memref<128x768xf32, #tpu.memory_space<vmem>>, vector<1x16xf32>,
        %get3A_205 = arith.index_cast %scan3A_30 : i32 to index
        %get3A_206 = arith.constant 176 : index
        %get3A_207 = tpu.vector_load %arg6[%get3A_205, %get3A_206] {strides = array<i32>} : memref<128x768xf32, #tpu.memory_space<vmem>>, vector<1x16xf32>,
        %get3A_208 = vector.shape_cast %get3A_207 : vector<1x16xf32> to vector<16xf32>
        %add3A_209 = arith.constant 64 : i32
        %add3A_210 = arith.addi %add3A_209, %scan3A_30 : i32
        %get3A_211 = arith.index_cast %add3A_210 : i32 to index
        %get3A_212 = arith.constant 176 : index
        %get3A_213 = tpu.vector_load %arg6[%get3A_211, %get3A_212] {strides = array<i32>} : memref<128x768xf32, #tpu.memory_space<vmem>>, vector<1x16xf32>,
        %get3A_214 = vector.shape_cast %get3A_213 : vector<1x16xf32> to vector<16xf32>
        %add3A_215 = arith.addf %get3A_208, %get3A_214 : vector<16xf32>
        %swap3A_216 = arith.index_cast %scan3A_30 : i32 to index
        %swap3A_217 = arith.constant 176 : index
        %swap3A_218 = tpu.vector_load %arg6[%swap3A_216, %swap3A_217] {strides = array<i32>} : memref<128x768xf32, #tpu.memory_space<vmem>>, vector<1x16xf32>,
        %swap3A_219 = vector.shape_cast %swap3A_218 : vector<1x16xf32> to vector<16xf32>
        %swap3A_220 = vector.shape_cast %add3A_215 : vector<16xf32> to vector<1x16xf32>
        tpu.vector_store %arg6[%swap3A_216, %swap3A_217], %swap3A_220 {strides = array<i32>} : memref<128x768xf32, #tpu.memory_space<vmem>>, vector<1x16xf32>,
        %get3A_221 = arith.index_cast %scan3A_30 : i32 to index
        %get3A_222 = arith.constant 192 : index
        %get3A_223 = tpu.vector_load %arg6[%get3A_221, %get3A_222] {strides = array<i32>} : memref<128x768xf32, #tpu.memory_space<vmem>>, vector<1x16xf32>,
        %get3A_224 = vector.shape_cast %get3A_223 : vector<1x16xf32> to vector<16xf32>
        %add3A_225 = arith.constant 64 : i32
        %add3A_226 = arith.addi %add3A_225, %scan3A_30 : i32
        %get3A_227 = arith.index_cast %add3A_226 : i32 to index
        %get3A_228 = arith.constant 192 : index
        %get3A_229 = tpu.vector_load %arg6[%get3A_227, %get3A_228] {strides = array<i32>} : memref<128x768xf32, #tpu.memory_space<vmem>>, vector<1x16xf32>,
        %get3A_230 = vector.shape_cast %get3A_229 : vector<1x16xf32> to vector<16xf32>
        %add3A_231 = arith.addf %get3A_224, %get3A_230 : vector<16xf32>
        %swap3A_232 = arith.index_cast %scan3A_30 : i32 to index
        %swap3A_233 = arith.constant 192 : index
        %swap3A_234 = tpu.vector_load %arg6[%swap3A_232, %swap3A_233] {strides = array<i32>} : memref<128x768xf32, #tpu.memory_space<vmem>>, vector<1x16xf32>,
        %swap3A_235 = vector.shape_cast %swap3A_234 : vector<1x16xf32> to vector<16xf32>
        %swap3A_236 = vector.shape_cast %add3A_231 : vector<16xf32> to vector<1x16xf32>
        tpu.vector_store %arg6[%swap3A_232, %swap3A_233], %swap3A_236 {strides = array<i32>} : memref<128x768xf32, #tpu.memory_space<vmem>>, vector<1x16xf32>,
        %get3A_237 = arith.index_cast %scan3A_30 : i32 to index
        %get3A_238 = arith.constant 208 : index
        %get3A_239 = tpu.vector_load %arg6[%get3A_237, %get3A_238] {strides = array<i32>} : memref<128x768xf32, #tpu.memory_space<vmem>>, vector<1x16xf32>,
        %get3A_240 = vector.shape_cast %get3A_239 : vector<1x16xf32> to vector<16xf32>
        %add3A_241 = arith.constant 64 : i32
        %add3A_242 = arith.addi %add3A_241, %scan3A_30 : i32
        %get3A_243 = arith.index_cast %add3A_242 : i32 to index
        %get3A_244 = arith.constant 208 : index
        %get3A_245 = tpu.vector_load %arg6[%get3A_243, %get3A_244] {strides = array<i32>} : memref<128x768xf32, #tpu.memory_space<vmem>>, vector<1x16xf32>,
        %get3A_246 = vector.shape_cast %get3A_245 : vector<1x16xf32> to vector<16xf32>
        %add3A_247 = arith.addf %get3A_240, %get3A_246 : vector<16xf32>
        %swap3A_248 = arith.index_cast %scan3A_30 : i32 to index
        %swap3A_249 = arith.constant 208 : index
        %swap3A_250 = tpu.vector_load %arg6[%swap3A_248, %swap3A_249] {strides = array<i32>} : memref<128x768xf32, #tpu.memory_space<vmem>>, vector<1x16xf32>,
        %swap3A_251 = vector.shape_cast %swap3A_250 : vector<1x16xf32> to vector<16xf32>
        %swap3A_252 = vector.shape_cast %add3A_247 : vector<16xf32> to vector<1x16xf32>
        tpu.vector_store %arg6[%swap3A_248, %swap3A_249], %swap3A_252 {strides = array<i32>} : memref<128x768xf32, #tpu.memory_space<vmem>>, vector<1x16xf32>,
        %get3A_253 = arith.index_cast %scan3A_30 : i32 to index
        %get3A_254 = arith.constant 224 : index
        %get3A_255 = tpu.vector_load %arg6[%get3A_253, %get3A_254] {strides = array<i32>} : memref<128x768xf32, #tpu.memory_space<vmem>>, vector<1x16xf32>,
        %get3A_256 = vector.shape_cast %get3A_255 : vector<1x16xf32> to vector<16xf32>
        %add3A_257 = arith.constant 64 : i32
        %add3A_258 = arith.addi %add3A_257, %scan3A_30 : i32
        %get3A_259 = arith.index_cast %add3A_258 : i32 to index
        %get3A_260 = arith.constant 224 : index
        %get3A_261 = tpu.vector_load %arg6[%get3A_259, %get3A_260] {strides = array<i32>} : memref<128x768xf32, #tpu.memory_space<vmem>>, vector<1x16xf32>,
        %get3A_262 = vector.shape_cast %get3A_261 : vector<1x16xf32> to vector<16xf32>
        %add3A_263 = arith.addf %get3A_256, %get3A_262 : vector<16xf32>
        %swap3A_264 = arith.index_cast %scan3A_30 : i32 to index
        %swap3A_265 = arith.constant 224 : index
        %swap3A_266 = tpu.vector_load %arg6[%swap3A_264, %swap3A_265] {strides = array<i32>} : memref<128x768xf32, #tpu.memory_space<vmem>>, vector<1x16xf32>,
        %swap3A_267 = vector.shape_cast %swap3A_266 : vector<1x16xf32> to vector<16xf32>
        %swap3A_268 = vector.shape_cast %add3A_263 : vector<16xf32> to vector<1x16xf32>
        tpu.vector_store %arg6[%swap3A_264, %swap3A_265], %swap3A_268 {strides = array<i32>} : memref<128x768xf32, #tpu.memory_space<vmem>>, vector<1x16xf32>,
        %get3A_269 = arith.index_cast %scan3A_30 : i32 to index
        %get3A_270 = arith.constant 240 : index
        %get3A_271 = tpu.vector_load %arg6[%get3A_269, %get3A_270] {strides = array<i32>} : memref<128x768xf32, #tpu.memory_space<vmem>>, vector<1x16xf32>,
        %get3A_272 = vector.shape_cast %get3A_271 : vector<1x16xf32> to vector<16xf32>
        %add3A_273 = arith.constant 64 : i32
        %add3A_274 = arith.addi %add3A_273, %scan3A_30 : i32
        %get3A_275 = arith.index_cast %add3A_274 : i32 to index
        %get3A_276 = arith.constant 240 : index
        %get3A_277 = tpu.vector_load %arg6[%get3A_275, %get3A_276] {strides = array<i32>} : memref<128x768xf32, #tpu.memory_space<vmem>>, vector<1x16xf32>,
        %get3A_278 = vector.shape_cast %get3A_277 : vector<1x16xf32> to vector<16xf32>
        %add3A_279 = arith.addf %get3A_272, %get3A_278 : vector<16xf32>
        %swap3A_280 = arith.index_cast %scan3A_30 : i32 to index
        %swap3A_281 = arith.constant 240 : index
        %swap3A_282 = tpu.vector_load %arg6[%swap3A_280, %swap3A_281] {strides = array<i32>} : memref<128x768xf32, #tpu.memory_space<vmem>>, vector<1x16xf32>,
        %swap3A_283 = vector.shape_cast %swap3A_282 : vector<1x16xf32> to vector<16xf32>
        %swap3A_284 = vector.shape_cast %add3A_279 : vector<16xf32> to vector<1x16xf32>
        tpu.vector_store %arg6[%swap3A_280, %swap3A_281], %swap3A_284 {strides = array<i32>} : memref<128x768xf32, #tpu.memory_space<vmem>>, vector<1x16xf32>,
        %get3A_285 = arith.index_cast %scan3A_30 : i32 to index
        %get3A_286 = arith.constant 256 : index
        %get3A_287 = tpu.vector_load %arg6[%get3A_285, %get3A_286] {strides = array<i32>} : memref<128x768xf32, #tpu.memory_space<vmem>>, vector<1x16xf32>,
        %get3A_288 = vector.shape_cast %get3A_287 : vector<1x16xf32> to vector<16xf32>
        %add3A_289 = arith.constant 64 : i32
        %add3A_290 = arith.addi %add3A_289, %scan3A_30 : i32
        %get3A_291 = arith.index_cast %add3A_290 : i32 to index
        %get3A_292 = arith.constant 256 : index
        %get3A_293 = tpu.vector_load %arg6[%get3A_291, %get3A_292] {strides = array<i32>} : memref<128x768xf32, #tpu.memory_space<vmem>>, vector<1x16xf32>,
        %get3A_294 = vector.shape_cast %get3A_293 : vector<1x16xf32> to vector<16xf32>
        %add3A_295 = arith.addf %get3A_288, %get3A_294 : vector<16xf32>
        %swap3A_296 = arith.index_cast %scan3A_30 : i32 to index
        %swap3A_297 = arith.constant 256 : index
        %swap3A_298 = tpu.vector_load %arg6[%swap3A_296, %swap3A_297] {strides = array<i32>} : memref<128x768xf32, #tpu.memory_space<vmem>>, vector<1x16xf32>,
        %swap3A_299 = vector.shape_cast %swap3A_298 : vector<1x16xf32> to vector<16xf32>
        %swap3A_300 = vector.shape_cast %add3A_295 : vector<16xf32> to vector<1x16xf32>
        tpu.vector_store %arg6[%swap3A_296, %swap3A_297], %swap3A_300 {strides = array<i32>} : memref<128x768xf32, #tpu.memory_space<vmem>>, vector<1x16xf32>,
        %get3A_301 = arith.index_cast %scan3A_30 : i32 to index
        %get3A_302 = arith.constant 272 : index
        %get3A_303 = tpu.vector_load %arg6[%get3A_301, %get3A_302] {strides = array<i32>} : memref<128x768xf32, #tpu.memory_space<vmem>>, vector<1x16xf32>,
        %get3A_304 = vector.shape_cast %get3A_303 : vector<1x16xf32> to vector<16xf32>
        %add3A_305 = arith.constant 64 : i32
        %add3A_306 = arith.addi %add3A_305, %scan3A_30 : i32
        %get3A_307 = arith.index_cast %add3A_306 : i32 to index
        %get3A_308 = arith.constant 272 : index
        %get3A_309 = tpu.vector_load %arg6[%get3A_307, %get3A_308] {strides = array<i32>} : memref<128x768xf32, #tpu.memory_space<vmem>>, vector<1x16xf32>,
        %get3A_310 = vector.shape_cast %get3A_309 : vector<1x16xf32> to vector<16xf32>
        %add3A_311 = arith.addf %get3A_304, %get3A_310 : vector<16xf32>
        %swap3A_312 = arith.index_cast %scan3A_30 : i32 to index
        %swap3A_313 = arith.constant 272 : index
        %swap3A_314 = tpu.vector_load %arg6[%swap3A_312, %swap3A_313] {strides = array<i32>} : memref<128x768xf32, #tpu.memory_space<vmem>>, vector<1x16xf32>,
        %swap3A_315 = vector.shape_cast %swap3A_314 : vector<1x16xf32> to vector<16xf32>
        %swap3A_316 = vector.shape_cast %add3A_311 : vector<16xf32> to vector<1x16xf32>
        tpu.vector_store %arg6[%swap3A_312, %swap3A_313], %swap3A_316 {strides = array<i32>} : memref<128x768xf32, #tpu.memory_space<vmem>>, vector<1x16xf32>,
        %get3A_317 = arith.index_cast %scan3A_30 : i32 to index
        %get3A_318 = arith.constant 288 : index
        %get3A_319 = tpu.vector_load %arg6[%get3A_317, %get3A_318] {strides = array<i32>} : memref<128x768xf32, #tpu.memory_space<vmem>>, vector<1x16xf32>,
        %get3A_320 = vector.shape_cast %get3A_319 : vector<1x16xf32> to vector<16xf32>
        %add3A_321 = arith.constant 64 : i32
        %add3A_322 = arith.addi %add3A_321, %scan3A_30 : i32
        %get3A_323 = arith.index_cast %add3A_322 : i32 to index
        %get3A_324 = arith.constant 288 : index
        %get3A_325 = tpu.vector_load %arg6[%get3A_323, %get3A_324] {strides = array<i32>} : memref<128x768xf32, #tpu.memory_space<vmem>>, vector<1x16xf32>,
        %get3A_326 = vector.shape_cast %get3A_325 : vector<1x16xf32> to vector<16xf32>
        %add3A_327 = arith.addf %get3A_320, %get3A_326 : vector<16xf32>
        %swap3A_328 = arith.index_cast %scan3A_30 : i32 to index
        %swap3A_329 = arith.constant 288 : index
        %swap3A_330 = tpu.vector_load %arg6[%swap3A_328, %swap3A_329] {strides = array<i32>} : memref<128x768xf32, #tpu.memory_space<vmem>>, vector<1x16xf32>,
        %swap3A_331 = vector.shape_cast %swap3A_330 : vector<1x16xf32> to vector<16xf32>
        %swap3A_332 = vector.shape_cast %add3A_327 : vector<16xf32> to vector<1x16xf32>
        tpu.vector_store %arg6[%swap3A_328, %swap3A_329], %swap3A_332 {strides = array<i32>} : memref<128x768xf32, #tpu.memory_space<vmem>>, vector<1x16xf32>,
        %get3A_333 = arith.index_cast %scan3A_30 : i32 to index
        %get3A_334 = arith.constant 304 : index
        %get3A_335 = tpu.vector_load %arg6[%get3A_333, %get3A_334] {strides = array<i32>} : memref<128x768xf32, #tpu.memory_space<vmem>>, vector<1x16xf32>,
        %get3A_336 = vector.shape_cast %get3A_335 : vector<1x16xf32> to vector<16xf32>
        %add3A_337 = arith.constant 64 : i32
        %add3A_338 = arith.addi %add3A_337, %scan3A_30 : i32
        %get3A_339 = arith.index_cast %add3A_338 : i32 to index
        %get3A_340 = arith.constant 304 : index
        %get3A_341 = tpu.vector_load %arg6[%get3A_339, %get3A_340] {strides = array<i32>} : memref<128x768xf32, #tpu.memory_space<vmem>>, vector<1x16xf32>,
        %get3A_342 = vector.shape_cast %get3A_341 : vector<1x16xf32> to vector<16xf32>
        %add3A_343 = arith.addf %get3A_336, %get3A_342 : vector<16xf32>
        %swap3A_344 = arith.index_cast %scan3A_30 : i32 to index
        %swap3A_345 = arith.constant 304 : index
        %swap3A_346 = tpu.vector_load %arg6[%swap3A_344, %swap3A_345] {strides = array<i32>} : memref<128x768xf32, #tpu.memory_space<vmem>>, vector<1x16xf32>,
        %swap3A_347 = vector.shape_cast %swap3A_346 : vector<1x16xf32> to vector<16xf32>
        %swap3A_348 = vector.shape_cast %add3A_343 : vector<16xf32> to vector<1x16xf32>
        tpu.vector_store %arg6[%swap3A_344, %swap3A_345], %swap3A_348 {strides = array<i32>} : memref<128x768xf32, #tpu.memory_space<vmem>>, vector<1x16xf32>,
        %get3A_349 = arith.index_cast %scan3A_30 : i32 to index
        %get3A_350 = arith.constant 320 : index
        %get3A_351 = tpu.vector_load %arg6[%get3A_349, %get3A_350] {strides = array<i32>} : memref<128x768xf32, #tpu.memory_space<vmem>>, vector<1x16xf32>,
        %get3A_352 = vector.shape_cast %get3A_351 : vector<1x16xf32> to vector<16xf32>
        %add3A_353 = arith.constant 64 : i32
        %add3A_354 = arith.addi %add3A_353, %scan3A_30 : i32
        %get3A_355 = arith.index_cast %add3A_354 : i32 to index
        %get3A_356 = arith.constant 320 : index
        %get3A_357 = tpu.vector_load %arg6[%get3A_355, %get3A_356] {strides = array<i32>} : memref<128x768xf32, #tpu.memory_space<vmem>>, vector<1x16xf32>,
        %get3A_358 = vector.shape_cast %get3A_357 : vector<1x16xf32> to vector<16xf32>
        %add3A_359 = arith.addf %get3A_352, %get3A_358 : vector<16xf32>
        %swap3A_360 = arith.index_cast %scan3A_30 : i32 to index
        %swap3A_361 = arith.constant 320 : index
        %swap3A_362 = tpu.vector_load %arg6[%swap3A_360, %swap3A_361] {strides = array<i32>} : memref<128x768xf32, #tpu.memory_space<vmem>>, vector<1x16xf32>,
        %swap3A_363 = vector.shape_cast %swap3A_362 : vector<1x16xf32> to vector<16xf32>
        %swap3A_364 = vector.shape_cast %add3A_359 : vector<16xf32> to vector<1x16xf32>
        tpu.vector_store %arg6[%swap3A_360, %swap3A_361], %swap3A_364 {strides = array<i32>} : memref<128x768xf32, #tpu.memory_space<vmem>>, vector<1x16xf32>,
        %get3A_365 = arith.index_cast %scan3A_30 : i32 to index
        %get3A_366 = arith.constant 336 : index
        %get3A_367 = tpu.vector_load %arg6[%get3A_365, %get3A_366] {strides = array<i32>} : memref<128x768xf32, #tpu.memory_space<vmem>>, vector<1x16xf32>,
        %get3A_368 = vector.shape_cast %get3A_367 : vector<1x16xf32> to vector<16xf32>
        %add3A_369 = arith.constant 64 : i32
        %add3A_370 = arith.addi %add3A_369, %scan3A_30 : i32
        %get3A_371 = arith.index_cast %add3A_370 : i32 to index
        %get3A_372 = arith.constant 336 : index
        %get3A_373 = tpu.vector_load %arg6[%get3A_371, %get3A_372] {strides = array<i32>} : memref<128x768xf32, #tpu.memory_space<vmem>>, vector<1x16xf32>,
        %get3A_374 = vector.shape_cast %get3A_373 : vector<1x16xf32> to vector<16xf32>
        %add3A_375 = arith.addf %get3A_368, %get3A_374 : vector<16xf32>
        %swap3A_376 = arith.index_cast %scan3A_30 : i32 to index
        %swap3A_377 = arith.constant 336 : index
        %swap3A_378 = tpu.vector_load %arg6[%swap3A_376, %swap3A_377] {strides = array<i32>} : memref<128x768xf32, #tpu.memory_space<vmem>>, vector<1x16xf32>,
        %swap3A_379 = vector.shape_cast %swap3A_378 : vector<1x16xf32> to vector<16xf32>
        %swap3A_380 = vector.shape_cast %add3A_375 : vector<16xf32> to vector<1x16xf32>
        tpu.vector_store %arg6[%swap3A_376, %swap3A_377], %swap3A_380 {strides = array<i32>} : memref<128x768xf32, #tpu.memory_space<vmem>>, vector<1x16xf32>,
        %get3A_381 = arith.index_cast %scan3A_30 : i32 to index
        %get3A_382 = arith.constant 352 : index
        %get3A_383 = tpu.vector_load %arg6[%get3A_381, %get3A_382] {strides = array<i32>} : memref<128x768xf32, #tpu.memory_space<vmem>>, vector<1x16xf32>,
        %get3A_384 = vector.shape_cast %get3A_383 : vector<1x16xf32> to vector<16xf32>
        %add3A_385 = arith.constant 64 : i32
        %add3A_386 = arith.addi %add3A_385, %scan3A_30 : i32
        %get3A_387 = arith.index_cast %add3A_386 : i32 to index
        %get3A_388 = arith.constant 352 : index
        %get3A_389 = tpu.vector_load %arg6[%get3A_387, %get3A_388] {strides = array<i32>} : memref<128x768xf32, #tpu.memory_space<vmem>>, vector<1x16xf32>,
        %get3A_390 = vector.shape_cast %get3A_389 : vector<1x16xf32> to vector<16xf32>
        %add3A_391 = arith.addf %get3A_384, %get3A_390 : vector<16xf32>
        %swap3A_392 = arith.index_cast %scan3A_30 : i32 to index
        %swap3A_393 = arith.constant 352 : index
        %swap3A_394 = tpu.vector_load %arg6[%swap3A_392, %swap3A_393] {strides = array<i32>} : memref<128x768xf32, #tpu.memory_space<vmem>>, vector<1x16xf32>,
        %swap3A_395 = vector.shape_cast %swap3A_394 : vector<1x16xf32> to vector<16xf32>
        %swap3A_396 = vector.shape_cast %add3A_391 : vector<16xf32> to vector<1x16xf32>
        tpu.vector_store %arg6[%swap3A_392, %swap3A_393], %swap3A_396 {strides = array<i32>} : memref<128x768xf32, #tpu.memory_space<vmem>>, vector<1x16xf32>,
        %get3A_397 = arith.index_cast %scan3A_30 : i32 to index
        %get3A_398 = arith.constant 368 : index
        %get3A_399 = tpu.vector_load %arg6[%get3A_397, %get3A_398] {strides = array<i32>} : memref<128x768xf32, #tpu.memory_space<vmem>>, vector<1x16xf32>,
        %get3A_400 = vector.shape_cast %get3A_399 : vector<1x16xf32> to vector<16xf32>
        %add3A_401 = arith.constant 64 : i32
        %add3A_402 = arith.addi %add3A_401, %scan3A_30 : i32
        %get3A_403 = arith.index_cast %add3A_402 : i32 to index
        %get3A_404 = arith.constant 368 : index
        %get3A_405 = tpu.vector_load %arg6[%get3A_403, %get3A_404] {strides = array<i32>} : memref<128x768xf32, #tpu.memory_space<vmem>>, vector<1x16xf32>,
        %get3A_406 = vector.shape_cast %get3A_405 : vector<1x16xf32> to vector<16xf32>
        %add3A_407 = arith.addf %get3A_400, %get3A_406 : vector<16xf32>
        %swap3A_408 = arith.index_cast %scan3A_30 : i32 to index
        %swap3A_409 = arith.constant 368 : index
        %swap3A_410 = tpu.vector_load %arg6[%swap3A_408, %swap3A_409] {strides = array<i32>} : memref<128x768xf32, #tpu.memory_space<vmem>>, vector<1x16xf32>,
        %swap3A_411 = vector.shape_cast %swap3A_410 : vector<1x16xf32> to vector<16xf32>
        %swap3A_412 = vector.shape_cast %add3A_407 : vector<16xf32> to vector<1x16xf32>
        tpu.vector_store %arg6[%swap3A_408, %swap3A_409], %swap3A_412 {strides = array<i32>} : memref<128x768xf32, #tpu.memory_space<vmem>>, vector<1x16xf32>,
        %get3A_413 = arith.index_cast %scan3A_30 : i32 to index
        %get3A_414 = arith.constant 384 : index
        %get3A_415 = tpu.vector_load %arg6[%get3A_413, %get3A_414] {strides = array<i32>} : memref<128x768xf32, #tpu.memory_space<vmem>>, vector<1x16xf32>,
        %get3A_416 = vector.shape_cast %get3A_415 : vector<1x16xf32> to vector<16xf32>
        %add3A_417 = arith.constant 64 : i32
        %add3A_418 = arith.addi %add3A_417, %scan3A_30 : i32
        %get3A_419 = arith.index_cast %add3A_418 : i32 to index
        %get3A_420 = arith.constant 384 : index
        %get3A_421 = tpu.vector_load %arg6[%get3A_419, %get3A_420] {strides = array<i32>} : memref<128x768xf32, #tpu.memory_space<vmem>>, vector<1x16xf32>,
        %get3A_422 = vector.shape_cast %get3A_421 : vector<1x16xf32> to vector<16xf32>
        %add3A_423 = arith.addf %get3A_416, %get3A_422 : vector<16xf32>
        %swap3A_424 = arith.index_cast %scan3A_30 : i32 to index
        %swap3A_425 = arith.constant 384 : index
        %swap3A_426 = tpu.vector_load %arg6[%swap3A_424, %swap3A_425] {strides = array<i32>} : memref<128x768xf32, #tpu.memory_space<vmem>>, vector<1x16xf32>,
        %swap3A_427 = vector.shape_cast %swap3A_426 : vector<1x16xf32> to vector<16xf32>
        %swap3A_428 = vector.shape_cast %add3A_423 : vector<16xf32> to vector<1x16xf32>
        tpu.vector_store %arg6[%swap3A_424, %swap3A_425], %swap3A_428 {strides = array<i32>} : memref<128x768xf32, #tpu.memory_space<vmem>>, vector<1x16xf32>,
        %get3A_429 = arith.index_cast %scan3A_30 : i32 to index
        %get3A_430 = arith.constant 400 : index
        %get3A_431 = tpu.vector_load %arg6[%get3A_429, %get3A_430] {strides = array<i32>} : memref<128x768xf32, #tpu.memory_space<vmem>>, vector<1x16xf32>,
        %get3A_432 = vector.shape_cast %get3A_431 : vector<1x16xf32> to vector<16xf32>
        %add3A_433 = arith.constant 64 : i32
        %add3A_434 = arith.addi %add3A_433, %scan3A_30 : i32
        %get3A_435 = arith.index_cast %add3A_434 : i32 to index
        %get3A_436 = arith.constant 400 : index
        %get3A_437 = tpu.vector_load %arg6[%get3A_435, %get3A_436] {strides = array<i32>} : memref<128x768xf32, #tpu.memory_space<vmem>>, vector<1x16xf32>,
        %get3A_438 = vector.shape_cast %get3A_437 : vector<1x16xf32> to vector<16xf32>
        %add3A_439 = arith.addf %get3A_432, %get3A_438 : vector<16xf32>
        %swap3A_440 = arith.index_cast %scan3A_30 : i32 to index
        %swap3A_441 = arith.constant 400 : index
        %swap3A_442 = tpu.vector_load %arg6[%swap3A_440, %swap3A_441] {strides = array<i32>} : memref<128x768xf32, #tpu.memory_space<vmem>>, vector<1x16xf32>,
        %swap3A_443 = vector.shape_cast %swap3A_442 : vector<1x16xf32> to vector<16xf32>
        %swap3A_444 = vector.shape_cast %add3A_439 : vector<16xf32> to vector<1x16xf32>
        tpu.vector_store %arg6[%swap3A_440, %swap3A_441], %swap3A_444 {strides = array<i32>} : memref<128x768xf32, #tpu.memory_space<vmem>>, vector<1x16xf32>,
        %get3A_445 = arith.index_cast %scan3A_30 : i32 to index
        %get3A_446 = arith.constant 416 : index
        %get3A_447 = tpu.vector_load %arg6[%get3A_445, %get3A_446] {strides = array<i32>} : memref<128x768xf32, #tpu.memory_space<vmem>>, vector<1x16xf32>,
        %get3A_448 = vector.shape_cast %get3A_447 : vector<1x16xf32> to vector<16xf32>
        %add3A_449 = arith.constant 64 : i32
        %add3A_450 = arith.addi %add3A_449, %scan3A_30 : i32
        %get3A_451 = arith.index_cast %add3A_450 : i32 to index
        %get3A_452 = arith.constant 416 : index
        %get3A_453 = tpu.vector_load %arg6[%get3A_451, %get3A_452] {strides = array<i32>} : memref<128x768xf32, #tpu.memory_space<vmem>>, vector<1x16xf32>,
        %get3A_454 = vector.shape_cast %get3A_453 : vector<1x16xf32> to vector<16xf32>
        %add3A_455 = arith.addf %get3A_448, %get3A_454 : vector<16xf32>
        %swap3A_456 = arith.index_cast %scan3A_30 : i32 to index
        %swap3A_457 = arith.constant 416 : index
        %swap3A_458 = tpu.vector_load %arg6[%swap3A_456, %swap3A_457] {strides = array<i32>} : memref<128x768xf32, #tpu.memory_space<vmem>>, vector<1x16xf32>,
        %swap3A_459 = vector.shape_cast %swap3A_458 : vector<1x16xf32> to vector<16xf32>
        %swap3A_460 = vector.shape_cast %add3A_455 : vector<16xf32> to vector<1x16xf32>
        tpu.vector_store %arg6[%swap3A_456, %swap3A_457], %swap3A_460 {strides = array<i32>} : memref<128x768xf32, #tpu.memory_space<vmem>>, vector<1x16xf32>,
        %get3A_461 = arith.index_cast %scan3A_30 : i32 to index
        %get3A_462 = arith.constant 432 : index
        %get3A_463 = tpu.vector_load %arg6[%get3A_461, %get3A_462] {strides = array<i32>} : memref<128x768xf32, #tpu.memory_space<vmem>>, vector<1x16xf32>,
        %get3A_464 = vector.shape_cast %get3A_463 : vector<1x16xf32> to vector<16xf32>
        %add3A_465 = arith.constant 64 : i32
        %add3A_466 = arith.addi %add3A_465, %scan3A_30 : i32
        %get3A_467 = arith.index_cast %add3A_466 : i32 to index
        %get3A_468 = arith.constant 432 : index
        %get3A_469 = tpu.vector_load %arg6[%get3A_467, %get3A_468] {strides = array<i32>} : memref<128x768xf32, #tpu.memory_space<vmem>>, vector<1x16xf32>,
        %get3A_470 = vector.shape_cast %get3A_469 : vector<1x16xf32> to vector<16xf32>
        %add3A_471 = arith.addf %get3A_464, %get3A_470 : vector<16xf32>
        %swap3A_472 = arith.index_cast %scan3A_30 : i32 to index
        %swap3A_473 = arith.constant 432 : index
        %swap3A_474 = tpu.vector_load %arg6[%swap3A_472, %swap3A_473] {strides = array<i32>} : memref<128x768xf32, #tpu.memory_space<vmem>>, vector<1x16xf32>,
        %swap3A_475 = vector.shape_cast %swap3A_474 : vector<1x16xf32> to vector<16xf32>
        %swap3A_476 = vector.shape_cast %add3A_471 : vector<16xf32> to vector<1x16xf32>
        tpu.vector_store %arg6[%swap3A_472, %swap3A_473], %swap3A_476 {strides = array<i32>} : memref<128x768xf32, #tpu.memory_space<vmem>>, vector<1x16xf32>,
        %get3A_477 = arith.index_cast %scan3A_30 : i32 to index
        %get3A_478 = arith.constant 448 : index
        %get3A_479 = tpu.vector_load %arg6[%get3A_477, %get3A_478] {strides = array<i32>} : memref<128x768xf32, #tpu.memory_space<vmem>>, vector<1x16xf32>,
        %get3A_480 = vector.shape_cast %get3A_479 : vector<1x16xf32> to vector<16xf32>
        %add3A_481 = arith.constant 64 : i32
        %add3A_482 = arith.addi %add3A_481, %scan3A_30 : i32
        %get3A_483 = arith.index_cast %add3A_482 : i32 to index
        %get3A_484 = arith.constant 448 : index
        %get3A_485 = tpu.vector_load %arg6[%get3A_483, %get3A_484] {strides = array<i32>} : memref<128x768xf32, #tpu.memory_space<vmem>>, vector<1x16xf32>,
        %get3A_486 = vector.shape_cast %get3A_485 : vector<1x16xf32> to vector<16xf32>
        %add3A_487 = arith.addf %get3A_480, %get3A_486 : vector<16xf32>
        %swap3A_488 = arith.index_cast %scan3A_30 : i32 to index
        %swap3A_489 = arith.constant 448 : index
        %swap3A_490 = tpu.vector_load %arg6[%swap3A_488, %swap3A_489] {strides = array<i32>} : memref<128x768xf32, #tpu.memory_space<vmem>>, vector<1x16xf32>,
        %swap3A_491 = vector.shape_cast %swap3A_490 : vector<1x16xf32> to vector<16xf32>
        %swap3A_492 = vector.shape_cast %add3A_487 : vector<16xf32> to vector<1x16xf32>
        tpu.vector_store %arg6[%swap3A_488, %swap3A_489], %swap3A_492 {strides = array<i32>} : memref<128x768xf32, #tpu.memory_space<vmem>>, vector<1x16xf32>,
        %get3A_493 = arith.index_cast %scan3A_30 : i32 to index
        %get3A_494 = arith.constant 464 : index
        %get3A_495 = tpu.vector_load %arg6[%get3A_493, %get3A_494] {strides = array<i32>} : memref<128x768xf32, #tpu.memory_space<vmem>>, vector<1x16xf32>,
        %get3A_496 = vector.shape_cast %get3A_495 : vector<1x16xf32> to vector<16xf32>
        %add3A_497 = arith.constant 64 : i32
        %add3A_498 = arith.addi %add3A_497, %scan3A_30 : i32
        %get3A_499 = arith.index_cast %add3A_498 : i32 to index
        %get3A_500 = arith.constant 464 : index
        %get3A_501 = tpu.vector_load %arg6[%get3A_499, %get3A_500] {strides = array<i32>} : memref<128x768xf32, #tpu.memory_space<vmem>>, vector<1x16xf32>,
        %get3A_502 = vector.shape_cast %get3A_501 : vector<1x16xf32> to vector<16xf32>
        %add3A_503 = arith.addf %get3A_496, %get3A_502 : vector<16xf32>
        %swap3A_504 = arith.index_cast %scan3A_30 : i32 to index
        %swap3A_505 = arith.constant 464 : index
        %swap3A_506 = tpu.vector_load %arg6[%swap3A_504, %swap3A_505] {strides = array<i32>} : memref<128x768xf32, #tpu.memory_space<vmem>>, vector<1x16xf32>,
        %swap3A_507 = vector.shape_cast %swap3A_506 : vector<1x16xf32> to vector<16xf32>
        %swap3A_508 = vector.shape_cast %add3A_503 : vector<16xf32> to vector<1x16xf32>
        tpu.vector_store %arg6[%swap3A_504, %swap3A_505], %swap3A_508 {strides = array<i32>} : memref<128x768xf32, #tpu.memory_space<vmem>>, vector<1x16xf32>,
        %get3A_509 = arith.index_cast %scan3A_30 : i32 to index
        %get3A_510 = arith.constant 480 : index
        %get3A_511 = tpu.vector_load %arg6[%get3A_509, %get3A_510] {strides = array<i32>} : memref<128x768xf32, #tpu.memory_space<vmem>>, vector<1x16xf32>,
        %get3A_512 = vector.shape_cast %get3A_511 : vector<1x16xf32> to vector<16xf32>
        %add3A_513 = arith.constant 64 : i32
        %add3A_514 = arith.addi %add3A_513, %scan3A_30 : i32
        %get3A_515 = arith.index_cast %add3A_514 : i32 to index
        %get3A_516 = arith.constant 480 : index
        %get3A_517 = tpu.vector_load %arg6[%get3A_515, %get3A_516] {strides = array<i32>} : memref<128x768xf32, #tpu.memory_space<vmem>>, vector<1x16xf32>,
        %get3A_518 = vector.shape_cast %get3A_517 : vector<1x16xf32> to vector<16xf32>
        %add3A_519 = arith.addf %get3A_512, %get3A_518 : vector<16xf32>
        %swap3A_520 = arith.index_cast %scan3A_30 : i32 to index
        %swap3A_521 = arith.constant 480 : index
        %swap3A_522 = tpu.vector_load %arg6[%swap3A_520, %swap3A_521] {strides = array<i32>} : memref<128x768xf32, #tpu.memory_space<vmem>>, vector<1x16xf32>,
        %swap3A_523 = vector.shape_cast %swap3A_522 : vector<1x16xf32> to vector<16xf32>
        %swap3A_524 = vector.shape_cast %add3A_519 : vector<16xf32> to vector<1x16xf32>
        tpu.vector_store %arg6[%swap3A_520, %swap3A_521], %swap3A_524 {strides = array<i32>} : memref<128x768xf32, #tpu.memory_space<vmem>>, vector<1x16xf32>,
        %get3A_525 = arith.index_cast %scan3A_30 : i32 to index
        %get3A_526 = arith.constant 496 : index
        %get3A_527 = tpu.vector_load %arg6[%get3A_525, %get3A_526] {strides = array<i32>} : memref<128x768xf32, #tpu.memory_space<vmem>>, vector<1x16xf32>,
        %get3A_528 = vector.shape_cast %get3A_527 : vector<1x16xf32> to vector<16xf32>
        %add3A_529 = arith.constant 64 : i32
        %add3A_530 = arith.addi %add3A_529, %scan3A_30 : i32
        %get3A_531 = arith.index_cast %add3A_530 : i32 to index
        %get3A_532 = arith.constant 496 : index
        %get3A_533 = tpu.vector_load %arg6[%get3A_531, %get3A_532] {strides = array<i32>} : memref<128x768xf32, #tpu.memory_space<vmem>>, vector<1x16xf32>,
        %get3A_534 = vector.shape_cast %get3A_533 : vector<1x16xf32> to vector<16xf32>
        %add3A_535 = arith.addf %get3A_528, %get3A_534 : vector<16xf32>
        %swap3A_536 = arith.index_cast %scan3A_30 : i32 to index
        %swap3A_537 = arith.constant 496 : index
        %swap3A_538 = tpu.vector_load %arg6[%swap3A_536, %swap3A_537] {strides = array<i32>} : memref<128x768xf32, #tpu.memory_space<vmem>>, vector<1x16xf32>,
        %swap3A_539 = vector.shape_cast %swap3A_538 : vector<1x16xf32> to vector<16xf32>
        %swap3A_540 = vector.shape_cast %add3A_535 : vector<16xf32> to vector<1x16xf32>
        tpu.vector_store %arg6[%swap3A_536, %swap3A_537], %swap3A_540 {strides = array<i32>} : memref<128x768xf32, #tpu.memory_space<vmem>>, vector<1x16xf32>,
        %get3A_541 = arith.index_cast %scan3A_30 : i32 to index
        %get3A_542 = arith.constant 512 : index
        %get3A_543 = tpu.vector_load %arg6[%get3A_541, %get3A_542] {strides = array<i32>} : memref<128x768xf32, #tpu.memory_space<vmem>>, vector<1x16xf32>,
        %get3A_544 = vector.shape_cast %get3A_543 : vector<1x16xf32> to vector<16xf32>
        %add3A_545 = arith.constant 64 : i32
        %add3A_546 = arith.addi %add3A_545, %scan3A_30 : i32
        %get3A_547 = arith.index_cast %add3A_546 : i32 to index
        %get3A_548 = arith.constant 512 : index
        %get3A_549 = tpu.vector_load %arg6[%get3A_547, %get3A_548] {strides = array<i32>} : memref<128x768xf32, #tpu.memory_space<vmem>>, vector<1x16xf32>,
        %get3A_550 = vector.shape_cast %get3A_549 : vector<1x16xf32> to vector<16xf32>
        %add3A_551 = arith.addf %get3A_544, %get3A_550 : vector<16xf32>
        %swap3A_552 = arith.index_cast %scan3A_30 : i32 to index
        %swap3A_553 = arith.constant 512 : index
        %swap3A_554 = tpu.vector_load %arg6[%swap3A_552, %swap3A_553] {strides = array<i32>} : memref<128x768xf32, #tpu.memory_space<vmem>>, vector<1x16xf32>,
        %swap3A_555 = vector.shape_cast %swap3A_554 : vector<1x16xf32> to vector<16xf32>
        %swap3A_556 = vector.shape_cast %add3A_551 : vector<16xf32> to vector<1x16xf32>
        tpu.vector_store %arg6[%swap3A_552, %swap3A_553], %swap3A_556 {strides = array<i32>} : memref<128x768xf32, #tpu.memory_space<vmem>>, vector<1x16xf32>,
        %get3A_557 = arith.index_cast %scan3A_30 : i32 to index
        %get3A_558 = arith.constant 528 : index
        %get3A_559 = tpu.vector_load %arg6[%get3A_557, %get3A_558] {strides = array<i32>} : memref<128x768xf32, #tpu.memory_space<vmem>>, vector<1x16xf32>,
        %get3A_560 = vector.shape_cast %get3A_559 : vector<1x16xf32> to vector<16xf32>
        %add3A_561 = arith.constant 64 : i32
        %add3A_562 = arith.addi %add3A_561, %scan3A_30 : i32
        %get3A_563 = arith.index_cast %add3A_562 : i32 to index
        %get3A_564 = arith.constant 528 : index
        %get3A_565 = tpu.vector_load %arg6[%get3A_563, %get3A_564] {strides = array<i32>} : memref<128x768xf32, #tpu.memory_space<vmem>>, vector<1x16xf32>,
        %get3A_566 = vector.shape_cast %get3A_565 : vector<1x16xf32> to vector<16xf32>
        %add3A_567 = arith.addf %get3A_560, %get3A_566 : vector<16xf32>
        %swap3A_568 = arith.index_cast %scan3A_30 : i32 to index
        %swap3A_569 = arith.constant 528 : index
        %swap3A_570 = tpu.vector_load %arg6[%swap3A_568, %swap3A_569] {strides = array<i32>} : memref<128x768xf32, #tpu.memory_space<vmem>>, vector<1x16xf32>,
        %swap3A_571 = vector.shape_cast %swap3A_570 : vector<1x16xf32> to vector<16xf32>
        %swap3A_572 = vector.shape_cast %add3A_567 : vector<16xf32> to vector<1x16xf32>
        tpu.vector_store %arg6[%swap3A_568, %swap3A_569], %swap3A_572 {strides = array<i32>} : memref<128x768xf32, #tpu.memory_space<vmem>>, vector<1x16xf32>,
        %get3A_573 = arith.index_cast %scan3A_30 : i32 to index
        %get3A_574 = arith.constant 544 : index
        %get3A_575 = tpu.vector_load %arg6[%get3A_573, %get3A_574] {strides = array<i32>} : memref<128x768xf32, #tpu.memory_space<vmem>>, vector<1x16xf32>,
        %get3A_576 = vector.shape_cast %get3A_575 : vector<1x16xf32> to vector<16xf32>
        %add3A_577 = arith.constant 64 : i32
        %add3A_578 = arith.addi %add3A_577, %scan3A_30 : i32
        %get3A_579 = arith.index_cast %add3A_578 : i32 to index
        %get3A_580 = arith.constant 544 : index
        %get3A_581 = tpu.vector_load %arg6[%get3A_579, %get3A_580] {strides = array<i32>} : memref<128x768xf32, #tpu.memory_space<vmem>>, vector<1x16xf32>,
        %get3A_582 = vector.shape_cast %get3A_581 : vector<1x16xf32> to vector<16xf32>
        %add3A_583 = arith.addf %get3A_576, %get3A_582 : vector<16xf32>
        %swap3A_584 = arith.index_cast %scan3A_30 : i32 to index
        %swap3A_585 = arith.constant 544 : index
        %swap3A_586 = tpu.vector_load %arg6[%swap3A_584, %swap3A_585] {strides = array<i32>} : memref<128x768xf32, #tpu.memory_space<vmem>>, vector<1x16xf32>,
        %swap3A_587 = vector.shape_cast %swap3A_586 : vector<1x16xf32> to vector<16xf32>
        %swap3A_588 = vector.shape_cast %add3A_583 : vector<16xf32> to vector<1x16xf32>
        tpu.vector_store %arg6[%swap3A_584, %swap3A_585], %swap3A_588 {strides = array<i32>} : memref<128x768xf32, #tpu.memory_space<vmem>>, vector<1x16xf32>,
        %get3A_589 = arith.index_cast %scan3A_30 : i32 to index
        %get3A_590 = arith.constant 560 : index
        %get3A_591 = tpu.vector_load %arg6[%get3A_589, %get3A_590] {strides = array<i32>} : memref<128x768xf32, #tpu.memory_space<vmem>>, vector<1x16xf32>,
        %get3A_592 = vector.shape_cast %get3A_591 : vector<1x16xf32> to vector<16xf32>
        %add3A_593 = arith.constant 64 : i32
        %add3A_594 = arith.addi %add3A_593, %scan3A_30 : i32
        %get3A_595 = arith.index_cast %add3A_594 : i32 to index
        %get3A_596 = arith.constant 560 : index
        %get3A_597 = tpu.vector_load %arg6[%get3A_595, %get3A_596] {strides = array<i32>} : memref<128x768xf32, #tpu.memory_space<vmem>>, vector<1x16xf32>,
        %get3A_598 = vector.shape_cast %get3A_597 : vector<1x16xf32> to vector<16xf32>
        %add3A_599 = arith.addf %get3A_592, %get3A_598 : vector<16xf32>
        %swap3A_600 = arith.index_cast %scan3A_30 : i32 to index
        %swap3A_601 = arith.constant 560 : index
        %swap3A_602 = tpu.vector_load %arg6[%swap3A_600, %swap3A_601] {strides = array<i32>} : memref<128x768xf32, #tpu.memory_space<vmem>>, vector<1x16xf32>,
        %swap3A_603 = vector.shape_cast %swap3A_602 : vector<1x16xf32> to vector<16xf32>
        %swap3A_604 = vector.shape_cast %add3A_599 : vector<16xf32> to vector<1x16xf32>
        tpu.vector_store %arg6[%swap3A_600, %swap3A_601], %swap3A_604 {strides = array<i32>} : memref<128x768xf32, #tpu.memory_space<vmem>>, vector<1x16xf32>,
        %get3A_605 = arith.index_cast %scan3A_30 : i32 to index
        %get3A_606 = arith.constant 576 : index
        %get3A_607 = tpu.vector_load %arg6[%get3A_605, %get3A_606] {strides = array<i32>} : memref<128x768xf32, #tpu.memory_space<vmem>>, vector<1x16xf32>,
        %get3A_608 = vector.shape_cast %get3A_607 : vector<1x16xf32> to vector<16xf32>
        %add3A_609 = arith.constant 64 : i32
        %add3A_610 = arith.addi %add3A_609, %scan3A_30 : i32
        %get3A_611 = arith.index_cast %add3A_610 : i32 to index
        %get3A_612 = arith.constant 576 : index
        %get3A_613 = tpu.vector_load %arg6[%get3A_611, %get3A_612] {strides = array<i32>} : memref<128x768xf32, #tpu.memory_space<vmem>>, vector<1x16xf32>,
        %get3A_614 = vector.shape_cast %get3A_613 : vector<1x16xf32> to vector<16xf32>
        %add3A_615 = arith.addf %get3A_608, %get3A_614 : vector<16xf32>
        %swap3A_616 = arith.index_cast %scan3A_30 : i32 to index
        %swap3A_617 = arith.constant 576 : index
        %swap3A_618 = tpu.vector_load %arg6[%swap3A_616, %swap3A_617] {strides = array<i32>} : memref<128x768xf32, #tpu.memory_space<vmem>>, vector<1x16xf32>,
        %swap3A_619 = vector.shape_cast %swap3A_618 : vector<1x16xf32> to vector<16xf32>
        %swap3A_620 = vector.shape_cast %add3A_615 : vector<16xf32> to vector<1x16xf32>
        tpu.vector_store %arg6[%swap3A_616, %swap3A_617], %swap3A_620 {strides = array<i32>} : memref<128x768xf32, #tpu.memory_space<vmem>>, vector<1x16xf32>,
        %get3A_621 = arith.index_cast %scan3A_30 : i32 to index
        %get3A_622 = arith.constant 592 : index
        %get3A_623 = tpu.vector_load %arg6[%get3A_621, %get3A_622] {strides = array<i32>} : memref<128x768xf32, #tpu.memory_space<vmem>>, vector<1x16xf32>,
        %get3A_624 = vector.shape_cast %get3A_623 : vector<1x16xf32> to vector<16xf32>
        %add3A_625 = arith.constant 64 : i32
        %add3A_626 = arith.addi %add3A_625, %scan3A_30 : i32
        %get3A_627 = arith.index_cast %add3A_626 : i32 to index
        %get3A_628 = arith.constant 592 : index
        %get3A_629 = tpu.vector_load %arg6[%get3A_627, %get3A_628] {strides = array<i32>} : memref<128x768xf32, #tpu.memory_space<vmem>>, vector<1x16xf32>,
        %get3A_630 = vector.shape_cast %get3A_629 : vector<1x16xf32> to vector<16xf32>
        %add3A_631 = arith.addf %get3A_624, %get3A_630 : vector<16xf32>
        %swap3A_632 = arith.index_cast %scan3A_30 : i32 to index
        %swap3A_633 = arith.constant 592 : index
        %swap3A_634 = tpu.vector_load %arg6[%swap3A_632, %swap3A_633] {strides = array<i32>} : memref<128x768xf32, #tpu.memory_space<vmem>>, vector<1x16xf32>,
        %swap3A_635 = vector.shape_cast %swap3A_634 : vector<1x16xf32> to vector<16xf32>
        %swap3A_636 = vector.shape_cast %add3A_631 : vector<16xf32> to vector<1x16xf32>
        tpu.vector_store %arg6[%swap3A_632, %swap3A_633], %swap3A_636 {strides = array<i32>} : memref<128x768xf32, #tpu.memory_space<vmem>>, vector<1x16xf32>,
        %get3A_637 = arith.index_cast %scan3A_30 : i32 to index
        %get3A_638 = arith.constant 608 : index
        %get3A_639 = tpu.vector_load %arg6[%get3A_637, %get3A_638] {strides = array<i32>} : memref<128x768xf32, #tpu.memory_space<vmem>>, vector<1x16xf32>,
        %get3A_640 = vector.shape_cast %get3A_639 : vector<1x16xf32> to vector<16xf32>
        %add3A_641 = arith.constant 64 : i32
        %add3A_642 = arith.addi %add3A_641, %scan3A_30 : i32
        %get3A_643 = arith.index_cast %add3A_642 : i32 to index
        %get3A_644 = arith.constant 608 : index
        %get3A_645 = tpu.vector_load %arg6[%get3A_643, %get3A_644] {strides = array<i32>} : memref<128x768xf32, #tpu.memory_space<vmem>>, vector<1x16xf32>,
        %get3A_646 = vector.shape_cast %get3A_645 : vector<1x16xf32> to vector<16xf32>
        %add3A_647 = arith.addf %get3A_640, %get3A_646 : vector<16xf32>
        %swap3A_648 = arith.index_cast %scan3A_30 : i32 to index
        %swap3A_649 = arith.constant 608 : index
        %swap3A_650 = tpu.vector_load %arg6[%swap3A_648, %swap3A_649] {strides = array<i32>} : memref<128x768xf32, #tpu.memory_space<vmem>>, vector<1x16xf32>,
        %swap3A_651 = vector.shape_cast %swap3A_650 : vector<1x16xf32> to vector<16xf32>
        %swap3A_652 = vector.shape_cast %add3A_647 : vector<16xf32> to vector<1x16xf32>
        tpu.vector_store %arg6[%swap3A_648, %swap3A_649], %swap3A_652 {strides = array<i32>} : memref<128x768xf32, #tpu.memory_space<vmem>>, vector<1x16xf32>,
        %get3A_653 = arith.index_cast %scan3A_30 : i32 to index
        %get3A_654 = arith.constant 624 : index
        %get3A_655 = tpu.vector_load %arg6[%get3A_653, %get3A_654] {strides = array<i32>} : memref<128x768xf32, #tpu.memory_space<vmem>>, vector<1x16xf32>,
        %get3A_656 = vector.shape_cast %get3A_655 : vector<1x16xf32> to vector<16xf32>
        %add3A_657 = arith.constant 64 : i32
        %add3A_658 = arith.addi %add3A_657, %scan3A_30 : i32
        %get3A_659 = arith.index_cast %add3A_658 : i32 to index
        %get3A_660 = arith.constant 624 : index
        %get3A_661 = tpu.vector_load %arg6[%get3A_659, %get3A_660] {strides = array<i32>} : memref<128x768xf32, #tpu.memory_space<vmem>>, vector<1x16xf32>,
        %get3A_662 = vector.shape_cast %get3A_661 : vector<1x16xf32> to vector<16xf32>
        %add3A_663 = arith.addf %get3A_656, %get3A_662 : vector<16xf32>
        %swap3A_664 = arith.index_cast %scan3A_30 : i32 to index
        %swap3A_665 = arith.constant 624 : index
        %swap3A_666 = tpu.vector_load %arg6[%swap3A_664, %swap3A_665] {strides = array<i32>} : memref<128x768xf32, #tpu.memory_space<vmem>>, vector<1x16xf32>,
        %swap3A_667 = vector.shape_cast %swap3A_666 : vector<1x16xf32> to vector<16xf32>
        %swap3A_668 = vector.shape_cast %add3A_663 : vector<16xf32> to vector<1x16xf32>
        tpu.vector_store %arg6[%swap3A_664, %swap3A_665], %swap3A_668 {strides = array<i32>} : memref<128x768xf32, #tpu.memory_space<vmem>>, vector<1x16xf32>,
        %get3A_669 = arith.index_cast %scan3A_30 : i32 to index
        %get3A_670 = arith.constant 640 : index
        %get3A_671 = tpu.vector_load %arg6[%get3A_669, %get3A_670] {strides = array<i32>} : memref<128x768xf32, #tpu.memory_space<vmem>>, vector<1x16xf32>,
        %get3A_672 = vector.shape_cast %get3A_671 : vector<1x16xf32> to vector<16xf32>
        %add3A_673 = arith.constant 64 : i32
        %add3A_674 = arith.addi %add3A_673, %scan3A_30 : i32
        %get3A_675 = arith.index_cast %add3A_674 : i32 to index
        %get3A_676 = arith.constant 640 : index
        %get3A_677 = tpu.vector_load %arg6[%get3A_675, %get3A_676] {strides = array<i32>} : memref<128x768xf32, #tpu.memory_space<vmem>>, vector<1x16xf32>,
        %get3A_678 = vector.shape_cast %get3A_677 : vector<1x16xf32> to vector<16xf32>
        %add3A_679 = arith.addf %get3A_672, %get3A_678 : vector<16xf32>
        %swap3A_680 = arith.index_cast %scan3A_30 : i32 to index
        %swap3A_681 = arith.constant 640 : index
        %swap3A_682 = tpu.vector_load %arg6[%swap3A_680, %swap3A_681] {strides = array<i32>} : memref<128x768xf32, #tpu.memory_space<vmem>>, vector<1x16xf32>,
        %swap3A_683 = vector.shape_cast %swap3A_682 : vector<1x16xf32> to vector<16xf32>
        %swap3A_684 = vector.shape_cast %add3A_679 : vector<16xf32> to vector<1x16xf32>
        tpu.vector_store %arg6[%swap3A_680, %swap3A_681], %swap3A_684 {strides = array<i32>} : memref<128x768xf32, #tpu.memory_space<vmem>>, vector<1x16xf32>,
        %get3A_685 = arith.index_cast %scan3A_30 : i32 to index
        %get3A_686 = arith.constant 656 : index
        %get3A_687 = tpu.vector_load %arg6[%get3A_685, %get3A_686] {strides = array<i32>} : memref<128x768xf32, #tpu.memory_space<vmem>>, vector<1x16xf32>,
        %get3A_688 = vector.shape_cast %get3A_687 : vector<1x16xf32> to vector<16xf32>
        %add3A_689 = arith.constant 64 : i32
        %add3A_690 = arith.addi %add3A_689, %scan3A_30 : i32
        %get3A_691 = arith.index_cast %add3A_690 : i32 to index
        %get3A_692 = arith.constant 656 : index
        %get3A_693 = tpu.vector_load %arg6[%get3A_691, %get3A_692] {strides = array<i32>} : memref<128x768xf32, #tpu.memory_space<vmem>>, vector<1x16xf32>,
        %get3A_694 = vector.shape_cast %get3A_693 : vector<1x16xf32> to vector<16xf32>
        %add3A_695 = arith.addf %get3A_688, %get3A_694 : vector<16xf32>
        %swap3A_696 = arith.index_cast %scan3A_30 : i32 to index
        %swap3A_697 = arith.constant 656 : index
        %swap3A_698 = tpu.vector_load %arg6[%swap3A_696, %swap3A_697] {strides = array<i32>} : memref<128x768xf32, #tpu.memory_space<vmem>>, vector<1x16xf32>,
        %swap3A_699 = vector.shape_cast %swap3A_698 : vector<1x16xf32> to vector<16xf32>
        %swap3A_700 = vector.shape_cast %add3A_695 : vector<16xf32> to vector<1x16xf32>
        tpu.vector_store %arg6[%swap3A_696, %swap3A_697], %swap3A_700 {strides = array<i32>} : memref<128x768xf32, #tpu.memory_space<vmem>>, vector<1x16xf32>,
        %get3A_701 = arith.index_cast %scan3A_30 : i32 to index
        %get3A_702 = arith.constant 672 : index
        %get3A_703 = tpu.vector_load %arg6[%get3A_701, %get3A_702] {strides = array<i32>} : memref<128x768xf32, #tpu.memory_space<vmem>>, vector<1x16xf32>,
        %get3A_704 = vector.shape_cast %get3A_703 : vector<1x16xf32> to vector<16xf32>
        %add3A_705 = arith.constant 64 : i32
        %add3A_706 = arith.addi %add3A_705, %scan3A_30 : i32
        %get3A_707 = arith.index_cast %add3A_706 : i32 to index
        %get3A_708 = arith.constant 672 : index
        %get3A_709 = tpu.vector_load %arg6[%get3A_707, %get3A_708] {strides = array<i32>} : memref<128x768xf32, #tpu.memory_space<vmem>>, vector<1x16xf32>,
        %get3A_710 = vector.shape_cast %get3A_709 : vector<1x16xf32> to vector<16xf32>
        %add3A_711 = arith.addf %get3A_704, %get3A_710 : vector<16xf32>
        %swap3A_712 = arith.index_cast %scan3A_30 : i32 to index
        %swap3A_713 = arith.constant 672 : index
        %swap3A_714 = tpu.vector_load %arg6[%swap3A_712, %swap3A_713] {strides = array<i32>} : memref<128x768xf32, #tpu.memory_space<vmem>>, vector<1x16xf32>,
        %swap3A_715 = vector.shape_cast %swap3A_714 : vector<1x16xf32> to vector<16xf32>
        %swap3A_716 = vector.shape_cast %add3A_711 : vector<16xf32> to vector<1x16xf32>
        tpu.vector_store %arg6[%swap3A_712, %swap3A_713], %swap3A_716 {strides = array<i32>} : memref<128x768xf32, #tpu.memory_space<vmem>>, vector<1x16xf32>,
        %get3A_717 = arith.index_cast %scan3A_30 : i32 to index
        %get3A_718 = arith.constant 688 : index
        %get3A_719 = tpu.vector_load %arg6[%get3A_717, %get3A_718] {strides = array<i32>} : memref<128x768xf32, #tpu.memory_space<vmem>>, vector<1x16xf32>,
        %get3A_720 = vector.shape_cast %get3A_719 : vector<1x16xf32> to vector<16xf32>
        %add3A_721 = arith.constant 64 : i32
        %add3A_722 = arith.addi %add3A_721, %scan3A_30 : i32
        %get3A_723 = arith.index_cast %add3A_722 : i32 to index
        %get3A_724 = arith.constant 688 : index
        %get3A_725 = tpu.vector_load %arg6[%get3A_723, %get3A_724] {strides = array<i32>} : memref<128x768xf32, #tpu.memory_space<vmem>>, vector<1x16xf32>,
        %get3A_726 = vector.shape_cast %get3A_725 : vector<1x16xf32> to vector<16xf32>
        %add3A_727 = arith.addf %get3A_720, %get3A_726 : vector<16xf32>
        %swap3A_728 = arith.index_cast %scan3A_30 : i32 to index
        %swap3A_729 = arith.constant 688 : index
        %swap3A_730 = tpu.vector_load %arg6[%swap3A_728, %swap3A_729] {strides = array<i32>} : memref<128x768xf32, #tpu.memory_space<vmem>>, vector<1x16xf32>,
        %swap3A_731 = vector.shape_cast %swap3A_730 : vector<1x16xf32> to vector<16xf32>
        %swap3A_732 = vector.shape_cast %add3A_727 : vector<16xf32> to vector<1x16xf32>
        tpu.vector_store %arg6[%swap3A_728, %swap3A_729], %swap3A_732 {strides = array<i32>} : memref<128x768xf32, #tpu.memory_space<vmem>>, vector<1x16xf32>,
        %get3A_733 = arith.index_cast %scan3A_30 : i32 to index
        %get3A_734 = arith.constant 704 : index
        %get3A_735 = tpu.vector_load %arg6[%get3A_733, %get3A_734] {strides = array<i32>} : memref<128x768xf32, #tpu.memory_space<vmem>>, vector<1x16xf32>,
        %get3A_736 = vector.shape_cast %get3A_735 : vector<1x16xf32> to vector<16xf32>
        %add3A_737 = arith.constant 64 : i32
        %add3A_738 = arith.addi %add3A_737, %scan3A_30 : i32
        %get3A_739 = arith.index_cast %add3A_738 : i32 to index
        %get3A_740 = arith.constant 704 : index
        %get3A_741 = tpu.vector_load %arg6[%get3A_739, %get3A_740] {strides = array<i32>} : memref<128x768xf32, #tpu.memory_space<vmem>>, vector<1x16xf32>,
        %get3A_742 = vector.shape_cast %get3A_741 : vector<1x16xf32> to vector<16xf32>
        %add3A_743 = arith.addf %get3A_736, %get3A_742 : vector<16xf32>
        %swap3A_744 = arith.index_cast %scan3A_30 : i32 to index
        %swap3A_745 = arith.constant 704 : index
        %swap3A_746 = tpu.vector_load %arg6[%swap3A_744, %swap3A_745] {strides = array<i32>} : memref<128x768xf32, #tpu.memory_space<vmem>>, vector<1x16xf32>,
        %swap3A_747 = vector.shape_cast %swap3A_746 : vector<1x16xf32> to vector<16xf32>
        %swap3A_748 = vector.shape_cast %add3A_743 : vector<16xf32> to vector<1x16xf32>
        tpu.vector_store %arg6[%swap3A_744, %swap3A_745], %swap3A_748 {strides = array<i32>} : memref<128x768xf32, #tpu.memory_space<vmem>>, vector<1x16xf32>,
        %get3A_749 = arith.index_cast %scan3A_30 : i32 to index
        %get3A_750 = arith.constant 720 : index
        %get3A_751 = tpu.vector_load %arg6[%get3A_749, %get3A_750] {strides = array<i32>} : memref<128x768xf32, #tpu.memory_space<vmem>>, vector<1x16xf32>,
        %get3A_752 = vector.shape_cast %get3A_751 : vector<1x16xf32> to vector<16xf32>
        %add3A_753 = arith.constant 64 : i32
        %add3A_754 = arith.addi %add3A_753, %scan3A_30 : i32
        %get3A_755 = arith.index_cast %add3A_754 : i32 to index
        %get3A_756 = arith.constant 720 : index
        %get3A_757 = tpu.vector_load %arg6[%get3A_755, %get3A_756] {strides = array<i32>} : memref<128x768xf32, #tpu.memory_space<vmem>>, vector<1x16xf32>,
        %get3A_758 = vector.shape_cast %get3A_757 : vector<1x16xf32> to vector<16xf32>
        %add3A_759 = arith.addf %get3A_752, %get3A_758 : vector<16xf32>
        %swap3A_760 = arith.index_cast %scan3A_30 : i32 to index
        %swap3A_761 = arith.constant 720 : index
        %swap3A_762 = tpu.vector_load %arg6[%swap3A_760, %swap3A_761] {strides = array<i32>} : memref<128x768xf32, #tpu.memory_space<vmem>>, vector<1x16xf32>,
        %swap3A_763 = vector.shape_cast %swap3A_762 : vector<1x16xf32> to vector<16xf32>
        %swap3A_764 = vector.shape_cast %add3A_759 : vector<16xf32> to vector<1x16xf32>
        tpu.vector_store %arg6[%swap3A_760, %swap3A_761], %swap3A_764 {strides = array<i32>} : memref<128x768xf32, #tpu.memory_space<vmem>>, vector<1x16xf32>,
        %get3A_765 = arith.index_cast %scan3A_30 : i32 to index
        %get3A_766 = arith.constant 736 : index
        %get3A_767 = tpu.vector_load %arg6[%get3A_765, %get3A_766] {strides = array<i32>} : memref<128x768xf32, #tpu.memory_space<vmem>>, vector<1x16xf32>,
        %get3A_768 = vector.shape_cast %get3A_767 : vector<1x16xf32> to vector<16xf32>
        %add3A_769 = arith.constant 64 : i32
        %add3A_770 = arith.addi %add3A_769, %scan3A_30 : i32
        %get3A_771 = arith.index_cast %add3A_770 : i32 to index
        %get3A_772 = arith.constant 736 : index
        %get3A_773 = tpu.vector_load %arg6[%get3A_771, %get3A_772] {strides = array<i32>} : memref<128x768xf32, #tpu.memory_space<vmem>>, vector<1x16xf32>,
        %get3A_774 = vector.shape_cast %get3A_773 : vector<1x16xf32> to vector<16xf32>
        %add3A_775 = arith.addf %get3A_768, %get3A_774 : vector<16xf32>
        %swap3A_776 = arith.index_cast %scan3A_30 : i32 to index
        %swap3A_777 = arith.constant 736 : index
        %swap3A_778 = tpu.vector_load %arg6[%swap3A_776, %swap3A_777] {strides = array<i32>} : memref<128x768xf32, #tpu.memory_space<vmem>>, vector<1x16xf32>,
        %swap3A_779 = vector.shape_cast %swap3A_778 : vector<1x16xf32> to vector<16xf32>
        %swap3A_780 = vector.shape_cast %add3A_775 : vector<16xf32> to vector<1x16xf32>
        tpu.vector_store %arg6[%swap3A_776, %swap3A_777], %swap3A_780 {strides = array<i32>} : memref<128x768xf32, #tpu.memory_space<vmem>>, vector<1x16xf32>,
        %get3A_781 = arith.index_cast %scan3A_30 : i32 to index
        %get3A_782 = arith.constant 752 : index
        %get3A_783 = tpu.vector_load %arg6[%get3A_781, %get3A_782] {strides = array<i32>} : memref<128x768xf32, #tpu.memory_space<vmem>>, vector<1x16xf32>,
        %get3A_784 = vector.shape_cast %get3A_783 : vector<1x16xf32> to vector<16xf32>
        %add3A_785 = arith.constant 64 : i32
        %add3A_786 = arith.addi %add3A_785, %scan3A_30 : i32
        %get3A_787 = arith.index_cast %add3A_786 : i32 to index
        %get3A_788 = arith.constant 752 : index
        %get3A_789 = tpu.vector_load %arg6[%get3A_787, %get3A_788] {strides = array<i32>} : memref<128x768xf32, #tpu.memory_space<vmem>>, vector<1x16xf32>,
        %get3A_790 = vector.shape_cast %get3A_789 : vector<1x16xf32> to vector<16xf32>
        %add3A_791 = arith.addf %get3A_784, %get3A_790 : vector<16xf32>
        %swap3A_792 = arith.index_cast %scan3A_30 : i32 to index
        %swap3A_793 = arith.constant 752 : index
        %swap3A_794 = tpu.vector_load %arg6[%swap3A_792, %swap3A_793] {strides = array<i32>} : memref<128x768xf32, #tpu.memory_space<vmem>>, vector<1x16xf32>,
        %swap3A_795 = vector.shape_cast %swap3A_794 : vector<1x16xf32> to vector<16xf32>
        %swap3A_796 = vector.shape_cast %add3A_791 : vector<16xf32> to vector<1x16xf32>
        tpu.vector_store %arg6[%swap3A_792, %swap3A_793], %swap3A_796 {strides = array<i32>} : memref<128x768xf32, #tpu.memory_space<vmem>>, vector<1x16xf32>,
      }
      %scan3A_24 = arith.constant 64 : i32
      %mul3A_25 = arith.constant 256 : i32
      %mul3A_26 = arith.muli %add3A, %mul3A_25 : i32
      %mul3A_27 = arith.constant 64 : i32
      %mul3A_28 = arith.muli %scan3A_8, %mul3A_27 : i32
      %add3A_29 = arith.addi %mul3A_26, %mul3A_28 : i32
      "tpu.region"() ({
        %run_scoped3A = tpu.sem_alloc : memref<!tpu.dma_semaphore, #tpu.memory_space<semaphore_mem>>
        %dma_start3A_30 = arith.constant 0 : i32
        %dma_start3A_31 = arith.constant 0 : i32
        %dma_start3A_32 = tpu.memref_slice %arg6[%dma_start3A_30, %dma_start3A_31] : memref<128x768xf32, #tpu.memory_space<vmem>> -> memref<64x768xf32, #tpu.memory_space<vmem>>
        %dma_start3A_33 = arith.constant 0 : i32
        %dma_start3A_34 = tpu.memref_slice %arg4[%add3A_29, %dma_start3A_33] : memref<8192x768xf32, #tpu.memory_space<hbm>> -> memref<64x768xf32, #tpu.memory_space<hbm>>
        %dma_start3A_35 = arith.constant 0 : i32
        %dma_start3A_36 = tpu.memref_slice %arg4[%add3A_29, %dma_start3A_35] : memref<8192x768xf32, #tpu.memory_space<hbm>> -> memref<64x768xf32, #tpu.memory_space<hbm>>
        %dma_start3A_37 = arith.constant 0 : i32
        %dma_start3A_38 = arith.constant 0 : i32
        %dma_start3A_39 = tpu.memref_slice %arg6[%dma_start3A_37, %dma_start3A_38] : memref<128x768xf32, #tpu.memory_space<vmem>> -> memref<64x768xf32, #tpu.memory_space<vmem>>
        tpu.enqueue_dma source(%dma_start3A_39 : memref<64x768xf32, #tpu.memory_space<vmem>>) target(%dma_start3A_36 : memref<64x768xf32, #tpu.memory_space<hbm>>) target_semaphore(%run_scoped3A : memref<!tpu.dma_semaphore, #tpu.memory_space<semaphore_mem>>)
        %dma_wait3A_40 = arith.constant 0 : i32
        %dma_wait3A_41 = arith.constant 0 : i32
        %dma_wait3A_42 = tpu.memref_slice %arg6[%dma_wait3A_40, %dma_wait3A_41] : memref<128x768xf32, #tpu.memory_space<vmem>> -> memref<64x768xf32, #tpu.memory_space<vmem>>
        %dma_wait3A_43 = arith.constant 0 : i32
        %dma_wait3A_44 = tpu.memref_slice %arg4[%add3A_29, %dma_wait3A_43] : memref<8192x768xf32, #tpu.memory_space<hbm>> -> memref<64x768xf32, #tpu.memory_space<hbm>>
        %dma_wait3A_45 = arith.constant 0 : i32
        %dma_wait3A_46 = tpu.memref_slice %arg4[%add3A_29, %dma_wait3A_45] : memref<8192x768xf32, #tpu.memory_space<hbm>> -> memref<64x768xf32, #tpu.memory_space<hbm>>
        %dma_wait3A_47 = arith.constant 0 : i32
        %dma_wait3A_48 = arith.constant 0 : i32
        %dma_wait3A_49 = tpu.memref_slice %arg6[%dma_wait3A_47, %dma_wait3A_48] : memref<128x768xf32, #tpu.memory_space<vmem>> -> memref<64x768xf32, #tpu.memory_space<vmem>>
        tpu.wait_dma2 semaphore(%run_scoped3A : memref<!tpu.dma_semaphore, #tpu.memory_space<semaphore_mem>>) src(%dma_wait3A_49 : memref<64x768xf32, #tpu.memory_space<vmem>>) dst(%dma_wait3A_46 : memref<64x768xf32, #tpu.memory_space<hbm>>)
        tpu.yield
      }) : () -> ()
    }
    %scan3A_7 = arith.constant 4 : i32
    return
  }
}

#map = affine_map<(d0, d1) -> (0, 0)>
#map1 = affine_map<(d0, d1) -> (0)>
module attributes {stable_mosaic.version = 14 : i64} {
  func.func @k(%arg0: i32, %arg1: i32, %arg2: memref<20480x768xf32, #tpu.memory_space<hbm>>, %arg3: memref<8192xi32, #tpu.memory_space<hbm>>, %arg4: memref<4096x768xf32, #tpu.memory_space<hbm>>, %arg5: memref<256xi32, #tpu.memory_space<vmem>>, %arg6: memref<128x768xf32, #tpu.memory_space<vmem>>, %arg7: memref<!tpu.dma_semaphore, #tpu.memory_space<semaphore_mem>>) attributes {dimension_semantics = [#tpu.dimension_semantics<core_parallel>, #tpu.dimension_semantics<subcore_parallel>], iteration_bounds = array<i64: 2, 16>, scalar_prefetch = 0 : i64, scratch_operands = 3 : i64, tpu.core_type = #tpu.core_type<sc_vector_subcore>, window_params = [{transform_indices = #map}, {transform_indices = #map1}, {transform_indices = #map}]} {
    %mul3A = arith.constant 2 : i32
    %mul3A_0 = arith.muli %arg1, %mul3A : i32
    %add3A = arith.addi %mul3A_0, %arg0 : i32
    %mul3A_1 = arith.constant 256 : i32
    %mul3A_2 = arith.muli %add3A, %mul3A_1 : i32
    "tpu.region"() ({
      %run_scoped3A = tpu.sem_alloc : memref<!tpu.dma_semaphore, #tpu.memory_space<semaphore_mem>>
      %dma_start3A = tpu.memref_slice %arg3[%mul3A_2] : memref<8192xi32, #tpu.memory_space<hbm>> -> memref<256xi32, #tpu.memory_space<hbm>>
      %dma_start3A_8 = tpu.memref_slice %arg3[%mul3A_2] : memref<8192xi32, #tpu.memory_space<hbm>> -> memref<256xi32, #tpu.memory_space<hbm>>
      tpu.enqueue_dma source(%dma_start3A_8 : memref<256xi32, #tpu.memory_space<hbm>>) target(%arg5 : memref<256xi32, #tpu.memory_space<vmem>>) target_semaphore(%run_scoped3A : memref<!tpu.dma_semaphore, #tpu.memory_space<semaphore_mem>>)
      %dma_wait3A = tpu.memref_slice %arg3[%mul3A_2] : memref<8192xi32, #tpu.memory_space<hbm>> -> memref<256xi32, #tpu.memory_space<hbm>>
      %dma_wait3A_9 = tpu.memref_slice %arg3[%mul3A_2] : memref<8192xi32, #tpu.memory_space<hbm>> -> memref<256xi32, #tpu.memory_space<hbm>>
      tpu.wait_dma2 semaphore(%run_scoped3A : memref<!tpu.dma_semaphore, #tpu.memory_space<semaphore_mem>>) src(%dma_wait3A_9 : memref<256xi32, #tpu.memory_space<hbm>>) dst(%arg5 : memref<256xi32, #tpu.memory_space<vmem>>)
      tpu.yield
    }) : () -> ()
    %scan3A = arith.constant 0 : i32
    %scan3A_3 = arith.constant 0 : i32
    %scan3A_4 = arith.constant 2 : i32
    %scan3A_5 = arith.addi %scan3A_3, %scan3A_4 : i32
    %scan3A_6 = arith.constant 1 : i32
    scf.for %scan3A_8 = %scan3A_3 to %scan3A_5 step %scan3A_6  : i32 {
      %mul3A_9 = arith.constant 2 : i32
      %mul3A_10 = arith.muli %scan3A_8, %mul3A_9 : i32
      %mul3A_11 = arith.constant 64 : i32
      %mul3A_12 = arith.muli %mul3A_10, %mul3A_11 : i32
      %dma_start3A = tpu.memref_slice %arg5[%mul3A_12] : memref<256xi32, #tpu.memory_space<vmem>> -> memref<128xi32, #tpu.memory_space<vmem>>
      %dma_start3A_13 = arith.constant 0 : i32
      %dma_start3A_14 = arith.constant 0 : i32
      %dma_start3A_15 = tpu.memref_slice %arg2[%dma_start3A_13, %dma_start3A_14] : memref<20480x768xf32, #tpu.memory_space<hbm>> -> memref<20480x768xf32, #tpu.memory_space<hbm>>
      tpu.enqueue_indirect_dma source(%dma_start3A_15 : memref<20480x768xf32, #tpu.memory_space<hbm>>) target(%arg6 : memref<128x768xf32, #tpu.memory_space<vmem>>) offsets(%dma_start3A : memref<128xi32, #tpu.memory_space<vmem>>) semaphore(%arg7 : memref<!tpu.dma_semaphore, #tpu.memory_space<semaphore_mem>>)
      %dma_wait3A = tpu.memref_slice %arg5[%mul3A_12] : memref<256xi32, #tpu.memory_space<vmem>> -> memref<128xi32, #tpu.memory_space<vmem>>
      %dma_wait3A_16 = arith.constant 0 : i32
      %dma_wait3A_17 = arith.constant 0 : i32
      %dma_wait3A_18 = tpu.memref_slice %arg2[%dma_wait3A_16, %dma_wait3A_17] : memref<20480x768xf32, #tpu.memory_space<hbm>> -> memref<20480x768xf32, #tpu.memory_space<hbm>>
      tpu.wait_indirect_dma semaphore(%arg7 : memref<!tpu.dma_semaphore, #tpu.memory_space<semaphore_mem>>) src(%dma_wait3A_18 : memref<20480x768xf32, #tpu.memory_space<hbm>>) dst(%arg6 : memref<128x768xf32, #tpu.memory_space<vmem>>)
      %scan3A_19 = arith.constant 0 : i32
      %scan3A_20 = arith.constant 0 : i32
      %scan3A_21 = arith.constant 64 : i32
      %scan3A_22 = arith.addi %scan3A_20, %scan3A_21 : i32
      %scan3A_23 = arith.constant 1 : i32
      scf.for %scan3A_30 = %scan3A_20 to %scan3A_22 step %scan3A_23  : i32 {
        %get3A = arith.index_cast %scan3A_30 : i32 to index
        %get3A_31 = arith.constant 0 : index
        %get3A_32 = tpu.vector_load %arg6[%get3A, %get3A_31] {strides = array<i32>} : memref<128x768xf32, #tpu.memory_space<vmem>>, vector<1x16xf32>,
        %get3A_33 = vector.shape_cast %get3A_32 : vector<1x16xf32> to vector<16xf32>
        %add3A_34 = arith.constant 64 : i32
        %add3A_35 = arith.addi %add3A_34, %scan3A_30 : i32
        %get3A_36 = arith.index_cast %add3A_35 : i32 to index
        %get3A_37 = arith.constant 0 : index
        %get3A_38 = tpu.vector_load %arg6[%get3A_36, %get3A_37] {strides = array<i32>} : memref<128x768xf32, #tpu.memory_space<vmem>>, vector<1x16xf32>,
        %get3A_39 = vector.shape_cast %get3A_38 : vector<1x16xf32> to vector<16xf32>
        %add3A_40 = arith.addf %get3A_33, %get3A_39 : vector<16xf32>
        %swap3A = arith.index_cast %scan3A_30 : i32 to index
        %swap3A_41 = arith.constant 0 : index
        %swap3A_42 = tpu.vector_load %arg6[%swap3A, %swap3A_41] {strides = array<i32>} : memref<128x768xf32, #tpu.memory_space<vmem>>, vector<1x16xf32>,
        %swap3A_43 = vector.shape_cast %swap3A_42 : vector<1x16xf32> to vector<16xf32>
        %swap3A_44 = vector.shape_cast %add3A_40 : vector<16xf32> to vector<1x16xf32>
        tpu.vector_store %arg6[%swap3A, %swap3A_41], %swap3A_44 {strides = array<i32>} : memref<128x768xf32, #tpu.memory_space<vmem>>, vector<1x16xf32>,
        %get3A_45 = arith.index_cast %scan3A_30 : i32 to index
        %get3A_46 = arith.constant 16 : index
        %get3A_47 = tpu.vector_load %arg6[%get3A_45, %get3A_46] {strides = array<i32>} : memref<128x768xf32, #tpu.memory_space<vmem>>, vector<1x16xf32>,
        %get3A_48 = vector.shape_cast %get3A_47 : vector<1x16xf32> to vector<16xf32>
        %add3A_49 = arith.constant 64 : i32
        %add3A_50 = arith.addi %add3A_49, %scan3A_30 : i32
        %get3A_51 = arith.index_cast %add3A_50 : i32 to index
        %get3A_52 = arith.constant 16 : index
        %get3A_53 = tpu.vector_load %arg6[%get3A_51, %get3A_52] {strides = array<i32>} : memref<128x768xf32, #tpu.memory_space<vmem>>, vector<1x16xf32>,
        %get3A_54 = vector.shape_cast %get3A_53 : vector<1x16xf32> to vector<16xf32>
        %add3A_55 = arith.addf %get3A_48, %get3A_54 : vector<16xf32>
        %swap3A_56 = arith.index_cast %scan3A_30 : i32 to index
        %swap3A_57 = arith.constant 16 : index
        %swap3A_58 = tpu.vector_load %arg6[%swap3A_56, %swap3A_57] {strides = array<i32>} : memref<128x768xf32, #tpu.memory_space<vmem>>, vector<1x16xf32>,
        %swap3A_59 = vector.shape_cast %swap3A_58 : vector<1x16xf32> to vector<16xf32>
        %swap3A_60 = vector.shape_cast %add3A_55 : vector<16xf32> to vector<1x16xf32>
        tpu.vector_store %arg6[%swap3A_56, %swap3A_57], %swap3A_60 {strides = array<i32>} : memref<128x768xf32, #tpu.memory_space<vmem>>, vector<1x16xf32>,
        %get3A_61 = arith.index_cast %scan3A_30 : i32 to index
        %get3A_62 = arith.constant 32 : index
        %get3A_63 = tpu.vector_load %arg6[%get3A_61, %get3A_62] {strides = array<i32>} : memref<128x768xf32, #tpu.memory_space<vmem>>, vector<1x16xf32>,
        %get3A_64 = vector.shape_cast %get3A_63 : vector<1x16xf32> to vector<16xf32>
        %add3A_65 = arith.constant 64 : i32
        %add3A_66 = arith.addi %add3A_65, %scan3A_30 : i32
        %get3A_67 = arith.index_cast %add3A_66 : i32 to index
        %get3A_68 = arith.constant 32 : index
        %get3A_69 = tpu.vector_load %arg6[%get3A_67, %get3A_68] {strides = array<i32>} : memref<128x768xf32, #tpu.memory_space<vmem>>, vector<1x16xf32>,
        %get3A_70 = vector.shape_cast %get3A_69 : vector<1x16xf32> to vector<16xf32>
        %add3A_71 = arith.addf %get3A_64, %get3A_70 : vector<16xf32>
        %swap3A_72 = arith.index_cast %scan3A_30 : i32 to index
        %swap3A_73 = arith.constant 32 : index
        %swap3A_74 = tpu.vector_load %arg6[%swap3A_72, %swap3A_73] {strides = array<i32>} : memref<128x768xf32, #tpu.memory_space<vmem>>, vector<1x16xf32>,
        %swap3A_75 = vector.shape_cast %swap3A_74 : vector<1x16xf32> to vector<16xf32>
        %swap3A_76 = vector.shape_cast %add3A_71 : vector<16xf32> to vector<1x16xf32>
        tpu.vector_store %arg6[%swap3A_72, %swap3A_73], %swap3A_76 {strides = array<i32>} : memref<128x768xf32, #tpu.memory_space<vmem>>, vector<1x16xf32>,
        %get3A_77 = arith.index_cast %scan3A_30 : i32 to index
        %get3A_78 = arith.constant 48 : index
        %get3A_79 = tpu.vector_load %arg6[%get3A_77, %get3A_78] {strides = array<i32>} : memref<128x768xf32, #tpu.memory_space<vmem>>, vector<1x16xf32>,
        %get3A_80 = vector.shape_cast %get3A_79 : vector<1x16xf32> to vector<16xf32>
        %add3A_81 = arith.constant 64 : i32
        %add3A_82 = arith.addi %add3A_81, %scan3A_30 : i32
        %get3A_83 = arith.index_cast %add3A_82 : i32 to index
        %get3A_84 = arith.constant 48 : index
        %get3A_85 = tpu.vector_load %arg6[%get3A_83, %get3A_84] {strides = array<i32>} : memref<128x768xf32, #tpu.memory_space<vmem>>, vector<1x16xf32>,
        %get3A_86 = vector.shape_cast %get3A_85 : vector<1x16xf32> to vector<16xf32>
        %add3A_87 = arith.addf %get3A_80, %get3A_86 : vector<16xf32>
        %swap3A_88 = arith.index_cast %scan3A_30 : i32 to index
        %swap3A_89 = arith.constant 48 : index
        %swap3A_90 = tpu.vector_load %arg6[%swap3A_88, %swap3A_89] {strides = array<i32>} : memref<128x768xf32, #tpu.memory_space<vmem>>, vector<1x16xf32>,
        %swap3A_91 = vector.shape_cast %swap3A_90 : vector<1x16xf32> to vector<16xf32>
        %swap3A_92 = vector.shape_cast %add3A_87 : vector<16xf32> to vector<1x16xf32>
        tpu.vector_store %arg6[%swap3A_88, %swap3A_89], %swap3A_92 {strides = array<i32>} : memref<128x768xf32, #tpu.memory_space<vmem>>, vector<1x16xf32>,
        %get3A_93 = arith.index_cast %scan3A_30 : i32 to index
        %get3A_94 = arith.constant 64 : index
        %get3A_95 = tpu.vector_load %arg6[%get3A_93, %get3A_94] {strides = array<i32>} : memref<128x768xf32, #tpu.memory_space<vmem>>, vector<1x16xf32>,
        %get3A_96 = vector.shape_cast %get3A_95 : vector<1x16xf32> to vector<16xf32>
        %add3A_97 = arith.constant 64 : i32
        %add3A_98 = arith.addi %add3A_97, %scan3A_30 : i32
        %get3A_99 = arith.index_cast %add3A_98 : i32 to index
        %get3A_100 = arith.constant 64 : index
        %get3A_101 = tpu.vector_load %arg6[%get3A_99, %get3A_100] {strides = array<i32>} : memref<128x768xf32, #tpu.memory_space<vmem>>, vector<1x16xf32>,
        %get3A_102 = vector.shape_cast %get3A_101 : vector<1x16xf32> to vector<16xf32>
        %add3A_103 = arith.addf %get3A_96, %get3A_102 : vector<16xf32>
        %swap3A_104 = arith.index_cast %scan3A_30 : i32 to index
        %swap3A_105 = arith.constant 64 : index
        %swap3A_106 = tpu.vector_load %arg6[%swap3A_104, %swap3A_105] {strides = array<i32>} : memref<128x768xf32, #tpu.memory_space<vmem>>, vector<1x16xf32>,
        %swap3A_107 = vector.shape_cast %swap3A_106 : vector<1x16xf32> to vector<16xf32>
        %swap3A_108 = vector.shape_cast %add3A_103 : vector<16xf32> to vector<1x16xf32>
        tpu.vector_store %arg6[%swap3A_104, %swap3A_105], %swap3A_108 {strides = array<i32>} : memref<128x768xf32, #tpu.memory_space<vmem>>, vector<1x16xf32>,
        %get3A_109 = arith.index_cast %scan3A_30 : i32 to index
        %get3A_110 = arith.constant 80 : index
        %get3A_111 = tpu.vector_load %arg6[%get3A_109, %get3A_110] {strides = array<i32>} : memref<128x768xf32, #tpu.memory_space<vmem>>, vector<1x16xf32>,
        %get3A_112 = vector.shape_cast %get3A_111 : vector<1x16xf32> to vector<16xf32>
        %add3A_113 = arith.constant 64 : i32
        %add3A_114 = arith.addi %add3A_113, %scan3A_30 : i32
        %get3A_115 = arith.index_cast %add3A_114 : i32 to index
        %get3A_116 = arith.constant 80 : index
        %get3A_117 = tpu.vector_load %arg6[%get3A_115, %get3A_116] {strides = array<i32>} : memref<128x768xf32, #tpu.memory_space<vmem>>, vector<1x16xf32>,
        %get3A_118 = vector.shape_cast %get3A_117 : vector<1x16xf32> to vector<16xf32>
        %add3A_119 = arith.addf %get3A_112, %get3A_118 : vector<16xf32>
        %swap3A_120 = arith.index_cast %scan3A_30 : i32 to index
        %swap3A_121 = arith.constant 80 : index
        %swap3A_122 = tpu.vector_load %arg6[%swap3A_120, %swap3A_121] {strides = array<i32>} : memref<128x768xf32, #tpu.memory_space<vmem>>, vector<1x16xf32>,
        %swap3A_123 = vector.shape_cast %swap3A_122 : vector<1x16xf32> to vector<16xf32>
        %swap3A_124 = vector.shape_cast %add3A_119 : vector<16xf32> to vector<1x16xf32>
        tpu.vector_store %arg6[%swap3A_120, %swap3A_121], %swap3A_124 {strides = array<i32>} : memref<128x768xf32, #tpu.memory_space<vmem>>, vector<1x16xf32>,
        %get3A_125 = arith.index_cast %scan3A_30 : i32 to index
        %get3A_126 = arith.constant 96 : index
        %get3A_127 = tpu.vector_load %arg6[%get3A_125, %get3A_126] {strides = array<i32>} : memref<128x768xf32, #tpu.memory_space<vmem>>, vector<1x16xf32>,
        %get3A_128 = vector.shape_cast %get3A_127 : vector<1x16xf32> to vector<16xf32>
        %add3A_129 = arith.constant 64 : i32
        %add3A_130 = arith.addi %add3A_129, %scan3A_30 : i32
        %get3A_131 = arith.index_cast %add3A_130 : i32 to index
        %get3A_132 = arith.constant 96 : index
        %get3A_133 = tpu.vector_load %arg6[%get3A_131, %get3A_132] {strides = array<i32>} : memref<128x768xf32, #tpu.memory_space<vmem>>, vector<1x16xf32>,
        %get3A_134 = vector.shape_cast %get3A_133 : vector<1x16xf32> to vector<16xf32>
        %add3A_135 = arith.addf %get3A_128, %get3A_134 : vector<16xf32>
        %swap3A_136 = arith.index_cast %scan3A_30 : i32 to index
        %swap3A_137 = arith.constant 96 : index
        %swap3A_138 = tpu.vector_load %arg6[%swap3A_136, %swap3A_137] {strides = array<i32>} : memref<128x768xf32, #tpu.memory_space<vmem>>, vector<1x16xf32>,
        %swap3A_139 = vector.shape_cast %swap3A_138 : vector<1x16xf32> to vector<16xf32>
        %swap3A_140 = vector.shape_cast %add3A_135 : vector<16xf32> to vector<1x16xf32>
        tpu.vector_store %arg6[%swap3A_136, %swap3A_137], %swap3A_140 {strides = array<i32>} : memref<128x768xf32, #tpu.memory_space<vmem>>, vector<1x16xf32>,
        %get3A_141 = arith.index_cast %scan3A_30 : i32 to index
        %get3A_142 = arith.constant 112 : index
        %get3A_143 = tpu.vector_load %arg6[%get3A_141, %get3A_142] {strides = array<i32>} : memref<128x768xf32, #tpu.memory_space<vmem>>, vector<1x16xf32>,
        %get3A_144 = vector.shape_cast %get3A_143 : vector<1x16xf32> to vector<16xf32>
        %add3A_145 = arith.constant 64 : i32
        %add3A_146 = arith.addi %add3A_145, %scan3A_30 : i32
        %get3A_147 = arith.index_cast %add3A_146 : i32 to index
        %get3A_148 = arith.constant 112 : index
        %get3A_149 = tpu.vector_load %arg6[%get3A_147, %get3A_148] {strides = array<i32>} : memref<128x768xf32, #tpu.memory_space<vmem>>, vector<1x16xf32>,
        %get3A_150 = vector.shape_cast %get3A_149 : vector<1x16xf32> to vector<16xf32>
        %add3A_151 = arith.addf %get3A_144, %get3A_150 : vector<16xf32>
        %swap3A_152 = arith.index_cast %scan3A_30 : i32 to index
        %swap3A_153 = arith.constant 112 : index
        %swap3A_154 = tpu.vector_load %arg6[%swap3A_152, %swap3A_153] {strides = array<i32>} : memref<128x768xf32, #tpu.memory_space<vmem>>, vector<1x16xf32>,
        %swap3A_155 = vector.shape_cast %swap3A_154 : vector<1x16xf32> to vector<16xf32>
        %swap3A_156 = vector.shape_cast %add3A_151 : vector<16xf32> to vector<1x16xf32>
        tpu.vector_store %arg6[%swap3A_152, %swap3A_153], %swap3A_156 {strides = array<i32>} : memref<128x768xf32, #tpu.memory_space<vmem>>, vector<1x16xf32>,
        %get3A_157 = arith.index_cast %scan3A_30 : i32 to index
        %get3A_158 = arith.constant 128 : index
        %get3A_159 = tpu.vector_load %arg6[%get3A_157, %get3A_158] {strides = array<i32>} : memref<128x768xf32, #tpu.memory_space<vmem>>, vector<1x16xf32>,
        %get3A_160 = vector.shape_cast %get3A_159 : vector<1x16xf32> to vector<16xf32>
        %add3A_161 = arith.constant 64 : i32
        %add3A_162 = arith.addi %add3A_161, %scan3A_30 : i32
        %get3A_163 = arith.index_cast %add3A_162 : i32 to index
        %get3A_164 = arith.constant 128 : index
        %get3A_165 = tpu.vector_load %arg6[%get3A_163, %get3A_164] {strides = array<i32>} : memref<128x768xf32, #tpu.memory_space<vmem>>, vector<1x16xf32>,
        %get3A_166 = vector.shape_cast %get3A_165 : vector<1x16xf32> to vector<16xf32>
        %add3A_167 = arith.addf %get3A_160, %get3A_166 : vector<16xf32>
        %swap3A_168 = arith.index_cast %scan3A_30 : i32 to index
        %swap3A_169 = arith.constant 128 : index
        %swap3A_170 = tpu.vector_load %arg6[%swap3A_168, %swap3A_169] {strides = array<i32>} : memref<128x768xf32, #tpu.memory_space<vmem>>, vector<1x16xf32>,
        %swap3A_171 = vector.shape_cast %swap3A_170 : vector<1x16xf32> to vector<16xf32>
        %swap3A_172 = vector.shape_cast %add3A_167 : vector<16xf32> to vector<1x16xf32>
        tpu.vector_store %arg6[%swap3A_168, %swap3A_169], %swap3A_172 {strides = array<i32>} : memref<128x768xf32, #tpu.memory_space<vmem>>, vector<1x16xf32>,
        %get3A_173 = arith.index_cast %scan3A_30 : i32 to index
        %get3A_174 = arith.constant 144 : index
        %get3A_175 = tpu.vector_load %arg6[%get3A_173, %get3A_174] {strides = array<i32>} : memref<128x768xf32, #tpu.memory_space<vmem>>, vector<1x16xf32>,
        %get3A_176 = vector.shape_cast %get3A_175 : vector<1x16xf32> to vector<16xf32>
        %add3A_177 = arith.constant 64 : i32
        %add3A_178 = arith.addi %add3A_177, %scan3A_30 : i32
        %get3A_179 = arith.index_cast %add3A_178 : i32 to index
        %get3A_180 = arith.constant 144 : index
        %get3A_181 = tpu.vector_load %arg6[%get3A_179, %get3A_180] {strides = array<i32>} : memref<128x768xf32, #tpu.memory_space<vmem>>, vector<1x16xf32>,
        %get3A_182 = vector.shape_cast %get3A_181 : vector<1x16xf32> to vector<16xf32>
        %add3A_183 = arith.addf %get3A_176, %get3A_182 : vector<16xf32>
        %swap3A_184 = arith.index_cast %scan3A_30 : i32 to index
        %swap3A_185 = arith.constant 144 : index
        %swap3A_186 = tpu.vector_load %arg6[%swap3A_184, %swap3A_185] {strides = array<i32>} : memref<128x768xf32, #tpu.memory_space<vmem>>, vector<1x16xf32>,
        %swap3A_187 = vector.shape_cast %swap3A_186 : vector<1x16xf32> to vector<16xf32>
        %swap3A_188 = vector.shape_cast %add3A_183 : vector<16xf32> to vector<1x16xf32>
        tpu.vector_store %arg6[%swap3A_184, %swap3A_185], %swap3A_188 {strides = array<i32>} : memref<128x768xf32, #tpu.memory_space<vmem>>, vector<1x16xf32>,
        %get3A_189 = arith.index_cast %scan3A_30 : i32 to index
        %get3A_190 = arith.constant 160 : index
        %get3A_191 = tpu.vector_load %arg6[%get3A_189, %get3A_190] {strides = array<i32>} : memref<128x768xf32, #tpu.memory_space<vmem>>, vector<1x16xf32>,
        %get3A_192 = vector.shape_cast %get3A_191 : vector<1x16xf32> to vector<16xf32>
        %add3A_193 = arith.constant 64 : i32
        %add3A_194 = arith.addi %add3A_193, %scan3A_30 : i32
        %get3A_195 = arith.index_cast %add3A_194 : i32 to index
        %get3A_196 = arith.constant 160 : index
        %get3A_197 = tpu.vector_load %arg6[%get3A_195, %get3A_196] {strides = array<i32>} : memref<128x768xf32, #tpu.memory_space<vmem>>, vector<1x16xf32>,
        %get3A_198 = vector.shape_cast %get3A_197 : vector<1x16xf32> to vector<16xf32>
        %add3A_199 = arith.addf %get3A_192, %get3A_198 : vector<16xf32>
        %swap3A_200 = arith.index_cast %scan3A_30 : i32 to index
        %swap3A_201 = arith.constant 160 : index
        %swap3A_202 = tpu.vector_load %arg6[%swap3A_200, %swap3A_201] {strides = array<i32>} : memref<128x768xf32, #tpu.memory_space<vmem>>, vector<1x16xf32>,
        %swap3A_203 = vector.shape_cast %swap3A_202 : vector<1x16xf32> to vector<16xf32>
        %swap3A_204 = vector.shape_cast %add3A_199 : vector<16xf32> to vector<1x16xf32>
        tpu.vector_store %arg6[%swap3A_200, %swap3A_201], %swap3A_204 {strides = array<i32>} : memref<128x768xf32, #tpu.memory_space<vmem>>, vector<1x16xf32>,
        %get3A_205 = arith.index_cast %scan3A_30 : i32 to index
        %get3A_206 = arith.constant 176 : index
        %get3A_207 = tpu.vector_load %arg6[%get3A_205, %get3A_206] {strides = array<i32>} : memref<128x768xf32, #tpu.memory_space<vmem>>, vector<1x16xf32>,
        %get3A_208 = vector.shape_cast %get3A_207 : vector<1x16xf32> to vector<16xf32>
        %add3A_209 = arith.constant 64 : i32
        %add3A_210 = arith.addi %add3A_209, %scan3A_30 : i32
        %get3A_211 = arith.index_cast %add3A_210 : i32 to index
        %get3A_212 = arith.constant 176 : index
        %get3A_213 = tpu.vector_load %arg6[%get3A_211, %get3A_212] {strides = array<i32>} : memref<128x768xf32, #tpu.memory_space<vmem>>, vector<1x16xf32>,
        %get3A_214 = vector.shape_cast %get3A_213 : vector<1x16xf32> to vector<16xf32>
        %add3A_215 = arith.addf %get3A_208, %get3A_214 : vector<16xf32>
        %swap3A_216 = arith.index_cast %scan3A_30 : i32 to index
        %swap3A_217 = arith.constant 176 : index
        %swap3A_218 = tpu.vector_load %arg6[%swap3A_216, %swap3A_217] {strides = array<i32>} : memref<128x768xf32, #tpu.memory_space<vmem>>, vector<1x16xf32>,
        %swap3A_219 = vector.shape_cast %swap3A_218 : vector<1x16xf32> to vector<16xf32>
        %swap3A_220 = vector.shape_cast %add3A_215 : vector<16xf32> to vector<1x16xf32>
        tpu.vector_store %arg6[%swap3A_216, %swap3A_217], %swap3A_220 {strides = array<i32>} : memref<128x768xf32, #tpu.memory_space<vmem>>, vector<1x16xf32>,
        %get3A_221 = arith.index_cast %scan3A_30 : i32 to index
        %get3A_222 = arith.constant 192 : index
        %get3A_223 = tpu.vector_load %arg6[%get3A_221, %get3A_222] {strides = array<i32>} : memref<128x768xf32, #tpu.memory_space<vmem>>, vector<1x16xf32>,
        %get3A_224 = vector.shape_cast %get3A_223 : vector<1x16xf32> to vector<16xf32>
        %add3A_225 = arith.constant 64 : i32
        %add3A_226 = arith.addi %add3A_225, %scan3A_30 : i32
        %get3A_227 = arith.index_cast %add3A_226 : i32 to index
        %get3A_228 = arith.constant 192 : index
        %get3A_229 = tpu.vector_load %arg6[%get3A_227, %get3A_228] {strides = array<i32>} : memref<128x768xf32, #tpu.memory_space<vmem>>, vector<1x16xf32>,
        %get3A_230 = vector.shape_cast %get3A_229 : vector<1x16xf32> to vector<16xf32>
        %add3A_231 = arith.addf %get3A_224, %get3A_230 : vector<16xf32>
        %swap3A_232 = arith.index_cast %scan3A_30 : i32 to index
        %swap3A_233 = arith.constant 192 : index
        %swap3A_234 = tpu.vector_load %arg6[%swap3A_232, %swap3A_233] {strides = array<i32>} : memref<128x768xf32, #tpu.memory_space<vmem>>, vector<1x16xf32>,
        %swap3A_235 = vector.shape_cast %swap3A_234 : vector<1x16xf32> to vector<16xf32>
        %swap3A_236 = vector.shape_cast %add3A_231 : vector<16xf32> to vector<1x16xf32>
        tpu.vector_store %arg6[%swap3A_232, %swap3A_233], %swap3A_236 {strides = array<i32>} : memref<128x768xf32, #tpu.memory_space<vmem>>, vector<1x16xf32>,
        %get3A_237 = arith.index_cast %scan3A_30 : i32 to index
        %get3A_238 = arith.constant 208 : index
        %get3A_239 = tpu.vector_load %arg6[%get3A_237, %get3A_238] {strides = array<i32>} : memref<128x768xf32, #tpu.memory_space<vmem>>, vector<1x16xf32>,
        %get3A_240 = vector.shape_cast %get3A_239 : vector<1x16xf32> to vector<16xf32>
        %add3A_241 = arith.constant 64 : i32
        %add3A_242 = arith.addi %add3A_241, %scan3A_30 : i32
        %get3A_243 = arith.index_cast %add3A_242 : i32 to index
        %get3A_244 = arith.constant 208 : index
        %get3A_245 = tpu.vector_load %arg6[%get3A_243, %get3A_244] {strides = array<i32>} : memref<128x768xf32, #tpu.memory_space<vmem>>, vector<1x16xf32>,
        %get3A_246 = vector.shape_cast %get3A_245 : vector<1x16xf32> to vector<16xf32>
        %add3A_247 = arith.addf %get3A_240, %get3A_246 : vector<16xf32>
        %swap3A_248 = arith.index_cast %scan3A_30 : i32 to index
        %swap3A_249 = arith.constant 208 : index
        %swap3A_250 = tpu.vector_load %arg6[%swap3A_248, %swap3A_249] {strides = array<i32>} : memref<128x768xf32, #tpu.memory_space<vmem>>, vector<1x16xf32>,
        %swap3A_251 = vector.shape_cast %swap3A_250 : vector<1x16xf32> to vector<16xf32>
        %swap3A_252 = vector.shape_cast %add3A_247 : vector<16xf32> to vector<1x16xf32>
        tpu.vector_store %arg6[%swap3A_248, %swap3A_249], %swap3A_252 {strides = array<i32>} : memref<128x768xf32, #tpu.memory_space<vmem>>, vector<1x16xf32>,
        %get3A_253 = arith.index_cast %scan3A_30 : i32 to index
        %get3A_254 = arith.constant 224 : index
        %get3A_255 = tpu.vector_load %arg6[%get3A_253, %get3A_254] {strides = array<i32>} : memref<128x768xf32, #tpu.memory_space<vmem>>, vector<1x16xf32>,
        %get3A_256 = vector.shape_cast %get3A_255 : vector<1x16xf32> to vector<16xf32>
        %add3A_257 = arith.constant 64 : i32
        %add3A_258 = arith.addi %add3A_257, %scan3A_30 : i32
        %get3A_259 = arith.index_cast %add3A_258 : i32 to index
        %get3A_260 = arith.constant 224 : index
        %get3A_261 = tpu.vector_load %arg6[%get3A_259, %get3A_260] {strides = array<i32>} : memref<128x768xf32, #tpu.memory_space<vmem>>, vector<1x16xf32>,
        %get3A_262 = vector.shape_cast %get3A_261 : vector<1x16xf32> to vector<16xf32>
        %add3A_263 = arith.addf %get3A_256, %get3A_262 : vector<16xf32>
        %swap3A_264 = arith.index_cast %scan3A_30 : i32 to index
        %swap3A_265 = arith.constant 224 : index
        %swap3A_266 = tpu.vector_load %arg6[%swap3A_264, %swap3A_265] {strides = array<i32>} : memref<128x768xf32, #tpu.memory_space<vmem>>, vector<1x16xf32>,
        %swap3A_267 = vector.shape_cast %swap3A_266 : vector<1x16xf32> to vector<16xf32>
        %swap3A_268 = vector.shape_cast %add3A_263 : vector<16xf32> to vector<1x16xf32>
        tpu.vector_store %arg6[%swap3A_264, %swap3A_265], %swap3A_268 {strides = array<i32>} : memref<128x768xf32, #tpu.memory_space<vmem>>, vector<1x16xf32>,
        %get3A_269 = arith.index_cast %scan3A_30 : i32 to index
        %get3A_270 = arith.constant 240 : index
        %get3A_271 = tpu.vector_load %arg6[%get3A_269, %get3A_270] {strides = array<i32>} : memref<128x768xf32, #tpu.memory_space<vmem>>, vector<1x16xf32>,
        %get3A_272 = vector.shape_cast %get3A_271 : vector<1x16xf32> to vector<16xf32>
        %add3A_273 = arith.constant 64 : i32
        %add3A_274 = arith.addi %add3A_273, %scan3A_30 : i32
        %get3A_275 = arith.index_cast %add3A_274 : i32 to index
        %get3A_276 = arith.constant 240 : index
        %get3A_277 = tpu.vector_load %arg6[%get3A_275, %get3A_276] {strides = array<i32>} : memref<128x768xf32, #tpu.memory_space<vmem>>, vector<1x16xf32>,
        %get3A_278 = vector.shape_cast %get3A_277 : vector<1x16xf32> to vector<16xf32>
        %add3A_279 = arith.addf %get3A_272, %get3A_278 : vector<16xf32>
        %swap3A_280 = arith.index_cast %scan3A_30 : i32 to index
        %swap3A_281 = arith.constant 240 : index
        %swap3A_282 = tpu.vector_load %arg6[%swap3A_280, %swap3A_281] {strides = array<i32>} : memref<128x768xf32, #tpu.memory_space<vmem>>, vector<1x16xf32>,
        %swap3A_283 = vector.shape_cast %swap3A_282 : vector<1x16xf32> to vector<16xf32>
        %swap3A_284 = vector.shape_cast %add3A_279 : vector<16xf32> to vector<1x16xf32>
        tpu.vector_store %arg6[%swap3A_280, %swap3A_281], %swap3A_284 {strides = array<i32>} : memref<128x768xf32, #tpu.memory_space<vmem>>, vector<1x16xf32>,
        %get3A_285 = arith.index_cast %scan3A_30 : i32 to index
        %get3A_286 = arith.constant 256 : index
        %get3A_287 = tpu.vector_load %arg6[%get3A_285, %get3A_286] {strides = array<i32>} : memref<128x768xf32, #tpu.memory_space<vmem>>, vector<1x16xf32>,
        %get3A_288 = vector.shape_cast %get3A_287 : vector<1x16xf32> to vector<16xf32>
        %add3A_289 = arith.constant 64 : i32
        %add3A_290 = arith.addi %add3A_289, %scan3A_30 : i32
        %get3A_291 = arith.index_cast %add3A_290 : i32 to index
        %get3A_292 = arith.constant 256 : index
        %get3A_293 = tpu.vector_load %arg6[%get3A_291, %get3A_292] {strides = array<i32>} : memref<128x768xf32, #tpu.memory_space<vmem>>, vector<1x16xf32>,
        %get3A_294 = vector.shape_cast %get3A_293 : vector<1x16xf32> to vector<16xf32>
        %add3A_295 = arith.addf %get3A_288, %get3A_294 : vector<16xf32>
        %swap3A_296 = arith.index_cast %scan3A_30 : i32 to index
        %swap3A_297 = arith.constant 256 : index
        %swap3A_298 = tpu.vector_load %arg6[%swap3A_296, %swap3A_297] {strides = array<i32>} : memref<128x768xf32, #tpu.memory_space<vmem>>, vector<1x16xf32>,
        %swap3A_299 = vector.shape_cast %swap3A_298 : vector<1x16xf32> to vector<16xf32>
        %swap3A_300 = vector.shape_cast %add3A_295 : vector<16xf32> to vector<1x16xf32>
        tpu.vector_store %arg6[%swap3A_296, %swap3A_297], %swap3A_300 {strides = array<i32>} : memref<128x768xf32, #tpu.memory_space<vmem>>, vector<1x16xf32>,
        %get3A_301 = arith.index_cast %scan3A_30 : i32 to index
        %get3A_302 = arith.constant 272 : index
        %get3A_303 = tpu.vector_load %arg6[%get3A_301, %get3A_302] {strides = array<i32>} : memref<128x768xf32, #tpu.memory_space<vmem>>, vector<1x16xf32>,
        %get3A_304 = vector.shape_cast %get3A_303 : vector<1x16xf32> to vector<16xf32>
        %add3A_305 = arith.constant 64 : i32
        %add3A_306 = arith.addi %add3A_305, %scan3A_30 : i32
        %get3A_307 = arith.index_cast %add3A_306 : i32 to index
        %get3A_308 = arith.constant 272 : index
        %get3A_309 = tpu.vector_load %arg6[%get3A_307, %get3A_308] {strides = array<i32>} : memref<128x768xf32, #tpu.memory_space<vmem>>, vector<1x16xf32>,
        %get3A_310 = vector.shape_cast %get3A_309 : vector<1x16xf32> to vector<16xf32>
        %add3A_311 = arith.addf %get3A_304, %get3A_310 : vector<16xf32>
        %swap3A_312 = arith.index_cast %scan3A_30 : i32 to index
        %swap3A_313 = arith.constant 272 : index
        %swap3A_314 = tpu.vector_load %arg6[%swap3A_312, %swap3A_313] {strides = array<i32>} : memref<128x768xf32, #tpu.memory_space<vmem>>, vector<1x16xf32>,
        %swap3A_315 = vector.shape_cast %swap3A_314 : vector<1x16xf32> to vector<16xf32>
        %swap3A_316 = vector.shape_cast %add3A_311 : vector<16xf32> to vector<1x16xf32>
        tpu.vector_store %arg6[%swap3A_312, %swap3A_313], %swap3A_316 {strides = array<i32>} : memref<128x768xf32, #tpu.memory_space<vmem>>, vector<1x16xf32>,
        %get3A_317 = arith.index_cast %scan3A_30 : i32 to index
        %get3A_318 = arith.constant 288 : index
        %get3A_319 = tpu.vector_load %arg6[%get3A_317, %get3A_318] {strides = array<i32>} : memref<128x768xf32, #tpu.memory_space<vmem>>, vector<1x16xf32>,
        %get3A_320 = vector.shape_cast %get3A_319 : vector<1x16xf32> to vector<16xf32>
        %add3A_321 = arith.constant 64 : i32
        %add3A_322 = arith.addi %add3A_321, %scan3A_30 : i32
        %get3A_323 = arith.index_cast %add3A_322 : i32 to index
        %get3A_324 = arith.constant 288 : index
        %get3A_325 = tpu.vector_load %arg6[%get3A_323, %get3A_324] {strides = array<i32>} : memref<128x768xf32, #tpu.memory_space<vmem>>, vector<1x16xf32>,
        %get3A_326 = vector.shape_cast %get3A_325 : vector<1x16xf32> to vector<16xf32>
        %add3A_327 = arith.addf %get3A_320, %get3A_326 : vector<16xf32>
        %swap3A_328 = arith.index_cast %scan3A_30 : i32 to index
        %swap3A_329 = arith.constant 288 : index
        %swap3A_330 = tpu.vector_load %arg6[%swap3A_328, %swap3A_329] {strides = array<i32>} : memref<128x768xf32, #tpu.memory_space<vmem>>, vector<1x16xf32>,
        %swap3A_331 = vector.shape_cast %swap3A_330 : vector<1x16xf32> to vector<16xf32>
        %swap3A_332 = vector.shape_cast %add3A_327 : vector<16xf32> to vector<1x16xf32>
        tpu.vector_store %arg6[%swap3A_328, %swap3A_329], %swap3A_332 {strides = array<i32>} : memref<128x768xf32, #tpu.memory_space<vmem>>, vector<1x16xf32>,
        %get3A_333 = arith.index_cast %scan3A_30 : i32 to index
        %get3A_334 = arith.constant 304 : index
        %get3A_335 = tpu.vector_load %arg6[%get3A_333, %get3A_334] {strides = array<i32>} : memref<128x768xf32, #tpu.memory_space<vmem>>, vector<1x16xf32>,
        %get3A_336 = vector.shape_cast %get3A_335 : vector<1x16xf32> to vector<16xf32>
        %add3A_337 = arith.constant 64 : i32
        %add3A_338 = arith.addi %add3A_337, %scan3A_30 : i32
        %get3A_339 = arith.index_cast %add3A_338 : i32 to index
        %get3A_340 = arith.constant 304 : index
        %get3A_341 = tpu.vector_load %arg6[%get3A_339, %get3A_340] {strides = array<i32>} : memref<128x768xf32, #tpu.memory_space<vmem>>, vector<1x16xf32>,
        %get3A_342 = vector.shape_cast %get3A_341 : vector<1x16xf32> to vector<16xf32>
        %add3A_343 = arith.addf %get3A_336, %get3A_342 : vector<16xf32>
        %swap3A_344 = arith.index_cast %scan3A_30 : i32 to index
        %swap3A_345 = arith.constant 304 : index
        %swap3A_346 = tpu.vector_load %arg6[%swap3A_344, %swap3A_345] {strides = array<i32>} : memref<128x768xf32, #tpu.memory_space<vmem>>, vector<1x16xf32>,
        %swap3A_347 = vector.shape_cast %swap3A_346 : vector<1x16xf32> to vector<16xf32>
        %swap3A_348 = vector.shape_cast %add3A_343 : vector<16xf32> to vector<1x16xf32>
        tpu.vector_store %arg6[%swap3A_344, %swap3A_345], %swap3A_348 {strides = array<i32>} : memref<128x768xf32, #tpu.memory_space<vmem>>, vector<1x16xf32>,
        %get3A_349 = arith.index_cast %scan3A_30 : i32 to index
        %get3A_350 = arith.constant 320 : index
        %get3A_351 = tpu.vector_load %arg6[%get3A_349, %get3A_350] {strides = array<i32>} : memref<128x768xf32, #tpu.memory_space<vmem>>, vector<1x16xf32>,
        %get3A_352 = vector.shape_cast %get3A_351 : vector<1x16xf32> to vector<16xf32>
        %add3A_353 = arith.constant 64 : i32
        %add3A_354 = arith.addi %add3A_353, %scan3A_30 : i32
        %get3A_355 = arith.index_cast %add3A_354 : i32 to index
        %get3A_356 = arith.constant 320 : index
        %get3A_357 = tpu.vector_load %arg6[%get3A_355, %get3A_356] {strides = array<i32>} : memref<128x768xf32, #tpu.memory_space<vmem>>, vector<1x16xf32>,
        %get3A_358 = vector.shape_cast %get3A_357 : vector<1x16xf32> to vector<16xf32>
        %add3A_359 = arith.addf %get3A_352, %get3A_358 : vector<16xf32>
        %swap3A_360 = arith.index_cast %scan3A_30 : i32 to index
        %swap3A_361 = arith.constant 320 : index
        %swap3A_362 = tpu.vector_load %arg6[%swap3A_360, %swap3A_361] {strides = array<i32>} : memref<128x768xf32, #tpu.memory_space<vmem>>, vector<1x16xf32>,
        %swap3A_363 = vector.shape_cast %swap3A_362 : vector<1x16xf32> to vector<16xf32>
        %swap3A_364 = vector.shape_cast %add3A_359 : vector<16xf32> to vector<1x16xf32>
        tpu.vector_store %arg6[%swap3A_360, %swap3A_361], %swap3A_364 {strides = array<i32>} : memref<128x768xf32, #tpu.memory_space<vmem>>, vector<1x16xf32>,
        %get3A_365 = arith.index_cast %scan3A_30 : i32 to index
        %get3A_366 = arith.constant 336 : index
        %get3A_367 = tpu.vector_load %arg6[%get3A_365, %get3A_366] {strides = array<i32>} : memref<128x768xf32, #tpu.memory_space<vmem>>, vector<1x16xf32>,
        %get3A_368 = vector.shape_cast %get3A_367 : vector<1x16xf32> to vector<16xf32>
        %add3A_369 = arith.constant 64 : i32
        %add3A_370 = arith.addi %add3A_369, %scan3A_30 : i32
        %get3A_371 = arith.index_cast %add3A_370 : i32 to index
        %get3A_372 = arith.constant 336 : index
        %get3A_373 = tpu.vector_load %arg6[%get3A_371, %get3A_372] {strides = array<i32>} : memref<128x768xf32, #tpu.memory_space<vmem>>, vector<1x16xf32>,
        %get3A_374 = vector.shape_cast %get3A_373 : vector<1x16xf32> to vector<16xf32>
        %add3A_375 = arith.addf %get3A_368, %get3A_374 : vector<16xf32>
        %swap3A_376 = arith.index_cast %scan3A_30 : i32 to index
        %swap3A_377 = arith.constant 336 : index
        %swap3A_378 = tpu.vector_load %arg6[%swap3A_376, %swap3A_377] {strides = array<i32>} : memref<128x768xf32, #tpu.memory_space<vmem>>, vector<1x16xf32>,
        %swap3A_379 = vector.shape_cast %swap3A_378 : vector<1x16xf32> to vector<16xf32>
        %swap3A_380 = vector.shape_cast %add3A_375 : vector<16xf32> to vector<1x16xf32>
        tpu.vector_store %arg6[%swap3A_376, %swap3A_377], %swap3A_380 {strides = array<i32>} : memref<128x768xf32, #tpu.memory_space<vmem>>, vector<1x16xf32>,
        %get3A_381 = arith.index_cast %scan3A_30 : i32 to index
        %get3A_382 = arith.constant 352 : index
        %get3A_383 = tpu.vector_load %arg6[%get3A_381, %get3A_382] {strides = array<i32>} : memref<128x768xf32, #tpu.memory_space<vmem>>, vector<1x16xf32>,
        %get3A_384 = vector.shape_cast %get3A_383 : vector<1x16xf32> to vector<16xf32>
        %add3A_385 = arith.constant 64 : i32
        %add3A_386 = arith.addi %add3A_385, %scan3A_30 : i32
        %get3A_387 = arith.index_cast %add3A_386 : i32 to index
        %get3A_388 = arith.constant 352 : index
        %get3A_389 = tpu.vector_load %arg6[%get3A_387, %get3A_388] {strides = array<i32>} : memref<128x768xf32, #tpu.memory_space<vmem>>, vector<1x16xf32>,
        %get3A_390 = vector.shape_cast %get3A_389 : vector<1x16xf32> to vector<16xf32>
        %add3A_391 = arith.addf %get3A_384, %get3A_390 : vector<16xf32>
        %swap3A_392 = arith.index_cast %scan3A_30 : i32 to index
        %swap3A_393 = arith.constant 352 : index
        %swap3A_394 = tpu.vector_load %arg6[%swap3A_392, %swap3A_393] {strides = array<i32>} : memref<128x768xf32, #tpu.memory_space<vmem>>, vector<1x16xf32>,
        %swap3A_395 = vector.shape_cast %swap3A_394 : vector<1x16xf32> to vector<16xf32>
        %swap3A_396 = vector.shape_cast %add3A_391 : vector<16xf32> to vector<1x16xf32>
        tpu.vector_store %arg6[%swap3A_392, %swap3A_393], %swap3A_396 {strides = array<i32>} : memref<128x768xf32, #tpu.memory_space<vmem>>, vector<1x16xf32>,
        %get3A_397 = arith.index_cast %scan3A_30 : i32 to index
        %get3A_398 = arith.constant 368 : index
        %get3A_399 = tpu.vector_load %arg6[%get3A_397, %get3A_398] {strides = array<i32>} : memref<128x768xf32, #tpu.memory_space<vmem>>, vector<1x16xf32>,
        %get3A_400 = vector.shape_cast %get3A_399 : vector<1x16xf32> to vector<16xf32>
        %add3A_401 = arith.constant 64 : i32
        %add3A_402 = arith.addi %add3A_401, %scan3A_30 : i32
        %get3A_403 = arith.index_cast %add3A_402 : i32 to index
        %get3A_404 = arith.constant 368 : index
        %get3A_405 = tpu.vector_load %arg6[%get3A_403, %get3A_404] {strides = array<i32>} : memref<128x768xf32, #tpu.memory_space<vmem>>, vector<1x16xf32>,
        %get3A_406 = vector.shape_cast %get3A_405 : vector<1x16xf32> to vector<16xf32>
        %add3A_407 = arith.addf %get3A_400, %get3A_406 : vector<16xf32>
        %swap3A_408 = arith.index_cast %scan3A_30 : i32 to index
        %swap3A_409 = arith.constant 368 : index
        %swap3A_410 = tpu.vector_load %arg6[%swap3A_408, %swap3A_409] {strides = array<i32>} : memref<128x768xf32, #tpu.memory_space<vmem>>, vector<1x16xf32>,
        %swap3A_411 = vector.shape_cast %swap3A_410 : vector<1x16xf32> to vector<16xf32>
        %swap3A_412 = vector.shape_cast %add3A_407 : vector<16xf32> to vector<1x16xf32>
        tpu.vector_store %arg6[%swap3A_408, %swap3A_409], %swap3A_412 {strides = array<i32>} : memref<128x768xf32, #tpu.memory_space<vmem>>, vector<1x16xf32>,
        %get3A_413 = arith.index_cast %scan3A_30 : i32 to index
        %get3A_414 = arith.constant 384 : index
        %get3A_415 = tpu.vector_load %arg6[%get3A_413, %get3A_414] {strides = array<i32>} : memref<128x768xf32, #tpu.memory_space<vmem>>, vector<1x16xf32>,
        %get3A_416 = vector.shape_cast %get3A_415 : vector<1x16xf32> to vector<16xf32>
        %add3A_417 = arith.constant 64 : i32
        %add3A_418 = arith.addi %add3A_417, %scan3A_30 : i32
        %get3A_419 = arith.index_cast %add3A_418 : i32 to index
        %get3A_420 = arith.constant 384 : index
        %get3A_421 = tpu.vector_load %arg6[%get3A_419, %get3A_420] {strides = array<i32>} : memref<128x768xf32, #tpu.memory_space<vmem>>, vector<1x16xf32>,
        %get3A_422 = vector.shape_cast %get3A_421 : vector<1x16xf32> to vector<16xf32>
        %add3A_423 = arith.addf %get3A_416, %get3A_422 : vector<16xf32>
        %swap3A_424 = arith.index_cast %scan3A_30 : i32 to index
        %swap3A_425 = arith.constant 384 : index
        %swap3A_426 = tpu.vector_load %arg6[%swap3A_424, %swap3A_425] {strides = array<i32>} : memref<128x768xf32, #tpu.memory_space<vmem>>, vector<1x16xf32>,
        %swap3A_427 = vector.shape_cast %swap3A_426 : vector<1x16xf32> to vector<16xf32>
        %swap3A_428 = vector.shape_cast %add3A_423 : vector<16xf32> to vector<1x16xf32>
        tpu.vector_store %arg6[%swap3A_424, %swap3A_425], %swap3A_428 {strides = array<i32>} : memref<128x768xf32, #tpu.memory_space<vmem>>, vector<1x16xf32>,
        %get3A_429 = arith.index_cast %scan3A_30 : i32 to index
        %get3A_430 = arith.constant 400 : index
        %get3A_431 = tpu.vector_load %arg6[%get3A_429, %get3A_430] {strides = array<i32>} : memref<128x768xf32, #tpu.memory_space<vmem>>, vector<1x16xf32>,
        %get3A_432 = vector.shape_cast %get3A_431 : vector<1x16xf32> to vector<16xf32>
        %add3A_433 = arith.constant 64 : i32
        %add3A_434 = arith.addi %add3A_433, %scan3A_30 : i32
        %get3A_435 = arith.index_cast %add3A_434 : i32 to index
        %get3A_436 = arith.constant 400 : index
        %get3A_437 = tpu.vector_load %arg6[%get3A_435, %get3A_436] {strides = array<i32>} : memref<128x768xf32, #tpu.memory_space<vmem>>, vector<1x16xf32>,
        %get3A_438 = vector.shape_cast %get3A_437 : vector<1x16xf32> to vector<16xf32>
        %add3A_439 = arith.addf %get3A_432, %get3A_438 : vector<16xf32>
        %swap3A_440 = arith.index_cast %scan3A_30 : i32 to index
        %swap3A_441 = arith.constant 400 : index
        %swap3A_442 = tpu.vector_load %arg6[%swap3A_440, %swap3A_441] {strides = array<i32>} : memref<128x768xf32, #tpu.memory_space<vmem>>, vector<1x16xf32>,
        %swap3A_443 = vector.shape_cast %swap3A_442 : vector<1x16xf32> to vector<16xf32>
        %swap3A_444 = vector.shape_cast %add3A_439 : vector<16xf32> to vector<1x16xf32>
        tpu.vector_store %arg6[%swap3A_440, %swap3A_441], %swap3A_444 {strides = array<i32>} : memref<128x768xf32, #tpu.memory_space<vmem>>, vector<1x16xf32>,
        %get3A_445 = arith.index_cast %scan3A_30 : i32 to index
        %get3A_446 = arith.constant 416 : index
        %get3A_447 = tpu.vector_load %arg6[%get3A_445, %get3A_446] {strides = array<i32>} : memref<128x768xf32, #tpu.memory_space<vmem>>, vector<1x16xf32>,
        %get3A_448 = vector.shape_cast %get3A_447 : vector<1x16xf32> to vector<16xf32>
        %add3A_449 = arith.constant 64 : i32
        %add3A_450 = arith.addi %add3A_449, %scan3A_30 : i32
        %get3A_451 = arith.index_cast %add3A_450 : i32 to index
        %get3A_452 = arith.constant 416 : index
        %get3A_453 = tpu.vector_load %arg6[%get3A_451, %get3A_452] {strides = array<i32>} : memref<128x768xf32, #tpu.memory_space<vmem>>, vector<1x16xf32>,
        %get3A_454 = vector.shape_cast %get3A_453 : vector<1x16xf32> to vector<16xf32>
        %add3A_455 = arith.addf %get3A_448, %get3A_454 : vector<16xf32>
        %swap3A_456 = arith.index_cast %scan3A_30 : i32 to index
        %swap3A_457 = arith.constant 416 : index
        %swap3A_458 = tpu.vector_load %arg6[%swap3A_456, %swap3A_457] {strides = array<i32>} : memref<128x768xf32, #tpu.memory_space<vmem>>, vector<1x16xf32>,
        %swap3A_459 = vector.shape_cast %swap3A_458 : vector<1x16xf32> to vector<16xf32>
        %swap3A_460 = vector.shape_cast %add3A_455 : vector<16xf32> to vector<1x16xf32>
        tpu.vector_store %arg6[%swap3A_456, %swap3A_457], %swap3A_460 {strides = array<i32>} : memref<128x768xf32, #tpu.memory_space<vmem>>, vector<1x16xf32>,
        %get3A_461 = arith.index_cast %scan3A_30 : i32 to index
        %get3A_462 = arith.constant 432 : index
        %get3A_463 = tpu.vector_load %arg6[%get3A_461, %get3A_462] {strides = array<i32>} : memref<128x768xf32, #tpu.memory_space<vmem>>, vector<1x16xf32>,
        %get3A_464 = vector.shape_cast %get3A_463 : vector<1x16xf32> to vector<16xf32>
        %add3A_465 = arith.constant 64 : i32
        %add3A_466 = arith.addi %add3A_465, %scan3A_30 : i32
        %get3A_467 = arith.index_cast %add3A_466 : i32 to index
        %get3A_468 = arith.constant 432 : index
        %get3A_469 = tpu.vector_load %arg6[%get3A_467, %get3A_468] {strides = array<i32>} : memref<128x768xf32, #tpu.memory_space<vmem>>, vector<1x16xf32>,
        %get3A_470 = vector.shape_cast %get3A_469 : vector<1x16xf32> to vector<16xf32>
        %add3A_471 = arith.addf %get3A_464, %get3A_470 : vector<16xf32>
        %swap3A_472 = arith.index_cast %scan3A_30 : i32 to index
        %swap3A_473 = arith.constant 432 : index
        %swap3A_474 = tpu.vector_load %arg6[%swap3A_472, %swap3A_473] {strides = array<i32>} : memref<128x768xf32, #tpu.memory_space<vmem>>, vector<1x16xf32>,
        %swap3A_475 = vector.shape_cast %swap3A_474 : vector<1x16xf32> to vector<16xf32>
        %swap3A_476 = vector.shape_cast %add3A_471 : vector<16xf32> to vector<1x16xf32>
        tpu.vector_store %arg6[%swap3A_472, %swap3A_473], %swap3A_476 {strides = array<i32>} : memref<128x768xf32, #tpu.memory_space<vmem>>, vector<1x16xf32>,
        %get3A_477 = arith.index_cast %scan3A_30 : i32 to index
        %get3A_478 = arith.constant 448 : index
        %get3A_479 = tpu.vector_load %arg6[%get3A_477, %get3A_478] {strides = array<i32>} : memref<128x768xf32, #tpu.memory_space<vmem>>, vector<1x16xf32>,
        %get3A_480 = vector.shape_cast %get3A_479 : vector<1x16xf32> to vector<16xf32>
        %add3A_481 = arith.constant 64 : i32
        %add3A_482 = arith.addi %add3A_481, %scan3A_30 : i32
        %get3A_483 = arith.index_cast %add3A_482 : i32 to index
        %get3A_484 = arith.constant 448 : index
        %get3A_485 = tpu.vector_load %arg6[%get3A_483, %get3A_484] {strides = array<i32>} : memref<128x768xf32, #tpu.memory_space<vmem>>, vector<1x16xf32>,
        %get3A_486 = vector.shape_cast %get3A_485 : vector<1x16xf32> to vector<16xf32>
        %add3A_487 = arith.addf %get3A_480, %get3A_486 : vector<16xf32>
        %swap3A_488 = arith.index_cast %scan3A_30 : i32 to index
        %swap3A_489 = arith.constant 448 : index
        %swap3A_490 = tpu.vector_load %arg6[%swap3A_488, %swap3A_489] {strides = array<i32>} : memref<128x768xf32, #tpu.memory_space<vmem>>, vector<1x16xf32>,
        %swap3A_491 = vector.shape_cast %swap3A_490 : vector<1x16xf32> to vector<16xf32>
        %swap3A_492 = vector.shape_cast %add3A_487 : vector<16xf32> to vector<1x16xf32>
        tpu.vector_store %arg6[%swap3A_488, %swap3A_489], %swap3A_492 {strides = array<i32>} : memref<128x768xf32, #tpu.memory_space<vmem>>, vector<1x16xf32>,
        %get3A_493 = arith.index_cast %scan3A_30 : i32 to index
        %get3A_494 = arith.constant 464 : index
        %get3A_495 = tpu.vector_load %arg6[%get3A_493, %get3A_494] {strides = array<i32>} : memref<128x768xf32, #tpu.memory_space<vmem>>, vector<1x16xf32>,
        %get3A_496 = vector.shape_cast %get3A_495 : vector<1x16xf32> to vector<16xf32>
        %add3A_497 = arith.constant 64 : i32
        %add3A_498 = arith.addi %add3A_497, %scan3A_30 : i32
        %get3A_499 = arith.index_cast %add3A_498 : i32 to index
        %get3A_500 = arith.constant 464 : index
        %get3A_501 = tpu.vector_load %arg6[%get3A_499, %get3A_500] {strides = array<i32>} : memref<128x768xf32, #tpu.memory_space<vmem>>, vector<1x16xf32>,
        %get3A_502 = vector.shape_cast %get3A_501 : vector<1x16xf32> to vector<16xf32>
        %add3A_503 = arith.addf %get3A_496, %get3A_502 : vector<16xf32>
        %swap3A_504 = arith.index_cast %scan3A_30 : i32 to index
        %swap3A_505 = arith.constant 464 : index
        %swap3A_506 = tpu.vector_load %arg6[%swap3A_504, %swap3A_505] {strides = array<i32>} : memref<128x768xf32, #tpu.memory_space<vmem>>, vector<1x16xf32>,
        %swap3A_507 = vector.shape_cast %swap3A_506 : vector<1x16xf32> to vector<16xf32>
        %swap3A_508 = vector.shape_cast %add3A_503 : vector<16xf32> to vector<1x16xf32>
        tpu.vector_store %arg6[%swap3A_504, %swap3A_505], %swap3A_508 {strides = array<i32>} : memref<128x768xf32, #tpu.memory_space<vmem>>, vector<1x16xf32>,
        %get3A_509 = arith.index_cast %scan3A_30 : i32 to index
        %get3A_510 = arith.constant 480 : index
        %get3A_511 = tpu.vector_load %arg6[%get3A_509, %get3A_510] {strides = array<i32>} : memref<128x768xf32, #tpu.memory_space<vmem>>, vector<1x16xf32>,
        %get3A_512 = vector.shape_cast %get3A_511 : vector<1x16xf32> to vector<16xf32>
        %add3A_513 = arith.constant 64 : i32
        %add3A_514 = arith.addi %add3A_513, %scan3A_30 : i32
        %get3A_515 = arith.index_cast %add3A_514 : i32 to index
        %get3A_516 = arith.constant 480 : index
        %get3A_517 = tpu.vector_load %arg6[%get3A_515, %get3A_516] {strides = array<i32>} : memref<128x768xf32, #tpu.memory_space<vmem>>, vector<1x16xf32>,
        %get3A_518 = vector.shape_cast %get3A_517 : vector<1x16xf32> to vector<16xf32>
        %add3A_519 = arith.addf %get3A_512, %get3A_518 : vector<16xf32>
        %swap3A_520 = arith.index_cast %scan3A_30 : i32 to index
        %swap3A_521 = arith.constant 480 : index
        %swap3A_522 = tpu.vector_load %arg6[%swap3A_520, %swap3A_521] {strides = array<i32>} : memref<128x768xf32, #tpu.memory_space<vmem>>, vector<1x16xf32>,
        %swap3A_523 = vector.shape_cast %swap3A_522 : vector<1x16xf32> to vector<16xf32>
        %swap3A_524 = vector.shape_cast %add3A_519 : vector<16xf32> to vector<1x16xf32>
        tpu.vector_store %arg6[%swap3A_520, %swap3A_521], %swap3A_524 {strides = array<i32>} : memref<128x768xf32, #tpu.memory_space<vmem>>, vector<1x16xf32>,
        %get3A_525 = arith.index_cast %scan3A_30 : i32 to index
        %get3A_526 = arith.constant 496 : index
        %get3A_527 = tpu.vector_load %arg6[%get3A_525, %get3A_526] {strides = array<i32>} : memref<128x768xf32, #tpu.memory_space<vmem>>, vector<1x16xf32>,
        %get3A_528 = vector.shape_cast %get3A_527 : vector<1x16xf32> to vector<16xf32>
        %add3A_529 = arith.constant 64 : i32
        %add3A_530 = arith.addi %add3A_529, %scan3A_30 : i32
        %get3A_531 = arith.index_cast %add3A_530 : i32 to index
        %get3A_532 = arith.constant 496 : index
        %get3A_533 = tpu.vector_load %arg6[%get3A_531, %get3A_532] {strides = array<i32>} : memref<128x768xf32, #tpu.memory_space<vmem>>, vector<1x16xf32>,
        %get3A_534 = vector.shape_cast %get3A_533 : vector<1x16xf32> to vector<16xf32>
        %add3A_535 = arith.addf %get3A_528, %get3A_534 : vector<16xf32>
        %swap3A_536 = arith.index_cast %scan3A_30 : i32 to index
        %swap3A_537 = arith.constant 496 : index
        %swap3A_538 = tpu.vector_load %arg6[%swap3A_536, %swap3A_537] {strides = array<i32>} : memref<128x768xf32, #tpu.memory_space<vmem>>, vector<1x16xf32>,
        %swap3A_539 = vector.shape_cast %swap3A_538 : vector<1x16xf32> to vector<16xf32>
        %swap3A_540 = vector.shape_cast %add3A_535 : vector<16xf32> to vector<1x16xf32>
        tpu.vector_store %arg6[%swap3A_536, %swap3A_537], %swap3A_540 {strides = array<i32>} : memref<128x768xf32, #tpu.memory_space<vmem>>, vector<1x16xf32>,
        %get3A_541 = arith.index_cast %scan3A_30 : i32 to index
        %get3A_542 = arith.constant 512 : index
        %get3A_543 = tpu.vector_load %arg6[%get3A_541, %get3A_542] {strides = array<i32>} : memref<128x768xf32, #tpu.memory_space<vmem>>, vector<1x16xf32>,
        %get3A_544 = vector.shape_cast %get3A_543 : vector<1x16xf32> to vector<16xf32>
        %add3A_545 = arith.constant 64 : i32
        %add3A_546 = arith.addi %add3A_545, %scan3A_30 : i32
        %get3A_547 = arith.index_cast %add3A_546 : i32 to index
        %get3A_548 = arith.constant 512 : index
        %get3A_549 = tpu.vector_load %arg6[%get3A_547, %get3A_548] {strides = array<i32>} : memref<128x768xf32, #tpu.memory_space<vmem>>, vector<1x16xf32>,
        %get3A_550 = vector.shape_cast %get3A_549 : vector<1x16xf32> to vector<16xf32>
        %add3A_551 = arith.addf %get3A_544, %get3A_550 : vector<16xf32>
        %swap3A_552 = arith.index_cast %scan3A_30 : i32 to index
        %swap3A_553 = arith.constant 512 : index
        %swap3A_554 = tpu.vector_load %arg6[%swap3A_552, %swap3A_553] {strides = array<i32>} : memref<128x768xf32, #tpu.memory_space<vmem>>, vector<1x16xf32>,
        %swap3A_555 = vector.shape_cast %swap3A_554 : vector<1x16xf32> to vector<16xf32>
        %swap3A_556 = vector.shape_cast %add3A_551 : vector<16xf32> to vector<1x16xf32>
        tpu.vector_store %arg6[%swap3A_552, %swap3A_553], %swap3A_556 {strides = array<i32>} : memref<128x768xf32, #tpu.memory_space<vmem>>, vector<1x16xf32>,
        %get3A_557 = arith.index_cast %scan3A_30 : i32 to index
        %get3A_558 = arith.constant 528 : index
        %get3A_559 = tpu.vector_load %arg6[%get3A_557, %get3A_558] {strides = array<i32>} : memref<128x768xf32, #tpu.memory_space<vmem>>, vector<1x16xf32>,
        %get3A_560 = vector.shape_cast %get3A_559 : vector<1x16xf32> to vector<16xf32>
        %add3A_561 = arith.constant 64 : i32
        %add3A_562 = arith.addi %add3A_561, %scan3A_30 : i32
        %get3A_563 = arith.index_cast %add3A_562 : i32 to index
        %get3A_564 = arith.constant 528 : index
        %get3A_565 = tpu.vector_load %arg6[%get3A_563, %get3A_564] {strides = array<i32>} : memref<128x768xf32, #tpu.memory_space<vmem>>, vector<1x16xf32>,
        %get3A_566 = vector.shape_cast %get3A_565 : vector<1x16xf32> to vector<16xf32>
        %add3A_567 = arith.addf %get3A_560, %get3A_566 : vector<16xf32>
        %swap3A_568 = arith.index_cast %scan3A_30 : i32 to index
        %swap3A_569 = arith.constant 528 : index
        %swap3A_570 = tpu.vector_load %arg6[%swap3A_568, %swap3A_569] {strides = array<i32>} : memref<128x768xf32, #tpu.memory_space<vmem>>, vector<1x16xf32>,
        %swap3A_571 = vector.shape_cast %swap3A_570 : vector<1x16xf32> to vector<16xf32>
        %swap3A_572 = vector.shape_cast %add3A_567 : vector<16xf32> to vector<1x16xf32>
        tpu.vector_store %arg6[%swap3A_568, %swap3A_569], %swap3A_572 {strides = array<i32>} : memref<128x768xf32, #tpu.memory_space<vmem>>, vector<1x16xf32>,
        %get3A_573 = arith.index_cast %scan3A_30 : i32 to index
        %get3A_574 = arith.constant 544 : index
        %get3A_575 = tpu.vector_load %arg6[%get3A_573, %get3A_574] {strides = array<i32>} : memref<128x768xf32, #tpu.memory_space<vmem>>, vector<1x16xf32>,
        %get3A_576 = vector.shape_cast %get3A_575 : vector<1x16xf32> to vector<16xf32>
        %add3A_577 = arith.constant 64 : i32
        %add3A_578 = arith.addi %add3A_577, %scan3A_30 : i32
        %get3A_579 = arith.index_cast %add3A_578 : i32 to index
        %get3A_580 = arith.constant 544 : index
        %get3A_581 = tpu.vector_load %arg6[%get3A_579, %get3A_580] {strides = array<i32>} : memref<128x768xf32, #tpu.memory_space<vmem>>, vector<1x16xf32>,
        %get3A_582 = vector.shape_cast %get3A_581 : vector<1x16xf32> to vector<16xf32>
        %add3A_583 = arith.addf %get3A_576, %get3A_582 : vector<16xf32>
        %swap3A_584 = arith.index_cast %scan3A_30 : i32 to index
        %swap3A_585 = arith.constant 544 : index
        %swap3A_586 = tpu.vector_load %arg6[%swap3A_584, %swap3A_585] {strides = array<i32>} : memref<128x768xf32, #tpu.memory_space<vmem>>, vector<1x16xf32>,
        %swap3A_587 = vector.shape_cast %swap3A_586 : vector<1x16xf32> to vector<16xf32>
        %swap3A_588 = vector.shape_cast %add3A_583 : vector<16xf32> to vector<1x16xf32>
        tpu.vector_store %arg6[%swap3A_584, %swap3A_585], %swap3A_588 {strides = array<i32>} : memref<128x768xf32, #tpu.memory_space<vmem>>, vector<1x16xf32>,
        %get3A_589 = arith.index_cast %scan3A_30 : i32 to index
        %get3A_590 = arith.constant 560 : index
        %get3A_591 = tpu.vector_load %arg6[%get3A_589, %get3A_590] {strides = array<i32>} : memref<128x768xf32, #tpu.memory_space<vmem>>, vector<1x16xf32>,
        %get3A_592 = vector.shape_cast %get3A_591 : vector<1x16xf32> to vector<16xf32>
        %add3A_593 = arith.constant 64 : i32
        %add3A_594 = arith.addi %add3A_593, %scan3A_30 : i32
        %get3A_595 = arith.index_cast %add3A_594 : i32 to index
        %get3A_596 = arith.constant 560 : index
        %get3A_597 = tpu.vector_load %arg6[%get3A_595, %get3A_596] {strides = array<i32>} : memref<128x768xf32, #tpu.memory_space<vmem>>, vector<1x16xf32>,
        %get3A_598 = vector.shape_cast %get3A_597 : vector<1x16xf32> to vector<16xf32>
        %add3A_599 = arith.addf %get3A_592, %get3A_598 : vector<16xf32>
        %swap3A_600 = arith.index_cast %scan3A_30 : i32 to index
        %swap3A_601 = arith.constant 560 : index
        %swap3A_602 = tpu.vector_load %arg6[%swap3A_600, %swap3A_601] {strides = array<i32>} : memref<128x768xf32, #tpu.memory_space<vmem>>, vector<1x16xf32>,
        %swap3A_603 = vector.shape_cast %swap3A_602 : vector<1x16xf32> to vector<16xf32>
        %swap3A_604 = vector.shape_cast %add3A_599 : vector<16xf32> to vector<1x16xf32>
        tpu.vector_store %arg6[%swap3A_600, %swap3A_601], %swap3A_604 {strides = array<i32>} : memref<128x768xf32, #tpu.memory_space<vmem>>, vector<1x16xf32>,
        %get3A_605 = arith.index_cast %scan3A_30 : i32 to index
        %get3A_606 = arith.constant 576 : index
        %get3A_607 = tpu.vector_load %arg6[%get3A_605, %get3A_606] {strides = array<i32>} : memref<128x768xf32, #tpu.memory_space<vmem>>, vector<1x16xf32>,
        %get3A_608 = vector.shape_cast %get3A_607 : vector<1x16xf32> to vector<16xf32>
        %add3A_609 = arith.constant 64 : i32
        %add3A_610 = arith.addi %add3A_609, %scan3A_30 : i32
        %get3A_611 = arith.index_cast %add3A_610 : i32 to index
        %get3A_612 = arith.constant 576 : index
        %get3A_613 = tpu.vector_load %arg6[%get3A_611, %get3A_612] {strides = array<i32>} : memref<128x768xf32, #tpu.memory_space<vmem>>, vector<1x16xf32>,
        %get3A_614 = vector.shape_cast %get3A_613 : vector<1x16xf32> to vector<16xf32>
        %add3A_615 = arith.addf %get3A_608, %get3A_614 : vector<16xf32>
        %swap3A_616 = arith.index_cast %scan3A_30 : i32 to index
        %swap3A_617 = arith.constant 576 : index
        %swap3A_618 = tpu.vector_load %arg6[%swap3A_616, %swap3A_617] {strides = array<i32>} : memref<128x768xf32, #tpu.memory_space<vmem>>, vector<1x16xf32>,
        %swap3A_619 = vector.shape_cast %swap3A_618 : vector<1x16xf32> to vector<16xf32>
        %swap3A_620 = vector.shape_cast %add3A_615 : vector<16xf32> to vector<1x16xf32>
        tpu.vector_store %arg6[%swap3A_616, %swap3A_617], %swap3A_620 {strides = array<i32>} : memref<128x768xf32, #tpu.memory_space<vmem>>, vector<1x16xf32>,
        %get3A_621 = arith.index_cast %scan3A_30 : i32 to index
        %get3A_622 = arith.constant 592 : index
        %get3A_623 = tpu.vector_load %arg6[%get3A_621, %get3A_622] {strides = array<i32>} : memref<128x768xf32, #tpu.memory_space<vmem>>, vector<1x16xf32>,
        %get3A_624 = vector.shape_cast %get3A_623 : vector<1x16xf32> to vector<16xf32>
        %add3A_625 = arith.constant 64 : i32
        %add3A_626 = arith.addi %add3A_625, %scan3A_30 : i32
        %get3A_627 = arith.index_cast %add3A_626 : i32 to index
        %get3A_628 = arith.constant 592 : index
        %get3A_629 = tpu.vector_load %arg6[%get3A_627, %get3A_628] {strides = array<i32>} : memref<128x768xf32, #tpu.memory_space<vmem>>, vector<1x16xf32>,
        %get3A_630 = vector.shape_cast %get3A_629 : vector<1x16xf32> to vector<16xf32>
        %add3A_631 = arith.addf %get3A_624, %get3A_630 : vector<16xf32>
        %swap3A_632 = arith.index_cast %scan3A_30 : i32 to index
        %swap3A_633 = arith.constant 592 : index
        %swap3A_634 = tpu.vector_load %arg6[%swap3A_632, %swap3A_633] {strides = array<i32>} : memref<128x768xf32, #tpu.memory_space<vmem>>, vector<1x16xf32>,
        %swap3A_635 = vector.shape_cast %swap3A_634 : vector<1x16xf32> to vector<16xf32>
        %swap3A_636 = vector.shape_cast %add3A_631 : vector<16xf32> to vector<1x16xf32>
        tpu.vector_store %arg6[%swap3A_632, %swap3A_633], %swap3A_636 {strides = array<i32>} : memref<128x768xf32, #tpu.memory_space<vmem>>, vector<1x16xf32>,
        %get3A_637 = arith.index_cast %scan3A_30 : i32 to index
        %get3A_638 = arith.constant 608 : index
        %get3A_639 = tpu.vector_load %arg6[%get3A_637, %get3A_638] {strides = array<i32>} : memref<128x768xf32, #tpu.memory_space<vmem>>, vector<1x16xf32>,
        %get3A_640 = vector.shape_cast %get3A_639 : vector<1x16xf32> to vector<16xf32>
        %add3A_641 = arith.constant 64 : i32
        %add3A_642 = arith.addi %add3A_641, %scan3A_30 : i32
        %get3A_643 = arith.index_cast %add3A_642 : i32 to index
        %get3A_644 = arith.constant 608 : index
        %get3A_645 = tpu.vector_load %arg6[%get3A_643, %get3A_644] {strides = array<i32>} : memref<128x768xf32, #tpu.memory_space<vmem>>, vector<1x16xf32>,
        %get3A_646 = vector.shape_cast %get3A_645 : vector<1x16xf32> to vector<16xf32>
        %add3A_647 = arith.addf %get3A_640, %get3A_646 : vector<16xf32>
        %swap3A_648 = arith.index_cast %scan3A_30 : i32 to index
        %swap3A_649 = arith.constant 608 : index
        %swap3A_650 = tpu.vector_load %arg6[%swap3A_648, %swap3A_649] {strides = array<i32>} : memref<128x768xf32, #tpu.memory_space<vmem>>, vector<1x16xf32>,
        %swap3A_651 = vector.shape_cast %swap3A_650 : vector<1x16xf32> to vector<16xf32>
        %swap3A_652 = vector.shape_cast %add3A_647 : vector<16xf32> to vector<1x16xf32>
        tpu.vector_store %arg6[%swap3A_648, %swap3A_649], %swap3A_652 {strides = array<i32>} : memref<128x768xf32, #tpu.memory_space<vmem>>, vector<1x16xf32>,
        %get3A_653 = arith.index_cast %scan3A_30 : i32 to index
        %get3A_654 = arith.constant 624 : index
        %get3A_655 = tpu.vector_load %arg6[%get3A_653, %get3A_654] {strides = array<i32>} : memref<128x768xf32, #tpu.memory_space<vmem>>, vector<1x16xf32>,
        %get3A_656 = vector.shape_cast %get3A_655 : vector<1x16xf32> to vector<16xf32>
        %add3A_657 = arith.constant 64 : i32
        %add3A_658 = arith.addi %add3A_657, %scan3A_30 : i32
        %get3A_659 = arith.index_cast %add3A_658 : i32 to index
        %get3A_660 = arith.constant 624 : index
        %get3A_661 = tpu.vector_load %arg6[%get3A_659, %get3A_660] {strides = array<i32>} : memref<128x768xf32, #tpu.memory_space<vmem>>, vector<1x16xf32>,
        %get3A_662 = vector.shape_cast %get3A_661 : vector<1x16xf32> to vector<16xf32>
        %add3A_663 = arith.addf %get3A_656, %get3A_662 : vector<16xf32>
        %swap3A_664 = arith.index_cast %scan3A_30 : i32 to index
        %swap3A_665 = arith.constant 624 : index
        %swap3A_666 = tpu.vector_load %arg6[%swap3A_664, %swap3A_665] {strides = array<i32>} : memref<128x768xf32, #tpu.memory_space<vmem>>, vector<1x16xf32>,
        %swap3A_667 = vector.shape_cast %swap3A_666 : vector<1x16xf32> to vector<16xf32>
        %swap3A_668 = vector.shape_cast %add3A_663 : vector<16xf32> to vector<1x16xf32>
        tpu.vector_store %arg6[%swap3A_664, %swap3A_665], %swap3A_668 {strides = array<i32>} : memref<128x768xf32, #tpu.memory_space<vmem>>, vector<1x16xf32>,
        %get3A_669 = arith.index_cast %scan3A_30 : i32 to index
        %get3A_670 = arith.constant 640 : index
        %get3A_671 = tpu.vector_load %arg6[%get3A_669, %get3A_670] {strides = array<i32>} : memref<128x768xf32, #tpu.memory_space<vmem>>, vector<1x16xf32>,
        %get3A_672 = vector.shape_cast %get3A_671 : vector<1x16xf32> to vector<16xf32>
        %add3A_673 = arith.constant 64 : i32
        %add3A_674 = arith.addi %add3A_673, %scan3A_30 : i32
        %get3A_675 = arith.index_cast %add3A_674 : i32 to index
        %get3A_676 = arith.constant 640 : index
        %get3A_677 = tpu.vector_load %arg6[%get3A_675, %get3A_676] {strides = array<i32>} : memref<128x768xf32, #tpu.memory_space<vmem>>, vector<1x16xf32>,
        %get3A_678 = vector.shape_cast %get3A_677 : vector<1x16xf32> to vector<16xf32>
        %add3A_679 = arith.addf %get3A_672, %get3A_678 : vector<16xf32>
        %swap3A_680 = arith.index_cast %scan3A_30 : i32 to index
        %swap3A_681 = arith.constant 640 : index
        %swap3A_682 = tpu.vector_load %arg6[%swap3A_680, %swap3A_681] {strides = array<i32>} : memref<128x768xf32, #tpu.memory_space<vmem>>, vector<1x16xf32>,
        %swap3A_683 = vector.shape_cast %swap3A_682 : vector<1x16xf32> to vector<16xf32>
        %swap3A_684 = vector.shape_cast %add3A_679 : vector<16xf32> to vector<1x16xf32>
        tpu.vector_store %arg6[%swap3A_680, %swap3A_681], %swap3A_684 {strides = array<i32>} : memref<128x768xf32, #tpu.memory_space<vmem>>, vector<1x16xf32>,
        %get3A_685 = arith.index_cast %scan3A_30 : i32 to index
        %get3A_686 = arith.constant 656 : index
        %get3A_687 = tpu.vector_load %arg6[%get3A_685, %get3A_686] {strides = array<i32>} : memref<128x768xf32, #tpu.memory_space<vmem>>, vector<1x16xf32>,
        %get3A_688 = vector.shape_cast %get3A_687 : vector<1x16xf32> to vector<16xf32>
        %add3A_689 = arith.constant 64 : i32
        %add3A_690 = arith.addi %add3A_689, %scan3A_30 : i32
        %get3A_691 = arith.index_cast %add3A_690 : i32 to index
        %get3A_692 = arith.constant 656 : index
        %get3A_693 = tpu.vector_load %arg6[%get3A_691, %get3A_692] {strides = array<i32>} : memref<128x768xf32, #tpu.memory_space<vmem>>, vector<1x16xf32>,
        %get3A_694 = vector.shape_cast %get3A_693 : vector<1x16xf32> to vector<16xf32>
        %add3A_695 = arith.addf %get3A_688, %get3A_694 : vector<16xf32>
        %swap3A_696 = arith.index_cast %scan3A_30 : i32 to index
        %swap3A_697 = arith.constant 656 : index
        %swap3A_698 = tpu.vector_load %arg6[%swap3A_696, %swap3A_697] {strides = array<i32>} : memref<128x768xf32, #tpu.memory_space<vmem>>, vector<1x16xf32>,
        %swap3A_699 = vector.shape_cast %swap3A_698 : vector<1x16xf32> to vector<16xf32>
        %swap3A_700 = vector.shape_cast %add3A_695 : vector<16xf32> to vector<1x16xf32>
        tpu.vector_store %arg6[%swap3A_696, %swap3A_697], %swap3A_700 {strides = array<i32>} : memref<128x768xf32, #tpu.memory_space<vmem>>, vector<1x16xf32>,
        %get3A_701 = arith.index_cast %scan3A_30 : i32 to index
        %get3A_702 = arith.constant 672 : index
        %get3A_703 = tpu.vector_load %arg6[%get3A_701, %get3A_702] {strides = array<i32>} : memref<128x768xf32, #tpu.memory_space<vmem>>, vector<1x16xf32>,
        %get3A_704 = vector.shape_cast %get3A_703 : vector<1x16xf32> to vector<16xf32>
        %add3A_705 = arith.constant 64 : i32
        %add3A_706 = arith.addi %add3A_705, %scan3A_30 : i32
        %get3A_707 = arith.index_cast %add3A_706 : i32 to index
        %get3A_708 = arith.constant 672 : index
        %get3A_709 = tpu.vector_load %arg6[%get3A_707, %get3A_708] {strides = array<i32>} : memref<128x768xf32, #tpu.memory_space<vmem>>, vector<1x16xf32>,
        %get3A_710 = vector.shape_cast %get3A_709 : vector<1x16xf32> to vector<16xf32>
        %add3A_711 = arith.addf %get3A_704, %get3A_710 : vector<16xf32>
        %swap3A_712 = arith.index_cast %scan3A_30 : i32 to index
        %swap3A_713 = arith.constant 672 : index
        %swap3A_714 = tpu.vector_load %arg6[%swap3A_712, %swap3A_713] {strides = array<i32>} : memref<128x768xf32, #tpu.memory_space<vmem>>, vector<1x16xf32>,
        %swap3A_715 = vector.shape_cast %swap3A_714 : vector<1x16xf32> to vector<16xf32>
        %swap3A_716 = vector.shape_cast %add3A_711 : vector<16xf32> to vector<1x16xf32>
        tpu.vector_store %arg6[%swap3A_712, %swap3A_713], %swap3A_716 {strides = array<i32>} : memref<128x768xf32, #tpu.memory_space<vmem>>, vector<1x16xf32>,
        %get3A_717 = arith.index_cast %scan3A_30 : i32 to index
        %get3A_718 = arith.constant 688 : index
        %get3A_719 = tpu.vector_load %arg6[%get3A_717, %get3A_718] {strides = array<i32>} : memref<128x768xf32, #tpu.memory_space<vmem>>, vector<1x16xf32>,
        %get3A_720 = vector.shape_cast %get3A_719 : vector<1x16xf32> to vector<16xf32>
        %add3A_721 = arith.constant 64 : i32
        %add3A_722 = arith.addi %add3A_721, %scan3A_30 : i32
        %get3A_723 = arith.index_cast %add3A_722 : i32 to index
        %get3A_724 = arith.constant 688 : index
        %get3A_725 = tpu.vector_load %arg6[%get3A_723, %get3A_724] {strides = array<i32>} : memref<128x768xf32, #tpu.memory_space<vmem>>, vector<1x16xf32>,
        %get3A_726 = vector.shape_cast %get3A_725 : vector<1x16xf32> to vector<16xf32>
        %add3A_727 = arith.addf %get3A_720, %get3A_726 : vector<16xf32>
        %swap3A_728 = arith.index_cast %scan3A_30 : i32 to index
        %swap3A_729 = arith.constant 688 : index
        %swap3A_730 = tpu.vector_load %arg6[%swap3A_728, %swap3A_729] {strides = array<i32>} : memref<128x768xf32, #tpu.memory_space<vmem>>, vector<1x16xf32>,
        %swap3A_731 = vector.shape_cast %swap3A_730 : vector<1x16xf32> to vector<16xf32>
        %swap3A_732 = vector.shape_cast %add3A_727 : vector<16xf32> to vector<1x16xf32>
        tpu.vector_store %arg6[%swap3A_728, %swap3A_729], %swap3A_732 {strides = array<i32>} : memref<128x768xf32, #tpu.memory_space<vmem>>, vector<1x16xf32>,
        %get3A_733 = arith.index_cast %scan3A_30 : i32 to index
        %get3A_734 = arith.constant 704 : index
        %get3A_735 = tpu.vector_load %arg6[%get3A_733, %get3A_734] {strides = array<i32>} : memref<128x768xf32, #tpu.memory_space<vmem>>, vector<1x16xf32>,
        %get3A_736 = vector.shape_cast %get3A_735 : vector<1x16xf32> to vector<16xf32>
        %add3A_737 = arith.constant 64 : i32
        %add3A_738 = arith.addi %add3A_737, %scan3A_30 : i32
        %get3A_739 = arith.index_cast %add3A_738 : i32 to index
        %get3A_740 = arith.constant 704 : index
        %get3A_741 = tpu.vector_load %arg6[%get3A_739, %get3A_740] {strides = array<i32>} : memref<128x768xf32, #tpu.memory_space<vmem>>, vector<1x16xf32>,
        %get3A_742 = vector.shape_cast %get3A_741 : vector<1x16xf32> to vector<16xf32>
        %add3A_743 = arith.addf %get3A_736, %get3A_742 : vector<16xf32>
        %swap3A_744 = arith.index_cast %scan3A_30 : i32 to index
        %swap3A_745 = arith.constant 704 : index
        %swap3A_746 = tpu.vector_load %arg6[%swap3A_744, %swap3A_745] {strides = array<i32>} : memref<128x768xf32, #tpu.memory_space<vmem>>, vector<1x16xf32>,
        %swap3A_747 = vector.shape_cast %swap3A_746 : vector<1x16xf32> to vector<16xf32>
        %swap3A_748 = vector.shape_cast %add3A_743 : vector<16xf32> to vector<1x16xf32>
        tpu.vector_store %arg6[%swap3A_744, %swap3A_745], %swap3A_748 {strides = array<i32>} : memref<128x768xf32, #tpu.memory_space<vmem>>, vector<1x16xf32>,
        %get3A_749 = arith.index_cast %scan3A_30 : i32 to index
        %get3A_750 = arith.constant 720 : index
        %get3A_751 = tpu.vector_load %arg6[%get3A_749, %get3A_750] {strides = array<i32>} : memref<128x768xf32, #tpu.memory_space<vmem>>, vector<1x16xf32>,
        %get3A_752 = vector.shape_cast %get3A_751 : vector<1x16xf32> to vector<16xf32>
        %add3A_753 = arith.constant 64 : i32
        %add3A_754 = arith.addi %add3A_753, %scan3A_30 : i32
        %get3A_755 = arith.index_cast %add3A_754 : i32 to index
        %get3A_756 = arith.constant 720 : index
        %get3A_757 = tpu.vector_load %arg6[%get3A_755, %get3A_756] {strides = array<i32>} : memref<128x768xf32, #tpu.memory_space<vmem>>, vector<1x16xf32>,
        %get3A_758 = vector.shape_cast %get3A_757 : vector<1x16xf32> to vector<16xf32>
        %add3A_759 = arith.addf %get3A_752, %get3A_758 : vector<16xf32>
        %swap3A_760 = arith.index_cast %scan3A_30 : i32 to index
        %swap3A_761 = arith.constant 720 : index
        %swap3A_762 = tpu.vector_load %arg6[%swap3A_760, %swap3A_761] {strides = array<i32>} : memref<128x768xf32, #tpu.memory_space<vmem>>, vector<1x16xf32>,
        %swap3A_763 = vector.shape_cast %swap3A_762 : vector<1x16xf32> to vector<16xf32>
        %swap3A_764 = vector.shape_cast %add3A_759 : vector<16xf32> to vector<1x16xf32>
        tpu.vector_store %arg6[%swap3A_760, %swap3A_761], %swap3A_764 {strides = array<i32>} : memref<128x768xf32, #tpu.memory_space<vmem>>, vector<1x16xf32>,
        %get3A_765 = arith.index_cast %scan3A_30 : i32 to index
        %get3A_766 = arith.constant 736 : index
        %get3A_767 = tpu.vector_load %arg6[%get3A_765, %get3A_766] {strides = array<i32>} : memref<128x768xf32, #tpu.memory_space<vmem>>, vector<1x16xf32>,
        %get3A_768 = vector.shape_cast %get3A_767 : vector<1x16xf32> to vector<16xf32>
        %add3A_769 = arith.constant 64 : i32
        %add3A_770 = arith.addi %add3A_769, %scan3A_30 : i32
        %get3A_771 = arith.index_cast %add3A_770 : i32 to index
        %get3A_772 = arith.constant 736 : index
        %get3A_773 = tpu.vector_load %arg6[%get3A_771, %get3A_772] {strides = array<i32>} : memref<128x768xf32, #tpu.memory_space<vmem>>, vector<1x16xf32>,
        %get3A_774 = vector.shape_cast %get3A_773 : vector<1x16xf32> to vector<16xf32>
        %add3A_775 = arith.addf %get3A_768, %get3A_774 : vector<16xf32>
        %swap3A_776 = arith.index_cast %scan3A_30 : i32 to index
        %swap3A_777 = arith.constant 736 : index
        %swap3A_778 = tpu.vector_load %arg6[%swap3A_776, %swap3A_777] {strides = array<i32>} : memref<128x768xf32, #tpu.memory_space<vmem>>, vector<1x16xf32>,
        %swap3A_779 = vector.shape_cast %swap3A_778 : vector<1x16xf32> to vector<16xf32>
        %swap3A_780 = vector.shape_cast %add3A_775 : vector<16xf32> to vector<1x16xf32>
        tpu.vector_store %arg6[%swap3A_776, %swap3A_777], %swap3A_780 {strides = array<i32>} : memref<128x768xf32, #tpu.memory_space<vmem>>, vector<1x16xf32>,
        %get3A_781 = arith.index_cast %scan3A_30 : i32 to index
        %get3A_782 = arith.constant 752 : index
        %get3A_783 = tpu.vector_load %arg6[%get3A_781, %get3A_782] {strides = array<i32>} : memref<128x768xf32, #tpu.memory_space<vmem>>, vector<1x16xf32>,
        %get3A_784 = vector.shape_cast %get3A_783 : vector<1x16xf32> to vector<16xf32>
        %add3A_785 = arith.constant 64 : i32
        %add3A_786 = arith.addi %add3A_785, %scan3A_30 : i32
        %get3A_787 = arith.index_cast %add3A_786 : i32 to index
        %get3A_788 = arith.constant 752 : index
        %get3A_789 = tpu.vector_load %arg6[%get3A_787, %get3A_788] {strides = array<i32>} : memref<128x768xf32, #tpu.memory_space<vmem>>, vector<1x16xf32>,
        %get3A_790 = vector.shape_cast %get3A_789 : vector<1x16xf32> to vector<16xf32>
        %add3A_791 = arith.addf %get3A_784, %get3A_790 : vector<16xf32>
        %swap3A_792 = arith.index_cast %scan3A_30 : i32 to index
        %swap3A_793 = arith.constant 752 : index
        %swap3A_794 = tpu.vector_load %arg6[%swap3A_792, %swap3A_793] {strides = array<i32>} : memref<128x768xf32, #tpu.memory_space<vmem>>, vector<1x16xf32>,
        %swap3A_795 = vector.shape_cast %swap3A_794 : vector<1x16xf32> to vector<16xf32>
        %swap3A_796 = vector.shape_cast %add3A_791 : vector<16xf32> to vector<1x16xf32>
        tpu.vector_store %arg6[%swap3A_792, %swap3A_793], %swap3A_796 {strides = array<i32>} : memref<128x768xf32, #tpu.memory_space<vmem>>, vector<1x16xf32>,
      }
      %scan3A_24 = arith.constant 64 : i32
      %mul3A_25 = arith.constant 128 : i32
      %mul3A_26 = arith.muli %add3A, %mul3A_25 : i32
      %mul3A_27 = arith.constant 64 : i32
      %mul3A_28 = arith.muli %scan3A_8, %mul3A_27 : i32
      %add3A_29 = arith.addi %mul3A_26, %mul3A_28 : i32
      "tpu.region"() ({
        %run_scoped3A = tpu.sem_alloc : memref<!tpu.dma_semaphore, #tpu.memory_space<semaphore_mem>>
        %dma_start3A_30 = arith.constant 0 : i32
        %dma_start3A_31 = arith.constant 0 : i32
        %dma_start3A_32 = tpu.memref_slice %arg6[%dma_start3A_30, %dma_start3A_31] : memref<128x768xf32, #tpu.memory_space<vmem>> -> memref<64x768xf32, #tpu.memory_space<vmem>>
        %dma_start3A_33 = arith.constant 0 : i32
        %dma_start3A_34 = tpu.memref_slice %arg4[%add3A_29, %dma_start3A_33] : memref<4096x768xf32, #tpu.memory_space<hbm>> -> memref<64x768xf32, #tpu.memory_space<hbm>>
        %dma_start3A_35 = arith.constant 0 : i32
        %dma_start3A_36 = tpu.memref_slice %arg4[%add3A_29, %dma_start3A_35] : memref<4096x768xf32, #tpu.memory_space<hbm>> -> memref<64x768xf32, #tpu.memory_space<hbm>>
        %dma_start3A_37 = arith.constant 0 : i32
        %dma_start3A_38 = arith.constant 0 : i32
        %dma_start3A_39 = tpu.memref_slice %arg6[%dma_start3A_37, %dma_start3A_38] : memref<128x768xf32, #tpu.memory_space<vmem>> -> memref<64x768xf32, #tpu.memory_space<vmem>>
        tpu.enqueue_dma source(%dma_start3A_39 : memref<64x768xf32, #tpu.memory_space<vmem>>) target(%dma_start3A_36 : memref<64x768xf32, #tpu.memory_space<hbm>>) target_semaphore(%run_scoped3A : memref<!tpu.dma_semaphore, #tpu.memory_space<semaphore_mem>>)
        %dma_wait3A_40 = arith.constant 0 : i32
        %dma_wait3A_41 = arith.constant 0 : i32
        %dma_wait3A_42 = tpu.memref_slice %arg6[%dma_wait3A_40, %dma_wait3A_41] : memref<128x768xf32, #tpu.memory_space<vmem>> -> memref<64x768xf32, #tpu.memory_space<vmem>>
        %dma_wait3A_43 = arith.constant 0 : i32
        %dma_wait3A_44 = tpu.memref_slice %arg4[%add3A_29, %dma_wait3A_43] : memref<4096x768xf32, #tpu.memory_space<hbm>> -> memref<64x768xf32, #tpu.memory_space<hbm>>
        %dma_wait3A_45 = arith.constant 0 : i32
        %dma_wait3A_46 = tpu.memref_slice %arg4[%add3A_29, %dma_wait3A_45] : memref<4096x768xf32, #tpu.memory_space<hbm>> -> memref<64x768xf32, #tpu.memory_space<hbm>>
        %dma_wait3A_47 = arith.constant 0 : i32
        %dma_wait3A_48 = arith.constant 0 : i32
        %dma_wait3A_49 = tpu.memref_slice %arg6[%dma_wait3A_47, %dma_wait3A_48] : memref<128x768xf32, #tpu.memory_space<vmem>> -> memref<64x768xf32, #tpu.memory_space<vmem>>
        tpu.wait_dma2 semaphore(%run_scoped3A : memref<!tpu.dma_semaphore, #tpu.memory_space<semaphore_mem>>) src(%dma_wait3A_49 : memref<64x768xf32, #tpu.memory_space<vmem>>) dst(%dma_wait3A_46 : memref<64x768xf32, #tpu.memory_space<hbm>>)
        tpu.yield
      }) : () -> ()
    }
    %scan3A_7 = arith.constant 2 : i32
    return
  }
}

#map = affine_map<(d0, d1) -> (0, 0)>
#map1 = affine_map<(d0, d1) -> (0)>
module attributes {stable_mosaic.version = 14 : i64} {
  func.func @k(%arg0: i32, %arg1: i32, %arg2: memref<20480x768xf32, #tpu.memory_space<hbm>>, %arg3: memref<8192xi32, #tpu.memory_space<hbm>>, %arg4: memref<4096x768xf32, #tpu.memory_space<hbm>>, %arg5: memref<256xi32, #tpu.memory_space<vmem>>, %arg6: memref<128x768xf32, #tpu.memory_space<vmem>>, %arg7: memref<!tpu.dma_semaphore, #tpu.memory_space<semaphore_mem>>) attributes {dimension_semantics = [#tpu.dimension_semantics<core_parallel>, #tpu.dimension_semantics<subcore_parallel>], iteration_bounds = array<i64: 2, 16>, scalar_prefetch = 0 : i64, scratch_operands = 3 : i64, tpu.core_type = #tpu.core_type<sc_vector_subcore>, window_params = [{transform_indices = #map}, {transform_indices = #map1}, {transform_indices = #map}]} {
    %mul3A = arith.constant 2 : i32
    %mul3A_0 = arith.muli %arg1, %mul3A : i32
    %add3A = arith.addi %mul3A_0, %arg0 : i32
    %mul3A_1 = arith.constant 256 : i32
    %mul3A_2 = arith.muli %add3A, %mul3A_1 : i32
    "tpu.region"() ({
      %run_scoped3A = tpu.sem_alloc : memref<!tpu.dma_semaphore, #tpu.memory_space<semaphore_mem>>
      %dma_start3A = tpu.memref_slice %arg3[%mul3A_2] : memref<8192xi32, #tpu.memory_space<hbm>> -> memref<256xi32, #tpu.memory_space<hbm>>
      %dma_start3A_8 = tpu.memref_slice %arg3[%mul3A_2] : memref<8192xi32, #tpu.memory_space<hbm>> -> memref<256xi32, #tpu.memory_space<hbm>>
      tpu.enqueue_dma source(%dma_start3A_8 : memref<256xi32, #tpu.memory_space<hbm>>) target(%arg5 : memref<256xi32, #tpu.memory_space<vmem>>) target_semaphore(%run_scoped3A : memref<!tpu.dma_semaphore, #tpu.memory_space<semaphore_mem>>)
      %dma_wait3A = tpu.memref_slice %arg3[%mul3A_2] : memref<8192xi32, #tpu.memory_space<hbm>> -> memref<256xi32, #tpu.memory_space<hbm>>
      %dma_wait3A_9 = tpu.memref_slice %arg3[%mul3A_2] : memref<8192xi32, #tpu.memory_space<hbm>> -> memref<256xi32, #tpu.memory_space<hbm>>
      tpu.wait_dma2 semaphore(%run_scoped3A : memref<!tpu.dma_semaphore, #tpu.memory_space<semaphore_mem>>) src(%dma_wait3A_9 : memref<256xi32, #tpu.memory_space<hbm>>) dst(%arg5 : memref<256xi32, #tpu.memory_space<vmem>>)
      tpu.yield
    }) : () -> ()
    %scan3A = arith.constant 0 : i32
    %scan3A_3 = arith.constant 0 : i32
    %scan3A_4 = arith.constant 2 : i32
    %scan3A_5 = arith.addi %scan3A_3, %scan3A_4 : i32
    %scan3A_6 = arith.constant 1 : i32
    scf.for %scan3A_8 = %scan3A_3 to %scan3A_5 step %scan3A_6  : i32 {
      %mul3A_9 = arith.constant 2 : i32
      %mul3A_10 = arith.muli %scan3A_8, %mul3A_9 : i32
      %mul3A_11 = arith.constant 64 : i32
      %mul3A_12 = arith.muli %mul3A_10, %mul3A_11 : i32
      %dma_start3A = tpu.memref_slice %arg5[%mul3A_12] : memref<256xi32, #tpu.memory_space<vmem>> -> memref<128xi32, #tpu.memory_space<vmem>>
      %dma_start3A_13 = arith.constant 0 : i32
      %dma_start3A_14 = arith.constant 0 : i32
      %dma_start3A_15 = tpu.memref_slice %arg2[%dma_start3A_13, %dma_start3A_14] : memref<20480x768xf32, #tpu.memory_space<hbm>> -> memref<20480x768xf32, #tpu.memory_space<hbm>>
      tpu.enqueue_indirect_dma source(%dma_start3A_15 : memref<20480x768xf32, #tpu.memory_space<hbm>>) target(%arg6 : memref<128x768xf32, #tpu.memory_space<vmem>>) offsets(%dma_start3A : memref<128xi32, #tpu.memory_space<vmem>>) semaphore(%arg7 : memref<!tpu.dma_semaphore, #tpu.memory_space<semaphore_mem>>)
      %dma_wait3A = tpu.memref_slice %arg5[%mul3A_12] : memref<256xi32, #tpu.memory_space<vmem>> -> memref<128xi32, #tpu.memory_space<vmem>>
      %dma_wait3A_16 = arith.constant 0 : i32
      %dma_wait3A_17 = arith.constant 0 : i32
      %dma_wait3A_18 = tpu.memref_slice %arg2[%dma_wait3A_16, %dma_wait3A_17] : memref<20480x768xf32, #tpu.memory_space<hbm>> -> memref<20480x768xf32, #tpu.memory_space<hbm>>
      tpu.wait_indirect_dma semaphore(%arg7 : memref<!tpu.dma_semaphore, #tpu.memory_space<semaphore_mem>>) src(%dma_wait3A_18 : memref<20480x768xf32, #tpu.memory_space<hbm>>) dst(%arg6 : memref<128x768xf32, #tpu.memory_space<vmem>>)
      %scan3A_19 = arith.constant 0 : i32
      %scan3A_20 = arith.constant 0 : i32
      %scan3A_21 = arith.constant 64 : i32
      %scan3A_22 = arith.addi %scan3A_20, %scan3A_21 : i32
      %scan3A_23 = arith.constant 1 : i32
      scf.for %scan3A_30 = %scan3A_20 to %scan3A_22 step %scan3A_23  : i32 {
        %get3A = arith.index_cast %scan3A_30 : i32 to index
        %get3A_31 = arith.constant 0 : index
        %get3A_32 = tpu.vector_load %arg6[%get3A, %get3A_31] {strides = array<i32>} : memref<128x768xf32, #tpu.memory_space<vmem>>, vector<1x16xf32>,
        %get3A_33 = vector.shape_cast %get3A_32 : vector<1x16xf32> to vector<16xf32>
        %add3A_34 = arith.constant 64 : i32
        %add3A_35 = arith.addi %add3A_34, %scan3A_30 : i32
        %get3A_36 = arith.index_cast %add3A_35 : i32 to index
        %get3A_37 = arith.constant 0 : index
        %get3A_38 = tpu.vector_load %arg6[%get3A_36, %get3A_37] {strides = array<i32>} : memref<128x768xf32, #tpu.memory_space<vmem>>, vector<1x16xf32>,
        %get3A_39 = vector.shape_cast %get3A_38 : vector<1x16xf32> to vector<16xf32>
        %add3A_40 = arith.addf %get3A_33, %get3A_39 : vector<16xf32>
        %swap3A = arith.index_cast %scan3A_30 : i32 to index
        %swap3A_41 = arith.constant 0 : index
        %swap3A_42 = tpu.vector_load %arg6[%swap3A, %swap3A_41] {strides = array<i32>} : memref<128x768xf32, #tpu.memory_space<vmem>>, vector<1x16xf32>,
        %swap3A_43 = vector.shape_cast %swap3A_42 : vector<1x16xf32> to vector<16xf32>
        %swap3A_44 = vector.shape_cast %add3A_40 : vector<16xf32> to vector<1x16xf32>
        tpu.vector_store %arg6[%swap3A, %swap3A_41], %swap3A_44 {strides = array<i32>} : memref<128x768xf32, #tpu.memory_space<vmem>>, vector<1x16xf32>,
        %get3A_45 = arith.index_cast %scan3A_30 : i32 to index
        %get3A_46 = arith.constant 16 : index
        %get3A_47 = tpu.vector_load %arg6[%get3A_45, %get3A_46] {strides = array<i32>} : memref<128x768xf32, #tpu.memory_space<vmem>>, vector<1x16xf32>,
        %get3A_48 = vector.shape_cast %get3A_47 : vector<1x16xf32> to vector<16xf32>
        %add3A_49 = arith.constant 64 : i32
        %add3A_50 = arith.addi %add3A_49, %scan3A_30 : i32
        %get3A_51 = arith.index_cast %add3A_50 : i32 to index
        %get3A_52 = arith.constant 16 : index
        %get3A_53 = tpu.vector_load %arg6[%get3A_51, %get3A_52] {strides = array<i32>} : memref<128x768xf32, #tpu.memory_space<vmem>>, vector<1x16xf32>,
        %get3A_54 = vector.shape_cast %get3A_53 : vector<1x16xf32> to vector<16xf32>
        %add3A_55 = arith.addf %get3A_48, %get3A_54 : vector<16xf32>
        %swap3A_56 = arith.index_cast %scan3A_30 : i32 to index
        %swap3A_57 = arith.constant 16 : index
        %swap3A_58 = tpu.vector_load %arg6[%swap3A_56, %swap3A_57] {strides = array<i32>} : memref<128x768xf32, #tpu.memory_space<vmem>>, vector<1x16xf32>,
        %swap3A_59 = vector.shape_cast %swap3A_58 : vector<1x16xf32> to vector<16xf32>
        %swap3A_60 = vector.shape_cast %add3A_55 : vector<16xf32> to vector<1x16xf32>
        tpu.vector_store %arg6[%swap3A_56, %swap3A_57], %swap3A_60 {strides = array<i32>} : memref<128x768xf32, #tpu.memory_space<vmem>>, vector<1x16xf32>,
        %get3A_61 = arith.index_cast %scan3A_30 : i32 to index
        %get3A_62 = arith.constant 32 : index
        %get3A_63 = tpu.vector_load %arg6[%get3A_61, %get3A_62] {strides = array<i32>} : memref<128x768xf32, #tpu.memory_space<vmem>>, vector<1x16xf32>,
        %get3A_64 = vector.shape_cast %get3A_63 : vector<1x16xf32> to vector<16xf32>
        %add3A_65 = arith.constant 64 : i32
        %add3A_66 = arith.addi %add3A_65, %scan3A_30 : i32
        %get3A_67 = arith.index_cast %add3A_66 : i32 to index
        %get3A_68 = arith.constant 32 : index
        %get3A_69 = tpu.vector_load %arg6[%get3A_67, %get3A_68] {strides = array<i32>} : memref<128x768xf32, #tpu.memory_space<vmem>>, vector<1x16xf32>,
        %get3A_70 = vector.shape_cast %get3A_69 : vector<1x16xf32> to vector<16xf32>
        %add3A_71 = arith.addf %get3A_64, %get3A_70 : vector<16xf32>
        %swap3A_72 = arith.index_cast %scan3A_30 : i32 to index
        %swap3A_73 = arith.constant 32 : index
        %swap3A_74 = tpu.vector_load %arg6[%swap3A_72, %swap3A_73] {strides = array<i32>} : memref<128x768xf32, #tpu.memory_space<vmem>>, vector<1x16xf32>,
        %swap3A_75 = vector.shape_cast %swap3A_74 : vector<1x16xf32> to vector<16xf32>
        %swap3A_76 = vector.shape_cast %add3A_71 : vector<16xf32> to vector<1x16xf32>
        tpu.vector_store %arg6[%swap3A_72, %swap3A_73], %swap3A_76 {strides = array<i32>} : memref<128x768xf32, #tpu.memory_space<vmem>>, vector<1x16xf32>,
        %get3A_77 = arith.index_cast %scan3A_30 : i32 to index
        %get3A_78 = arith.constant 48 : index
        %get3A_79 = tpu.vector_load %arg6[%get3A_77, %get3A_78] {strides = array<i32>} : memref<128x768xf32, #tpu.memory_space<vmem>>, vector<1x16xf32>,
        %get3A_80 = vector.shape_cast %get3A_79 : vector<1x16xf32> to vector<16xf32>
        %add3A_81 = arith.constant 64 : i32
        %add3A_82 = arith.addi %add3A_81, %scan3A_30 : i32
        %get3A_83 = arith.index_cast %add3A_82 : i32 to index
        %get3A_84 = arith.constant 48 : index
        %get3A_85 = tpu.vector_load %arg6[%get3A_83, %get3A_84] {strides = array<i32>} : memref<128x768xf32, #tpu.memory_space<vmem>>, vector<1x16xf32>,
        %get3A_86 = vector.shape_cast %get3A_85 : vector<1x16xf32> to vector<16xf32>
        %add3A_87 = arith.addf %get3A_80, %get3A_86 : vector<16xf32>
        %swap3A_88 = arith.index_cast %scan3A_30 : i32 to index
        %swap3A_89 = arith.constant 48 : index
        %swap3A_90 = tpu.vector_load %arg6[%swap3A_88, %swap3A_89] {strides = array<i32>} : memref<128x768xf32, #tpu.memory_space<vmem>>, vector<1x16xf32>,
        %swap3A_91 = vector.shape_cast %swap3A_90 : vector<1x16xf32> to vector<16xf32>
        %swap3A_92 = vector.shape_cast %add3A_87 : vector<16xf32> to vector<1x16xf32>
        tpu.vector_store %arg6[%swap3A_88, %swap3A_89], %swap3A_92 {strides = array<i32>} : memref<128x768xf32, #tpu.memory_space<vmem>>, vector<1x16xf32>,
        %get3A_93 = arith.index_cast %scan3A_30 : i32 to index
        %get3A_94 = arith.constant 64 : index
        %get3A_95 = tpu.vector_load %arg6[%get3A_93, %get3A_94] {strides = array<i32>} : memref<128x768xf32, #tpu.memory_space<vmem>>, vector<1x16xf32>,
        %get3A_96 = vector.shape_cast %get3A_95 : vector<1x16xf32> to vector<16xf32>
        %add3A_97 = arith.constant 64 : i32
        %add3A_98 = arith.addi %add3A_97, %scan3A_30 : i32
        %get3A_99 = arith.index_cast %add3A_98 : i32 to index
        %get3A_100 = arith.constant 64 : index
        %get3A_101 = tpu.vector_load %arg6[%get3A_99, %get3A_100] {strides = array<i32>} : memref<128x768xf32, #tpu.memory_space<vmem>>, vector<1x16xf32>,
        %get3A_102 = vector.shape_cast %get3A_101 : vector<1x16xf32> to vector<16xf32>
        %add3A_103 = arith.addf %get3A_96, %get3A_102 : vector<16xf32>
        %swap3A_104 = arith.index_cast %scan3A_30 : i32 to index
        %swap3A_105 = arith.constant 64 : index
        %swap3A_106 = tpu.vector_load %arg6[%swap3A_104, %swap3A_105] {strides = array<i32>} : memref<128x768xf32, #tpu.memory_space<vmem>>, vector<1x16xf32>,
        %swap3A_107 = vector.shape_cast %swap3A_106 : vector<1x16xf32> to vector<16xf32>
        %swap3A_108 = vector.shape_cast %add3A_103 : vector<16xf32> to vector<1x16xf32>
        tpu.vector_store %arg6[%swap3A_104, %swap3A_105], %swap3A_108 {strides = array<i32>} : memref<128x768xf32, #tpu.memory_space<vmem>>, vector<1x16xf32>,
        %get3A_109 = arith.index_cast %scan3A_30 : i32 to index
        %get3A_110 = arith.constant 80 : index
        %get3A_111 = tpu.vector_load %arg6[%get3A_109, %get3A_110] {strides = array<i32>} : memref<128x768xf32, #tpu.memory_space<vmem>>, vector<1x16xf32>,
        %get3A_112 = vector.shape_cast %get3A_111 : vector<1x16xf32> to vector<16xf32>
        %add3A_113 = arith.constant 64 : i32
        %add3A_114 = arith.addi %add3A_113, %scan3A_30 : i32
        %get3A_115 = arith.index_cast %add3A_114 : i32 to index
        %get3A_116 = arith.constant 80 : index
        %get3A_117 = tpu.vector_load %arg6[%get3A_115, %get3A_116] {strides = array<i32>} : memref<128x768xf32, #tpu.memory_space<vmem>>, vector<1x16xf32>,
        %get3A_118 = vector.shape_cast %get3A_117 : vector<1x16xf32> to vector<16xf32>
        %add3A_119 = arith.addf %get3A_112, %get3A_118 : vector<16xf32>
        %swap3A_120 = arith.index_cast %scan3A_30 : i32 to index
        %swap3A_121 = arith.constant 80 : index
        %swap3A_122 = tpu.vector_load %arg6[%swap3A_120, %swap3A_121] {strides = array<i32>} : memref<128x768xf32, #tpu.memory_space<vmem>>, vector<1x16xf32>,
        %swap3A_123 = vector.shape_cast %swap3A_122 : vector<1x16xf32> to vector<16xf32>
        %swap3A_124 = vector.shape_cast %add3A_119 : vector<16xf32> to vector<1x16xf32>
        tpu.vector_store %arg6[%swap3A_120, %swap3A_121], %swap3A_124 {strides = array<i32>} : memref<128x768xf32, #tpu.memory_space<vmem>>, vector<1x16xf32>,
        %get3A_125 = arith.index_cast %scan3A_30 : i32 to index
        %get3A_126 = arith.constant 96 : index
        %get3A_127 = tpu.vector_load %arg6[%get3A_125, %get3A_126] {strides = array<i32>} : memref<128x768xf32, #tpu.memory_space<vmem>>, vector<1x16xf32>,
        %get3A_128 = vector.shape_cast %get3A_127 : vector<1x16xf32> to vector<16xf32>
        %add3A_129 = arith.constant 64 : i32
        %add3A_130 = arith.addi %add3A_129, %scan3A_30 : i32
        %get3A_131 = arith.index_cast %add3A_130 : i32 to index
        %get3A_132 = arith.constant 96 : index
        %get3A_133 = tpu.vector_load %arg6[%get3A_131, %get3A_132] {strides = array<i32>} : memref<128x768xf32, #tpu.memory_space<vmem>>, vector<1x16xf32>,
        %get3A_134 = vector.shape_cast %get3A_133 : vector<1x16xf32> to vector<16xf32>
        %add3A_135 = arith.addf %get3A_128, %get3A_134 : vector<16xf32>
        %swap3A_136 = arith.index_cast %scan3A_30 : i32 to index
        %swap3A_137 = arith.constant 96 : index
        %swap3A_138 = tpu.vector_load %arg6[%swap3A_136, %swap3A_137] {strides = array<i32>} : memref<128x768xf32, #tpu.memory_space<vmem>>, vector<1x16xf32>,
        %swap3A_139 = vector.shape_cast %swap3A_138 : vector<1x16xf32> to vector<16xf32>
        %swap3A_140 = vector.shape_cast %add3A_135 : vector<16xf32> to vector<1x16xf32>
        tpu.vector_store %arg6[%swap3A_136, %swap3A_137], %swap3A_140 {strides = array<i32>} : memref<128x768xf32, #tpu.memory_space<vmem>>, vector<1x16xf32>,
        %get3A_141 = arith.index_cast %scan3A_30 : i32 to index
        %get3A_142 = arith.constant 112 : index
        %get3A_143 = tpu.vector_load %arg6[%get3A_141, %get3A_142] {strides = array<i32>} : memref<128x768xf32, #tpu.memory_space<vmem>>, vector<1x16xf32>,
        %get3A_144 = vector.shape_cast %get3A_143 : vector<1x16xf32> to vector<16xf32>
        %add3A_145 = arith.constant 64 : i32
        %add3A_146 = arith.addi %add3A_145, %scan3A_30 : i32
        %get3A_147 = arith.index_cast %add3A_146 : i32 to index
        %get3A_148 = arith.constant 112 : index
        %get3A_149 = tpu.vector_load %arg6[%get3A_147, %get3A_148] {strides = array<i32>} : memref<128x768xf32, #tpu.memory_space<vmem>>, vector<1x16xf32>,
        %get3A_150 = vector.shape_cast %get3A_149 : vector<1x16xf32> to vector<16xf32>
        %add3A_151 = arith.addf %get3A_144, %get3A_150 : vector<16xf32>
        %swap3A_152 = arith.index_cast %scan3A_30 : i32 to index
        %swap3A_153 = arith.constant 112 : index
        %swap3A_154 = tpu.vector_load %arg6[%swap3A_152, %swap3A_153] {strides = array<i32>} : memref<128x768xf32, #tpu.memory_space<vmem>>, vector<1x16xf32>,
        %swap3A_155 = vector.shape_cast %swap3A_154 : vector<1x16xf32> to vector<16xf32>
        %swap3A_156 = vector.shape_cast %add3A_151 : vector<16xf32> to vector<1x16xf32>
        tpu.vector_store %arg6[%swap3A_152, %swap3A_153], %swap3A_156 {strides = array<i32>} : memref<128x768xf32, #tpu.memory_space<vmem>>, vector<1x16xf32>,
        %get3A_157 = arith.index_cast %scan3A_30 : i32 to index
        %get3A_158 = arith.constant 128 : index
        %get3A_159 = tpu.vector_load %arg6[%get3A_157, %get3A_158] {strides = array<i32>} : memref<128x768xf32, #tpu.memory_space<vmem>>, vector<1x16xf32>,
        %get3A_160 = vector.shape_cast %get3A_159 : vector<1x16xf32> to vector<16xf32>
        %add3A_161 = arith.constant 64 : i32
        %add3A_162 = arith.addi %add3A_161, %scan3A_30 : i32
        %get3A_163 = arith.index_cast %add3A_162 : i32 to index
        %get3A_164 = arith.constant 128 : index
        %get3A_165 = tpu.vector_load %arg6[%get3A_163, %get3A_164] {strides = array<i32>} : memref<128x768xf32, #tpu.memory_space<vmem>>, vector<1x16xf32>,
        %get3A_166 = vector.shape_cast %get3A_165 : vector<1x16xf32> to vector<16xf32>
        %add3A_167 = arith.addf %get3A_160, %get3A_166 : vector<16xf32>
        %swap3A_168 = arith.index_cast %scan3A_30 : i32 to index
        %swap3A_169 = arith.constant 128 : index
        %swap3A_170 = tpu.vector_load %arg6[%swap3A_168, %swap3A_169] {strides = array<i32>} : memref<128x768xf32, #tpu.memory_space<vmem>>, vector<1x16xf32>,
        %swap3A_171 = vector.shape_cast %swap3A_170 : vector<1x16xf32> to vector<16xf32>
        %swap3A_172 = vector.shape_cast %add3A_167 : vector<16xf32> to vector<1x16xf32>
        tpu.vector_store %arg6[%swap3A_168, %swap3A_169], %swap3A_172 {strides = array<i32>} : memref<128x768xf32, #tpu.memory_space<vmem>>, vector<1x16xf32>,
        %get3A_173 = arith.index_cast %scan3A_30 : i32 to index
        %get3A_174 = arith.constant 144 : index
        %get3A_175 = tpu.vector_load %arg6[%get3A_173, %get3A_174] {strides = array<i32>} : memref<128x768xf32, #tpu.memory_space<vmem>>, vector<1x16xf32>,
        %get3A_176 = vector.shape_cast %get3A_175 : vector<1x16xf32> to vector<16xf32>
        %add3A_177 = arith.constant 64 : i32
        %add3A_178 = arith.addi %add3A_177, %scan3A_30 : i32
        %get3A_179 = arith.index_cast %add3A_178 : i32 to index
        %get3A_180 = arith.constant 144 : index
        %get3A_181 = tpu.vector_load %arg6[%get3A_179, %get3A_180] {strides = array<i32>} : memref<128x768xf32, #tpu.memory_space<vmem>>, vector<1x16xf32>,
        %get3A_182 = vector.shape_cast %get3A_181 : vector<1x16xf32> to vector<16xf32>
        %add3A_183 = arith.addf %get3A_176, %get3A_182 : vector<16xf32>
        %swap3A_184 = arith.index_cast %scan3A_30 : i32 to index
        %swap3A_185 = arith.constant 144 : index
        %swap3A_186 = tpu.vector_load %arg6[%swap3A_184, %swap3A_185] {strides = array<i32>} : memref<128x768xf32, #tpu.memory_space<vmem>>, vector<1x16xf32>,
        %swap3A_187 = vector.shape_cast %swap3A_186 : vector<1x16xf32> to vector<16xf32>
        %swap3A_188 = vector.shape_cast %add3A_183 : vector<16xf32> to vector<1x16xf32>
        tpu.vector_store %arg6[%swap3A_184, %swap3A_185], %swap3A_188 {strides = array<i32>} : memref<128x768xf32, #tpu.memory_space<vmem>>, vector<1x16xf32>,
        %get3A_189 = arith.index_cast %scan3A_30 : i32 to index
        %get3A_190 = arith.constant 160 : index
        %get3A_191 = tpu.vector_load %arg6[%get3A_189, %get3A_190] {strides = array<i32>} : memref<128x768xf32, #tpu.memory_space<vmem>>, vector<1x16xf32>,
        %get3A_192 = vector.shape_cast %get3A_191 : vector<1x16xf32> to vector<16xf32>
        %add3A_193 = arith.constant 64 : i32
        %add3A_194 = arith.addi %add3A_193, %scan3A_30 : i32
        %get3A_195 = arith.index_cast %add3A_194 : i32 to index
        %get3A_196 = arith.constant 160 : index
        %get3A_197 = tpu.vector_load %arg6[%get3A_195, %get3A_196] {strides = array<i32>} : memref<128x768xf32, #tpu.memory_space<vmem>>, vector<1x16xf32>,
        %get3A_198 = vector.shape_cast %get3A_197 : vector<1x16xf32> to vector<16xf32>
        %add3A_199 = arith.addf %get3A_192, %get3A_198 : vector<16xf32>
        %swap3A_200 = arith.index_cast %scan3A_30 : i32 to index
        %swap3A_201 = arith.constant 160 : index
        %swap3A_202 = tpu.vector_load %arg6[%swap3A_200, %swap3A_201] {strides = array<i32>} : memref<128x768xf32, #tpu.memory_space<vmem>>, vector<1x16xf32>,
        %swap3A_203 = vector.shape_cast %swap3A_202 : vector<1x16xf32> to vector<16xf32>
        %swap3A_204 = vector.shape_cast %add3A_199 : vector<16xf32> to vector<1x16xf32>
        tpu.vector_store %arg6[%swap3A_200, %swap3A_201], %swap3A_204 {strides = array<i32>} : memref<128x768xf32, #tpu.memory_space<vmem>>, vector<1x16xf32>,
        %get3A_205 = arith.index_cast %scan3A_30 : i32 to index
        %get3A_206 = arith.constant 176 : index
        %get3A_207 = tpu.vector_load %arg6[%get3A_205, %get3A_206] {strides = array<i32>} : memref<128x768xf32, #tpu.memory_space<vmem>>, vector<1x16xf32>,
        %get3A_208 = vector.shape_cast %get3A_207 : vector<1x16xf32> to vector<16xf32>
        %add3A_209 = arith.constant 64 : i32
        %add3A_210 = arith.addi %add3A_209, %scan3A_30 : i32
        %get3A_211 = arith.index_cast %add3A_210 : i32 to index
        %get3A_212 = arith.constant 176 : index
        %get3A_213 = tpu.vector_load %arg6[%get3A_211, %get3A_212] {strides = array<i32>} : memref<128x768xf32, #tpu.memory_space<vmem>>, vector<1x16xf32>,
        %get3A_214 = vector.shape_cast %get3A_213 : vector<1x16xf32> to vector<16xf32>
        %add3A_215 = arith.addf %get3A_208, %get3A_214 : vector<16xf32>
        %swap3A_216 = arith.index_cast %scan3A_30 : i32 to index
        %swap3A_217 = arith.constant 176 : index
        %swap3A_218 = tpu.vector_load %arg6[%swap3A_216, %swap3A_217] {strides = array<i32>} : memref<128x768xf32, #tpu.memory_space<vmem>>, vector<1x16xf32>,
        %swap3A_219 = vector.shape_cast %swap3A_218 : vector<1x16xf32> to vector<16xf32>
        %swap3A_220 = vector.shape_cast %add3A_215 : vector<16xf32> to vector<1x16xf32>
        tpu.vector_store %arg6[%swap3A_216, %swap3A_217], %swap3A_220 {strides = array<i32>} : memref<128x768xf32, #tpu.memory_space<vmem>>, vector<1x16xf32>,
        %get3A_221 = arith.index_cast %scan3A_30 : i32 to index
        %get3A_222 = arith.constant 192 : index
        %get3A_223 = tpu.vector_load %arg6[%get3A_221, %get3A_222] {strides = array<i32>} : memref<128x768xf32, #tpu.memory_space<vmem>>, vector<1x16xf32>,
        %get3A_224 = vector.shape_cast %get3A_223 : vector<1x16xf32> to vector<16xf32>
        %add3A_225 = arith.constant 64 : i32
        %add3A_226 = arith.addi %add3A_225, %scan3A_30 : i32
        %get3A_227 = arith.index_cast %add3A_226 : i32 to index
        %get3A_228 = arith.constant 192 : index
        %get3A_229 = tpu.vector_load %arg6[%get3A_227, %get3A_228] {strides = array<i32>} : memref<128x768xf32, #tpu.memory_space<vmem>>, vector<1x16xf32>,
        %get3A_230 = vector.shape_cast %get3A_229 : vector<1x16xf32> to vector<16xf32>
        %add3A_231 = arith.addf %get3A_224, %get3A_230 : vector<16xf32>
        %swap3A_232 = arith.index_cast %scan3A_30 : i32 to index
        %swap3A_233 = arith.constant 192 : index
        %swap3A_234 = tpu.vector_load %arg6[%swap3A_232, %swap3A_233] {strides = array<i32>} : memref<128x768xf32, #tpu.memory_space<vmem>>, vector<1x16xf32>,
        %swap3A_235 = vector.shape_cast %swap3A_234 : vector<1x16xf32> to vector<16xf32>
        %swap3A_236 = vector.shape_cast %add3A_231 : vector<16xf32> to vector<1x16xf32>
        tpu.vector_store %arg6[%swap3A_232, %swap3A_233], %swap3A_236 {strides = array<i32>} : memref<128x768xf32, #tpu.memory_space<vmem>>, vector<1x16xf32>,
        %get3A_237 = arith.index_cast %scan3A_30 : i32 to index
        %get3A_238 = arith.constant 208 : index
        %get3A_239 = tpu.vector_load %arg6[%get3A_237, %get3A_238] {strides = array<i32>} : memref<128x768xf32, #tpu.memory_space<vmem>>, vector<1x16xf32>,
        %get3A_240 = vector.shape_cast %get3A_239 : vector<1x16xf32> to vector<16xf32>
        %add3A_241 = arith.constant 64 : i32
        %add3A_242 = arith.addi %add3A_241, %scan3A_30 : i32
        %get3A_243 = arith.index_cast %add3A_242 : i32 to index
        %get3A_244 = arith.constant 208 : index
        %get3A_245 = tpu.vector_load %arg6[%get3A_243, %get3A_244] {strides = array<i32>} : memref<128x768xf32, #tpu.memory_space<vmem>>, vector<1x16xf32>,
        %get3A_246 = vector.shape_cast %get3A_245 : vector<1x16xf32> to vector<16xf32>
        %add3A_247 = arith.addf %get3A_240, %get3A_246 : vector<16xf32>
        %swap3A_248 = arith.index_cast %scan3A_30 : i32 to index
        %swap3A_249 = arith.constant 208 : index
        %swap3A_250 = tpu.vector_load %arg6[%swap3A_248, %swap3A_249] {strides = array<i32>} : memref<128x768xf32, #tpu.memory_space<vmem>>, vector<1x16xf32>,
        %swap3A_251 = vector.shape_cast %swap3A_250 : vector<1x16xf32> to vector<16xf32>
        %swap3A_252 = vector.shape_cast %add3A_247 : vector<16xf32> to vector<1x16xf32>
        tpu.vector_store %arg6[%swap3A_248, %swap3A_249], %swap3A_252 {strides = array<i32>} : memref<128x768xf32, #tpu.memory_space<vmem>>, vector<1x16xf32>,
        %get3A_253 = arith.index_cast %scan3A_30 : i32 to index
        %get3A_254 = arith.constant 224 : index
        %get3A_255 = tpu.vector_load %arg6[%get3A_253, %get3A_254] {strides = array<i32>} : memref<128x768xf32, #tpu.memory_space<vmem>>, vector<1x16xf32>,
        %get3A_256 = vector.shape_cast %get3A_255 : vector<1x16xf32> to vector<16xf32>
        %add3A_257 = arith.constant 64 : i32
        %add3A_258 = arith.addi %add3A_257, %scan3A_30 : i32
        %get3A_259 = arith.index_cast %add3A_258 : i32 to index
        %get3A_260 = arith.constant 224 : index
        %get3A_261 = tpu.vector_load %arg6[%get3A_259, %get3A_260] {strides = array<i32>} : memref<128x768xf32, #tpu.memory_space<vmem>>, vector<1x16xf32>,
        %get3A_262 = vector.shape_cast %get3A_261 : vector<1x16xf32> to vector<16xf32>
        %add3A_263 = arith.addf %get3A_256, %get3A_262 : vector<16xf32>
        %swap3A_264 = arith.index_cast %scan3A_30 : i32 to index
        %swap3A_265 = arith.constant 224 : index
        %swap3A_266 = tpu.vector_load %arg6[%swap3A_264, %swap3A_265] {strides = array<i32>} : memref<128x768xf32, #tpu.memory_space<vmem>>, vector<1x16xf32>,
        %swap3A_267 = vector.shape_cast %swap3A_266 : vector<1x16xf32> to vector<16xf32>
        %swap3A_268 = vector.shape_cast %add3A_263 : vector<16xf32> to vector<1x16xf32>
        tpu.vector_store %arg6[%swap3A_264, %swap3A_265], %swap3A_268 {strides = array<i32>} : memref<128x768xf32, #tpu.memory_space<vmem>>, vector<1x16xf32>,
        %get3A_269 = arith.index_cast %scan3A_30 : i32 to index
        %get3A_270 = arith.constant 240 : index
        %get3A_271 = tpu.vector_load %arg6[%get3A_269, %get3A_270] {strides = array<i32>} : memref<128x768xf32, #tpu.memory_space<vmem>>, vector<1x16xf32>,
        %get3A_272 = vector.shape_cast %get3A_271 : vector<1x16xf32> to vector<16xf32>
        %add3A_273 = arith.constant 64 : i32
        %add3A_274 = arith.addi %add3A_273, %scan3A_30 : i32
        %get3A_275 = arith.index_cast %add3A_274 : i32 to index
        %get3A_276 = arith.constant 240 : index
        %get3A_277 = tpu.vector_load %arg6[%get3A_275, %get3A_276] {strides = array<i32>} : memref<128x768xf32, #tpu.memory_space<vmem>>, vector<1x16xf32>,
        %get3A_278 = vector.shape_cast %get3A_277 : vector<1x16xf32> to vector<16xf32>
        %add3A_279 = arith.addf %get3A_272, %get3A_278 : vector<16xf32>
        %swap3A_280 = arith.index_cast %scan3A_30 : i32 to index
        %swap3A_281 = arith.constant 240 : index
        %swap3A_282 = tpu.vector_load %arg6[%swap3A_280, %swap3A_281] {strides = array<i32>} : memref<128x768xf32, #tpu.memory_space<vmem>>, vector<1x16xf32>,
        %swap3A_283 = vector.shape_cast %swap3A_282 : vector<1x16xf32> to vector<16xf32>
        %swap3A_284 = vector.shape_cast %add3A_279 : vector<16xf32> to vector<1x16xf32>
        tpu.vector_store %arg6[%swap3A_280, %swap3A_281], %swap3A_284 {strides = array<i32>} : memref<128x768xf32, #tpu.memory_space<vmem>>, vector<1x16xf32>,
        %get3A_285 = arith.index_cast %scan3A_30 : i32 to index
        %get3A_286 = arith.constant 256 : index
        %get3A_287 = tpu.vector_load %arg6[%get3A_285, %get3A_286] {strides = array<i32>} : memref<128x768xf32, #tpu.memory_space<vmem>>, vector<1x16xf32>,
        %get3A_288 = vector.shape_cast %get3A_287 : vector<1x16xf32> to vector<16xf32>
        %add3A_289 = arith.constant 64 : i32
        %add3A_290 = arith.addi %add3A_289, %scan3A_30 : i32
        %get3A_291 = arith.index_cast %add3A_290 : i32 to index
        %get3A_292 = arith.constant 256 : index
        %get3A_293 = tpu.vector_load %arg6[%get3A_291, %get3A_292] {strides = array<i32>} : memref<128x768xf32, #tpu.memory_space<vmem>>, vector<1x16xf32>,
        %get3A_294 = vector.shape_cast %get3A_293 : vector<1x16xf32> to vector<16xf32>
        %add3A_295 = arith.addf %get3A_288, %get3A_294 : vector<16xf32>
        %swap3A_296 = arith.index_cast %scan3A_30 : i32 to index
        %swap3A_297 = arith.constant 256 : index
        %swap3A_298 = tpu.vector_load %arg6[%swap3A_296, %swap3A_297] {strides = array<i32>} : memref<128x768xf32, #tpu.memory_space<vmem>>, vector<1x16xf32>,
        %swap3A_299 = vector.shape_cast %swap3A_298 : vector<1x16xf32> to vector<16xf32>
        %swap3A_300 = vector.shape_cast %add3A_295 : vector<16xf32> to vector<1x16xf32>
        tpu.vector_store %arg6[%swap3A_296, %swap3A_297], %swap3A_300 {strides = array<i32>} : memref<128x768xf32, #tpu.memory_space<vmem>>, vector<1x16xf32>,
        %get3A_301 = arith.index_cast %scan3A_30 : i32 to index
        %get3A_302 = arith.constant 272 : index
        %get3A_303 = tpu.vector_load %arg6[%get3A_301, %get3A_302] {strides = array<i32>} : memref<128x768xf32, #tpu.memory_space<vmem>>, vector<1x16xf32>,
        %get3A_304 = vector.shape_cast %get3A_303 : vector<1x16xf32> to vector<16xf32>
        %add3A_305 = arith.constant 64 : i32
        %add3A_306 = arith.addi %add3A_305, %scan3A_30 : i32
        %get3A_307 = arith.index_cast %add3A_306 : i32 to index
        %get3A_308 = arith.constant 272 : index
        %get3A_309 = tpu.vector_load %arg6[%get3A_307, %get3A_308] {strides = array<i32>} : memref<128x768xf32, #tpu.memory_space<vmem>>, vector<1x16xf32>,
        %get3A_310 = vector.shape_cast %get3A_309 : vector<1x16xf32> to vector<16xf32>
        %add3A_311 = arith.addf %get3A_304, %get3A_310 : vector<16xf32>
        %swap3A_312 = arith.index_cast %scan3A_30 : i32 to index
        %swap3A_313 = arith.constant 272 : index
        %swap3A_314 = tpu.vector_load %arg6[%swap3A_312, %swap3A_313] {strides = array<i32>} : memref<128x768xf32, #tpu.memory_space<vmem>>, vector<1x16xf32>,
        %swap3A_315 = vector.shape_cast %swap3A_314 : vector<1x16xf32> to vector<16xf32>
        %swap3A_316 = vector.shape_cast %add3A_311 : vector<16xf32> to vector<1x16xf32>
        tpu.vector_store %arg6[%swap3A_312, %swap3A_313], %swap3A_316 {strides = array<i32>} : memref<128x768xf32, #tpu.memory_space<vmem>>, vector<1x16xf32>,
        %get3A_317 = arith.index_cast %scan3A_30 : i32 to index
        %get3A_318 = arith.constant 288 : index
        %get3A_319 = tpu.vector_load %arg6[%get3A_317, %get3A_318] {strides = array<i32>} : memref<128x768xf32, #tpu.memory_space<vmem>>, vector<1x16xf32>,
        %get3A_320 = vector.shape_cast %get3A_319 : vector<1x16xf32> to vector<16xf32>
        %add3A_321 = arith.constant 64 : i32
        %add3A_322 = arith.addi %add3A_321, %scan3A_30 : i32
        %get3A_323 = arith.index_cast %add3A_322 : i32 to index
        %get3A_324 = arith.constant 288 : index
        %get3A_325 = tpu.vector_load %arg6[%get3A_323, %get3A_324] {strides = array<i32>} : memref<128x768xf32, #tpu.memory_space<vmem>>, vector<1x16xf32>,
        %get3A_326 = vector.shape_cast %get3A_325 : vector<1x16xf32> to vector<16xf32>
        %add3A_327 = arith.addf %get3A_320, %get3A_326 : vector<16xf32>
        %swap3A_328 = arith.index_cast %scan3A_30 : i32 to index
        %swap3A_329 = arith.constant 288 : index
        %swap3A_330 = tpu.vector_load %arg6[%swap3A_328, %swap3A_329] {strides = array<i32>} : memref<128x768xf32, #tpu.memory_space<vmem>>, vector<1x16xf32>,
        %swap3A_331 = vector.shape_cast %swap3A_330 : vector<1x16xf32> to vector<16xf32>
        %swap3A_332 = vector.shape_cast %add3A_327 : vector<16xf32> to vector<1x16xf32>
        tpu.vector_store %arg6[%swap3A_328, %swap3A_329], %swap3A_332 {strides = array<i32>} : memref<128x768xf32, #tpu.memory_space<vmem>>, vector<1x16xf32>,
        %get3A_333 = arith.index_cast %scan3A_30 : i32 to index
        %get3A_334 = arith.constant 304 : index
        %get3A_335 = tpu.vector_load %arg6[%get3A_333, %get3A_334] {strides = array<i32>} : memref<128x768xf32, #tpu.memory_space<vmem>>, vector<1x16xf32>,
        %get3A_336 = vector.shape_cast %get3A_335 : vector<1x16xf32> to vector<16xf32>
        %add3A_337 = arith.constant 64 : i32
        %add3A_338 = arith.addi %add3A_337, %scan3A_30 : i32
        %get3A_339 = arith.index_cast %add3A_338 : i32 to index
        %get3A_340 = arith.constant 304 : index
        %get3A_341 = tpu.vector_load %arg6[%get3A_339, %get3A_340] {strides = array<i32>} : memref<128x768xf32, #tpu.memory_space<vmem>>, vector<1x16xf32>,
        %get3A_342 = vector.shape_cast %get3A_341 : vector<1x16xf32> to vector<16xf32>
        %add3A_343 = arith.addf %get3A_336, %get3A_342 : vector<16xf32>
        %swap3A_344 = arith.index_cast %scan3A_30 : i32 to index
        %swap3A_345 = arith.constant 304 : index
        %swap3A_346 = tpu.vector_load %arg6[%swap3A_344, %swap3A_345] {strides = array<i32>} : memref<128x768xf32, #tpu.memory_space<vmem>>, vector<1x16xf32>,
        %swap3A_347 = vector.shape_cast %swap3A_346 : vector<1x16xf32> to vector<16xf32>
        %swap3A_348 = vector.shape_cast %add3A_343 : vector<16xf32> to vector<1x16xf32>
        tpu.vector_store %arg6[%swap3A_344, %swap3A_345], %swap3A_348 {strides = array<i32>} : memref<128x768xf32, #tpu.memory_space<vmem>>, vector<1x16xf32>,
        %get3A_349 = arith.index_cast %scan3A_30 : i32 to index
        %get3A_350 = arith.constant 320 : index
        %get3A_351 = tpu.vector_load %arg6[%get3A_349, %get3A_350] {strides = array<i32>} : memref<128x768xf32, #tpu.memory_space<vmem>>, vector<1x16xf32>,
        %get3A_352 = vector.shape_cast %get3A_351 : vector<1x16xf32> to vector<16xf32>
        %add3A_353 = arith.constant 64 : i32
        %add3A_354 = arith.addi %add3A_353, %scan3A_30 : i32
        %get3A_355 = arith.index_cast %add3A_354 : i32 to index
        %get3A_356 = arith.constant 320 : index
        %get3A_357 = tpu.vector_load %arg6[%get3A_355, %get3A_356] {strides = array<i32>} : memref<128x768xf32, #tpu.memory_space<vmem>>, vector<1x16xf32>,
        %get3A_358 = vector.shape_cast %get3A_357 : vector<1x16xf32> to vector<16xf32>
        %add3A_359 = arith.addf %get3A_352, %get3A_358 : vector<16xf32>
        %swap3A_360 = arith.index_cast %scan3A_30 : i32 to index
        %swap3A_361 = arith.constant 320 : index
        %swap3A_362 = tpu.vector_load %arg6[%swap3A_360, %swap3A_361] {strides = array<i32>} : memref<128x768xf32, #tpu.memory_space<vmem>>, vector<1x16xf32>,
        %swap3A_363 = vector.shape_cast %swap3A_362 : vector<1x16xf32> to vector<16xf32>
        %swap3A_364 = vector.shape_cast %add3A_359 : vector<16xf32> to vector<1x16xf32>
        tpu.vector_store %arg6[%swap3A_360, %swap3A_361], %swap3A_364 {strides = array<i32>} : memref<128x768xf32, #tpu.memory_space<vmem>>, vector<1x16xf32>,
        %get3A_365 = arith.index_cast %scan3A_30 : i32 to index
        %get3A_366 = arith.constant 336 : index
        %get3A_367 = tpu.vector_load %arg6[%get3A_365, %get3A_366] {strides = array<i32>} : memref<128x768xf32, #tpu.memory_space<vmem>>, vector<1x16xf32>,
        %get3A_368 = vector.shape_cast %get3A_367 : vector<1x16xf32> to vector<16xf32>
        %add3A_369 = arith.constant 64 : i32
        %add3A_370 = arith.addi %add3A_369, %scan3A_30 : i32
        %get3A_371 = arith.index_cast %add3A_370 : i32 to index
        %get3A_372 = arith.constant 336 : index
        %get3A_373 = tpu.vector_load %arg6[%get3A_371, %get3A_372] {strides = array<i32>} : memref<128x768xf32, #tpu.memory_space<vmem>>, vector<1x16xf32>,
        %get3A_374 = vector.shape_cast %get3A_373 : vector<1x16xf32> to vector<16xf32>
        %add3A_375 = arith.addf %get3A_368, %get3A_374 : vector<16xf32>
        %swap3A_376 = arith.index_cast %scan3A_30 : i32 to index
        %swap3A_377 = arith.constant 336 : index
        %swap3A_378 = tpu.vector_load %arg6[%swap3A_376, %swap3A_377] {strides = array<i32>} : memref<128x768xf32, #tpu.memory_space<vmem>>, vector<1x16xf32>,
        %swap3A_379 = vector.shape_cast %swap3A_378 : vector<1x16xf32> to vector<16xf32>
        %swap3A_380 = vector.shape_cast %add3A_375 : vector<16xf32> to vector<1x16xf32>
        tpu.vector_store %arg6[%swap3A_376, %swap3A_377], %swap3A_380 {strides = array<i32>} : memref<128x768xf32, #tpu.memory_space<vmem>>, vector<1x16xf32>,
        %get3A_381 = arith.index_cast %scan3A_30 : i32 to index
        %get3A_382 = arith.constant 352 : index
        %get3A_383 = tpu.vector_load %arg6[%get3A_381, %get3A_382] {strides = array<i32>} : memref<128x768xf32, #tpu.memory_space<vmem>>, vector<1x16xf32>,
        %get3A_384 = vector.shape_cast %get3A_383 : vector<1x16xf32> to vector<16xf32>
        %add3A_385 = arith.constant 64 : i32
        %add3A_386 = arith.addi %add3A_385, %scan3A_30 : i32
        %get3A_387 = arith.index_cast %add3A_386 : i32 to index
        %get3A_388 = arith.constant 352 : index
        %get3A_389 = tpu.vector_load %arg6[%get3A_387, %get3A_388] {strides = array<i32>} : memref<128x768xf32, #tpu.memory_space<vmem>>, vector<1x16xf32>,
        %get3A_390 = vector.shape_cast %get3A_389 : vector<1x16xf32> to vector<16xf32>
        %add3A_391 = arith.addf %get3A_384, %get3A_390 : vector<16xf32>
        %swap3A_392 = arith.index_cast %scan3A_30 : i32 to index
        %swap3A_393 = arith.constant 352 : index
        %swap3A_394 = tpu.vector_load %arg6[%swap3A_392, %swap3A_393] {strides = array<i32>} : memref<128x768xf32, #tpu.memory_space<vmem>>, vector<1x16xf32>,
        %swap3A_395 = vector.shape_cast %swap3A_394 : vector<1x16xf32> to vector<16xf32>
        %swap3A_396 = vector.shape_cast %add3A_391 : vector<16xf32> to vector<1x16xf32>
        tpu.vector_store %arg6[%swap3A_392, %swap3A_393], %swap3A_396 {strides = array<i32>} : memref<128x768xf32, #tpu.memory_space<vmem>>, vector<1x16xf32>,
        %get3A_397 = arith.index_cast %scan3A_30 : i32 to index
        %get3A_398 = arith.constant 368 : index
        %get3A_399 = tpu.vector_load %arg6[%get3A_397, %get3A_398] {strides = array<i32>} : memref<128x768xf32, #tpu.memory_space<vmem>>, vector<1x16xf32>,
        %get3A_400 = vector.shape_cast %get3A_399 : vector<1x16xf32> to vector<16xf32>
        %add3A_401 = arith.constant 64 : i32
        %add3A_402 = arith.addi %add3A_401, %scan3A_30 : i32
        %get3A_403 = arith.index_cast %add3A_402 : i32 to index
        %get3A_404 = arith.constant 368 : index
        %get3A_405 = tpu.vector_load %arg6[%get3A_403, %get3A_404] {strides = array<i32>} : memref<128x768xf32, #tpu.memory_space<vmem>>, vector<1x16xf32>,
        %get3A_406 = vector.shape_cast %get3A_405 : vector<1x16xf32> to vector<16xf32>
        %add3A_407 = arith.addf %get3A_400, %get3A_406 : vector<16xf32>
        %swap3A_408 = arith.index_cast %scan3A_30 : i32 to index
        %swap3A_409 = arith.constant 368 : index
        %swap3A_410 = tpu.vector_load %arg6[%swap3A_408, %swap3A_409] {strides = array<i32>} : memref<128x768xf32, #tpu.memory_space<vmem>>, vector<1x16xf32>,
        %swap3A_411 = vector.shape_cast %swap3A_410 : vector<1x16xf32> to vector<16xf32>
        %swap3A_412 = vector.shape_cast %add3A_407 : vector<16xf32> to vector<1x16xf32>
        tpu.vector_store %arg6[%swap3A_408, %swap3A_409], %swap3A_412 {strides = array<i32>} : memref<128x768xf32, #tpu.memory_space<vmem>>, vector<1x16xf32>,
        %get3A_413 = arith.index_cast %scan3A_30 : i32 to index
        %get3A_414 = arith.constant 384 : index
        %get3A_415 = tpu.vector_load %arg6[%get3A_413, %get3A_414] {strides = array<i32>} : memref<128x768xf32, #tpu.memory_space<vmem>>, vector<1x16xf32>,
        %get3A_416 = vector.shape_cast %get3A_415 : vector<1x16xf32> to vector<16xf32>
        %add3A_417 = arith.constant 64 : i32
        %add3A_418 = arith.addi %add3A_417, %scan3A_30 : i32
        %get3A_419 = arith.index_cast %add3A_418 : i32 to index
        %get3A_420 = arith.constant 384 : index
        %get3A_421 = tpu.vector_load %arg6[%get3A_419, %get3A_420] {strides = array<i32>} : memref<128x768xf32, #tpu.memory_space<vmem>>, vector<1x16xf32>,
        %get3A_422 = vector.shape_cast %get3A_421 : vector<1x16xf32> to vector<16xf32>
        %add3A_423 = arith.addf %get3A_416, %get3A_422 : vector<16xf32>
        %swap3A_424 = arith.index_cast %scan3A_30 : i32 to index
        %swap3A_425 = arith.constant 384 : index
        %swap3A_426 = tpu.vector_load %arg6[%swap3A_424, %swap3A_425] {strides = array<i32>} : memref<128x768xf32, #tpu.memory_space<vmem>>, vector<1x16xf32>,
        %swap3A_427 = vector.shape_cast %swap3A_426 : vector<1x16xf32> to vector<16xf32>
        %swap3A_428 = vector.shape_cast %add3A_423 : vector<16xf32> to vector<1x16xf32>
        tpu.vector_store %arg6[%swap3A_424, %swap3A_425], %swap3A_428 {strides = array<i32>} : memref<128x768xf32, #tpu.memory_space<vmem>>, vector<1x16xf32>,
        %get3A_429 = arith.index_cast %scan3A_30 : i32 to index
        %get3A_430 = arith.constant 400 : index
        %get3A_431 = tpu.vector_load %arg6[%get3A_429, %get3A_430] {strides = array<i32>} : memref<128x768xf32, #tpu.memory_space<vmem>>, vector<1x16xf32>,
        %get3A_432 = vector.shape_cast %get3A_431 : vector<1x16xf32> to vector<16xf32>
        %add3A_433 = arith.constant 64 : i32
        %add3A_434 = arith.addi %add3A_433, %scan3A_30 : i32
        %get3A_435 = arith.index_cast %add3A_434 : i32 to index
        %get3A_436 = arith.constant 400 : index
        %get3A_437 = tpu.vector_load %arg6[%get3A_435, %get3A_436] {strides = array<i32>} : memref<128x768xf32, #tpu.memory_space<vmem>>, vector<1x16xf32>,
        %get3A_438 = vector.shape_cast %get3A_437 : vector<1x16xf32> to vector<16xf32>
        %add3A_439 = arith.addf %get3A_432, %get3A_438 : vector<16xf32>
        %swap3A_440 = arith.index_cast %scan3A_30 : i32 to index
        %swap3A_441 = arith.constant 400 : index
        %swap3A_442 = tpu.vector_load %arg6[%swap3A_440, %swap3A_441] {strides = array<i32>} : memref<128x768xf32, #tpu.memory_space<vmem>>, vector<1x16xf32>,
        %swap3A_443 = vector.shape_cast %swap3A_442 : vector<1x16xf32> to vector<16xf32>
        %swap3A_444 = vector.shape_cast %add3A_439 : vector<16xf32> to vector<1x16xf32>
        tpu.vector_store %arg6[%swap3A_440, %swap3A_441], %swap3A_444 {strides = array<i32>} : memref<128x768xf32, #tpu.memory_space<vmem>>, vector<1x16xf32>,
        %get3A_445 = arith.index_cast %scan3A_30 : i32 to index
        %get3A_446 = arith.constant 416 : index
        %get3A_447 = tpu.vector_load %arg6[%get3A_445, %get3A_446] {strides = array<i32>} : memref<128x768xf32, #tpu.memory_space<vmem>>, vector<1x16xf32>,
        %get3A_448 = vector.shape_cast %get3A_447 : vector<1x16xf32> to vector<16xf32>
        %add3A_449 = arith.constant 64 : i32
        %add3A_450 = arith.addi %add3A_449, %scan3A_30 : i32
        %get3A_451 = arith.index_cast %add3A_450 : i32 to index
        %get3A_452 = arith.constant 416 : index
        %get3A_453 = tpu.vector_load %arg6[%get3A_451, %get3A_452] {strides = array<i32>} : memref<128x768xf32, #tpu.memory_space<vmem>>, vector<1x16xf32>,
        %get3A_454 = vector.shape_cast %get3A_453 : vector<1x16xf32> to vector<16xf32>
        %add3A_455 = arith.addf %get3A_448, %get3A_454 : vector<16xf32>
        %swap3A_456 = arith.index_cast %scan3A_30 : i32 to index
        %swap3A_457 = arith.constant 416 : index
        %swap3A_458 = tpu.vector_load %arg6[%swap3A_456, %swap3A_457] {strides = array<i32>} : memref<128x768xf32, #tpu.memory_space<vmem>>, vector<1x16xf32>,
        %swap3A_459 = vector.shape_cast %swap3A_458 : vector<1x16xf32> to vector<16xf32>
        %swap3A_460 = vector.shape_cast %add3A_455 : vector<16xf32> to vector<1x16xf32>
        tpu.vector_store %arg6[%swap3A_456, %swap3A_457], %swap3A_460 {strides = array<i32>} : memref<128x768xf32, #tpu.memory_space<vmem>>, vector<1x16xf32>,
        %get3A_461 = arith.index_cast %scan3A_30 : i32 to index
        %get3A_462 = arith.constant 432 : index
        %get3A_463 = tpu.vector_load %arg6[%get3A_461, %get3A_462] {strides = array<i32>} : memref<128x768xf32, #tpu.memory_space<vmem>>, vector<1x16xf32>,
        %get3A_464 = vector.shape_cast %get3A_463 : vector<1x16xf32> to vector<16xf32>
        %add3A_465 = arith.constant 64 : i32
        %add3A_466 = arith.addi %add3A_465, %scan3A_30 : i32
        %get3A_467 = arith.index_cast %add3A_466 : i32 to index
        %get3A_468 = arith.constant 432 : index
        %get3A_469 = tpu.vector_load %arg6[%get3A_467, %get3A_468] {strides = array<i32>} : memref<128x768xf32, #tpu.memory_space<vmem>>, vector<1x16xf32>,
        %get3A_470 = vector.shape_cast %get3A_469 : vector<1x16xf32> to vector<16xf32>
        %add3A_471 = arith.addf %get3A_464, %get3A_470 : vector<16xf32>
        %swap3A_472 = arith.index_cast %scan3A_30 : i32 to index
        %swap3A_473 = arith.constant 432 : index
        %swap3A_474 = tpu.vector_load %arg6[%swap3A_472, %swap3A_473] {strides = array<i32>} : memref<128x768xf32, #tpu.memory_space<vmem>>, vector<1x16xf32>,
        %swap3A_475 = vector.shape_cast %swap3A_474 : vector<1x16xf32> to vector<16xf32>
        %swap3A_476 = vector.shape_cast %add3A_471 : vector<16xf32> to vector<1x16xf32>
        tpu.vector_store %arg6[%swap3A_472, %swap3A_473], %swap3A_476 {strides = array<i32>} : memref<128x768xf32, #tpu.memory_space<vmem>>, vector<1x16xf32>,
        %get3A_477 = arith.index_cast %scan3A_30 : i32 to index
        %get3A_478 = arith.constant 448 : index
        %get3A_479 = tpu.vector_load %arg6[%get3A_477, %get3A_478] {strides = array<i32>} : memref<128x768xf32, #tpu.memory_space<vmem>>, vector<1x16xf32>,
        %get3A_480 = vector.shape_cast %get3A_479 : vector<1x16xf32> to vector<16xf32>
        %add3A_481 = arith.constant 64 : i32
        %add3A_482 = arith.addi %add3A_481, %scan3A_30 : i32
        %get3A_483 = arith.index_cast %add3A_482 : i32 to index
        %get3A_484 = arith.constant 448 : index
        %get3A_485 = tpu.vector_load %arg6[%get3A_483, %get3A_484] {strides = array<i32>} : memref<128x768xf32, #tpu.memory_space<vmem>>, vector<1x16xf32>,
        %get3A_486 = vector.shape_cast %get3A_485 : vector<1x16xf32> to vector<16xf32>
        %add3A_487 = arith.addf %get3A_480, %get3A_486 : vector<16xf32>
        %swap3A_488 = arith.index_cast %scan3A_30 : i32 to index
        %swap3A_489 = arith.constant 448 : index
        %swap3A_490 = tpu.vector_load %arg6[%swap3A_488, %swap3A_489] {strides = array<i32>} : memref<128x768xf32, #tpu.memory_space<vmem>>, vector<1x16xf32>,
        %swap3A_491 = vector.shape_cast %swap3A_490 : vector<1x16xf32> to vector<16xf32>
        %swap3A_492 = vector.shape_cast %add3A_487 : vector<16xf32> to vector<1x16xf32>
        tpu.vector_store %arg6[%swap3A_488, %swap3A_489], %swap3A_492 {strides = array<i32>} : memref<128x768xf32, #tpu.memory_space<vmem>>, vector<1x16xf32>,
        %get3A_493 = arith.index_cast %scan3A_30 : i32 to index
        %get3A_494 = arith.constant 464 : index
        %get3A_495 = tpu.vector_load %arg6[%get3A_493, %get3A_494] {strides = array<i32>} : memref<128x768xf32, #tpu.memory_space<vmem>>, vector<1x16xf32>,
        %get3A_496 = vector.shape_cast %get3A_495 : vector<1x16xf32> to vector<16xf32>
        %add3A_497 = arith.constant 64 : i32
        %add3A_498 = arith.addi %add3A_497, %scan3A_30 : i32
        %get3A_499 = arith.index_cast %add3A_498 : i32 to index
        %get3A_500 = arith.constant 464 : index
        %get3A_501 = tpu.vector_load %arg6[%get3A_499, %get3A_500] {strides = array<i32>} : memref<128x768xf32, #tpu.memory_space<vmem>>, vector<1x16xf32>,
        %get3A_502 = vector.shape_cast %get3A_501 : vector<1x16xf32> to vector<16xf32>
        %add3A_503 = arith.addf %get3A_496, %get3A_502 : vector<16xf32>
        %swap3A_504 = arith.index_cast %scan3A_30 : i32 to index
        %swap3A_505 = arith.constant 464 : index
        %swap3A_506 = tpu.vector_load %arg6[%swap3A_504, %swap3A_505] {strides = array<i32>} : memref<128x768xf32, #tpu.memory_space<vmem>>, vector<1x16xf32>,
        %swap3A_507 = vector.shape_cast %swap3A_506 : vector<1x16xf32> to vector<16xf32>
        %swap3A_508 = vector.shape_cast %add3A_503 : vector<16xf32> to vector<1x16xf32>
        tpu.vector_store %arg6[%swap3A_504, %swap3A_505], %swap3A_508 {strides = array<i32>} : memref<128x768xf32, #tpu.memory_space<vmem>>, vector<1x16xf32>,
        %get3A_509 = arith.index_cast %scan3A_30 : i32 to index
        %get3A_510 = arith.constant 480 : index
        %get3A_511 = tpu.vector_load %arg6[%get3A_509, %get3A_510] {strides = array<i32>} : memref<128x768xf32, #tpu.memory_space<vmem>>, vector<1x16xf32>,
        %get3A_512 = vector.shape_cast %get3A_511 : vector<1x16xf32> to vector<16xf32>
        %add3A_513 = arith.constant 64 : i32
        %add3A_514 = arith.addi %add3A_513, %scan3A_30 : i32
        %get3A_515 = arith.index_cast %add3A_514 : i32 to index
        %get3A_516 = arith.constant 480 : index
        %get3A_517 = tpu.vector_load %arg6[%get3A_515, %get3A_516] {strides = array<i32>} : memref<128x768xf32, #tpu.memory_space<vmem>>, vector<1x16xf32>,
        %get3A_518 = vector.shape_cast %get3A_517 : vector<1x16xf32> to vector<16xf32>
        %add3A_519 = arith.addf %get3A_512, %get3A_518 : vector<16xf32>
        %swap3A_520 = arith.index_cast %scan3A_30 : i32 to index
        %swap3A_521 = arith.constant 480 : index
        %swap3A_522 = tpu.vector_load %arg6[%swap3A_520, %swap3A_521] {strides = array<i32>} : memref<128x768xf32, #tpu.memory_space<vmem>>, vector<1x16xf32>,
        %swap3A_523 = vector.shape_cast %swap3A_522 : vector<1x16xf32> to vector<16xf32>
        %swap3A_524 = vector.shape_cast %add3A_519 : vector<16xf32> to vector<1x16xf32>
        tpu.vector_store %arg6[%swap3A_520, %swap3A_521], %swap3A_524 {strides = array<i32>} : memref<128x768xf32, #tpu.memory_space<vmem>>, vector<1x16xf32>,
        %get3A_525 = arith.index_cast %scan3A_30 : i32 to index
        %get3A_526 = arith.constant 496 : index
        %get3A_527 = tpu.vector_load %arg6[%get3A_525, %get3A_526] {strides = array<i32>} : memref<128x768xf32, #tpu.memory_space<vmem>>, vector<1x16xf32>,
        %get3A_528 = vector.shape_cast %get3A_527 : vector<1x16xf32> to vector<16xf32>
        %add3A_529 = arith.constant 64 : i32
        %add3A_530 = arith.addi %add3A_529, %scan3A_30 : i32
        %get3A_531 = arith.index_cast %add3A_530 : i32 to index
        %get3A_532 = arith.constant 496 : index
        %get3A_533 = tpu.vector_load %arg6[%get3A_531, %get3A_532] {strides = array<i32>} : memref<128x768xf32, #tpu.memory_space<vmem>>, vector<1x16xf32>,
        %get3A_534 = vector.shape_cast %get3A_533 : vector<1x16xf32> to vector<16xf32>
        %add3A_535 = arith.addf %get3A_528, %get3A_534 : vector<16xf32>
        %swap3A_536 = arith.index_cast %scan3A_30 : i32 to index
        %swap3A_537 = arith.constant 496 : index
        %swap3A_538 = tpu.vector_load %arg6[%swap3A_536, %swap3A_537] {strides = array<i32>} : memref<128x768xf32, #tpu.memory_space<vmem>>, vector<1x16xf32>,
        %swap3A_539 = vector.shape_cast %swap3A_538 : vector<1x16xf32> to vector<16xf32>
        %swap3A_540 = vector.shape_cast %add3A_535 : vector<16xf32> to vector<1x16xf32>
        tpu.vector_store %arg6[%swap3A_536, %swap3A_537], %swap3A_540 {strides = array<i32>} : memref<128x768xf32, #tpu.memory_space<vmem>>, vector<1x16xf32>,
        %get3A_541 = arith.index_cast %scan3A_30 : i32 to index
        %get3A_542 = arith.constant 512 : index
        %get3A_543 = tpu.vector_load %arg6[%get3A_541, %get3A_542] {strides = array<i32>} : memref<128x768xf32, #tpu.memory_space<vmem>>, vector<1x16xf32>,
        %get3A_544 = vector.shape_cast %get3A_543 : vector<1x16xf32> to vector<16xf32>
        %add3A_545 = arith.constant 64 : i32
        %add3A_546 = arith.addi %add3A_545, %scan3A_30 : i32
        %get3A_547 = arith.index_cast %add3A_546 : i32 to index
        %get3A_548 = arith.constant 512 : index
        %get3A_549 = tpu.vector_load %arg6[%get3A_547, %get3A_548] {strides = array<i32>} : memref<128x768xf32, #tpu.memory_space<vmem>>, vector<1x16xf32>,
        %get3A_550 = vector.shape_cast %get3A_549 : vector<1x16xf32> to vector<16xf32>
        %add3A_551 = arith.addf %get3A_544, %get3A_550 : vector<16xf32>
        %swap3A_552 = arith.index_cast %scan3A_30 : i32 to index
        %swap3A_553 = arith.constant 512 : index
        %swap3A_554 = tpu.vector_load %arg6[%swap3A_552, %swap3A_553] {strides = array<i32>} : memref<128x768xf32, #tpu.memory_space<vmem>>, vector<1x16xf32>,
        %swap3A_555 = vector.shape_cast %swap3A_554 : vector<1x16xf32> to vector<16xf32>
        %swap3A_556 = vector.shape_cast %add3A_551 : vector<16xf32> to vector<1x16xf32>
        tpu.vector_store %arg6[%swap3A_552, %swap3A_553], %swap3A_556 {strides = array<i32>} : memref<128x768xf32, #tpu.memory_space<vmem>>, vector<1x16xf32>,
        %get3A_557 = arith.index_cast %scan3A_30 : i32 to index
        %get3A_558 = arith.constant 528 : index
        %get3A_559 = tpu.vector_load %arg6[%get3A_557, %get3A_558] {strides = array<i32>} : memref<128x768xf32, #tpu.memory_space<vmem>>, vector<1x16xf32>,
        %get3A_560 = vector.shape_cast %get3A_559 : vector<1x16xf32> to vector<16xf32>
        %add3A_561 = arith.constant 64 : i32
        %add3A_562 = arith.addi %add3A_561, %scan3A_30 : i32
        %get3A_563 = arith.index_cast %add3A_562 : i32 to index
        %get3A_564 = arith.constant 528 : index
        %get3A_565 = tpu.vector_load %arg6[%get3A_563, %get3A_564] {strides = array<i32>} : memref<128x768xf32, #tpu.memory_space<vmem>>, vector<1x16xf32>,
        %get3A_566 = vector.shape_cast %get3A_565 : vector<1x16xf32> to vector<16xf32>
        %add3A_567 = arith.addf %get3A_560, %get3A_566 : vector<16xf32>
        %swap3A_568 = arith.index_cast %scan3A_30 : i32 to index
        %swap3A_569 = arith.constant 528 : index
        %swap3A_570 = tpu.vector_load %arg6[%swap3A_568, %swap3A_569] {strides = array<i32>} : memref<128x768xf32, #tpu.memory_space<vmem>>, vector<1x16xf32>,
        %swap3A_571 = vector.shape_cast %swap3A_570 : vector<1x16xf32> to vector<16xf32>
        %swap3A_572 = vector.shape_cast %add3A_567 : vector<16xf32> to vector<1x16xf32>
        tpu.vector_store %arg6[%swap3A_568, %swap3A_569], %swap3A_572 {strides = array<i32>} : memref<128x768xf32, #tpu.memory_space<vmem>>, vector<1x16xf32>,
        %get3A_573 = arith.index_cast %scan3A_30 : i32 to index
        %get3A_574 = arith.constant 544 : index
        %get3A_575 = tpu.vector_load %arg6[%get3A_573, %get3A_574] {strides = array<i32>} : memref<128x768xf32, #tpu.memory_space<vmem>>, vector<1x16xf32>,
        %get3A_576 = vector.shape_cast %get3A_575 : vector<1x16xf32> to vector<16xf32>
        %add3A_577 = arith.constant 64 : i32
        %add3A_578 = arith.addi %add3A_577, %scan3A_30 : i32
        %get3A_579 = arith.index_cast %add3A_578 : i32 to index
        %get3A_580 = arith.constant 544 : index
        %get3A_581 = tpu.vector_load %arg6[%get3A_579, %get3A_580] {strides = array<i32>} : memref<128x768xf32, #tpu.memory_space<vmem>>, vector<1x16xf32>,
        %get3A_582 = vector.shape_cast %get3A_581 : vector<1x16xf32> to vector<16xf32>
        %add3A_583 = arith.addf %get3A_576, %get3A_582 : vector<16xf32>
        %swap3A_584 = arith.index_cast %scan3A_30 : i32 to index
        %swap3A_585 = arith.constant 544 : index
        %swap3A_586 = tpu.vector_load %arg6[%swap3A_584, %swap3A_585] {strides = array<i32>} : memref<128x768xf32, #tpu.memory_space<vmem>>, vector<1x16xf32>,
        %swap3A_587 = vector.shape_cast %swap3A_586 : vector<1x16xf32> to vector<16xf32>
        %swap3A_588 = vector.shape_cast %add3A_583 : vector<16xf32> to vector<1x16xf32>
        tpu.vector_store %arg6[%swap3A_584, %swap3A_585], %swap3A_588 {strides = array<i32>} : memref<128x768xf32, #tpu.memory_space<vmem>>, vector<1x16xf32>,
        %get3A_589 = arith.index_cast %scan3A_30 : i32 to index
        %get3A_590 = arith.constant 560 : index
        %get3A_591 = tpu.vector_load %arg6[%get3A_589, %get3A_590] {strides = array<i32>} : memref<128x768xf32, #tpu.memory_space<vmem>>, vector<1x16xf32>,
        %get3A_592 = vector.shape_cast %get3A_591 : vector<1x16xf32> to vector<16xf32>
        %add3A_593 = arith.constant 64 : i32
        %add3A_594 = arith.addi %add3A_593, %scan3A_30 : i32
        %get3A_595 = arith.index_cast %add3A_594 : i32 to index
        %get3A_596 = arith.constant 560 : index
        %get3A_597 = tpu.vector_load %arg6[%get3A_595, %get3A_596] {strides = array<i32>} : memref<128x768xf32, #tpu.memory_space<vmem>>, vector<1x16xf32>,
        %get3A_598 = vector.shape_cast %get3A_597 : vector<1x16xf32> to vector<16xf32>
        %add3A_599 = arith.addf %get3A_592, %get3A_598 : vector<16xf32>
        %swap3A_600 = arith.index_cast %scan3A_30 : i32 to index
        %swap3A_601 = arith.constant 560 : index
        %swap3A_602 = tpu.vector_load %arg6[%swap3A_600, %swap3A_601] {strides = array<i32>} : memref<128x768xf32, #tpu.memory_space<vmem>>, vector<1x16xf32>,
        %swap3A_603 = vector.shape_cast %swap3A_602 : vector<1x16xf32> to vector<16xf32>
        %swap3A_604 = vector.shape_cast %add3A_599 : vector<16xf32> to vector<1x16xf32>
        tpu.vector_store %arg6[%swap3A_600, %swap3A_601], %swap3A_604 {strides = array<i32>} : memref<128x768xf32, #tpu.memory_space<vmem>>, vector<1x16xf32>,
        %get3A_605 = arith.index_cast %scan3A_30 : i32 to index
        %get3A_606 = arith.constant 576 : index
        %get3A_607 = tpu.vector_load %arg6[%get3A_605, %get3A_606] {strides = array<i32>} : memref<128x768xf32, #tpu.memory_space<vmem>>, vector<1x16xf32>,
        %get3A_608 = vector.shape_cast %get3A_607 : vector<1x16xf32> to vector<16xf32>
        %add3A_609 = arith.constant 64 : i32
        %add3A_610 = arith.addi %add3A_609, %scan3A_30 : i32
        %get3A_611 = arith.index_cast %add3A_610 : i32 to index
        %get3A_612 = arith.constant 576 : index
        %get3A_613 = tpu.vector_load %arg6[%get3A_611, %get3A_612] {strides = array<i32>} : memref<128x768xf32, #tpu.memory_space<vmem>>, vector<1x16xf32>,
        %get3A_614 = vector.shape_cast %get3A_613 : vector<1x16xf32> to vector<16xf32>
        %add3A_615 = arith.addf %get3A_608, %get3A_614 : vector<16xf32>
        %swap3A_616 = arith.index_cast %scan3A_30 : i32 to index
        %swap3A_617 = arith.constant 576 : index
        %swap3A_618 = tpu.vector_load %arg6[%swap3A_616, %swap3A_617] {strides = array<i32>} : memref<128x768xf32, #tpu.memory_space<vmem>>, vector<1x16xf32>,
        %swap3A_619 = vector.shape_cast %swap3A_618 : vector<1x16xf32> to vector<16xf32>
        %swap3A_620 = vector.shape_cast %add3A_615 : vector<16xf32> to vector<1x16xf32>
        tpu.vector_store %arg6[%swap3A_616, %swap3A_617], %swap3A_620 {strides = array<i32>} : memref<128x768xf32, #tpu.memory_space<vmem>>, vector<1x16xf32>,
        %get3A_621 = arith.index_cast %scan3A_30 : i32 to index
        %get3A_622 = arith.constant 592 : index
        %get3A_623 = tpu.vector_load %arg6[%get3A_621, %get3A_622] {strides = array<i32>} : memref<128x768xf32, #tpu.memory_space<vmem>>, vector<1x16xf32>,
        %get3A_624 = vector.shape_cast %get3A_623 : vector<1x16xf32> to vector<16xf32>
        %add3A_625 = arith.constant 64 : i32
        %add3A_626 = arith.addi %add3A_625, %scan3A_30 : i32
        %get3A_627 = arith.index_cast %add3A_626 : i32 to index
        %get3A_628 = arith.constant 592 : index
        %get3A_629 = tpu.vector_load %arg6[%get3A_627, %get3A_628] {strides = array<i32>} : memref<128x768xf32, #tpu.memory_space<vmem>>, vector<1x16xf32>,
        %get3A_630 = vector.shape_cast %get3A_629 : vector<1x16xf32> to vector<16xf32>
        %add3A_631 = arith.addf %get3A_624, %get3A_630 : vector<16xf32>
        %swap3A_632 = arith.index_cast %scan3A_30 : i32 to index
        %swap3A_633 = arith.constant 592 : index
        %swap3A_634 = tpu.vector_load %arg6[%swap3A_632, %swap3A_633] {strides = array<i32>} : memref<128x768xf32, #tpu.memory_space<vmem>>, vector<1x16xf32>,
        %swap3A_635 = vector.shape_cast %swap3A_634 : vector<1x16xf32> to vector<16xf32>
        %swap3A_636 = vector.shape_cast %add3A_631 : vector<16xf32> to vector<1x16xf32>
        tpu.vector_store %arg6[%swap3A_632, %swap3A_633], %swap3A_636 {strides = array<i32>} : memref<128x768xf32, #tpu.memory_space<vmem>>, vector<1x16xf32>,
        %get3A_637 = arith.index_cast %scan3A_30 : i32 to index
        %get3A_638 = arith.constant 608 : index
        %get3A_639 = tpu.vector_load %arg6[%get3A_637, %get3A_638] {strides = array<i32>} : memref<128x768xf32, #tpu.memory_space<vmem>>, vector<1x16xf32>,
        %get3A_640 = vector.shape_cast %get3A_639 : vector<1x16xf32> to vector<16xf32>
        %add3A_641 = arith.constant 64 : i32
        %add3A_642 = arith.addi %add3A_641, %scan3A_30 : i32
        %get3A_643 = arith.index_cast %add3A_642 : i32 to index
        %get3A_644 = arith.constant 608 : index
        %get3A_645 = tpu.vector_load %arg6[%get3A_643, %get3A_644] {strides = array<i32>} : memref<128x768xf32, #tpu.memory_space<vmem>>, vector<1x16xf32>,
        %get3A_646 = vector.shape_cast %get3A_645 : vector<1x16xf32> to vector<16xf32>
        %add3A_647 = arith.addf %get3A_640, %get3A_646 : vector<16xf32>
        %swap3A_648 = arith.index_cast %scan3A_30 : i32 to index
        %swap3A_649 = arith.constant 608 : index
        %swap3A_650 = tpu.vector_load %arg6[%swap3A_648, %swap3A_649] {strides = array<i32>} : memref<128x768xf32, #tpu.memory_space<vmem>>, vector<1x16xf32>,
        %swap3A_651 = vector.shape_cast %swap3A_650 : vector<1x16xf32> to vector<16xf32>
        %swap3A_652 = vector.shape_cast %add3A_647 : vector<16xf32> to vector<1x16xf32>
        tpu.vector_store %arg6[%swap3A_648, %swap3A_649], %swap3A_652 {strides = array<i32>} : memref<128x768xf32, #tpu.memory_space<vmem>>, vector<1x16xf32>,
        %get3A_653 = arith.index_cast %scan3A_30 : i32 to index
        %get3A_654 = arith.constant 624 : index
        %get3A_655 = tpu.vector_load %arg6[%get3A_653, %get3A_654] {strides = array<i32>} : memref<128x768xf32, #tpu.memory_space<vmem>>, vector<1x16xf32>,
        %get3A_656 = vector.shape_cast %get3A_655 : vector<1x16xf32> to vector<16xf32>
        %add3A_657 = arith.constant 64 : i32
        %add3A_658 = arith.addi %add3A_657, %scan3A_30 : i32
        %get3A_659 = arith.index_cast %add3A_658 : i32 to index
        %get3A_660 = arith.constant 624 : index
        %get3A_661 = tpu.vector_load %arg6[%get3A_659, %get3A_660] {strides = array<i32>} : memref<128x768xf32, #tpu.memory_space<vmem>>, vector<1x16xf32>,
        %get3A_662 = vector.shape_cast %get3A_661 : vector<1x16xf32> to vector<16xf32>
        %add3A_663 = arith.addf %get3A_656, %get3A_662 : vector<16xf32>
        %swap3A_664 = arith.index_cast %scan3A_30 : i32 to index
        %swap3A_665 = arith.constant 624 : index
        %swap3A_666 = tpu.vector_load %arg6[%swap3A_664, %swap3A_665] {strides = array<i32>} : memref<128x768xf32, #tpu.memory_space<vmem>>, vector<1x16xf32>,
        %swap3A_667 = vector.shape_cast %swap3A_666 : vector<1x16xf32> to vector<16xf32>
        %swap3A_668 = vector.shape_cast %add3A_663 : vector<16xf32> to vector<1x16xf32>
        tpu.vector_store %arg6[%swap3A_664, %swap3A_665], %swap3A_668 {strides = array<i32>} : memref<128x768xf32, #tpu.memory_space<vmem>>, vector<1x16xf32>,
        %get3A_669 = arith.index_cast %scan3A_30 : i32 to index
        %get3A_670 = arith.constant 640 : index
        %get3A_671 = tpu.vector_load %arg6[%get3A_669, %get3A_670] {strides = array<i32>} : memref<128x768xf32, #tpu.memory_space<vmem>>, vector<1x16xf32>,
        %get3A_672 = vector.shape_cast %get3A_671 : vector<1x16xf32> to vector<16xf32>
        %add3A_673 = arith.constant 64 : i32
        %add3A_674 = arith.addi %add3A_673, %scan3A_30 : i32
        %get3A_675 = arith.index_cast %add3A_674 : i32 to index
        %get3A_676 = arith.constant 640 : index
        %get3A_677 = tpu.vector_load %arg6[%get3A_675, %get3A_676] {strides = array<i32>} : memref<128x768xf32, #tpu.memory_space<vmem>>, vector<1x16xf32>,
        %get3A_678 = vector.shape_cast %get3A_677 : vector<1x16xf32> to vector<16xf32>
        %add3A_679 = arith.addf %get3A_672, %get3A_678 : vector<16xf32>
        %swap3A_680 = arith.index_cast %scan3A_30 : i32 to index
        %swap3A_681 = arith.constant 640 : index
        %swap3A_682 = tpu.vector_load %arg6[%swap3A_680, %swap3A_681] {strides = array<i32>} : memref<128x768xf32, #tpu.memory_space<vmem>>, vector<1x16xf32>,
        %swap3A_683 = vector.shape_cast %swap3A_682 : vector<1x16xf32> to vector<16xf32>
        %swap3A_684 = vector.shape_cast %add3A_679 : vector<16xf32> to vector<1x16xf32>
        tpu.vector_store %arg6[%swap3A_680, %swap3A_681], %swap3A_684 {strides = array<i32>} : memref<128x768xf32, #tpu.memory_space<vmem>>, vector<1x16xf32>,
        %get3A_685 = arith.index_cast %scan3A_30 : i32 to index
        %get3A_686 = arith.constant 656 : index
        %get3A_687 = tpu.vector_load %arg6[%get3A_685, %get3A_686] {strides = array<i32>} : memref<128x768xf32, #tpu.memory_space<vmem>>, vector<1x16xf32>,
        %get3A_688 = vector.shape_cast %get3A_687 : vector<1x16xf32> to vector<16xf32>
        %add3A_689 = arith.constant 64 : i32
        %add3A_690 = arith.addi %add3A_689, %scan3A_30 : i32
        %get3A_691 = arith.index_cast %add3A_690 : i32 to index
        %get3A_692 = arith.constant 656 : index
        %get3A_693 = tpu.vector_load %arg6[%get3A_691, %get3A_692] {strides = array<i32>} : memref<128x768xf32, #tpu.memory_space<vmem>>, vector<1x16xf32>,
        %get3A_694 = vector.shape_cast %get3A_693 : vector<1x16xf32> to vector<16xf32>
        %add3A_695 = arith.addf %get3A_688, %get3A_694 : vector<16xf32>
        %swap3A_696 = arith.index_cast %scan3A_30 : i32 to index
        %swap3A_697 = arith.constant 656 : index
        %swap3A_698 = tpu.vector_load %arg6[%swap3A_696, %swap3A_697] {strides = array<i32>} : memref<128x768xf32, #tpu.memory_space<vmem>>, vector<1x16xf32>,
        %swap3A_699 = vector.shape_cast %swap3A_698 : vector<1x16xf32> to vector<16xf32>
        %swap3A_700 = vector.shape_cast %add3A_695 : vector<16xf32> to vector<1x16xf32>
        tpu.vector_store %arg6[%swap3A_696, %swap3A_697], %swap3A_700 {strides = array<i32>} : memref<128x768xf32, #tpu.memory_space<vmem>>, vector<1x16xf32>,
        %get3A_701 = arith.index_cast %scan3A_30 : i32 to index
        %get3A_702 = arith.constant 672 : index
        %get3A_703 = tpu.vector_load %arg6[%get3A_701, %get3A_702] {strides = array<i32>} : memref<128x768xf32, #tpu.memory_space<vmem>>, vector<1x16xf32>,
        %get3A_704 = vector.shape_cast %get3A_703 : vector<1x16xf32> to vector<16xf32>
        %add3A_705 = arith.constant 64 : i32
        %add3A_706 = arith.addi %add3A_705, %scan3A_30 : i32
        %get3A_707 = arith.index_cast %add3A_706 : i32 to index
        %get3A_708 = arith.constant 672 : index
        %get3A_709 = tpu.vector_load %arg6[%get3A_707, %get3A_708] {strides = array<i32>} : memref<128x768xf32, #tpu.memory_space<vmem>>, vector<1x16xf32>,
        %get3A_710 = vector.shape_cast %get3A_709 : vector<1x16xf32> to vector<16xf32>
        %add3A_711 = arith.addf %get3A_704, %get3A_710 : vector<16xf32>
        %swap3A_712 = arith.index_cast %scan3A_30 : i32 to index
        %swap3A_713 = arith.constant 672 : index
        %swap3A_714 = tpu.vector_load %arg6[%swap3A_712, %swap3A_713] {strides = array<i32>} : memref<128x768xf32, #tpu.memory_space<vmem>>, vector<1x16xf32>,
        %swap3A_715 = vector.shape_cast %swap3A_714 : vector<1x16xf32> to vector<16xf32>
        %swap3A_716 = vector.shape_cast %add3A_711 : vector<16xf32> to vector<1x16xf32>
        tpu.vector_store %arg6[%swap3A_712, %swap3A_713], %swap3A_716 {strides = array<i32>} : memref<128x768xf32, #tpu.memory_space<vmem>>, vector<1x16xf32>,
        %get3A_717 = arith.index_cast %scan3A_30 : i32 to index
        %get3A_718 = arith.constant 688 : index
        %get3A_719 = tpu.vector_load %arg6[%get3A_717, %get3A_718] {strides = array<i32>} : memref<128x768xf32, #tpu.memory_space<vmem>>, vector<1x16xf32>,
        %get3A_720 = vector.shape_cast %get3A_719 : vector<1x16xf32> to vector<16xf32>
        %add3A_721 = arith.constant 64 : i32
        %add3A_722 = arith.addi %add3A_721, %scan3A_30 : i32
        %get3A_723 = arith.index_cast %add3A_722 : i32 to index
        %get3A_724 = arith.constant 688 : index
        %get3A_725 = tpu.vector_load %arg6[%get3A_723, %get3A_724] {strides = array<i32>} : memref<128x768xf32, #tpu.memory_space<vmem>>, vector<1x16xf32>,
        %get3A_726 = vector.shape_cast %get3A_725 : vector<1x16xf32> to vector<16xf32>
        %add3A_727 = arith.addf %get3A_720, %get3A_726 : vector<16xf32>
        %swap3A_728 = arith.index_cast %scan3A_30 : i32 to index
        %swap3A_729 = arith.constant 688 : index
        %swap3A_730 = tpu.vector_load %arg6[%swap3A_728, %swap3A_729] {strides = array<i32>} : memref<128x768xf32, #tpu.memory_space<vmem>>, vector<1x16xf32>,
        %swap3A_731 = vector.shape_cast %swap3A_730 : vector<1x16xf32> to vector<16xf32>
        %swap3A_732 = vector.shape_cast %add3A_727 : vector<16xf32> to vector<1x16xf32>
        tpu.vector_store %arg6[%swap3A_728, %swap3A_729], %swap3A_732 {strides = array<i32>} : memref<128x768xf32, #tpu.memory_space<vmem>>, vector<1x16xf32>,
        %get3A_733 = arith.index_cast %scan3A_30 : i32 to index
        %get3A_734 = arith.constant 704 : index
        %get3A_735 = tpu.vector_load %arg6[%get3A_733, %get3A_734] {strides = array<i32>} : memref<128x768xf32, #tpu.memory_space<vmem>>, vector<1x16xf32>,
        %get3A_736 = vector.shape_cast %get3A_735 : vector<1x16xf32> to vector<16xf32>
        %add3A_737 = arith.constant 64 : i32
        %add3A_738 = arith.addi %add3A_737, %scan3A_30 : i32
        %get3A_739 = arith.index_cast %add3A_738 : i32 to index
        %get3A_740 = arith.constant 704 : index
        %get3A_741 = tpu.vector_load %arg6[%get3A_739, %get3A_740] {strides = array<i32>} : memref<128x768xf32, #tpu.memory_space<vmem>>, vector<1x16xf32>,
        %get3A_742 = vector.shape_cast %get3A_741 : vector<1x16xf32> to vector<16xf32>
        %add3A_743 = arith.addf %get3A_736, %get3A_742 : vector<16xf32>
        %swap3A_744 = arith.index_cast %scan3A_30 : i32 to index
        %swap3A_745 = arith.constant 704 : index
        %swap3A_746 = tpu.vector_load %arg6[%swap3A_744, %swap3A_745] {strides = array<i32>} : memref<128x768xf32, #tpu.memory_space<vmem>>, vector<1x16xf32>,
        %swap3A_747 = vector.shape_cast %swap3A_746 : vector<1x16xf32> to vector<16xf32>
        %swap3A_748 = vector.shape_cast %add3A_743 : vector<16xf32> to vector<1x16xf32>
        tpu.vector_store %arg6[%swap3A_744, %swap3A_745], %swap3A_748 {strides = array<i32>} : memref<128x768xf32, #tpu.memory_space<vmem>>, vector<1x16xf32>,
        %get3A_749 = arith.index_cast %scan3A_30 : i32 to index
        %get3A_750 = arith.constant 720 : index
        %get3A_751 = tpu.vector_load %arg6[%get3A_749, %get3A_750] {strides = array<i32>} : memref<128x768xf32, #tpu.memory_space<vmem>>, vector<1x16xf32>,
        %get3A_752 = vector.shape_cast %get3A_751 : vector<1x16xf32> to vector<16xf32>
        %add3A_753 = arith.constant 64 : i32
        %add3A_754 = arith.addi %add3A_753, %scan3A_30 : i32
        %get3A_755 = arith.index_cast %add3A_754 : i32 to index
        %get3A_756 = arith.constant 720 : index
        %get3A_757 = tpu.vector_load %arg6[%get3A_755, %get3A_756] {strides = array<i32>} : memref<128x768xf32, #tpu.memory_space<vmem>>, vector<1x16xf32>,
        %get3A_758 = vector.shape_cast %get3A_757 : vector<1x16xf32> to vector<16xf32>
        %add3A_759 = arith.addf %get3A_752, %get3A_758 : vector<16xf32>
        %swap3A_760 = arith.index_cast %scan3A_30 : i32 to index
        %swap3A_761 = arith.constant 720 : index
        %swap3A_762 = tpu.vector_load %arg6[%swap3A_760, %swap3A_761] {strides = array<i32>} : memref<128x768xf32, #tpu.memory_space<vmem>>, vector<1x16xf32>,
        %swap3A_763 = vector.shape_cast %swap3A_762 : vector<1x16xf32> to vector<16xf32>
        %swap3A_764 = vector.shape_cast %add3A_759 : vector<16xf32> to vector<1x16xf32>
        tpu.vector_store %arg6[%swap3A_760, %swap3A_761], %swap3A_764 {strides = array<i32>} : memref<128x768xf32, #tpu.memory_space<vmem>>, vector<1x16xf32>,
        %get3A_765 = arith.index_cast %scan3A_30 : i32 to index
        %get3A_766 = arith.constant 736 : index
        %get3A_767 = tpu.vector_load %arg6[%get3A_765, %get3A_766] {strides = array<i32>} : memref<128x768xf32, #tpu.memory_space<vmem>>, vector<1x16xf32>,
        %get3A_768 = vector.shape_cast %get3A_767 : vector<1x16xf32> to vector<16xf32>
        %add3A_769 = arith.constant 64 : i32
        %add3A_770 = arith.addi %add3A_769, %scan3A_30 : i32
        %get3A_771 = arith.index_cast %add3A_770 : i32 to index
        %get3A_772 = arith.constant 736 : index
        %get3A_773 = tpu.vector_load %arg6[%get3A_771, %get3A_772] {strides = array<i32>} : memref<128x768xf32, #tpu.memory_space<vmem>>, vector<1x16xf32>,
        %get3A_774 = vector.shape_cast %get3A_773 : vector<1x16xf32> to vector<16xf32>
        %add3A_775 = arith.addf %get3A_768, %get3A_774 : vector<16xf32>
        %swap3A_776 = arith.index_cast %scan3A_30 : i32 to index
        %swap3A_777 = arith.constant 736 : index
        %swap3A_778 = tpu.vector_load %arg6[%swap3A_776, %swap3A_777] {strides = array<i32>} : memref<128x768xf32, #tpu.memory_space<vmem>>, vector<1x16xf32>,
        %swap3A_779 = vector.shape_cast %swap3A_778 : vector<1x16xf32> to vector<16xf32>
        %swap3A_780 = vector.shape_cast %add3A_775 : vector<16xf32> to vector<1x16xf32>
        tpu.vector_store %arg6[%swap3A_776, %swap3A_777], %swap3A_780 {strides = array<i32>} : memref<128x768xf32, #tpu.memory_space<vmem>>, vector<1x16xf32>,
        %get3A_781 = arith.index_cast %scan3A_30 : i32 to index
        %get3A_782 = arith.constant 752 : index
        %get3A_783 = tpu.vector_load %arg6[%get3A_781, %get3A_782] {strides = array<i32>} : memref<128x768xf32, #tpu.memory_space<vmem>>, vector<1x16xf32>,
        %get3A_784 = vector.shape_cast %get3A_783 : vector<1x16xf32> to vector<16xf32>
        %add3A_785 = arith.constant 64 : i32
        %add3A_786 = arith.addi %add3A_785, %scan3A_30 : i32
        %get3A_787 = arith.index_cast %add3A_786 : i32 to index
        %get3A_788 = arith.constant 752 : index
        %get3A_789 = tpu.vector_load %arg6[%get3A_787, %get3A_788] {strides = array<i32>} : memref<128x768xf32, #tpu.memory_space<vmem>>, vector<1x16xf32>,
        %get3A_790 = vector.shape_cast %get3A_789 : vector<1x16xf32> to vector<16xf32>
        %add3A_791 = arith.addf %get3A_784, %get3A_790 : vector<16xf32>
        %swap3A_792 = arith.index_cast %scan3A_30 : i32 to index
        %swap3A_793 = arith.constant 752 : index
        %swap3A_794 = tpu.vector_load %arg6[%swap3A_792, %swap3A_793] {strides = array<i32>} : memref<128x768xf32, #tpu.memory_space<vmem>>, vector<1x16xf32>,
        %swap3A_795 = vector.shape_cast %swap3A_794 : vector<1x16xf32> to vector<16xf32>
        %swap3A_796 = vector.shape_cast %add3A_791 : vector<16xf32> to vector<1x16xf32>
        tpu.vector_store %arg6[%swap3A_792, %swap3A_793], %swap3A_796 {strides = array<i32>} : memref<128x768xf32, #tpu.memory_space<vmem>>, vector<1x16xf32>,
      }
      %scan3A_24 = arith.constant 64 : i32
      %mul3A_25 = arith.constant 128 : i32
      %mul3A_26 = arith.muli %add3A, %mul3A_25 : i32
      %mul3A_27 = arith.constant 64 : i32
      %mul3A_28 = arith.muli %scan3A_8, %mul3A_27 : i32
      %add3A_29 = arith.addi %mul3A_26, %mul3A_28 : i32
      "tpu.region"() ({
        %run_scoped3A = tpu.sem_alloc : memref<!tpu.dma_semaphore, #tpu.memory_space<semaphore_mem>>
        %dma_start3A_30 = arith.constant 0 : i32
        %dma_start3A_31 = arith.constant 0 : i32
        %dma_start3A_32 = tpu.memref_slice %arg6[%dma_start3A_30, %dma_start3A_31] : memref<128x768xf32, #tpu.memory_space<vmem>> -> memref<64x768xf32, #tpu.memory_space<vmem>>
        %dma_start3A_33 = arith.constant 0 : i32
        %dma_start3A_34 = tpu.memref_slice %arg4[%add3A_29, %dma_start3A_33] : memref<4096x768xf32, #tpu.memory_space<hbm>> -> memref<64x768xf32, #tpu.memory_space<hbm>>
        %dma_start3A_35 = arith.constant 0 : i32
        %dma_start3A_36 = tpu.memref_slice %arg4[%add3A_29, %dma_start3A_35] : memref<4096x768xf32, #tpu.memory_space<hbm>> -> memref<64x768xf32, #tpu.memory_space<hbm>>
        %dma_start3A_37 = arith.constant 0 : i32
        %dma_start3A_38 = arith.constant 0 : i32
        %dma_start3A_39 = tpu.memref_slice %arg6[%dma_start3A_37, %dma_start3A_38] : memref<128x768xf32, #tpu.memory_space<vmem>> -> memref<64x768xf32, #tpu.memory_space<vmem>>
        tpu.enqueue_dma source(%dma_start3A_39 : memref<64x768xf32, #tpu.memory_space<vmem>>) target(%dma_start3A_36 : memref<64x768xf32, #tpu.memory_space<hbm>>) target_semaphore(%run_scoped3A : memref<!tpu.dma_semaphore, #tpu.memory_space<semaphore_mem>>)
        %dma_wait3A_40 = arith.constant 0 : i32
        %dma_wait3A_41 = arith.constant 0 : i32
        %dma_wait3A_42 = tpu.memref_slice %arg6[%dma_wait3A_40, %dma_wait3A_41] : memref<128x768xf32, #tpu.memory_space<vmem>> -> memref<64x768xf32, #tpu.memory_space<vmem>>
        %dma_wait3A_43 = arith.constant 0 : i32
        %dma_wait3A_44 = tpu.memref_slice %arg4[%add3A_29, %dma_wait3A_43] : memref<4096x768xf32, #tpu.memory_space<hbm>> -> memref<64x768xf32, #tpu.memory_space<hbm>>
        %dma_wait3A_45 = arith.constant 0 : i32
        %dma_wait3A_46 = tpu.memref_slice %arg4[%add3A_29, %dma_wait3A_45] : memref<4096x768xf32, #tpu.memory_space<hbm>> -> memref<64x768xf32, #tpu.memory_space<hbm>>
        %dma_wait3A_47 = arith.constant 0 : i32
        %dma_wait3A_48 = arith.constant 0 : i32
        %dma_wait3A_49 = tpu.memref_slice %arg6[%dma_wait3A_47, %dma_wait3A_48] : memref<128x768xf32, #tpu.memory_space<vmem>> -> memref<64x768xf32, #tpu.memory_space<vmem>>
        tpu.wait_dma2 semaphore(%run_scoped3A : memref<!tpu.dma_semaphore, #tpu.memory_space<semaphore_mem>>) src(%dma_wait3A_49 : memref<64x768xf32, #tpu.memory_space<vmem>>) dst(%dma_wait3A_46 : memref<64x768xf32, #tpu.memory_space<hbm>>)
        tpu.yield
      }) : () -> ()
    }
    %scan3A_7 = arith.constant 2 : i32
    return
  }
}

module attributes {stable_mosaic.version = 14 : i64} {
  func.func @_mm_body(%arg0: i32, %arg1: memref<1024x768xf32, #tpu.memory_space<vmem>>, %arg2: memref<768x768xf32, #tpu.memory_space<vmem>>, %arg3: memref<1024x768xf32, #tpu.memory_space<vmem>>, %arg4: memref<1024x768xf32, #tpu.memory_space<vmem>>) attributes {dimension_semantics = [#tpu.dimension_semantics<arbitrary>], iteration_bounds = array<i64: 4>, scalar_prefetch = 0 : i64, scratch_operands = 0 : i64, tpu.core_type = #tpu.core_type<tc>, window_params = [{transform_indices = @transform_0, window_bounds = array<i64: 1024, 768>}, {pipeline_mode = #tpu.pipeline_mode<synchronous>, transform_indices = @transform_1, window_bounds = array<i64: 768, 768>}, {transform_indices = @transform_2, window_bounds = array<i64: 1024, 768>}, {transform_indices = @transform_3, window_bounds = array<i64: 1024, 768>}]} {
    %get3A = arith.constant 0 : index
    %get3A_0 = arith.constant 0 : index
    %get3A_1 = vector.load %arg1[%get3A, %get3A_0] : memref<1024x768xf32, #tpu.memory_space<vmem>>, vector<1024x768xf32>
    %mul3A = arith.constant 2.000000e+00 : f32
    %mul3A_2 = vector.broadcast %mul3A : f32 to vector<1024x768xf32>
    %mul3A_3 = arith.mulf %mul3A_2, %get3A_1 : vector<1024x768xf32>
    %sub3A = arith.constant 1.000000e+00 : f32
    %sub3A_4 = vector.broadcast %sub3A : f32 to vector<1024x768xf32>
    %sub3A_5 = arith.subf %mul3A_3, %sub3A_4 : vector<1024x768xf32>
    %get3A_6 = arith.constant 0 : index
    %get3A_7 = arith.constant 0 : index
    %get3A_8 = vector.load %arg2[%get3A_6, %get3A_7] : memref<768x768xf32, #tpu.memory_space<vmem>>, vector<768x768xf32>
    %dot_general3A = arith.constant dense<0.000000e+00> : vector<1024x768xf32>
    %dot_general3A_9 = tpu.matmul %sub3A_5, %get3A_8, %dot_general3A {dimension_numbers = #tpu.dot_dimension_numbers<[1], [1], [0], [0], [0, 0, 1, 0], [], []>, transpose_lhs_hint = false} : vector<1024x768xf32>, vector<768x768xf32>, vector<1024x768xf32> -> vector<1024x768xf32>
    %get3A_10 = arith.constant 0 : index
    %get3A_11 = arith.constant 0 : index
    %get3A_12 = vector.load %arg3[%get3A_10, %get3A_11] : memref<1024x768xf32, #tpu.memory_space<vmem>>, vector<1024x768xf32>
    %add3A = arith.addf %dot_general3A_9, %get3A_12 : vector<1024x768xf32>
    %swap3A = arith.constant 0 : index
    %swap3A_13 = arith.constant 0 : index
    %swap3A_14 = vector.load %arg4[%swap3A, %swap3A_13] : memref<1024x768xf32, #tpu.memory_space<vmem>>, vector<1024x768xf32>
    tpu.vector_store %arg4[%swap3A, %swap3A_13], %add3A {strides = array<i32>} : memref<1024x768xf32, #tpu.memory_space<vmem>>, vector<1024x768xf32>,
    return
  }
  func.func @transform_0(%arg0: i32) -> (i32, i32) {
    %add3A = arith.constant 0 : i32
    %add3A_0 = arith.addi %add3A, %arg0 : i32
    %c0_i32 = arith.constant 0 : i32
    %c0_i32_1 = arith.constant 0 : i32
    return %add3A_0, %c0_i32 : i32, i32
  }
  func.func @transform_1(%arg0: i32) -> (i32, i32) {
    %c0_i32 = arith.constant 0 : i32
    %c0_i32_0 = arith.constant 0 : i32
    %c0_i32_1 = arith.constant 0 : i32
    return %c0_i32, %c0_i32_0 : i32, i32
  }
  func.func @transform_2(%arg0: i32) -> (i32, i32) {
    %c0_i32 = arith.constant 0 : i32
    %c0_i32_0 = arith.constant 0 : i32
    return %arg0, %c0_i32 : i32, i32
  }
  func.func @transform_3(%arg0: i32) -> (i32, i32) {
    %add3A = arith.constant 0 : i32
    %add3A_0 = arith.addi %add3A, %arg0 : i32
    %c0_i32 = arith.constant 0 : i32
    %c0_i32_1 = arith.constant 0 : i32
    return %add3A_0, %c0_i32 : i32, i32
  }
}

module attributes {stable_mosaic.version = 14 : i64} {
  func.func @_mm_body_acc(%arg0: i32, %arg1: memref<1024x768xf32, #tpu.memory_space<vmem>>, %arg2: memref<768x768xf32, #tpu.memory_space<vmem>>, %arg3: memref<1024x768xf32, #tpu.memory_space<vmem>>, %arg4: memref<16384x768xf32, #tpu.memory_space<any>>, %arg5: memref<1024x768xf32, #tpu.memory_space<vmem>>) attributes {dimension_semantics = [#tpu.dimension_semantics<arbitrary>], iteration_bounds = array<i64: 8>, scalar_prefetch = 0 : i64, scratch_operands = 0 : i64, tpu.core_type = #tpu.core_type<tc>, window_params = [{transform_indices = @transform_0, window_bounds = array<i64: 1024, 768>}, {pipeline_mode = #tpu.pipeline_mode<synchronous>, transform_indices = @transform_1, window_bounds = array<i64: 768, 768>}, {transform_indices = @transform_2, window_bounds = array<i64: 1024, 768>}, {}, {transform_indices = @transform_4, window_bounds = array<i64: 1024, 768>}]} {
    %get3A = arith.constant 0 : index
    %get3A_0 = arith.constant 0 : index
    %get3A_1 = vector.load %arg1[%get3A, %get3A_0] : memref<1024x768xf32, #tpu.memory_space<vmem>>, vector<1024x768xf32>
    %mul3A = arith.constant 2.000000e+00 : f32
    %mul3A_2 = vector.broadcast %mul3A : f32 to vector<1024x768xf32>
    %mul3A_3 = arith.mulf %mul3A_2, %get3A_1 : vector<1024x768xf32>
    %sub3A = arith.constant 1.000000e+00 : f32
    %sub3A_4 = vector.broadcast %sub3A : f32 to vector<1024x768xf32>
    %sub3A_5 = arith.subf %mul3A_3, %sub3A_4 : vector<1024x768xf32>
    %get3A_6 = arith.constant 0 : index
    %get3A_7 = arith.constant 0 : index
    %get3A_8 = vector.load %arg2[%get3A_6, %get3A_7] : memref<768x768xf32, #tpu.memory_space<vmem>>, vector<768x768xf32>
    %dot_general3A = arith.constant dense<0.000000e+00> : vector<1024x768xf32>
    %dot_general3A_9 = tpu.matmul %sub3A_5, %get3A_8, %dot_general3A {dimension_numbers = #tpu.dot_dimension_numbers<[1], [1], [0], [0], [0, 0, 1, 0], [], []>, transpose_lhs_hint = false} : vector<1024x768xf32>, vector<768x768xf32>, vector<1024x768xf32> -> vector<1024x768xf32>
    %get3A_10 = arith.constant 0 : index
    %get3A_11 = arith.constant 0 : index
    %get3A_12 = vector.load %arg3[%get3A_10, %get3A_11] : memref<1024x768xf32, #tpu.memory_space<vmem>>, vector<1024x768xf32>
    %add3A = arith.addf %dot_general3A_9, %get3A_12 : vector<1024x768xf32>
    %swap3A = arith.constant 0 : index
    %swap3A_13 = arith.constant 0 : index
    %swap3A_14 = vector.load %arg5[%swap3A, %swap3A_13] : memref<1024x768xf32, #tpu.memory_space<vmem>>, vector<1024x768xf32>
    tpu.vector_store %arg5[%swap3A, %swap3A_13], %add3A {strides = array<i32>} : memref<1024x768xf32, #tpu.memory_space<vmem>>, vector<1024x768xf32>,
    return
  }
  func.func @transform_0(%arg0: i32) -> (i32, i32) {
    %add3A = arith.constant 4 : i32
    %add3A_0 = arith.addi %add3A, %arg0 : i32
    %c0_i32 = arith.constant 0 : i32
    %c0_i32_1 = arith.constant 0 : i32
    return %add3A_0, %c0_i32 : i32, i32
  }
  func.func @transform_1(%arg0: i32) -> (i32, i32) {
    %c0_i32 = arith.constant 0 : i32
    %c0_i32_0 = arith.constant 0 : i32
    %c0_i32_1 = arith.constant 0 : i32
    return %c0_i32, %c0_i32_0 : i32, i32
  }
  func.func @transform_2(%arg0: i32) -> (i32, i32) {
    %c0_i32 = arith.constant 0 : i32
    %c0_i32_0 = arith.constant 0 : i32
    return %arg0, %c0_i32 : i32, i32
  }
  func.func @transform_4(%arg0: i32) -> (i32, i32) {
    %add3A = arith.constant 4 : i32
    %add3A_0 = arith.addi %add3A, %arg0 : i32
    %c0_i32 = arith.constant 0 : i32
    %c0_i32_1 = arith.constant 0 : i32
    return %add3A_0, %c0_i32 : i32, i32
  }
}

module attributes {stable_mosaic.version = 14 : i64} {
  func.func @_mm_body_acc(%arg0: i32, %arg1: memref<1024x768xf32, #tpu.memory_space<vmem>>, %arg2: memref<768x768xf32, #tpu.memory_space<vmem>>, %arg3: memref<1024x768xf32, #tpu.memory_space<vmem>>, %arg4: memref<16384x768xf32, #tpu.memory_space<any>>, %arg5: memref<1024x768xf32, #tpu.memory_space<vmem>>) attributes {dimension_semantics = [#tpu.dimension_semantics<arbitrary>], iteration_bounds = array<i64: 4>, scalar_prefetch = 0 : i64, scratch_operands = 0 : i64, tpu.core_type = #tpu.core_type<tc>, window_params = [{transform_indices = @transform_0, window_bounds = array<i64: 1024, 768>}, {pipeline_mode = #tpu.pipeline_mode<synchronous>, transform_indices = @transform_1, window_bounds = array<i64: 768, 768>}, {transform_indices = @transform_2, window_bounds = array<i64: 1024, 768>}, {}, {transform_indices = @transform_4, window_bounds = array<i64: 1024, 768>}]} {
    %get3A = arith.constant 0 : index
    %get3A_0 = arith.constant 0 : index
    %get3A_1 = vector.load %arg1[%get3A, %get3A_0] : memref<1024x768xf32, #tpu.memory_space<vmem>>, vector<1024x768xf32>
    %mul3A = arith.constant 2.000000e+00 : f32
    %mul3A_2 = vector.broadcast %mul3A : f32 to vector<1024x768xf32>
    %mul3A_3 = arith.mulf %mul3A_2, %get3A_1 : vector<1024x768xf32>
    %sub3A = arith.constant 1.000000e+00 : f32
    %sub3A_4 = vector.broadcast %sub3A : f32 to vector<1024x768xf32>
    %sub3A_5 = arith.subf %mul3A_3, %sub3A_4 : vector<1024x768xf32>
    %get3A_6 = arith.constant 0 : index
    %get3A_7 = arith.constant 0 : index
    %get3A_8 = vector.load %arg2[%get3A_6, %get3A_7] : memref<768x768xf32, #tpu.memory_space<vmem>>, vector<768x768xf32>
    %dot_general3A = arith.constant dense<0.000000e+00> : vector<1024x768xf32>
    %dot_general3A_9 = tpu.matmul %sub3A_5, %get3A_8, %dot_general3A {dimension_numbers = #tpu.dot_dimension_numbers<[1], [1], [0], [0], [0, 0, 1, 0], [], []>, transpose_lhs_hint = false} : vector<1024x768xf32>, vector<768x768xf32>, vector<1024x768xf32> -> vector<1024x768xf32>
    %get3A_10 = arith.constant 0 : index
    %get3A_11 = arith.constant 0 : index
    %get3A_12 = vector.load %arg3[%get3A_10, %get3A_11] : memref<1024x768xf32, #tpu.memory_space<vmem>>, vector<1024x768xf32>
    %add3A = arith.addf %dot_general3A_9, %get3A_12 : vector<1024x768xf32>
    %swap3A = arith.constant 0 : index
    %swap3A_13 = arith.constant 0 : index
    %swap3A_14 = vector.load %arg5[%swap3A, %swap3A_13] : memref<1024x768xf32, #tpu.memory_space<vmem>>, vector<1024x768xf32>
    tpu.vector_store %arg5[%swap3A, %swap3A_13], %add3A {strides = array<i32>} : memref<1024x768xf32, #tpu.memory_space<vmem>>, vector<1024x768xf32>,
    return
  }
  func.func @transform_0(%arg0: i32) -> (i32, i32) {
    %add3A = arith.constant 12 : i32
    %add3A_0 = arith.addi %add3A, %arg0 : i32
    %c0_i32 = arith.constant 0 : i32
    %c0_i32_1 = arith.constant 0 : i32
    return %add3A_0, %c0_i32 : i32, i32
  }
  func.func @transform_1(%arg0: i32) -> (i32, i32) {
    %c0_i32 = arith.constant 0 : i32
    %c0_i32_0 = arith.constant 0 : i32
    %c0_i32_1 = arith.constant 0 : i32
    return %c0_i32, %c0_i32_0 : i32, i32
  }
  func.func @transform_2(%arg0: i32) -> (i32, i32) {
    %c0_i32 = arith.constant 0 : i32
    %c0_i32_0 = arith.constant 0 : i32
    return %arg0, %c0_i32 : i32, i32
  }
  func.func @transform_4(%arg0: i32) -> (i32, i32) {
    %add3A = arith.constant 12 : i32
    %add3A_0 = arith.addi %add3A, %arg0 : i32
    %c0_i32 = arith.constant 0 : i32
    %c0_i32_1 = arith.constant 0 : i32
    return %add3A_0, %c0_i32 : i32, i32
  }
}

</mosaic_0001>

<sc_bundles>
// kernel: kernel.11.cloned.1.call-start
scs
__scs_entry_jumppad:
0x0: {  	(pc) =	sbr.rel $0x88, $3  }
0x1: {  	(tag) =	ssettag $0x0;
	lr =	simm.s32 $0x1  }
0x2: {  	[smem:$0x3F9D] =	sst lr;
	_ =	strace $0xD0000000  }
0x3: {  	_ = 	snop  }
0x4: {  	_ = 	snop  }
0x5: {  	_ = 	snop  }
0x6: {  	_ = 	snop  }
0x7: {  	_ = 	snop  }
__scs_overlays_trampoline_lowered:
0x8: {  	[smem:$0x3FAC] =	sst s0  }
0x9: {  	[smem:$0x3FAD] =	sst s1  }
0xa: {  	[smem:$0x3FAE] =	sst s2  }
0xb: {  	[smem:$0x3FAF] =	sst s3  }
0xc: {  	[smem:$0x3FB0] =	sst s4  }
0xd: {  	[smem:$0x3FB1] =	sst s5  }
0xe: {  	[smem:$0x3FB2] =	sst s6  }
0xf: {  	[smem:$0x3FB3] =	sst s7  }
0x10: {  	[smem:$0x3FB4] =	sst s8  }
0x11: {  	[smem:$0x3FB5] =	sst s9;
	s0 =	simm.s32 @!p0 $0x0  }
0x12: {  	s1 =	sld [smem:$0x3F9B];
	s0 =	simm.s32 @p0 $0x1  }
0x13: {  	[smem:$0x3FB6] =	sst s0;
	s0 =	simm.s32 @!p1 $0x0  }
0x14: {  	s2 =	sld [smem:$0x3F9A];
	s0 =	simm.s32 @p1 $0x1  }
0x15: {  	[smem:$0x3FB7] =	sst s0;
	s0 =	simm.s32 @!p2 $0x0  }
0x16: {  	s3 =	sld [smem:$0x3FDB];
	s0 =	simm.s32 @p2 $0x1  }
0x17: {  	s4 =	simm.s32 $0x1BF5;
	[smem:$0x3FB9] =	sst s0  }
0x18: {  	s0 =	sld [smem:$0x3F9C];
	_ =	swait.ge [sflag:s4], $0x0  }
0x19: {  	s7 =	sld [smem:$0x3F9D]  }
0x1a: {  	s8 =	sadd.s32 $0xFFFFE003, lr  }
0x1b: {  	s9 =	sadd.s32 $0xFFFFFEF7, lr;
	s5 =	simm.s32 $0xFFFFFFFF;
	p2 =	slt.u32 s8, $0xFFFFF086  }
0x1c: {  	p1 =	slt.u32 s9, $0xF7A;
	s5 =	simm.s32 @!p2 $0x0  }
0x1d: {  	s5 =	simm.s32 @p1 $0x1;
	p0 =	seq.s32 s7, s2  }
0x1e: {  	s7 =	smul.u32 @!p0 $0xF7A, s2;
	p2 =	seq.s32 @!p0 s5, $0x0  }
0x1f: {  	s9 =	smul.u32 $0xF7A, s1;
	s8 =	simm.s32 @!p0 $0x1BF5;
	p2 =	por !p2, p0  }
0x20: {  	[sflag:s8] =	ssyncset.s32 @!p0 $0xFFFFF086;
	s6 =	sadd.s32 @!p0 s3, s7;
	s7 =	simm.s32 @!p0 $0x108  }
0x21: {  	s3 =	sadd.s32 s3, s9;
	s6 =	sadd.s32 @!p0 $0x88, s6;
	s7 =	simm.s32 @p2 $0x1082  }
0x22: {  	[simem:s7], [sflag:s8] =	dma.local @!p0 [hbm:s6], $0xF7A  }
0x23: {  	s9 =	sor.u32 $0xD0000000, s2;
	s6 =	simm.s32 $0x108;
	_ =	swait.ge @!p0 [sflag:s8], $0x0  }
0x24: {  	s3 =	sadd.s32 $0x88, s3;
	s6 =	simm.s32 @!p1 $0x1082;
	[sflag:s4] =	ssyncset.s32 $0xFFFFF086  }
0x25: {  	[simem:s6], [sflag:s4] =	dma.local [hbm:s3], $0xF7A  }
0x26: {  	[smem:$0x3F9D] =	sst s1;
	(tag) =	ssettag s2;
	_ =	strace s9  }
0x27: {  	s1 =	sld [smem:$0x3FAD]  }
0x28: {  	s2 =	sld [smem:$0x3FAE]  }
0x29: {  	s4 =	sld [smem:$0x3FB0]  }
0x2a: {  	p0 =	seq.s32 s5, $0x0;
	s5 =	sld [smem:$0x3FB1]  }
0x2b: {  	s6 =	sld [smem:$0x3FB2]  }
0x2c: {  	s7 =	sld [smem:$0x3FB3]  }
0x2d: {  	s3 =	simm.s32 $0x108;
	s8 =	sld [smem:$0x3FB4]  }
0x2e: {  	s3 =	simm.s32 @!p0 $0x1082;
	s9 =	sld [smem:$0x3FB5]  }
0x2f: {  	lr =	sadd.s32 s0, s3;
	s0 =	sld [smem:$0x3FAC]  }
0x30: {  	s3 =	sld [smem:$0x3FAF]  }
0x31: {  	[smem:$0x3FB8] =	sst s10  }
0x32: {  	s10 =	sld [smem:$0x3FB6];
	_ =	sdelay $0x3  }
0x33: {  	p0 =	seq.s32 s10, $0x1;
	s10 =	sld [smem:$0x3FB8];
	_ =	sdelay $0x3  }
0x34: {  	[smem:$0x3FB8] =	sst s10  }
0x35: {  	s10 =	sld [smem:$0x3FB7];
	_ =	sdelay $0x3  }
0x36: {  	p1 =	seq.s32 s10, $0x1;
	s10 =	sld [smem:$0x3FB8];
	_ =	sdelay $0x3  }
0x37: {  	[smem:$0x3FB8] =	sst s10  }
0x38: {  	s10 =	sld [smem:$0x3FB9]  }
0x39: {  	_ = 	snop;
	(pc) =	sbr.ind lr, $3  }
0x3a: {  	_ = 	snop  }
0x3b: {  	_ = 	snop  }
0x3c: {  	p2 =	seq.s32 s10, $0x1;
	s10 =	sld [smem:$0x3FB8]  }
0x3d: {  	_ =	shalt  }
0x3e: {  	_ =	shalt  }
0x3f: {  	_ =	shalt  }
0x40: {  	_ =	shalt  }
0x41: {  	_ =	shalt  }
0x42: {  	_ =	shalt  }
0x43: {  	_ =	shalt  }
0x44: {  	_ =	shalt  }
0x45: {  	_ =	shalt  }
0x46: {  	_ =	shalt  }
0x47: {  	_ =	shalt  }
0x48: {  	_ =	shalt  }
0x49: {  	_ =	shalt  }
0x4a: {  	_ =	shalt  }
0x4b: {  	_ =	shalt  }
0x4c: {  	_ =	shalt  }
0x4d: {  	_ =	shalt  }
0x4e: {  	_ =	shalt  }
0x4f: {  	_ =	shalt  }
0x50: {  	_ =	shalt  }
0x51: {  	_ =	shalt  }
0x52: {  	_ =	shalt  }
0x53: {  	_ =	shalt  }
0x54: {  	_ =	shalt  }
0x55: {  	_ =	shalt  }
0x56: {  	_ =	shalt  }
0x57: {  	_ =	shalt  }
0x58: {  	_ =	shalt  }
0x59: {  	_ =	shalt  }
0x5a: {  	_ =	shalt  }
0x5b: {  	_ =	shalt  }
0x5c: {  	_ =	shalt  }
0x5d: {  	_ =	shalt  }
0x5e: {  	_ =	shalt  }
0x5f: {  	_ =	shalt  }
0x60: {  	_ =	shalt  }
0x61: {  	_ =	shalt  }
0x62: {  	_ =	shalt  }
0x63: {  	_ =	shalt  }
0x64: {  	_ =	shalt  }
0x65: {  	_ =	shalt  }
0x66: {  	_ =	shalt  }
0x67: {  	_ =	shalt  }
0x68: {  	_ =	shalt  }
0x69: {  	_ =	shalt  }
0x6a: {  	_ =	shalt  }
0x6b: {  	_ =	shalt  }
0x6c: {  	_ =	shalt  }
0x6d: {  	_ =	shalt  }
0x6e: {  	_ =	shalt  }
0x6f: {  	_ =	shalt  }
0x70: {  	_ =	shalt  }
0x71: {  	_ =	shalt  }
0x72: {  	_ =	shalt  }
0x73: {  	_ =	shalt  }
0x74: {  	_ =	shalt  }
0x75: {  	_ =	shalt  }
0x76: {  	_ =	shalt  }
0x77: {  	_ =	shalt  }
0x78: {  	_ =	shalt  }
0x79: {  	_ =	shalt  }
0x7a: {  	_ =	shalt  }
0x7b: {  	_ =	shalt  }
0x7c: {  	_ =	shalt  }
0x7d: {  	_ =	shalt  }
0x7e: {  	_ =	shalt  }
0x7f: {  	_ =	shalt  }
0x80: {  	_ =	shalt  }
0x81: {  	_ =	shalt  }
0x82: {  	_ =	shalt  }
0x83: {  	_ =	shalt  }
0x84: {  	_ =	shalt  }
0x85: {  	_ =	shalt  }
0x86: {  	_ =	shalt  }
0x87: {  	_ =	shalt  }
.Lfunc_end0:
.L_simem_size_0:
called_computation.1_lowered:
.L_overlay_start_0:
0x88: {  	s2 =	sld [smem:$0x3FD9]  }
0x89: {  	s3 =	sld [smem:$0x3FFE];
	_ =	sdelay $0x1  }
0x8a: {  	s1 =	srdreg.scid  }
0x8b: {  	s0 =	sand.u32 $0x1, s1  }
0x8c: {  	s17 =	sshll.u32 s0, $0xA;
	s2 =	sadd.s32 s3, s2  }
0x8d: {  	s2 =	sadd.s32 s2, s17  }
0x8e: {  	[smem:$0x3FC4] =	sst s2  }
0x8f: {  	_ = 	snop  }
0x90: {  	s18 =	sld [smem:$0x3FC6];
	(tm) =	ssettm $0x1  }
0x91: {  	s19 =	sld [smem:$0x3FFB];
	_ =	sdelay $0x3  }
0x92: {  	_ =	strace s19  }
0x93: {  	s2 =	sld [smem:$0x3FFC];
	_ =	sdelay $0x3  }
0x94: {  	_ =	strace s2  }
0x95: {  	s2 =	sld [smem:$0x3FFD];
	_ =	sdelay $0x3  }
0x96: {  	_ =	strace s2  }
0x97: {  	_ =	strace $0x8FFFFFFF  }
0x98: {  	s20 =	sld [smem:$0x3FDB];
	_ =	sdelay $0x1  }
0x99: {  	s4 =	simm.s32 $_scs_section_size  }
0x9a: {  	s5 =	simm.s32 $_size__tile_overlayer_lowered;
	s6 =	simm.s32 $_tile_overlayer_lowered  }
0x9b: {  	s7 =	simm.s32 $0x1BFF;
	s21 =	sshll.u32 s6, $0x1;
	s4 =	sadd.s32 s4, s20  }
0x9c: {  	s22 =	simm.s32 $0x0;
	s5 =	sshll.u32 s5, $0x1;
	s6 =	sadd.s32 s21, s4  }
0x9d: {  	[timem:s22], [sflag:s7] =	dma.local [hbm:s6], s5  }
0x9e: {  	_ =	swait.ge [sflag:s7], s5  }
0x9f: {  	s5 =	ssub.s32 $0x0, s5;
	[sflag:s7] =	ssyncset.done $0x0  }
0xa0: {  	[sflag:s7] =	ssyncadd.s32 s5;
	_ =	sdelay $0x1  }
0xa1: {  	s23 =	simm.s32 $0x1B8B  }
0xa2: {  	_ =	swait.ge [sflag:s23], $0x1  }
0xa3: {  	[sflag:s23] =	ssyncset.done $0x0  }
0xa4: {  	[sflag:s23] =	ssyncadd.s32 $0xFFFFFFFF  }
0xa5: {  	s5 =	sld [smem:$0x0]  }
0xa6: {  	s6 =	sand.u32 $0xFFFFFFFE, s1  }
0xa7: {  	p0 =	sne.s32 s1, s6  }
0xa8: {  	s6 =	sshll.u32 @p0 s6, $0xE  }
0xa9: {  	s6 =	sadd.s32 @p0 $0x11B8D, s6;
	s7 =	sshll.u32 @p0 s5, $0x11  }
0xaa: {  	s6 =	sor.u32 @p0 s7, s6  }
0xab: {  	[sflag:s6] =	ssyncadd.remote.s32 @p0 $0x1;
	_ =	sdelay $0x1  }
0xac: {  	s6 =	simm.s32 @p0 $0x1B8D  }
0xad: {  	_ =	swait.eq @p0 [sflag:s6], $0x1  }
0xae: {  	[sflag:s6] =	ssyncadd.s32 @p0 $0xFFFFFFFF  }
0xaf: {  	s7 =	sshll.u32 @!p0 s1, $0xE  }
0xb0: {  	s7 =	sor.u32 @!p0 $0x4000, s7;
	s6 =	simm.s32 @!p0 $0x1B8D  }
0xb1: {  	s5 =	sshll.u32 @!p0 s5, $0x11;
	s7 =	sadd.s32 @!p0 $0x11B8D, s7;
	_ =	swait.eq @!p0 [sflag:s6], $0x1  }
0xb2: {  	s5 =	sor.u32 @!p0 s5, s7;
	[sflag:s6] =	ssyncadd.s32 @!p0 $0xFFFFFFFF  }
0xb3: {  	s25 =	simm.s32 $0x1B8E;
	s24 =	sld [smem:$0x3FFE];
	[sflag:s5] =	ssyncadd.remote.s32 @!p0 $0x1  }
0xb4: {  	s26 =	simm.s32 $execute0_lowered;
	[smem:$0x3FD2] =	sst s25  }
0xb5: {  	s6 =	sshll.u32 s26, $0x1;
	_ =	strace $0x80000049;
	[dreg:$0x1] =	wrdreg $0xFFFFFFFF  }
0xb6: {  	s28 =	simm.s32 $_size_execute0_lowered;
	s4 =	sadd.s32 s4, s6;
	[dreg:$0x0] =	wrdreg $0x0  }
0xb7: {  	s6 =	sshll.u32 s28, $0x1;
	[dreg:$0x2] =	wrdreg s4  }
0xb8: {  	[dreg:$0x3] =	wrdreg s6  }
0xb9: {  	[dreg:$0x4] =	wrdreg $0xC0  }
0xba: {  	_ =	task [dreg:s22], $0x5FFFF  }
0xbb: {  	[dreg:$0x1] =	wrdreg $0xFFFFFFFF  }
0xbc: {  	[dreg:$0x0] =	wrdreg $0x60  }
0xbd: {  	[dreg:$0x2] =	wrdreg s18  }
0xbe: {  	[dreg:$0x3] =	wrdreg s24  }
0xbf: {  	[dreg:$0x4] =	wrdreg $0xA  }
0xc0: {  	_ =	task.clear_ibuf [dreg:s22], $0x5FFFF;
	_ =	strace $0x90000049  }
0xc1: {  	s29 =	simm.s32 $0xA;
	_ =	strace $0x8000004B  }
0xc2: {  	_ =	swait.ge [sflag:s29], $0x1  }
0xc3: {  	[sflag:s29] =	ssyncadd.s32 $0xFFFFFFFF  }
0xc4: {  	_ =	strace $0x9000004B  }
0xc5: {  	_ =	sfence  }
0xc6: {  	s30 =	sld [smem:$0x0];
	_ =	sdelay $0x2  }
0xc7: {  	s31 =	sshll.u32 s1, $0xD;
	s1 =	sshrl.u32 s1, $0x2  }
0xc8: {  	s4 =	sand.u32 $0x4000, s31;
	s1 =	sadd.s32 s1, s30  }
0xc9: {  	s0 =	sor.u32 s4, s0;
	s1 =	sshll.u32 s1, $0x11  }
0xca: {  	s0 =	sor.u32 s1, s0  }
0xcb: {  	s0 =	sadd.s32 $0x8F2B, s0  }
0xcc: {  	[sflag:s0] =	ssyncadd.remote.s32 $0x1  }
0xcd: {  	_ =	sfence.sel $0xFFFF  }
0xce: {  	[dreg:$0x0] =	wrdreg $0xFFFFFFFF;
	(pc) =	sbr.abs _section_cstart, $3  }
0xcf: {  	[dreg:$0x1] =	wrdreg $0xFFFFFFFF  }
0xd0: {  	_ =	task.clear_ibuf [dreg:s22], $0x2FFFF;
	_ =	strace $0x9FFFFFFF  }
0xd1: {  	(tm) =	ssettm $0x7FFFFFFF  }
tec
execute0_lowered:
.L_overlay_start_1:
0x0: {  	(tag) =	ssettag $0x1  }
0x1: {  	s2 =	rddreg [dreg:$0x0]  }
0x2: {  	s0 =	rddreg [dreg:$0x1]  }
0x3: {  	s1 =	srdreg.scid;
	s3 =	stileid.u32;
	s4 =	simm.s32 $0x0  }
0x4: {  	s10 =	simm.s32 $0x2;
	s11 =	simm.s32 $0x200;
	s18 =	simm.s32 $0xFA00  }
0x5: {  	s19 =	simm.s32 $0x10200;
	s20 =	simm.s32 $0x10A00;
	s21 =	simm.s32 $0x11200  }
0x6: {  	s22 =	simm.s32 $0x11A00;
	s23 =	simm.s32 $0x12200;
	s28 =	simm.s32 $0x14200  }
0x7: {  	s29 =	simm.s32 $0x14A00;
	s30 =	simm.s32 $0x15200;
	s31 =	simm.s32 $0x15A00  }
0x8: {  	s9 =	simm.s32 $0x17A00;
	s12 =	simm.s32 $0x1;
	s13 =	simm.s32 $0x0  }
0x9: {  	s1 =	sand.u32 $0x1, s1;
	s3 =	sshll.u32 s3, $0x1;
	[smem:$0x7FF] =	sst s4  }
0xa: {  	s4 =	sadd.s32 $0x1600, s0;
	s6 =	sadd.s32 $0x100, s2;
	s7 =	sadd.s32 $0x200, s2  }
0xb: {  	s3 =	sor.u32 s1, s3;
	_ =	strace $0x8000004A;
	s1 =	ssub.s32 $0x2, s1  }
0xc: {  	s24 =	sshll.u32 s3, $0x6;
	s25 =	sshrl.u32 s1, $0x1;
	s8 =	sshll.u32 s3, $0x5  }
0xd: {  	s5 =	sadd.s32 s24, s0;
	s0 =	ssub.s32 s1, s25;
	s24 =	simm.s32 $0x12A00  }
0xe: {  	v2 =	vlaneseq.u32;
	s25 =	simm.s32 $0x13200;
	s1 =	simm.s32 $0x16A00;
	s26 =	sadd.s32 $0xE00, s5  }
0xf: {  	vm0 =	vmmov $0xffff;
	v1 =	vshrl.u32 v2, $0x3;
	s0 =	smax.u32 s0, $0x1;
	s5 =	simm.s32 $0x17200;
	[dreg:$0x3] =	wrdreg s26  }
0x10: {  	v0 =	vand.u32 $0x7, v2;
	v2 =	vor.u32 $0x8, v2;
	v1 =	vmul.u32 $0x8, v1;
	[dreg:$0x4] =	wrdreg s0;
	s26 =	simm.s32 $0x13A00;
	s0 =	simm.s32 $0x16200  }
.LBB2_1:
0x11: {  	[dreg:$0x5] =	wrdreg s13  }
0x12: {  	s3 =	simm.s32 $0x0;
	s17 =	rddreg [dreg:$0x3]  }
0x13: {  	[tilespmem:s3], [sflag:$0x2] =	stream.linear.gather [hbm4b:s17+s3], $0x200, $0x38;
	[tilespmem:$0x18200] =	vst v63  }
0x14: {  	_ =	swait.ge [sflag:s10], $0x200  }
0x15: {  	[sflag:s10] =	ssyncset.done $0x0  }
0x16: {  	s13 =	simm.s32 $0x0;
	[sflag:s10] =	ssyncadd.s32 $0xFFFFFE00  }
.LBB2_2:
0x17: {  	s14 =	sshll.u32 s13, $0x7  }
0x18: {  	s15 =	sand.u32 $0x3FFFFF80, s14  }
0x19: {  	v3 =	vld [tilespmem:s15+$0x0];
	_ =	sdelay $0x4  }
0x1a: {  	v4 =	vshrl.u32 v3, $0x3  }
0x1b: {  	v4 =	vmul.u32 $0x30, v4  }
0x1c: {  	v3 =	vand.u32 $0x7, v3  }
0x1d: {  	v3 =	vor.u32 v3, v4  }
0x1e: {  	v4 =	vperm.xlane v3, v0;
	_ =	sdelay $0x1  }
0x1f: {  	v4 =	vadd.s32 v1, v4;
	_ =	sdelay $0x3  }
0x20: {  	s14 =	simm.s32 $0x0;
	v3 =	vperm.xlane v3, v2  }
0x21: {  	[tilespmem:s11], [sflag:$0x1] =	stream.indirect_vreg.gather [hbm4b:s2+s14], $0x80, v4, vm0, $0xb8;
	[tilespmem:$0x18200] =	vst v63  }
0x22: {  	s3 =	simm.s32 $0xA00;
	v3 =	vadd.s32 v1, v3  }
0x23: {  	[tilespmem:s3], [sflag:$0x1] =	stream.indirect_vreg.gather [hbm4b:s6+s14], $0x80, v4, vm0, $0xb8;
	[tilespmem:$0x18200] =	vst v63  }
0x24: {  	s16 =	simm.s32 $0x1200  }
0x25: {  	[tilespmem:s16], [sflag:$0x1] =	stream.indirect_vreg.gather [hbm4b:s7+s14], $0x80, v4, vm0, $0xb8;
	[tilespmem:$0x18200] =	vst v63  }
0x26: {  	s17 =	simm.s32 $0x1A00  }
0x27: {  	[tilespmem:s17], [sflag:$0x1] =	stream.indirect_vreg.gather [hbm4b:s2+s14], $0x80, v3, vm0, $0xb8;
	[tilespmem:$0x18200] =	vst v63  }
0x28: {  	s16 =	simm.s32 $0x2200  }
0x29: {  	[tilespmem:s16], [sflag:$0x1] =	stream.indirect_vreg.gather [hbm4b:s6+s14], $0x80, v3, vm0, $0xb8;
	[tilespmem:$0x18200] =	vst v63  }
0x2a: {  	s17 =	simm.s32 $0x2A00  }
0x2b: {  	[tilespmem:s17], [sflag:$0x1] =	stream.indirect_vreg.gather [hbm4b:s7+s14], $0x80, v3, vm0, $0xb8;
	[tilespmem:$0x18200] =	vst v63  }
0x2c: {  	v3 =	vld [tilespmem:s15+$0x10];
	_ =	sdelay $0x4  }
0x2d: {  	v4 =	vshrl.u32 v3, $0x3  }
0x2e: {  	v4 =	vmul.u32 $0x30, v4  }
0x2f: {  	v3 =	vand.u32 $0x7, v3  }
0x30: {  	v3 =	vor.u32 v3, v4  }
0x31: {  	v4 =	vperm.xlane v3, v0;
	_ =	sdelay $0x1  }
0x32: {  	v4 =	vadd.s32 v1, v4;
	_ =	sdelay $0x3  }
0x33: {  	s16 =	simm.s32 $0x3200;
	v3 =	vperm.xlane v3, v2  }
0x34: {  	[tilespmem:s16], [sflag:$0x1] =	stream.indirect_vreg.gather [hbm4b:s2+s14], $0x80, v4, vm0, $0xb8;
	[tilespmem:$0x18200] =	vst v63  }
0x35: {  	s17 =	simm.s32 $0x3A00;
	v3 =	vadd.s32 v1, v3  }
0x36: {  	[tilespmem:s17], [sflag:$0x1] =	stream.indirect_vreg.gather [hbm4b:s6+s14], $0x80, v4, vm0, $0xb8;
	[tilespmem:$0x18200] =	vst v63  }
0x37: {  	s16 =	simm.s32 $0x4200  }
0x38: {  	[tilespmem:s16], [sflag:$0x1] =	stream.indirect_vreg.gather [hbm4b:s7+s14], $0x80, v4, vm0, $0xb8;
	[tilespmem:$0x18200] =	vst v63  }
0x39: {  	s17 =	simm.s32 $0x4A00  }
0x3a: {  	[tilespmem:s17], [sflag:$0x1] =	stream.indirect_vreg.gather [hbm4b:s2+s14], $0x80, v3, vm0, $0xb8;
	[tilespmem:$0x18200] =	vst v63  }
0x3b: {  	s16 =	simm.s32 $0x5200  }
0x3c: {  	[tilespmem:s16], [sflag:$0x1] =	stream.indirect_vreg.gather [hbm4b:s6+s14], $0x80, v3, vm0, $0xb8;
	[tilespmem:$0x18200] =	vst v63  }
0x3d: {  	s17 =	simm.s32 $0x5A00  }
0x3e: {  	[tilespmem:s17], [sflag:$0x1] =	stream.indirect_vreg.gather [hbm4b:s7+s14], $0x80, v3, vm0, $0xb8;
	[tilespmem:$0x18200] =	vst v63  }
0x3f: {  	v3 =	vld [tilespmem:s15+$0x20];
	_ =	sdelay $0x4  }
0x40: {  	v4 =	vshrl.u32 v3, $0x3  }
0x41: {  	v4 =	vmul.u32 $0x30, v4  }
0x42: {  	v3 =	vand.u32 $0x7, v3  }
0x43: {  	v3 =	vor.u32 v3, v4  }
0x44: {  	v4 =	vperm.xlane v3, v0;
	_ =	sdelay $0x1  }
0x45: {  	v4 =	vadd.s32 v1, v4;
	_ =	sdelay $0x3  }
0x46: {  	s16 =	simm.s32 $0x6200;
	v3 =	vperm.xlane v3, v2  }
0x47: {  	[tilespmem:s16], [sflag:$0x1] =	stream.indirect_vreg.gather [hbm4b:s2+s14], $0x80, v4, vm0, $0xb8;
	[tilespmem:$0x18200] =	vst v63  }
0x48: {  	s17 =	simm.s32 $0x6A00;
	v3 =	vadd.s32 v1, v3  }
0x49: {  	[tilespmem:s17], [sflag:$0x1] =	stream.indirect_vreg.gather [hbm4b:s6+s14], $0x80, v4, vm0, $0xb8;
	[tilespmem:$0x18200] =	vst v63  }
0x4a: {  	s16 =	simm.s32 $0x7200  }
0x4b: {  	[tilespmem:s16], [sflag:$0x1] =	stream.indirect_vreg.gather [hbm4b:s7+s14], $0x80, v4, vm0, $0xb8;
	[tilespmem:$0x18200] =	vst v63  }
0x4c: {  	s17 =	simm.s32 $0x7A00  }
0x4d: {  	[tilespmem:s17], [sflag:$0x1] =	stream.indirect_vreg.gather [hbm4b:s2+s14], $0x80, v3, vm0, $0xb8;
	[tilespmem:$0x18200] =	vst v63  }
0x4e: {  	s16 =	simm.s32 $0x8200  }
0x4f: {  	[tilespmem:s16], [sflag:$0x1] =	stream.indirect_vreg.gather [hbm4b:s6+s14], $0x80, v3, vm0, $0xb8;
	[tilespmem:$0x18200] =	vst v63  }
0x50: {  	s17 =	simm.s32 $0x8A00  }
0x51: {  	[tilespmem:s17], [sflag:$0x1] =	stream.indirect_vreg.gather [hbm4b:s7+s14], $0x80, v3, vm0, $0xb8;
	[tilespmem:$0x18200] =	vst v63  }
0x52: {  	v3 =	vld [tilespmem:s15+$0x30];
	_ =	sdelay $0x4  }
0x53: {  	v4 =	vshrl.u32 v3, $0x3  }
0x54: {  	v4 =	vmul.u32 $0x30, v4  }
0x55: {  	v3 =	vand.u32 $0x7, v3  }
0x56: {  	v3 =	vor.u32 v3, v4  }
0x57: {  	v4 =	vperm.xlane v3, v0;
	_ =	sdelay $0x1  }
0x58: {  	v4 =	vadd.s32 v1, v4;
	_ =	sdelay $0x3  }
0x59: {  	s16 =	simm.s32 $0x9200;
	v3 =	vperm.xlane v3, v2  }
0x5a: {  	[tilespmem:s16], [sflag:$0x1] =	stream.indirect_vreg.gather [hbm4b:s2+s14], $0x80, v4, vm0, $0xb8;
	[tilespmem:$0x18200] =	vst v63  }
0x5b: {  	s17 =	simm.s32 $0x9A00;
	v3 =	vadd.s32 v1, v3  }
0x5c: {  	[tilespmem:s17], [sflag:$0x1] =	stream.indirect_vreg.gather [hbm4b:s6+s14], $0x80, v4, vm0, $0xb8;
	[tilespmem:$0x18200] =	vst v63  }
0x5d: {  	s16 =	simm.s32 $0xA200  }
0x5e: {  	[tilespmem:s16], [sflag:$0x1] =	stream.indirect_vreg.gather [hbm4b:s7+s14], $0x80, v4, vm0, $0xb8;
	[tilespmem:$0x18200] =	vst v63  }
0x5f: {  	s17 =	simm.s32 $0xAA00  }
0x60: {  	[tilespmem:s17], [sflag:$0x1] =	stream.indirect_vreg.gather [hbm4b:s2+s14], $0x80, v3, vm0, $0xb8;
	[tilespmem:$0x18200] =	vst v63  }
0x61: {  	s16 =	simm.s32 $0xB200  }
0x62: {  	[tilespmem:s16], [sflag:$0x1] =	stream.indirect_vreg.gather [hbm4b:s6+s14], $0x80, v3, vm0, $0xb8;
	[tilespmem:$0x18200] =	vst v63  }
0x63: {  	s17 =	simm.s32 $0xBA00  }
0x64: {  	[tilespmem:s17], [sflag:$0x1] =	stream.indirect_vreg.gather [hbm4b:s7+s14], $0x80, v3, vm0, $0xb8;
	[tilespmem:$0x18200] =	vst v63  }
0x65: {  	v3 =	vld [tilespmem:s15+$0x40];
	_ =	sdelay $0x4  }
0x66: {  	v4 =	vshrl.u32 v3, $0x3  }
0x67: {  	v4 =	vmul.u32 $0x30, v4  }
0x68: {  	v3 =	vand.u32 $0x7, v3  }
0x69: {  	v3 =	vor.u32 v3, v4  }
0x6a: {  	v4 =	vperm.xlane v3, v0;
	_ =	sdelay $0x1  }
0x6b: {  	v4 =	vadd.s32 v1, v4;
	_ =	sdelay $0x3  }
0x6c: {  	s16 =	simm.s32 $0xC200;
	v3 =	vperm.xlane v3, v2  }
0x6d: {  	[tilespmem:s16], [sflag:$0x1] =	stream.indirect_vreg.gather [hbm4b:s2+s14], $0x80, v4, vm0, $0xb8;
	[tilespmem:$0x18200] =	vst v63  }
0x6e: {  	s17 =	simm.s32 $0xCA00;
	v3 =	vadd.s32 v1, v3  }
0x6f: {  	[tilespmem:s17], [sflag:$0x1] =	stream.indirect_vreg.gather [hbm4b:s6+s14], $0x80, v4, vm0, $0xb8;
	[tilespmem:$0x18200] =	vst v63  }
0x70: {  	s16 =	simm.s32 $0xD200  }
0x71: {  	[tilespmem:s16], [sflag:$0x1] =	stream.indirect_vreg.gather [hbm4b:s7+s14], $0x80, v4, vm0, $0xb8;
	[tilespmem:$0x18200] =	vst v63  }
0x72: {  	s17 =	simm.s32 $0xDA00  }
0x73: {  	[tilespmem:s17], [sflag:$0x1] =	stream.indirect_vreg.gather [hbm4b:s2+s14], $0x80, v3, vm0, $0xb8;
	[tilespmem:$0x18200] =	vst v63  }
0x74: {  	s16 =	simm.s32 $0xE200  }
0x75: {  	[tilespmem:s16], [sflag:$0x1] =	stream.indirect_vreg.gather [hbm4b:s6+s14], $0x80, v3, vm0, $0xb8;
	[tilespmem:$0x18200] =	vst v63  }
0x76: {  	s17 =	simm.s32 $0xEA00  }
0x77: {  	[tilespmem:s17], [sflag:$0x1] =	stream.indirect_vreg.gather [hbm4b:s7+s14], $0x80, v3, vm0, $0xb8;
	[tilespmem:$0x18200] =	vst v63  }
0x78: {  	v3 =	vld [tilespmem:s15+$0x50];
	_ =	sdelay $0x4  }
0x79: {  	v4 =	vshrl.u32 v3, $0x3  }
0x7a: {  	v4 =	vmul.u32 $0x30, v4  }
0x7b: {  	v3 =	vand.u32 $0x7, v3  }
0x7c: {  	v3 =	vor.u32 v3, v4  }
0x7d: {  	v4 =	vperm.xlane v3, v0;
	_ =	sdelay $0x1  }
0x7e: {  	v4 =	vadd.s32 v1, v4;
	_ =	sdelay $0x3  }
0x7f: {  	s16 =	simm.s32 $0xF200;
	v3 =	vperm.xlane v3, v2  }
0x80: {  	[tilespmem:s16], [sflag:$0x1] =	stream.indirect_vreg.gather [hbm4b:s2+s14], $0x80, v4, vm0, $0xb8;
	[tilespmem:$0x18200] =	vst v63  }
0x81: {  	v3 =	vadd.s32 v1, v3  }
0x82: {  	[tilespmem:s18], [sflag:$0x1] =	stream.indirect_vreg.gather [hbm4b:s6+s14], $0x80, v4, vm0, $0xb8;
	[tilespmem:$0x18200] =	vst v63  }
0x83: {  	_ = 	snop  }
0x84: {  	[tilespmem:s19], [sflag:$0x1] =	stream.indirect_vreg.gather [hbm4b:s7+s14], $0x80, v4, vm0, $0xb8;
	[tilespmem:$0x18200] =	vst v63  }
0x85: {  	_ = 	snop  }
0x86: {  	[tilespmem:s20], [sflag:$0x1] =	stream.indirect_vreg.gather [hbm4b:s2+s14], $0x80, v3, vm0, $0xb8;
	[tilespmem:$0x18200] =	vst v63  }
0x87: {  	_ = 	snop  }
0x88: {  	[tilespmem:s21], [sflag:$0x1] =	stream.indirect_vreg.gather [hbm4b:s6+s14], $0x80, v3, vm0, $0xb8;
	[tilespmem:$0x18200] =	vst v63  }
0x89: {  	_ = 	snop  }
0x8a: {  	[tilespmem:s22], [sflag:$0x1] =	stream.indirect_vreg.gather [hbm4b:s7+s14], $0x80, v3, vm0, $0xb8;
	[tilespmem:$0x18200] =	vst v63  }
0x8b: {  	v3 =	vld [tilespmem:s15+$0x60];
	_ =	sdelay $0x4  }
0x8c: {  	v4 =	vshrl.u32 v3, $0x3  }
0x8d: {  	v4 =	vmul.u32 $0x30, v4  }
0x8e: {  	v3 =	vand.u32 $0x7, v3  }
0x8f: {  	v3 =	vor.u32 v3, v4  }
0x90: {  	v4 =	vperm.xlane v3, v0;
	_ =	sdelay $0x1  }
0x91: {  	v4 =	vadd.s32 v1, v4;
	_ =	sdelay $0x3  }
0x92: {  	v3 =	vperm.xlane v3, v2  }
0x93: {  	[tilespmem:s23], [sflag:$0x1] =	stream.indirect_vreg.gather [hbm4b:s2+s14], $0x80, v4, vm0, $0xb8;
	[tilespmem:$0x18200] =	vst v63  }
0x94: {  	v3 =	vadd.s32 v1, v3  }
0x95: {  	[tilespmem:s24], [sflag:$0x1] =	stream.indirect_vreg.gather [hbm4b:s6+s14], $0x80, v4, vm0, $0xb8;
	[tilespmem:$0x18200] =	vst v63  }
0x96: {  	_ = 	snop  }
0x97: {  	[tilespmem:s25], [sflag:$0x1] =	stream.indirect_vreg.gather [hbm4b:s7+s14], $0x80, v4, vm0, $0xb8;
	[tilespmem:$0x18200] =	vst v63  }
0x98: {  	_ = 	snop  }
0x99: {  	[tilespmem:s26], [sflag:$0x1] =	stream.indirect_vreg.gather [hbm4b:s2+s14], $0x80, v3, vm0, $0xb8;
	[tilespmem:$0x18200] =	vst v63  }
0x9a: {  	_ = 	snop  }
0x9b: {  	[tilespmem:s28], [sflag:$0x1] =	stream.indirect_vreg.gather [hbm4b:s6+s14], $0x80, v3, vm0, $0xb8;
	[tilespmem:$0x18200] =	vst v63  }
0x9c: {  	_ = 	snop  }
0x9d: {  	[tilespmem:s29], [sflag:$0x1] =	stream.indirect_vreg.gather [hbm4b:s7+s14], $0x80, v3, vm0, $0xb8;
	[tilespmem:$0x18200] =	vst v63  }
0x9e: {  	v3 =	vld [tilespmem:s15+$0x70];
	_ =	sdelay $0x4  }
0x9f: {  	v4 =	vshrl.u32 v3, $0x3  }
0xa0: {  	v4 =	vmul.u32 $0x30, v4  }
0xa1: {  	v3 =	vand.u32 $0x7, v3  }
0xa2: {  	v3 =	vor.u32 v3, v4  }
0xa3: {  	v4 =	vperm.xlane v3, v0;
	_ =	sdelay $0x1  }
0xa4: {  	v4 =	vadd.s32 v1, v4;
	_ =	sdelay $0x3  }
0xa5: {  	v3 =	vperm.xlane v3, v2  }
0xa6: {  	[tilespmem:s30], [sflag:$0x1] =	stream.indirect_vreg.gather [hbm4b:s2+s14], $0x80, v4, vm0, $0xb8;
	[tilespmem:$0x18200] =	vst v63  }
0xa7: {  	v3 =	vadd.s32 v1, v3  }
0xa8: {  	[tilespmem:s31], [sflag:$0x1] =	stream.indirect_vreg.gather [hbm4b:s6+s14], $0x80, v4, vm0, $0xb8;
	[tilespmem:$0x18200] =	vst v63  }
0xa9: {  	_ = 	snop  }
0xaa: {  	[tilespmem:s0], [sflag:$0x1] =	stream.indirect_vreg.gather [hbm4b:s7+s14], $0x80, v4, vm0, $0xb8;
	[tilespmem:$0x18200] =	vst v63  }
0xab: {  	_ = 	snop  }
0xac: {  	[tilespmem:s1], [sflag:$0x1] =	stream.indirect_vreg.gather [hbm4b:s2+s14], $0x80, v3, vm0, $0xb8;
	[tilespmem:$0x18200] =	vst v63  }
0xad: {  	s17 =	simm.s32 $0x0  }
0xae: {  	[tilespmem:s5], [sflag:$0x1] =	stream.indirect_vreg.gather [hbm4b:s6+s14], $0x80, v3, vm0, $0xb8;
	[tilespmem:$0x18200] =	vst v63  }
0xaf: {  	s15 =	smul.u32 $0x6000, s17  }
0xb0: {  	[tilespmem:s9], [sflag:$0x1] =	stream.indirect_vreg.gather [hbm4b:s7+s14], $0x80, v3, vm0, $0xb8;
	[tilespmem:$0x18200] =	vst v63  }
0xb1: {  	_ =	swait.ge [sflag:s12], $0x18000  }
0xb2: {  	s16 =	sand.u32 $0x380, s14;
	s15 =	sshra.s32 s15, $0x2;
	[sflag:s12] =	ssyncset.done $0x0  }
0xb3: {  	s15 =	sor.u32 s16, s15;
	[sflag:s12] =	ssyncadd.s32 $0xFFFE8000  }
0xb4: {  	v13 =	vld [tilespmem:s15+$0xC200]  }
0xb5: {  	v14 =	vld [tilespmem:s15+$0xC210]  }
0xb6: {  	v15 =	vld [tilespmem:s15+$0xC220]  }
0xb7: {  	v16 =	vld [tilespmem:s15+$0xC230]  }
0xb8: {  	v17 =	vld [tilespmem:s15+$0xC240]  }
0xb9: {  	v18 =	vld [tilespmem:s15+$0xC250]  }
0xba: {  	v19 =	vld [tilespmem:s15+$0xC260]  }
0xbb: {  	v20 =	vld [tilespmem:s15+$0xC270]  }
0xbc: {  	v21 =	vld [tilespmem:s15+$0xC600]  }
0xbd: {  	v22 =	vld [tilespmem:s15+$0xC610]  }
0xbe: {  	v23 =	vld [tilespmem:s15+$0xC620]  }
0xbf: {  	v24 =	vld [tilespmem:s15+$0xC630]  }
0xc0: {  	v25 =	vld [tilespmem:s15+$0xC640]  }
0xc1: {  	v26 =	vld [tilespmem:s15+$0xC650]  }
0xc2: {  	v27 =	vld [tilespmem:s15+$0xC660]  }
0xc3: {  	v28 =	vld [tilespmem:s15+$0xC670]  }
0xc4: {  	v29 =	vld [tilespmem:s15+$0xCA00]  }
0xc5: {  	v30 =	vld [tilespmem:s15+$0xCA10]  }
0xc6: {  	v31 =	vld [tilespmem:s15+$0xCA20]  }
0xc7: {  	v32 =	vld [tilespmem:s15+$0xCA30]  }
0xc8: {  	v33 =	vld [tilespmem:s15+$0xCA40]  }
0xc9: {  	v34 =	vld [tilespmem:s15+$0xCA50]  }
0xca: {  	v35 =	vld [tilespmem:s15+$0xCA60]  }
0xcb: {  	v36 =	vld [tilespmem:s15+$0xCA70]  }
0xcc: {  	v37 =	vld [tilespmem:s15+$0xCE00]  }
0xcd: {  	v38 =	vld [tilespmem:s15+$0xCE10]  }
0xce: {  	v39 =	vld [tilespmem:s15+$0xCE20]  }
0xcf: {  	v40 =	vld [tilespmem:s15+$0xCE30]  }
0xd0: {  	v41 =	vld [tilespmem:s15+$0xCE40]  }
0xd1: {  	v42 =	vld [tilespmem:s15+$0xCE50]  }
0xd2: {  	v43 =	vld [tilespmem:s15+$0xCE60]  }
0xd3: {  	v44 =	vld [tilespmem:s15+$0xCE70]  }
0xd4: {  	v45 =	vld [tilespmem:s15+$0xD200]  }
0xd5: {  	v46 =	vld [tilespmem:s15+$0xD210]  }
0xd6: {  	v47 =	vld [tilespmem:s15+$0xD220]  }
0xd7: {  	v48 =	vld [tilespmem:s15+$0xD230]  }
0xd8: {  	v49 =	vld [tilespmem:s15+$0xD240]  }
0xd9: {  	v50 =	vld [tilespmem:s15+$0xD250]  }
0xda: {  	v12 =	vld [tilespmem:s15+$0xD260]  }
0xdb: {  	v11 =	vld [tilespmem:s15+$0xD270]  }
0xdc: {  	v10 =	vld [tilespmem:s15+$0xD600]  }
0xdd: {  	v9 =	vld [tilespmem:s15+$0xD610]  }
0xde: {  	v8 =	vld [tilespmem:s15+$0xD620]  }
0xdf: {  	v7 =	vld [tilespmem:s15+$0xD630]  }
0xe0: {  	v6 =	vld [tilespmem:s15+$0xD640]  }
0xe1: {  	v51 =	vld [tilespmem:s15+$0x200]  }
0xe2: {  	v52 =	vld [tilespmem:s15+$0x210]  }
0xe3: {  	v53 =	vld [tilespmem:s15+$0x220]  }
0xe4: {  	v54 =	vld [tilespmem:s15+$0x230]  }
0xe5: {  	v55 =	vld [tilespmem:s15+$0x240]  }
0xe6: {  	v61 =	vld [tilespmem:s15+$0x250];
	v13 =	vadd.f32 v13, v51  }
0xe7: {  	v62 =	vld [tilespmem:s15+$0x260];
	v14 =	vadd.f32 v14, v52  }
0xe8: {  	[tilespmem:s15+$0x200] =	vst v13;
	v13 =	vadd.f32 v15, v53;
	v15 =	vld [tilespmem:s15+$0x270]  }
0xe9: {  	[tilespmem:s15+$0x210] =	vst v14;
	v14 =	vadd.f32 v16, v54;
	v16 =	vld [tilespmem:s15+$0x600]  }
0xea: {  	[tilespmem:s15+$0x220] =	vst v13;
	v13 =	vadd.f32 v17, v55;
	v17 =	vld [tilespmem:s15+$0x610]  }
0xeb: {  	[tilespmem:s15+$0x230] =	vst v14;
	v14 =	vadd.f32 v18, v61;
	v18 =	vld [tilespmem:s15+$0x620]  }
0xec: {  	v5 =	vld [tilespmem:s15+$0xD650]  }
0xed: {  	[tilespmem:s15+$0x240] =	vst v13;
	v13 =	vadd.f32 v19, v62;
	v19 =	vld [tilespmem:s15+$0x670]  }
0xee: {  	[tilespmem:s15+$0x250] =	vst v14;
	v14 =	vadd.f32 v20, v15;
	v15 =	vld [tilespmem:s15+$0x630]  }
0xef: {  	[tilespmem:s15+$0x260] =	vst v13;
	v13 =	vadd.f32 v21, v16;
	v16 =	vld [tilespmem:s15+$0x640]  }
0xf0: {  	[tilespmem:s15+$0x270] =	vst v14;
	v14 =	vadd.f32 v22, v17;
	v17 =	vadd.f32 v23, v18;
	v18 =	vld [tilespmem:s15+$0x660]  }
0xf1: {  	[tilespmem:s15+$0x600] =	vst v13;
	v13 =	vld [tilespmem:s15+$0x650]  }
0xf2: {  	[tilespmem:s15+$0x610] =	vst v14;
	v14 =	vld [tilespmem:s15+$0xA00];
	v19 =	vadd.f32 v28, v19  }
0xf3: {  	[tilespmem:s15+$0x620] =	vst v17;
	v17 =	vld [tilespmem:s15+$0xA10];
	v15 =	vadd.f32 v24, v15  }
0xf4: {  	v4 =	vld [tilespmem:s15+$0xD660];
	v16 =	vadd.f32 v25, v16;
	[tilespmem:s15+$0x670] =	vst v19  }
0xf5: {  	[tilespmem:s15+$0x630] =	vst v15;
	v15 =	vld [tilespmem:s15+$0xA20];
	v18 =	vadd.f32 v27, v18  }
0xf6: {  	v13 =	vadd.f32 v26, v13;
	[tilespmem:s15+$0x640] =	vst v16;
	v16 =	vld [tilespmem:s15+$0xA30]  }
0xf7: {  	v19 =	vld [tilespmem:s15+$0xA70];
	[tilespmem:s15+$0x660] =	vst v18;
	v14 =	vadd.f32 v29, v14  }
0xf8: {  	v18 =	vld [tilespmem:s15+$0xA50];
	v17 =	vadd.f32 v30, v17;
	[tilespmem:s15+$0x650] =	vst v13  }
0xf9: {  	v13 =	vld [tilespmem:s15+$0xA40];
	[tilespmem:s15+$0xA00] =	vst v14  }
0xfa: {  	[tilespmem:s15+$0xA10] =	vst v17;
	v17 =	vld [tilespmem:s15+$0xA60];
	v14 =	vadd.f32 v31, v15  }
0xfb: {  	v15 =	vld [tilespmem:s15+$0xE00];
	v16 =	vadd.f32 v32, v16  }
0xfc: {  	[tilespmem:s15+$0xA20] =	vst v14;
	v14 =	vld [tilespmem:s15+$0xE10]  }
0xfd: {  	v18 =	vadd.f32 v34, v18;
	[tilespmem:s15+$0xA30] =	vst v16;
	v16 =	vld [tilespmem:s15+$0xE20]  }
0xfe: {  	v3 =	vld [tilespmem:s15+$0xD670];
	v13 =	vadd.f32 v33, v13  }
0xff: {  	v17 =	vadd.f32 v35, v17;
	[tilespmem:s15+$0xA50] =	vst v18;
	v18 =	vld [tilespmem:s15+$0xE40]  }
0x100: {  	[tilespmem:s15+$0xA40] =	vst v13;
	v13 =	vld [tilespmem:s15+$0xE30];
	v15 =	vadd.f32 v37, v15  }
0x101: {  	v19 =	vadd.f32 v36, v19;
	[tilespmem:s15+$0xA60] =	vst v17;
	v17 =	vld [tilespmem:s15+$0xE50]  }
0x102: {  	v14 =	vadd.f32 v38, v14;
	[tilespmem:s15+$0xE00] =	vst v15;
	v15 =	vadd.f32 v39, v16;
	v16 =	vld [tilespmem:s15+$0xE60]  }
0x103: {  	[tilespmem:s15+$0xA70] =	vst v19;
	v19 =	vld [tilespmem:s15+$0xE70]  }
0x104: {  	[tilespmem:s15+$0xE10] =	vst v14;
	v14 =	vld [tilespmem:s15+$0x1200];
	v18 =	vadd.f32 v41, v18  }
0x105: {  	v13 =	vadd.f32 v40, v13;
	[tilespmem:s15+$0xE20] =	vst v15;
	v15 =	vld [tilespmem:s15+$0x1210]  }
0x106: {  	v17 =	vadd.f32 v42, v17;
	[tilespmem:s15+$0xE40] =	vst v18;
	v18 =	vld [tilespmem:s15+$0x1230]  }
0x107: {  	[tilespmem:s15+$0xE30] =	vst v13;
	v13 =	vld [tilespmem:s15+$0x1220];
	v16 =	vadd.f32 v43, v16  }
0x108: {  	v20 =	vld [tilespmem:s15+$0x1240];
	[tilespmem:s15+$0xE50] =	vst v17;
	v17 =	vadd.f32 v44, v19  }
0x109: {  	v63 =	vld [tilespmem:s15+$0x1250];
	v14 =	vadd.f32 v45, v14;
	[tilespmem:s15+$0xE60] =	vst v16  }
0x10a: {  	[tilespmem:s15+$0xE70] =	vst v17;
	v15 =	vadd.f32 v46, v15;
	v17 =	vld [tilespmem:s15+$0x1260]  }
0x10b: {  	v16 =	vld [tilespmem:s15+$0x1270];
	[tilespmem:s15+$0x1200] =	vst v14;
	v18 =	vadd.f32 v48, v18  }
0x10c: {  	v13 =	vadd.f32 v47, v13;
	[tilespmem:s15+$0x1210] =	vst v15;
	v15 =	vld [tilespmem:s15+$0x1600]  }
0x10d: {  	v19 =	vadd.f32 v49, v20;
	v14 =	vld [tilespmem:s15+$0x1610];
	[tilespmem:s15+$0x1230] =	vst v18  }
0x10e: {  	s16 =	simm.s32 $0x1;
	v18 =	vadd.f32 v50, v63;
	[tilespmem:s15+$0x1220] =	vst v13;
	v13 =	vld [tilespmem:s15+$0x1620]  }
.LBB2_3:
0x10f: {  	s3 =	sshrl.u32 s16, $0x3;
	p0 =	sne.s32 s16, $0x3F;
	[tilespmem:s15+$0x1240] =	vst v19;
	v12 =	vadd.f32 v12, v17;
	v17 =	vld [tilespmem:s15+$0x1630]  }
0x110: {  	s3 =	smul.u32 $0x6000, s3;
	[tilespmem:s15+$0x1250] =	vst v18;
	v11 =	vadd.f32 v11, v16;
	v16 =	vld [tilespmem:s15+$0x1640]  }
0x111: {  	s14 =	sadd.s32 $0x80, s14;
	[tilespmem:s15+$0x1260] =	vst v12;
	v10 =	vadd.f32 v10, v15;
	v12 =	vld [tilespmem:s15+$0x1650]  }
0x112: {  	s17 =	sand.u32 $0x380, s14;
	s3 =	sshra.s32 s3, $0x2;
	[tilespmem:s15+$0x1270] =	vst v11;
	v9 =	vadd.f32 v9, v14;
	v11 =	vld [tilespmem:s15+$0x1660]  }
0x113: {  	s3 =	sor.u32 s17, s3;
	[tilespmem:s15+$0x1600] =	vst v10;
	v8 =	vadd.f32 v8, v13;
	v10 =	vld [tilespmem:s15+$0x1670]  }
0x114: {  	v39 =	vld [tilespmem:s3+$0xC200];
	[tilespmem:s15+$0x1610] =	vst v9;
	v7 =	vadd.f32 v7, v17  }
0x115: {  	v40 =	vld [tilespmem:s3+$0xC210];
	[tilespmem:s15+$0x1620] =	vst v8;
	v6 =	vadd.f32 v6, v16  }
0x116: {  	v41 =	vld [tilespmem:s3+$0xC220];
	[tilespmem:s15+$0x1630] =	vst v7;
	v5 =	vadd.f32 v5, v12  }
0x117: {  	v42 =	vld [tilespmem:s3+$0xC230];
	[tilespmem:s15+$0x1640] =	vst v6;
	v4 =	vadd.f32 v4, v11  }
0x118: {  	v43 =	vld [tilespmem:s3+$0xC240];
	[tilespmem:s15+$0x1650] =	vst v5;
	v3 =	vadd.f32 v3, v10  }
0x119: {  	v44 =	vld [tilespmem:s3+$0xC250];
	[tilespmem:s15+$0x1660] =	vst v4  }
0x11a: {  	v45 =	vld [tilespmem:s3+$0xC260];
	[tilespmem:s15+$0x1670] =	vst v3;
	s15 =	smov.u32 s3  }
0x11b: {  	v46 =	vld [tilespmem:s15+$0xC270]  }
0x11c: {  	v47 =	vld [tilespmem:s15+$0xC600]  }
0x11d: {  	v48 =	vld [tilespmem:s15+$0xC610]  }
0x11e: {  	v49 =	vld [tilespmem:s15+$0xC620]  }
0x11f: {  	v50 =	vld [tilespmem:s15+$0xC630]  }
0x120: {  	v38 =	vld [tilespmem:s15+$0xC640]  }
0x121: {  	v37 =	vld [tilespmem:s15+$0xC650]  }
0x122: {  	v36 =	vld [tilespmem:s15+$0xC660]  }
0x123: {  	v35 =	vld [tilespmem:s15+$0xC670]  }
0x124: {  	v34 =	vld [tilespmem:s15+$0xCA00]  }
0x125: {  	v33 =	vld [tilespmem:s15+$0xCA10]  }
0x126: {  	v32 =	vld [tilespmem:s15+$0xCA20]  }
0x127: {  	v31 =	vld [tilespmem:s15+$0xCA30]  }
0x128: {  	v30 =	vld [tilespmem:s15+$0xCA40]  }
0x129: {  	v29 =	vld [tilespmem:s15+$0xCA50]  }
0x12a: {  	v28 =	vld [tilespmem:s15+$0xCA60]  }
0x12b: {  	v27 =	vld [tilespmem:s15+$0xCA70]  }
0x12c: {  	v26 =	vld [tilespmem:s15+$0xCE00]  }
0x12d: {  	v25 =	vld [tilespmem:s15+$0xCE10]  }
0x12e: {  	v24 =	vld [tilespmem:s15+$0xCE20]  }
0x12f: {  	v23 =	vld [tilespmem:s15+$0xCE30]  }
0x130: {  	v22 =	vld [tilespmem:s15+$0xCE40]  }
0x131: {  	v21 =	vld [tilespmem:s15+$0xCE50]  }
0x132: {  	v20 =	vld [tilespmem:s15+$0xCE60]  }
0x133: {  	v19 =	vld [tilespmem:s15+$0xCE70]  }
0x134: {  	v18 =	vld [tilespmem:s15+$0xD200]  }
0x135: {  	v17 =	vld [tilespmem:s15+$0xD210]  }
0x136: {  	v16 =	vld [tilespmem:s15+$0xD220]  }
0x137: {  	v15 =	vld [tilespmem:s15+$0xD230]  }
0x138: {  	v14 =	vld [tilespmem:s15+$0xD240]  }
0x139: {  	v13 =	vld [tilespmem:s15+$0xD250]  }
0x13a: {  	v12 =	vld [tilespmem:s15+$0xD260]  }
0x13b: {  	v11 =	vld [tilespmem:s15+$0xD270]  }
0x13c: {  	v10 =	vld [tilespmem:s15+$0xD600]  }
0x13d: {  	v9 =	vld [tilespmem:s15+$0xD610]  }
0x13e: {  	v8 =	vld [tilespmem:s15+$0xD620]  }
0x13f: {  	v7 =	vld [tilespmem:s15+$0xD630]  }
0x140: {  	v6 =	vld [tilespmem:s15+$0xD640]  }
0x141: {  	v5 =	vld [tilespmem:s15+$0xD650]  }
0x142: {  	v4 =	vld [tilespmem:s15+$0xD660]  }
0x143: {  	v3 =	vld [tilespmem:s15+$0xD670]  }
0x144: {  	v51 =	vld [tilespmem:s15+$0x200]  }
0x145: {  	v52 =	vld [tilespmem:s15+$0x210]  }
0x146: {  	v53 =	vld [tilespmem:s15+$0x220]  }
0x147: {  	v54 =	vld [tilespmem:s15+$0x230]  }
0x148: {  	v55 =	vld [tilespmem:s15+$0x240]  }
0x149: {  	v39 =	vadd.f32 v39, v51;
	v51 =	vld [tilespmem:s15+$0x250]  }
0x14a: {  	v40 =	vadd.f32 v40, v52;
	v52 =	vld [tilespmem:s15+$0x260]  }
0x14b: {  	[tilespmem:s15+$0x200] =	vst v39;
	v39 =	vadd.f32 v41, v53;
	v41 =	vld [tilespmem:s15+$0x270]  }
0x14c: {  	[tilespmem:s15+$0x210] =	vst v40;
	v40 =	vadd.f32 v42, v54;
	v42 =	vld [tilespmem:s15+$0x600]  }
0x14d: {  	[tilespmem:s15+$0x220] =	vst v39;
	v39 =	vadd.f32 v43, v55;
	v43 =	vld [tilespmem:s15+$0x610]  }
0x14e: {  	[tilespmem:s15+$0x230] =	vst v40;
	v40 =	vadd.f32 v44, v51;
	v44 =	vld [tilespmem:s15+$0x620]  }
0x14f: {  	[tilespmem:s15+$0x240] =	vst v39;
	v39 =	vadd.f32 v45, v52;
	v45 =	vld [tilespmem:s15+$0x630]  }
0x150: {  	[tilespmem:s15+$0x250] =	vst v40;
	v40 =	vadd.f32 v46, v41;
	v41 =	vld [tilespmem:s15+$0x640]  }
0x151: {  	[tilespmem:s15+$0x260] =	vst v39;
	v39 =	vadd.f32 v47, v42;
	v42 =	vld [tilespmem:s15+$0x650]  }
0x152: {  	[tilespmem:s15+$0x270] =	vst v40;
	v40 =	vadd.f32 v48, v43;
	v43 =	vld [tilespmem:s15+$0x660]  }
0x153: {  	[tilespmem:s15+$0x600] =	vst v39;
	v39 =	vadd.f32 v49, v44;
	v44 =	vld [tilespmem:s15+$0x670]  }
0x154: {  	[tilespmem:s15+$0x610] =	vst v40;
	v40 =	vadd.f32 v50, v45;
	v45 =	vld [tilespmem:s15+$0xA00]  }
0x155: {  	[tilespmem:s15+$0x620] =	vst v39;
	v38 =	vadd.f32 v38, v41;
	v39 =	vld [tilespmem:s15+$0xA10]  }
0x156: {  	[tilespmem:s15+$0x630] =	vst v40;
	v37 =	vadd.f32 v37, v42;
	v40 =	vld [tilespmem:s15+$0xA20]  }
0x157: {  	[tilespmem:s15+$0x640] =	vst v38;
	v36 =	vadd.f32 v36, v43;
	v38 =	vld [tilespmem:s15+$0xA30]  }
0x158: {  	[tilespmem:s15+$0x650] =	vst v37;
	v35 =	vadd.f32 v35, v44;
	v37 =	vld [tilespmem:s15+$0xA40]  }
0x159: {  	[tilespmem:s15+$0x660] =	vst v36;
	v34 =	vadd.f32 v34, v45;
	v36 =	vld [tilespmem:s15+$0xA50]  }
0x15a: {  	[tilespmem:s15+$0x670] =	vst v35;
	v33 =	vadd.f32 v33, v39;
	v35 =	vld [tilespmem:s15+$0xA60]  }
0x15b: {  	[tilespmem:s15+$0xA00] =	vst v34;
	v32 =	vadd.f32 v32, v40;
	v34 =	vld [tilespmem:s15+$0xA70]  }
0x15c: {  	[tilespmem:s15+$0xA10] =	vst v33;
	v31 =	vadd.f32 v31, v38;
	v33 =	vld [tilespmem:s15+$0xE00]  }
0x15d: {  	[tilespmem:s15+$0xA20] =	vst v32;
	v30 =	vadd.f32 v30, v37;
	v32 =	vld [tilespmem:s15+$0xE10]  }
0x15e: {  	[tilespmem:s15+$0xA30] =	vst v31;
	v29 =	vadd.f32 v29, v36;
	v31 =	vld [tilespmem:s15+$0xE20]  }
0x15f: {  	[tilespmem:s15+$0xA40] =	vst v30;
	v28 =	vadd.f32 v28, v35;
	v30 =	vld [tilespmem:s15+$0xE30]  }
0x160: {  	[tilespmem:s15+$0xA50] =	vst v29;
	v27 =	vadd.f32 v27, v34;
	v29 =	vld [tilespmem:s15+$0xE40]  }
0x161: {  	[tilespmem:s15+$0xA60] =	vst v28;
	v26 =	vadd.f32 v26, v33;
	v28 =	vld [tilespmem:s15+$0xE50]  }
0x162: {  	[tilespmem:s15+$0xA70] =	vst v27;
	v25 =	vadd.f32 v25, v32;
	v27 =	vld [tilespmem:s15+$0xE60]  }
0x163: {  	[tilespmem:s15+$0xE00] =	vst v26;
	v24 =	vadd.f32 v24, v31;
	v26 =	vld [tilespmem:s15+$0xE70]  }
0x164: {  	[tilespmem:s15+$0xE10] =	vst v25;
	v23 =	vadd.f32 v23, v30;
	v25 =	vld [tilespmem:s15+$0x1200]  }
0x165: {  	[tilespmem:s15+$0xE20] =	vst v24;
	v22 =	vadd.f32 v22, v29;
	v24 =	vld [tilespmem:s15+$0x1210]  }
0x166: {  	[tilespmem:s15+$0xE30] =	vst v23;
	v21 =	vadd.f32 v21, v28;
	v23 =	vld [tilespmem:s15+$0x1220]  }
0x167: {  	[tilespmem:s15+$0xE40] =	vst v22;
	v20 =	vadd.f32 v20, v27;
	v22 =	vld [tilespmem:s15+$0x1230]  }
0x168: {  	[tilespmem:s15+$0xE50] =	vst v21;
	v19 =	vadd.f32 v19, v26;
	v21 =	vld [tilespmem:s15+$0x1240]  }
0x169: {  	[tilespmem:s15+$0xE60] =	vst v20;
	v18 =	vadd.f32 v18, v25;
	v20 =	vld [tilespmem:s15+$0x1250]  }
.Ltmp0:
0x16a: {  	[tilespmem:s15+$0xE70] =	vst v19;
	v19 =	vadd.f32 v17, v24;
	v17 =	vld [tilespmem:s15+$0x1260];
	(pc) =	sbr.rel @p0 .LBB2_3-.Ltmp0, $4  }
0x16b: {  	[tilespmem:s15+$0x1200] =	vst v18;
	v18 =	vadd.f32 v16, v23;
	v16 =	vld [tilespmem:s15+$0x1270]  }
0x16c: {  	[tilespmem:s15+$0x1210] =	vst v19;
	v22 =	vadd.f32 v15, v22;
	v15 =	vld [tilespmem:s15+$0x1600]  }
0x16d: {  	[tilespmem:s15+$0x1220] =	vst v18;
	v19 =	vadd.f32 v14, v21;
	v14 =	vld [tilespmem:s15+$0x1610]  }
0x16e: {  	s16 =	sadd.s32 $0x1, s16;
	[tilespmem:s15+$0x1230] =	vst v22;
	v18 =	vadd.f32 v13, v20;
	v13 =	vld [tilespmem:s15+$0x1620]  }
0x16f: {  	[tilespmem:s15+$0x1240] =	vst v19;
	v59 =	vld [tilespmem:s15+$0x1630];
	v12 =	vadd.f32 v12, v17  }
0x170: {  	v60 =	vld [tilespmem:s15+$0x1640];
	[tilespmem:s15+$0x1250] =	vst v18;
	v11 =	vadd.f32 v11, v16  }
0x171: {  	v61 =	vld [tilespmem:s15+$0x1650];
	[tilespmem:s15+$0x1260] =	vst v12;
	v10 =	vadd.f32 v10, v15  }
0x172: {  	v62 =	vld [tilespmem:s15+$0x1660];
	[tilespmem:s15+$0x1270] =	vst v11;
	v9 =	vadd.f32 v9, v14  }
0x173: {  	v63 =	vld [tilespmem:s15+$0x1670];
	[tilespmem:s15+$0x1600] =	vst v10;
	v8 =	vadd.f32 v8, v13  }
0x174: {  	[tilespmem:s15+$0x1610] =	vst v9;
	v7 =	vadd.f32 v7, v59  }
0x175: {  	v6 =	vadd.f32 v6, v60;
	[tilespmem:s15+$0x1620] =	vst v8  }
0x176: {  	s3 =	sshll.u32 s13, $0x3;
	v5 =	vadd.f32 v5, v61;
	[tilespmem:s15+$0x1630] =	vst v7  }
0x177: {  	s3 =	sadd.s32 s8, s3;
	v4 =	vadd.f32 v4, v62;
	[tilespmem:s15+$0x1640] =	vst v6  }
0x178: {  	s13 =	sadd.s32 $0x1, s13;
	s3 =	smul.u32 $0x300, s3;
	v3 =	vadd.f32 v3, v63;
	[tilespmem:s15+$0x1650] =	vst v5  }
0x179: {  	p0 =	sne.s32 s13, $0x4;
	[tilespmem:s15+$0x1660] =	vst v4  }
.Ltmp1:
0x17a: {  	s14 =	simm.s32 $0x0;
	s3 =	sadd.s32 s4, s3;
	[tilespmem:s15+$0x1670] =	vst v3;
	(pc) =	sbr.rel @p0 .LBB2_2-.Ltmp1, $4  }
0x17b: {  	[hbm4b:s3+s14] =	stream.linear.scatter [tilespmem:s11], [sflag:$0x2], $0xC000, $0x38;
	[tilespmem:$0x18200] =	vst v63  }
0x17c: {  	_ =	swait.ge [sflag:s10], $0xC000  }
0x17d: {  	[sflag:s10] =	ssyncset.done $0x0  }
0x17e: {  	[sflag:s10] =	ssyncadd.s32 $0xFFFF4000  }
0x17f: {  	s13 =	rddreg [dreg:$0x5]  }
0x180: {  	s3 =	rddreg [dreg:$0x4];
	s13 =	sadd.s32 $0x1, s13  }
0x181: {  	p0 =	sne.s32 s13, s3  }
.Ltmp2:
0x182: {  	_ = 	snop;
	(pc) =	sbr.rel @p0 .LBB2_1-.Ltmp2, $1  }
0x183: {  	_ =	sdelay $0x3  }
0x184: {  	_ =	sfence.sel $0x180000  }
0x185: {  	[bflag:$0x0] =	sbarrier.arrive $0xFFFF  }
0x186: {  	_ =	strace $0x9000004A  }
0x187: {  	s0 =	stileid.u32;
	[bflag:$0x2] =	sbarrier.arrive $0xFFFF  }
0x188: {  	p0 =	sne.s32 s0, $0x0;
	s0 =	rddreg [dreg:$0x2]  }
0x189: {  	s0 =	sadd.s32 @!p0 $0x100000, s0  }
0x18a: {  	[sflag:s0] =	ssyncadd.tile.s32 @!p0 $0x1;
	_ =	shalt  }
.Lfunc_end2:
_tile_overlayer_lowered:
.L_overlay_start_2:
0x18b: {  	(tag) =	ssettag $0x2  }
0x18c: {  	s0 =	rddreg [dreg:$0x0];
	s2 =	stileid.u32  }
0x18d: {  	s1 =	rddreg [dreg:$0x1];
	p0 =	sne.s32 s2, $0x0  }
0x18e: {  	s3 =	rddreg [dreg:$0x2];
	[bflag:$0x3] =	sbarrier.arrive $0xFFFF;
	s2 =	simm.s32 @!p0 $0x1C02  }
0x18f: {  	[timem:s3], [sflag:s2] =	dma.local @!p0 [hbm:s0], s1  }
0x190: {  	s0 =	simm.s32 @!p0 $0x2  }
0x191: {  	_ =	swait.ge @!p0 [sflag:s0], s1  }
0x192: {  	s1 =	ssub.s32 @!p0 $0x0, s1;
	[sflag:s0] =	ssyncset.done @!p0 $0x0  }
0x193: {  	[sflag:s0] =	ssyncadd.s32 @!p0 s1  }
0x194: {  	[bflag:$0x3] =	sbarrier.arrive $0xFFFF  }
0x195: {  	_ =	shalt  }

// kernel: kernel.14.cloned.1.call-start
scs
__scs_entry_jumppad:
0x0: {  	(pc) =	sbr.rel $0x88, $3  }
0x1: {  	(tag) =	ssettag $0x0;
	lr =	simm.s32 $0x1  }
0x2: {  	[smem:$0x3F9D] =	sst lr;
	_ =	strace $0xD0000000  }
0x3: {  	_ = 	snop  }
0x4: {  	_ = 	snop  }
0x5: {  	_ = 	snop  }
0x6: {  	_ = 	snop  }
0x7: {  	_ = 	snop  }
__scs_overlays_trampoline_lowered:
0x8: {  	[smem:$0x3FAC] =	sst s0  }
0x9: {  	[smem:$0x3FAD] =	sst s1  }
0xa: {  	[smem:$0x3FAE] =	sst s2  }
0xb: {  	[smem:$0x3FAF] =	sst s3  }
0xc: {  	[smem:$0x3FB0] =	sst s4  }
0xd: {  	[smem:$0x3FB1] =	sst s5  }
0xe: {  	[smem:$0x3FB2] =	sst s6  }
0xf: {  	[smem:$0x3FB3] =	sst s7  }
0x10: {  	[smem:$0x3FB4] =	sst s8  }
0x11: {  	[smem:$0x3FB5] =	sst s9;
	s0 =	simm.s32 @!p0 $0x0  }
0x12: {  	s1 =	sld [smem:$0x3F9B];
	s0 =	simm.s32 @p0 $0x1  }
0x13: {  	[smem:$0x3FB6] =	sst s0;
	s0 =	simm.s32 @!p1 $0x0  }
0x14: {  	s2 =	sld [smem:$0x3F9A];
	s0 =	simm.s32 @p1 $0x1  }
0x15: {  	[smem:$0x3FB7] =	sst s0;
	s0 =	simm.s32 @!p2 $0x0  }
0x16: {  	s3 =	sld [smem:$0x3FDB];
	s0 =	simm.s32 @p2 $0x1  }
0x17: {  	s4 =	simm.s32 $0x1BF5;
	[smem:$0x3FB9] =	sst s0  }
0x18: {  	s0 =	sld [smem:$0x3F9C];
	_ =	swait.ge [sflag:s4], $0x0  }
0x19: {  	s7 =	sld [smem:$0x3F9D]  }
0x1a: {  	s8 =	sadd.s32 $0xFFFFE003, lr  }
0x1b: {  	s9 =	sadd.s32 $0xFFFFFEF7, lr;
	s5 =	simm.s32 $0xFFFFFFFF;
	p2 =	slt.u32 s8, $0xFFFFF086  }
0x1c: {  	p1 =	slt.u32 s9, $0xF7A;
	s5 =	simm.s32 @!p2 $0x0  }
0x1d: {  	s5 =	simm.s32 @p1 $0x1;
	p0 =	seq.s32 s7, s2  }
0x1e: {  	s7 =	smul.u32 @!p0 $0xF7A, s2;
	p2 =	seq.s32 @!p0 s5, $0x0  }
0x1f: {  	s9 =	smul.u32 $0xF7A, s1;
	s8 =	simm.s32 @!p0 $0x1BF5;
	p2 =	por !p2, p0  }
0x20: {  	[sflag:s8] =	ssyncset.s32 @!p0 $0xFFFFF086;
	s6 =	sadd.s32 @!p0 s3, s7;
	s7 =	simm.s32 @!p0 $0x108  }
0x21: {  	s3 =	sadd.s32 s3, s9;
	s6 =	sadd.s32 @!p0 $0x88, s6;
	s7 =	simm.s32 @p2 $0x1082  }
0x22: {  	[simem:s7], [sflag:s8] =	dma.local @!p0 [hbm:s6], $0xF7A  }
0x23: {  	s9 =	sor.u32 $0xD0000000, s2;
	s6 =	simm.s32 $0x108;
	_ =	swait.ge @!p0 [sflag:s8], $0x0  }
0x24: {  	s3 =	sadd.s32 $0x88, s3;
	s6 =	simm.s32 @!p1 $0x1082;
	[sflag:s4] =	ssyncset.s32 $0xFFFFF086  }
0x25: {  	[simem:s6], [sflag:s4] =	dma.local [hbm:s3], $0xF7A  }
0x26: {  	[smem:$0x3F9D] =	sst s1;
	(tag) =	ssettag s2;
	_ =	strace s9  }
0x27: {  	s1 =	sld [smem:$0x3FAD]  }
0x28: {  	s2 =	sld [smem:$0x3FAE]  }
0x29: {  	s4 =	sld [smem:$0x3FB0]  }
0x2a: {  	p0 =	seq.s32 s5, $0x0;
	s5 =	sld [smem:$0x3FB1]  }
0x2b: {  	s6 =	sld [smem:$0x3FB2]  }
0x2c: {  	s7 =	sld [smem:$0x3FB3]  }
0x2d: {  	s3 =	simm.s32 $0x108;
	s8 =	sld [smem:$0x3FB4]  }
0x2e: {  	s3 =	simm.s32 @!p0 $0x1082;
	s9 =	sld [smem:$0x3FB5]  }
0x2f: {  	lr =	sadd.s32 s0, s3;
	s0 =	sld [smem:$0x3FAC]  }
0x30: {  	s3 =	sld [smem:$0x3FAF]  }
0x31: {  	[smem:$0x3FB8] =	sst s10  }
0x32: {  	s10 =	sld [smem:$0x3FB6];
	_ =	sdelay $0x3  }
0x33: {  	p0 =	seq.s32 s10, $0x1;
	s10 =	sld [smem:$0x3FB8];
	_ =	sdelay $0x3  }
0x34: {  	[smem:$0x3FB8] =	sst s10  }
0x35: {  	s10 =	sld [smem:$0x3FB7];
	_ =	sdelay $0x3  }
0x36: {  	p1 =	seq.s32 s10, $0x1;
	s10 =	sld [smem:$0x3FB8];
	_ =	sdelay $0x3  }
0x37: {  	[smem:$0x3FB8] =	sst s10  }
0x38: {  	s10 =	sld [smem:$0x3FB9]  }
0x39: {  	_ = 	snop;
	(pc) =	sbr.ind lr, $3  }
0x3a: {  	_ = 	snop  }
0x3b: {  	_ = 	snop  }
0x3c: {  	p2 =	seq.s32 s10, $0x1;
	s10 =	sld [smem:$0x3FB8]  }
0x3d: {  	_ =	shalt  }
0x3e: {  	_ =	shalt  }
0x3f: {  	_ =	shalt  }
0x40: {  	_ =	shalt  }
0x41: {  	_ =	shalt  }
0x42: {  	_ =	shalt  }
0x43: {  	_ =	shalt  }
0x44: {  	_ =	shalt  }
0x45: {  	_ =	shalt  }
0x46: {  	_ =	shalt  }
0x47: {  	_ =	shalt  }
0x48: {  	_ =	shalt  }
0x49: {  	_ =	shalt  }
0x4a: {  	_ =	shalt  }
0x4b: {  	_ =	shalt  }
0x4c: {  	_ =	shalt  }
0x4d: {  	_ =	shalt  }
0x4e: {  	_ =	shalt  }
0x4f: {  	_ =	shalt  }
0x50: {  	_ =	shalt  }
0x51: {  	_ =	shalt  }
0x52: {  	_ =	shalt  }
0x53: {  	_ =	shalt  }
0x54: {  	_ =	shalt  }
0x55: {  	_ =	shalt  }
0x56: {  	_ =	shalt  }
0x57: {  	_ =	shalt  }
0x58: {  	_ =	shalt  }
0x59: {  	_ =	shalt  }
0x5a: {  	_ =	shalt  }
0x5b: {  	_ =	shalt  }
0x5c: {  	_ =	shalt  }
0x5d: {  	_ =	shalt  }
0x5e: {  	_ =	shalt  }
0x5f: {  	_ =	shalt  }
0x60: {  	_ =	shalt  }
0x61: {  	_ =	shalt  }
0x62: {  	_ =	shalt  }
0x63: {  	_ =	shalt  }
0x64: {  	_ =	shalt  }
0x65: {  	_ =	shalt  }
0x66: {  	_ =	shalt  }
0x67: {  	_ =	shalt  }
0x68: {  	_ =	shalt  }
0x69: {  	_ =	shalt  }
0x6a: {  	_ =	shalt  }
0x6b: {  	_ =	shalt  }
0x6c: {  	_ =	shalt  }
0x6d: {  	_ =	shalt  }
0x6e: {  	_ =	shalt  }
0x6f: {  	_ =	shalt  }
0x70: {  	_ =	shalt  }
0x71: {  	_ =	shalt  }
0x72: {  	_ =	shalt  }
0x73: {  	_ =	shalt  }
0x74: {  	_ =	shalt  }
0x75: {  	_ =	shalt  }
0x76: {  	_ =	shalt  }
0x77: {  	_ =	shalt  }
0x78: {  	_ =	shalt  }
0x79: {  	_ =	shalt  }
0x7a: {  	_ =	shalt  }
0x7b: {  	_ =	shalt  }
0x7c: {  	_ =	shalt  }
0x7d: {  	_ =	shalt  }
0x7e: {  	_ =	shalt  }
0x7f: {  	_ =	shalt  }
0x80: {  	_ =	shalt  }
0x81: {  	_ =	shalt  }
0x82: {  	_ =	shalt  }
0x83: {  	_ =	shalt  }
0x84: {  	_ =	shalt  }
0x85: {  	_ =	shalt  }
0x86: {  	_ =	shalt  }
0x87: {  	_ =	shalt  }
.Lfunc_end0:
.L_simem_size_0:
called_computation.2_lowered:
.L_overlay_start_0:
0x88: {  	s2 =	sld [smem:$0x3FD9]  }
0x89: {  	s3 =	sld [smem:$0x3FFE];
	_ =	sdelay $0x1  }
0x8a: {  	s1 =	srdreg.scid  }
0x8b: {  	s0 =	sand.u32 $0x1, s1  }
0x8c: {  	s17 =	sshll.u32 s0, $0xA;
	s2 =	sadd.s32 s3, s2  }
0x8d: {  	s2 =	sadd.s32 s2, s17  }
0x8e: {  	[smem:$0x3FC4] =	sst s2  }
0x8f: {  	_ = 	snop  }
0x90: {  	s18 =	sld [smem:$0x3FC6];
	(tm) =	ssettm $0x1  }
0x91: {  	s19 =	sld [smem:$0x3FFB];
	_ =	sdelay $0x3  }
0x92: {  	_ =	strace s19  }
0x93: {  	s2 =	sld [smem:$0x3FFC];
	_ =	sdelay $0x3  }
0x94: {  	_ =	strace s2  }
0x95: {  	s2 =	sld [smem:$0x3FFD];
	_ =	sdelay $0x3  }
0x96: {  	_ =	strace s2  }
0x97: {  	_ =	strace $0x8FFFFFFF  }
0x98: {  	s20 =	sld [smem:$0x3FDB];
	_ =	sdelay $0x1  }
0x99: {  	s4 =	simm.s32 $_scs_section_size  }
0x9a: {  	s5 =	simm.s32 $_size__tile_overlayer_lowered;
	s6 =	simm.s32 $_tile_overlayer_lowered  }
0x9b: {  	s7 =	simm.s32 $0x1BFF;
	s21 =	sshll.u32 s6, $0x1;
	s4 =	sadd.s32 s4, s20  }
0x9c: {  	s22 =	simm.s32 $0x0;
	s5 =	sshll.u32 s5, $0x1;
	s6 =	sadd.s32 s21, s4  }
0x9d: {  	[timem:s22], [sflag:s7] =	dma.local [hbm:s6], s5  }
0x9e: {  	_ =	swait.ge [sflag:s7], s5  }
0x9f: {  	s5 =	ssub.s32 $0x0, s5;
	[sflag:s7] =	ssyncset.done $0x0  }
0xa0: {  	[sflag:s7] =	ssyncadd.s32 s5;
	_ =	sdelay $0x1  }
0xa1: {  	s23 =	simm.s32 $0x1B8B  }
0xa2: {  	_ =	swait.ge [sflag:s23], $0x1  }
0xa3: {  	[sflag:s23] =	ssyncset.done $0x0  }
0xa4: {  	[sflag:s23] =	ssyncadd.s32 $0xFFFFFFFF  }
0xa5: {  	s5 =	sld [smem:$0x0]  }
0xa6: {  	s6 =	sand.u32 $0xFFFFFFFE, s1  }
0xa7: {  	p0 =	sne.s32 s1, s6  }
0xa8: {  	s6 =	sshll.u32 @p0 s6, $0xE  }
0xa9: {  	s6 =	sadd.s32 @p0 $0x11B8D, s6;
	s7 =	sshll.u32 @p0 s5, $0x11  }
0xaa: {  	s6 =	sor.u32 @p0 s7, s6  }
0xab: {  	[sflag:s6] =	ssyncadd.remote.s32 @p0 $0x1;
	_ =	sdelay $0x1  }
0xac: {  	s6 =	simm.s32 @p0 $0x1B8D  }
0xad: {  	_ =	swait.eq @p0 [sflag:s6], $0x1  }
0xae: {  	[sflag:s6] =	ssyncadd.s32 @p0 $0xFFFFFFFF  }
0xaf: {  	s7 =	sshll.u32 @!p0 s1, $0xE  }
0xb0: {  	s7 =	sor.u32 @!p0 $0x4000, s7;
	s6 =	simm.s32 @!p0 $0x1B8D  }
0xb1: {  	s5 =	sshll.u32 @!p0 s5, $0x11;
	s7 =	sadd.s32 @!p0 $0x11B8D, s7;
	_ =	swait.eq @!p0 [sflag:s6], $0x1  }
0xb2: {  	s5 =	sor.u32 @!p0 s5, s7;
	[sflag:s6] =	ssyncadd.s32 @!p0 $0xFFFFFFFF  }
0xb3: {  	s25 =	simm.s32 $0x1B8E;
	s24 =	sld [smem:$0x3FFE];
	[sflag:s5] =	ssyncadd.remote.s32 @!p0 $0x1  }
0xb4: {  	s26 =	simm.s32 $execute0_lowered;
	[smem:$0x3FD2] =	sst s25  }
0xb5: {  	s6 =	sshll.u32 s26, $0x1;
	_ =	strace $0x8000004C;
	[dreg:$0x1] =	wrdreg $0xFFFFFFFF  }
0xb6: {  	s28 =	simm.s32 $_size_execute0_lowered;
	s4 =	sadd.s32 s4, s6;
	[dreg:$0x0] =	wrdreg $0x0  }
0xb7: {  	s6 =	sshll.u32 s28, $0x1;
	[dreg:$0x2] =	wrdreg s4  }
0xb8: {  	[dreg:$0x3] =	wrdreg s6  }
0xb9: {  	[dreg:$0x4] =	wrdreg $0xC0  }
0xba: {  	_ =	task [dreg:s22], $0x5FFFF  }
0xbb: {  	[dreg:$0x1] =	wrdreg $0xFFFFFFFF  }
0xbc: {  	[dreg:$0x0] =	wrdreg $0x60  }
0xbd: {  	[dreg:$0x2] =	wrdreg s18  }
0xbe: {  	[dreg:$0x3] =	wrdreg s24  }
0xbf: {  	[dreg:$0x4] =	wrdreg $0xB  }
0xc0: {  	_ =	task.clear_ibuf [dreg:s22], $0x5FFFF;
	_ =	strace $0x9000004C  }
0xc1: {  	s29 =	simm.s32 $0xB;
	_ =	strace $0x8000004E  }
0xc2: {  	_ =	swait.ge [sflag:s29], $0x1  }
0xc3: {  	[sflag:s29] =	ssyncadd.s32 $0xFFFFFFFF  }
0xc4: {  	_ =	strace $0x9000004E  }
0xc5: {  	_ =	sfence  }
0xc6: {  	s30 =	sld [smem:$0x0];
	_ =	sdelay $0x2  }
0xc7: {  	s31 =	sshll.u32 s1, $0xD;
	s1 =	sshrl.u32 s1, $0x2  }
0xc8: {  	s4 =	sand.u32 $0x4000, s31;
	s1 =	sadd.s32 s1, s30  }
0xc9: {  	s0 =	sor.u32 s4, s0;
	s1 =	sshll.u32 s1, $0x11  }
0xca: {  	s0 =	sor.u32 s1, s0  }
0xcb: {  	s0 =	sadd.s32 $0x8F2B, s0  }
0xcc: {  	[sflag:s0] =	ssyncadd.remote.s32 $0x1  }
0xcd: {  	_ =	sfence.sel $0xFFFF  }
0xce: {  	[dreg:$0x0] =	wrdreg $0xFFFFFFFF;
	(pc) =	sbr.abs _section_cstart, $3  }
0xcf: {  	[dreg:$0x1] =	wrdreg $0xFFFFFFFF  }
0xd0: {  	_ =	task.clear_ibuf [dreg:s22], $0x2FFFF;
	_ =	strace $0x9FFFFFFF  }
0xd1: {  	(tm) =	ssettm $0x7FFFFFFF  }
tec
execute0_lowered:
.L_overlay_start_1:
0x0: {  	(tag) =	ssettag $0x1  }
0x1: {  	s2 =	rddreg [dreg:$0x0]  }
0x2: {  	s0 =	rddreg [dreg:$0x1]  }
0x3: {  	s1 =	srdreg.scid;
	s3 =	stileid.u32;
	s4 =	simm.s32 $0x0  }
0x4: {  	s10 =	simm.s32 $0x2;
	s11 =	simm.s32 $0x100;
	s18 =	simm.s32 $0xF900  }
0x5: {  	s19 =	simm.s32 $0x10100;
	s20 =	simm.s32 $0x10900;
	s21 =	simm.s32 $0x11100  }
0x6: {  	s22 =	simm.s32 $0x11900;
	s23 =	simm.s32 $0x12100;
	s28 =	simm.s32 $0x14100  }
0x7: {  	s29 =	simm.s32 $0x14900;
	s30 =	simm.s32 $0x15100;
	s31 =	simm.s32 $0x15900  }
0x8: {  	s9 =	simm.s32 $0x17900;
	s12 =	simm.s32 $0x1;
	s13 =	simm.s32 $0x0  }
0x9: {  	s1 =	sand.u32 $0x1, s1;
	s3 =	sshll.u32 s3, $0x1;
	[smem:$0x7FF] =	sst s4  }
0xa: {  	s4 =	sadd.s32 $0xC1A00, s0;
	s6 =	sadd.s32 $0x100, s2;
	s7 =	sadd.s32 $0x200, s2  }
0xb: {  	s3 =	sor.u32 s1, s3;
	_ =	strace $0x8000004D;
	s1 =	ssub.s32 $0x2, s1  }
0xc: {  	s24 =	sshll.u32 s3, $0x5;
	s25 =	sshrl.u32 s1, $0x1;
	s8 =	sshll.u32 s3, $0x4  }
0xd: {  	s5 =	sadd.s32 s24, s0;
	s0 =	ssub.s32 s1, s25;
	s24 =	simm.s32 $0x12900  }
0xe: {  	v2 =	vlaneseq.u32;
	s25 =	simm.s32 $0x13100;
	s1 =	simm.s32 $0x16900;
	s26 =	sadd.s32 $0xC1600, s5  }
0xf: {  	vm0 =	vmmov $0xffff;
	v1 =	vshrl.u32 v2, $0x3;
	s0 =	smax.u32 s0, $0x1;
	s5 =	simm.s32 $0x17100;
	[dreg:$0x3] =	wrdreg s26  }
0x10: {  	v0 =	vand.u32 $0x7, v2;
	v2 =	vor.u32 $0x8, v2;
	v1 =	vmul.u32 $0x8, v1;
	[dreg:$0x4] =	wrdreg s0;
	s26 =	simm.s32 $0x13900;
	s0 =	simm.s32 $0x16100  }
.LBB2_1:
0x11: {  	[dreg:$0x5] =	wrdreg s13  }
0x12: {  	s3 =	simm.s32 $0x0;
	s17 =	rddreg [dreg:$0x3]  }
0x13: {  	[tilespmem:s3], [sflag:$0x2] =	stream.linear.gather [hbm4b:s17+s3], $0x100, $0x38;
	[tilespmem:$0x18100] =	vst v63  }
0x14: {  	_ =	swait.ge [sflag:s10], $0x100  }
0x15: {  	[sflag:s10] =	ssyncset.done $0x0  }
0x16: {  	p1 =	por $0x1, $0x1;
	s13 =	simm.s32 $0x0;
	[sflag:s10] =	ssyncadd.s32 $0xFFFFFF00  }
.LBB2_2:
0x17: {  	s14 =	sshll.u32 s13, $0x7  }
0x18: {  	s15 =	sand.u32 $0x3FFFFF80, s14  }
0x19: {  	v3 =	vld [tilespmem:s15+$0x0];
	_ =	sdelay $0x4  }
0x1a: {  	v4 =	vshrl.u32 v3, $0x3  }
0x1b: {  	v4 =	vmul.u32 $0x30, v4  }
0x1c: {  	v3 =	vand.u32 $0x7, v3  }
0x1d: {  	v3 =	vor.u32 v3, v4  }
0x1e: {  	v4 =	vperm.xlane v3, v0;
	_ =	sdelay $0x1  }
0x1f: {  	v4 =	vadd.s32 v1, v4;
	_ =	sdelay $0x3  }
0x20: {  	s14 =	simm.s32 $0x0;
	v3 =	vperm.xlane v3, v2  }
0x21: {  	[tilespmem:s11], [sflag:$0x1] =	stream.indirect_vreg.gather [hbm4b:s2+s14], $0x80, v4, vm0, $0xb8;
	[tilespmem:$0x18100] =	vst v63  }
0x22: {  	s3 =	simm.s32 $0x900;
	v3 =	vadd.s32 v1, v3  }
0x23: {  	[tilespmem:s3], [sflag:$0x1] =	stream.indirect_vreg.gather [hbm4b:s6+s14], $0x80, v4, vm0, $0xb8;
	[tilespmem:$0x18100] =	vst v63  }
0x24: {  	s16 =	simm.s32 $0x1100  }
0x25: {  	[tilespmem:s16], [sflag:$0x1] =	stream.indirect_vreg.gather [hbm4b:s7+s14], $0x80, v4, vm0, $0xb8;
	[tilespmem:$0x18100] =	vst v63  }
0x26: {  	s17 =	simm.s32 $0x1900  }
0x27: {  	[tilespmem:s17], [sflag:$0x1] =	stream.indirect_vreg.gather [hbm4b:s2+s14], $0x80, v3, vm0, $0xb8;
	[tilespmem:$0x18100] =	vst v63  }
0x28: {  	s16 =	simm.s32 $0x2100  }
0x29: {  	[tilespmem:s16], [sflag:$0x1] =	stream.indirect_vreg.gather [hbm4b:s6+s14], $0x80, v3, vm0, $0xb8;
	[tilespmem:$0x18100] =	vst v63  }
0x2a: {  	s17 =	simm.s32 $0x2900  }
0x2b: {  	[tilespmem:s17], [sflag:$0x1] =	stream.indirect_vreg.gather [hbm4b:s7+s14], $0x80, v3, vm0, $0xb8;
	[tilespmem:$0x18100] =	vst v63  }
0x2c: {  	v3 =	vld [tilespmem:s15+$0x10];
	_ =	sdelay $0x4  }
0x2d: {  	v4 =	vshrl.u32 v3, $0x3  }
0x2e: {  	v4 =	vmul.u32 $0x30, v4  }
0x2f: {  	v3 =	vand.u32 $0x7, v3  }
0x30: {  	v3 =	vor.u32 v3, v4  }
0x31: {  	v4 =	vperm.xlane v3, v0;
	_ =	sdelay $0x1  }
0x32: {  	v4 =	vadd.s32 v1, v4;
	_ =	sdelay $0x3  }
0x33: {  	s16 =	simm.s32 $0x3100;
	v3 =	vperm.xlane v3, v2  }
0x34: {  	[tilespmem:s16], [sflag:$0x1] =	stream.indirect_vreg.gather [hbm4b:s2+s14], $0x80, v4, vm0, $0xb8;
	[tilespmem:$0x18100] =	vst v63  }
0x35: {  	s17 =	simm.s32 $0x3900;
	v3 =	vadd.s32 v1, v3  }
0x36: {  	[tilespmem:s17], [sflag:$0x1] =	stream.indirect_vreg.gather [hbm4b:s6+s14], $0x80, v4, vm0, $0xb8;
	[tilespmem:$0x18100] =	vst v63  }
0x37: {  	s16 =	simm.s32 $0x4100  }
0x38: {  	[tilespmem:s16], [sflag:$0x1] =	stream.indirect_vreg.gather [hbm4b:s7+s14], $0x80, v4, vm0, $0xb8;
	[tilespmem:$0x18100] =	vst v63  }
0x39: {  	s17 =	simm.s32 $0x4900  }
0x3a: {  	[tilespmem:s17], [sflag:$0x1] =	stream.indirect_vreg.gather [hbm4b:s2+s14], $0x80, v3, vm0, $0xb8;
	[tilespmem:$0x18100] =	vst v63  }
0x3b: {  	s16 =	simm.s32 $0x5100  }
0x3c: {  	[tilespmem:s16], [sflag:$0x1] =	stream.indirect_vreg.gather [hbm4b:s6+s14], $0x80, v3, vm0, $0xb8;
	[tilespmem:$0x18100] =	vst v63  }
0x3d: {  	s17 =	simm.s32 $0x5900  }
0x3e: {  	[tilespmem:s17], [sflag:$0x1] =	stream.indirect_vreg.gather [hbm4b:s7+s14], $0x80, v3, vm0, $0xb8;
	[tilespmem:$0x18100] =	vst v63  }
0x3f: {  	v3 =	vld [tilespmem:s15+$0x20];
	_ =	sdelay $0x4  }
0x40: {  	v4 =	vshrl.u32 v3, $0x3  }
0x41: {  	v4 =	vmul.u32 $0x30, v4  }
0x42: {  	v3 =	vand.u32 $0x7, v3  }
0x43: {  	v3 =	vor.u32 v3, v4  }
0x44: {  	v4 =	vperm.xlane v3, v0;
	_ =	sdelay $0x1  }
0x45: {  	v4 =	vadd.s32 v1, v4;
	_ =	sdelay $0x3  }
0x46: {  	s16 =	simm.s32 $0x6100;
	v3 =	vperm.xlane v3, v2  }
0x47: {  	[tilespmem:s16], [sflag:$0x1] =	stream.indirect_vreg.gather [hbm4b:s2+s14], $0x80, v4, vm0, $0xb8;
	[tilespmem:$0x18100] =	vst v63  }
0x48: {  	s17 =	simm.s32 $0x6900;
	v3 =	vadd.s32 v1, v3  }
0x49: {  	[tilespmem:s17], [sflag:$0x1] =	stream.indirect_vreg.gather [hbm4b:s6+s14], $0x80, v4, vm0, $0xb8;
	[tilespmem:$0x18100] =	vst v63  }
0x4a: {  	s16 =	simm.s32 $0x7100  }
0x4b: {  	[tilespmem:s16], [sflag:$0x1] =	stream.indirect_vreg.gather [hbm4b:s7+s14], $0x80, v4, vm0, $0xb8;
	[tilespmem:$0x18100] =	vst v63  }
0x4c: {  	s17 =	simm.s32 $0x7900  }
0x4d: {  	[tilespmem:s17], [sflag:$0x1] =	stream.indirect_vreg.gather [hbm4b:s2+s14], $0x80, v3, vm0, $0xb8;
	[tilespmem:$0x18100] =	vst v63  }
0x4e: {  	s16 =	simm.s32 $0x8100  }
0x4f: {  	[tilespmem:s16], [sflag:$0x1] =	stream.indirect_vreg.gather [hbm4b:s6+s14], $0x80, v3, vm0, $0xb8;
	[tilespmem:$0x18100] =	vst v63  }
0x50: {  	s17 =	simm.s32 $0x8900  }
0x51: {  	[tilespmem:s17], [sflag:$0x1] =	stream.indirect_vreg.gather [hbm4b:s7+s14], $0x80, v3, vm0, $0xb8;
	[tilespmem:$0x18100] =	vst v63  }
0x52: {  	v3 =	vld [tilespmem:s15+$0x30];
	_ =	sdelay $0x4  }
0x53: {  	v4 =	vshrl.u32 v3, $0x3  }
0x54: {  	v4 =	vmul.u32 $0x30, v4  }
0x55: {  	v3 =	vand.u32 $0x7, v3  }
0x56: {  	v3 =	vor.u32 v3, v4  }
0x57: {  	v4 =	vperm.xlane v3, v0;
	_ =	sdelay $0x1  }
0x58: {  	v4 =	vadd.s32 v1, v4;
	_ =	sdelay $0x3  }
0x59: {  	s16 =	simm.s32 $0x9100;
	v3 =	vperm.xlane v3, v2  }
0x5a: {  	[tilespmem:s16], [sflag:$0x1] =	stream.indirect_vreg.gather [hbm4b:s2+s14], $0x80, v4, vm0, $0xb8;
	[tilespmem:$0x18100] =	vst v63  }
0x5b: {  	s17 =	simm.s32 $0x9900;
	v3 =	vadd.s32 v1, v3  }
0x5c: {  	[tilespmem:s17], [sflag:$0x1] =	stream.indirect_vreg.gather [hbm4b:s6+s14], $0x80, v4, vm0, $0xb8;
	[tilespmem:$0x18100] =	vst v63  }
0x5d: {  	s16 =	simm.s32 $0xA100  }
0x5e: {  	[tilespmem:s16], [sflag:$0x1] =	stream.indirect_vreg.gather [hbm4b:s7+s14], $0x80, v4, vm0, $0xb8;
	[tilespmem:$0x18100] =	vst v63  }
0x5f: {  	s17 =	simm.s32 $0xA900  }
0x60: {  	[tilespmem:s17], [sflag:$0x1] =	stream.indirect_vreg.gather [hbm4b:s2+s14], $0x80, v3, vm0, $0xb8;
	[tilespmem:$0x18100] =	vst v63  }
0x61: {  	s16 =	simm.s32 $0xB100  }
0x62: {  	[tilespmem:s16], [sflag:$0x1] =	stream.indirect_vreg.gather [hbm4b:s6+s14], $0x80, v3, vm0, $0xb8;
	[tilespmem:$0x18100] =	vst v63  }
0x63: {  	s17 =	simm.s32 $0xB900  }
0x64: {  	[tilespmem:s17], [sflag:$0x1] =	stream.indirect_vreg.gather [hbm4b:s7+s14], $0x80, v3, vm0, $0xb8;
	[tilespmem:$0x18100] =	vst v63  }
0x65: {  	v3 =	vld [tilespmem:s15+$0x40];
	_ =	sdelay $0x4  }
0x66: {  	v4 =	vshrl.u32 v3, $0x3  }
0x67: {  	v4 =	vmul.u32 $0x30, v4  }
0x68: {  	v3 =	vand.u32 $0x7, v3  }
0x69: {  	v3 =	vor.u32 v3, v4  }
0x6a: {  	v4 =	vperm.xlane v3, v0;
	_ =	sdelay $0x1  }
0x6b: {  	v4 =	vadd.s32 v1, v4;
	_ =	sdelay $0x3  }
0x6c: {  	s16 =	simm.s32 $0xC100;
	v3 =	vperm.xlane v3, v2  }
0x6d: {  	[tilespmem:s16], [sflag:$0x1] =	stream.indirect_vreg.gather [hbm4b:s2+s14], $0x80, v4, vm0, $0xb8;
	[tilespmem:$0x18100] =	vst v63  }
0x6e: {  	s17 =	simm.s32 $0xC900;
	v3 =	vadd.s32 v1, v3  }
0x6f: {  	[tilespmem:s17], [sflag:$0x1] =	stream.indirect_vreg.gather [hbm4b:s6+s14], $0x80, v4, vm0, $0xb8;
	[tilespmem:$0x18100] =	vst v63  }
0x70: {  	s16 =	simm.s32 $0xD100  }
0x71: {  	[tilespmem:s16], [sflag:$0x1] =	stream.indirect_vreg.gather [hbm4b:s7+s14], $0x80, v4, vm0, $0xb8;
	[tilespmem:$0x18100] =	vst v63  }
0x72: {  	s17 =	simm.s32 $0xD900  }
0x73: {  	[tilespmem:s17], [sflag:$0x1] =	stream.indirect_vreg.gather [hbm4b:s2+s14], $0x80, v3, vm0, $0xb8;
	[tilespmem:$0x18100] =	vst v63  }
0x74: {  	s16 =	simm.s32 $0xE100  }
0x75: {  	[tilespmem:s16], [sflag:$0x1] =	stream.indirect_vreg.gather [hbm4b:s6+s14], $0x80, v3, vm0, $0xb8;
	[tilespmem:$0x18100] =	vst v63  }
0x76: {  	s17 =	simm.s32 $0xE900  }
0x77: {  	[tilespmem:s17], [sflag:$0x1] =	stream.indirect_vreg.gather [hbm4b:s7+s14], $0x80, v3, vm0, $0xb8;
	[tilespmem:$0x18100] =	vst v63  }
0x78: {  	v3 =	vld [tilespmem:s15+$0x50];
	_ =	sdelay $0x4  }
0x79: {  	v4 =	vshrl.u32 v3, $0x3  }
0x7a: {  	v4 =	vmul.u32 $0x30, v4  }
0x7b: {  	v3 =	vand.u32 $0x7, v3  }
0x7c: {  	v3 =	vor.u32 v3, v4  }
0x7d: {  	v4 =	vperm.xlane v3, v0;
	_ =	sdelay $0x1  }
0x7e: {  	v4 =	vadd.s32 v1, v4;
	_ =	sdelay $0x3  }
0x7f: {  	s16 =	simm.s32 $0xF100;
	v3 =	vperm.xlane v3, v2  }
0x80: {  	[tilespmem:s16], [sflag:$0x1] =	stream.indirect_vreg.gather [hbm4b:s2+s14], $0x80, v4, vm0, $0xb8;
	[tilespmem:$0x18100] =	vst v63  }
0x81: {  	v3 =	vadd.s32 v1, v3  }
0x82: {  	[tilespmem:s18], [sflag:$0x1] =	stream.indirect_vreg.gather [hbm4b:s6+s14], $0x80, v4, vm0, $0xb8;
	[tilespmem:$0x18100] =	vst v63  }
0x83: {  	_ = 	snop  }
0x84: {  	[tilespmem:s19], [sflag:$0x1] =	stream.indirect_vreg.gather [hbm4b:s7+s14], $0x80, v4, vm0, $0xb8;
	[tilespmem:$0x18100] =	vst v63  }
0x85: {  	_ = 	snop  }
0x86: {  	[tilespmem:s20], [sflag:$0x1] =	stream.indirect_vreg.gather [hbm4b:s2+s14], $0x80, v3, vm0, $0xb8;
	[tilespmem:$0x18100] =	vst v63  }
0x87: {  	_ = 	snop  }
0x88: {  	[tilespmem:s21], [sflag:$0x1] =	stream.indirect_vreg.gather [hbm4b:s6+s14], $0x80, v3, vm0, $0xb8;
	[tilespmem:$0x18100] =	vst v63  }
0x89: {  	_ = 	snop  }
0x8a: {  	[tilespmem:s22], [sflag:$0x1] =	stream.indirect_vreg.gather [hbm4b:s7+s14], $0x80, v3, vm0, $0xb8;
	[tilespmem:$0x18100] =	vst v63  }
0x8b: {  	v3 =	vld [tilespmem:s15+$0x60];
	_ =	sdelay $0x4  }
0x8c: {  	v4 =	vshrl.u32 v3, $0x3  }
0x8d: {  	v4 =	vmul.u32 $0x30, v4  }
0x8e: {  	v3 =	vand.u32 $0x7, v3  }
0x8f: {  	v3 =	vor.u32 v3, v4  }
0x90: {  	v4 =	vperm.xlane v3, v0;
	_ =	sdelay $0x1  }
0x91: {  	v4 =	vadd.s32 v1, v4;
	_ =	sdelay $0x3  }
0x92: {  	v3 =	vperm.xlane v3, v2  }
0x93: {  	[tilespmem:s23], [sflag:$0x1] =	stream.indirect_vreg.gather [hbm4b:s2+s14], $0x80, v4, vm0, $0xb8;
	[tilespmem:$0x18100] =	vst v63  }
0x94: {  	v3 =	vadd.s32 v1, v3  }
0x95: {  	[tilespmem:s24], [sflag:$0x1] =	stream.indirect_vreg.gather [hbm4b:s6+s14], $0x80, v4, vm0, $0xb8;
	[tilespmem:$0x18100] =	vst v63  }
0x96: {  	_ = 	snop  }
0x97: {  	[tilespmem:s25], [sflag:$0x1] =	stream.indirect_vreg.gather [hbm4b:s7+s14], $0x80, v4, vm0, $0xb8;
	[tilespmem:$0x18100] =	vst v63  }
0x98: {  	_ = 	snop  }
0x99: {  	[tilespmem:s26], [sflag:$0x1] =	stream.indirect_vreg.gather [hbm4b:s2+s14], $0x80, v3, vm0, $0xb8;
	[tilespmem:$0x18100] =	vst v63  }
0x9a: {  	_ = 	snop  }
0x9b: {  	[tilespmem:s28], [sflag:$0x1] =	stream.indirect_vreg.gather [hbm4b:s6+s14], $0x80, v3, vm0, $0xb8;
	[tilespmem:$0x18100] =	vst v63  }
0x9c: {  	_ = 	snop  }
0x9d: {  	[tilespmem:s29], [sflag:$0x1] =	stream.indirect_vreg.gather [hbm4b:s7+s14], $0x80, v3, vm0, $0xb8;
	[tilespmem:$0x18100] =	vst v63  }
0x9e: {  	v3 =	vld [tilespmem:s15+$0x70];
	_ =	sdelay $0x4  }
0x9f: {  	v4 =	vshrl.u32 v3, $0x3  }
0xa0: {  	v4 =	vmul.u32 $0x30, v4  }
0xa1: {  	v3 =	vand.u32 $0x7, v3  }
0xa2: {  	v3 =	vor.u32 v3, v4  }
0xa3: {  	v4 =	vperm.xlane v3, v0;
	_ =	sdelay $0x1  }
0xa4: {  	v4 =	vadd.s32 v1, v4;
	_ =	sdelay $0x3  }
0xa5: {  	v3 =	vperm.xlane v3, v2  }
0xa6: {  	[tilespmem:s30], [sflag:$0x1] =	stream.indirect_vreg.gather [hbm4b:s2+s14], $0x80, v4, vm0, $0xb8;
	[tilespmem:$0x18100] =	vst v63  }
0xa7: {  	v3 =	vadd.s32 v1, v3  }
0xa8: {  	[tilespmem:s31], [sflag:$0x1] =	stream.indirect_vreg.gather [hbm4b:s6+s14], $0x80, v4, vm0, $0xb8;
	[tilespmem:$0x18100] =	vst v63  }
0xa9: {  	_ = 	snop  }
0xaa: {  	[tilespmem:s0], [sflag:$0x1] =	stream.indirect_vreg.gather [hbm4b:s7+s14], $0x80, v4, vm0, $0xb8;
	[tilespmem:$0x18100] =	vst v63  }
0xab: {  	_ = 	snop  }
0xac: {  	[tilespmem:s1], [sflag:$0x1] =	stream.indirect_vreg.gather [hbm4b:s2+s14], $0x80, v3, vm0, $0xb8;
	[tilespmem:$0x18100] =	vst v63  }
0xad: {  	s17 =	simm.s32 $0x0  }
0xae: {  	[tilespmem:s5], [sflag:$0x1] =	stream.indirect_vreg.gather [hbm4b:s6+s14], $0x80, v3, vm0, $0xb8;
	[tilespmem:$0x18100] =	vst v63  }
0xaf: {  	s15 =	smul.u32 $0x6000, s17  }
0xb0: {  	[tilespmem:s9], [sflag:$0x1] =	stream.indirect_vreg.gather [hbm4b:s7+s14], $0x80, v3, vm0, $0xb8;
	[tilespmem:$0x18100] =	vst v63  }
0xb1: {  	_ =	swait.ge [sflag:s12], $0x18000  }
0xb2: {  	s16 =	sand.u32 $0x380, s14;
	s15 =	sshra.s32 s15, $0x2;
	[sflag:s12] =	ssyncset.done $0x0  }
0xb3: {  	s15 =	sor.u32 s16, s15;
	[sflag:s12] =	ssyncadd.s32 $0xFFFE8000  }
0xb4: {  	v13 =	vld [tilespmem:s15+$0xC100]  }
0xb5: {  	v14 =	vld [tilespmem:s15+$0xC110]  }
0xb6: {  	v15 =	vld [tilespmem:s15+$0xC120]  }
0xb7: {  	v16 =	vld [tilespmem:s15+$0xC130]  }
0xb8: {  	v17 =	vld [tilespmem:s15+$0xC140]  }
0xb9: {  	v18 =	vld [tilespmem:s15+$0xC150]  }
0xba: {  	v19 =	vld [tilespmem:s15+$0xC160]  }
0xbb: {  	v20 =	vld [tilespmem:s15+$0xC170]  }
0xbc: {  	v21 =	vld [tilespmem:s15+$0xC500]  }
0xbd: {  	v22 =	vld [tilespmem:s15+$0xC510]  }
0xbe: {  	v23 =	vld [tilespmem:s15+$0xC520]  }
0xbf: {  	v24 =	vld [tilespmem:s15+$0xC530]  }
0xc0: {  	v25 =	vld [tilespmem:s15+$0xC540]  }
0xc1: {  	v26 =	vld [tilespmem:s15+$0xC550]  }
0xc2: {  	v27 =	vld [tilespmem:s15+$0xC560]  }
0xc3: {  	v28 =	vld [tilespmem:s15+$0xC570]  }
0xc4: {  	v29 =	vld [tilespmem:s15+$0xC900]  }
0xc5: {  	v30 =	vld [tilespmem:s15+$0xC910]  }
0xc6: {  	v31 =	vld [tilespmem:s15+$0xC920]  }
0xc7: {  	v32 =	vld [tilespmem:s15+$0xC930]  }
0xc8: {  	v33 =	vld [tilespmem:s15+$0xC940]  }
0xc9: {  	v34 =	vld [tilespmem:s15+$0xC950]  }
0xca: {  	v35 =	vld [tilespmem:s15+$0xC960]  }
0xcb: {  	v36 =	vld [tilespmem:s15+$0xC970]  }
0xcc: {  	v37 =	vld [tilespmem:s15+$0xCD00]  }
0xcd: {  	v38 =	vld [tilespmem:s15+$0xCD10]  }
0xce: {  	v39 =	vld [tilespmem:s15+$0xCD20]  }
0xcf: {  	v40 =	vld [tilespmem:s15+$0xCD30]  }
0xd0: {  	v41 =	vld [tilespmem:s15+$0xCD40]  }
0xd1: {  	v42 =	vld [tilespmem:s15+$0xCD50]  }
0xd2: {  	v43 =	vld [tilespmem:s15+$0xCD60]  }
0xd3: {  	v44 =	vld [tilespmem:s15+$0xCD70]  }
0xd4: {  	v45 =	vld [tilespmem:s15+$0xD100]  }
0xd5: {  	v46 =	vld [tilespmem:s15+$0xD110]  }
0xd6: {  	v47 =	vld [tilespmem:s15+$0xD120]  }
0xd7: {  	v48 =	vld [tilespmem:s15+$0xD130]  }
0xd8: {  	v49 =	vld [tilespmem:s15+$0xD140]  }
0xd9: {  	v50 =	vld [tilespmem:s15+$0xD150]  }
0xda: {  	v12 =	vld [tilespmem:s15+$0xD160]  }
0xdb: {  	v11 =	vld [tilespmem:s15+$0xD170]  }
0xdc: {  	v10 =	vld [tilespmem:s15+$0xD500]  }
0xdd: {  	v9 =	vld [tilespmem:s15+$0xD510]  }
0xde: {  	v8 =	vld [tilespmem:s15+$0xD520]  }
0xdf: {  	v7 =	vld [tilespmem:s15+$0xD530]  }
0xe0: {  	v6 =	vld [tilespmem:s15+$0xD540]  }
0xe1: {  	v51 =	vld [tilespmem:s15+$0x100]  }
0xe2: {  	v52 =	vld [tilespmem:s15+$0x110]  }
0xe3: {  	v53 =	vld [tilespmem:s15+$0x120]  }
0xe4: {  	v54 =	vld [tilespmem:s15+$0x130]  }
0xe5: {  	v55 =	vld [tilespmem:s15+$0x140]  }
0xe6: {  	v61 =	vld [tilespmem:s15+$0x150];
	v13 =	vadd.f32 v13, v51  }
0xe7: {  	v62 =	vld [tilespmem:s15+$0x160];
	v14 =	vadd.f32 v14, v52  }
0xe8: {  	[tilespmem:s15+$0x100] =	vst v13;
	v13 =	vadd.f32 v15, v53;
	v15 =	vld [tilespmem:s15+$0x170]  }
0xe9: {  	[tilespmem:s15+$0x110] =	vst v14;
	v14 =	vadd.f32 v16, v54;
	v16 =	vld [tilespmem:s15+$0x500]  }
0xea: {  	[tilespmem:s15+$0x120] =	vst v13;
	v13 =	vadd.f32 v17, v55;
	v17 =	vld [tilespmem:s15+$0x510]  }
0xeb: {  	[tilespmem:s15+$0x130] =	vst v14;
	v14 =	vadd.f32 v18, v61;
	v18 =	vld [tilespmem:s15+$0x520]  }
0xec: {  	v5 =	vld [tilespmem:s15+$0xD550]  }
0xed: {  	[tilespmem:s15+$0x140] =	vst v13;
	v13 =	vadd.f32 v19, v62;
	v19 =	vld [tilespmem:s15+$0x570]  }
0xee: {  	[tilespmem:s15+$0x150] =	vst v14;
	v14 =	vadd.f32 v20, v15;
	v15 =	vld [tilespmem:s15+$0x530]  }
0xef: {  	[tilespmem:s15+$0x160] =	vst v13;
	v13 =	vadd.f32 v21, v16;
	v16 =	vld [tilespmem:s15+$0x540]  }
0xf0: {  	[tilespmem:s15+$0x170] =	vst v14;
	v14 =	vadd.f32 v22, v17;
	v17 =	vadd.f32 v23, v18;
	v18 =	vld [tilespmem:s15+$0x560]  }
0xf1: {  	[tilespmem:s15+$0x500] =	vst v13;
	v13 =	vld [tilespmem:s15+$0x550]  }
0xf2: {  	[tilespmem:s15+$0x510] =	vst v14;
	v14 =	vld [tilespmem:s15+$0x900];
	v19 =	vadd.f32 v28, v19  }
0xf3: {  	[tilespmem:s15+$0x520] =	vst v17;
	v17 =	vld [tilespmem:s15+$0x910];
	v15 =	vadd.f32 v24, v15  }
0xf4: {  	v4 =	vld [tilespmem:s15+$0xD560];
	v16 =	vadd.f32 v25, v16;
	[tilespmem:s15+$0x570] =	vst v19  }
0xf5: {  	[tilespmem:s15+$0x530] =	vst v15;
	v15 =	vld [tilespmem:s15+$0x920];
	v18 =	vadd.f32 v27, v18  }
0xf6: {  	v13 =	vadd.f32 v26, v13;
	[tilespmem:s15+$0x540] =	vst v16;
	v16 =	vld [tilespmem:s15+$0x930]  }
0xf7: {  	v19 =	vld [tilespmem:s15+$0x970];
	[tilespmem:s15+$0x560] =	vst v18;
	v14 =	vadd.f32 v29, v14  }
0xf8: {  	v18 =	vld [tilespmem:s15+$0x950];
	v17 =	vadd.f32 v30, v17;
	[tilespmem:s15+$0x550] =	vst v13  }
0xf9: {  	v13 =	vld [tilespmem:s15+$0x940];
	[tilespmem:s15+$0x900] =	vst v14  }
0xfa: {  	[tilespmem:s15+$0x910] =	vst v17;
	v17 =	vld [tilespmem:s15+$0x960];
	v14 =	vadd.f32 v31, v15  }
0xfb: {  	v15 =	vld [tilespmem:s15+$0xD00];
	v16 =	vadd.f32 v32, v16  }
0xfc: {  	[tilespmem:s15+$0x920] =	vst v14;
	v14 =	vld [tilespmem:s15+$0xD10]  }
0xfd: {  	v18 =	vadd.f32 v34, v18;
	[tilespmem:s15+$0x930] =	vst v16;
	v16 =	vld [tilespmem:s15+$0xD20]  }
0xfe: {  	v3 =	vld [tilespmem:s15+$0xD570];
	v13 =	vadd.f32 v33, v13  }
0xff: {  	v17 =	vadd.f32 v35, v17;
	[tilespmem:s15+$0x950] =	vst v18;
	v18 =	vld [tilespmem:s15+$0xD40]  }
0x100: {  	[tilespmem:s15+$0x940] =	vst v13;
	v13 =	vld [tilespmem:s15+$0xD30];
	v15 =	vadd.f32 v37, v15  }
0x101: {  	v19 =	vadd.f32 v36, v19;
	[tilespmem:s15+$0x960] =	vst v17;
	v17 =	vld [tilespmem:s15+$0xD50]  }
0x102: {  	v14 =	vadd.f32 v38, v14;
	[tilespmem:s15+$0xD00] =	vst v15;
	v15 =	vadd.f32 v39, v16;
	v16 =	vld [tilespmem:s15+$0xD60]  }
0x103: {  	[tilespmem:s15+$0x970] =	vst v19;
	v19 =	vld [tilespmem:s15+$0xD70]  }
0x104: {  	[tilespmem:s15+$0xD10] =	vst v14;
	v14 =	vld [tilespmem:s15+$0x1100];
	v18 =	vadd.f32 v41, v18  }
0x105: {  	v13 =	vadd.f32 v40, v13;
	[tilespmem:s15+$0xD20] =	vst v15;
	v15 =	vld [tilespmem:s15+$0x1110]  }
0x106: {  	v17 =	vadd.f32 v42, v17;
	[tilespmem:s15+$0xD40] =	vst v18;
	v18 =	vld [tilespmem:s15+$0x1130]  }
0x107: {  	[tilespmem:s15+$0xD30] =	vst v13;
	v13 =	vld [tilespmem:s15+$0x1120];
	v16 =	vadd.f32 v43, v16  }
0x108: {  	v20 =	vld [tilespmem:s15+$0x1140];
	[tilespmem:s15+$0xD50] =	vst v17;
	v17 =	vadd.f32 v44, v19  }
0x109: {  	v63 =	vld [tilespmem:s15+$0x1150];
	v14 =	vadd.f32 v45, v14;
	[tilespmem:s15+$0xD60] =	vst v16  }
0x10a: {  	[tilespmem:s15+$0xD70] =	vst v17;
	v15 =	vadd.f32 v46, v15;
	v17 =	vld [tilespmem:s15+$0x1160]  }
0x10b: {  	v16 =	vld [tilespmem:s15+$0x1170];
	[tilespmem:s15+$0x1100] =	vst v14;
	v18 =	vadd.f32 v48, v18  }
0x10c: {  	v13 =	vadd.f32 v47, v13;
	[tilespmem:s15+$0x1110] =	vst v15;
	v15 =	vld [tilespmem:s15+$0x1500]  }
0x10d: {  	v19 =	vadd.f32 v49, v20;
	v14 =	vld [tilespmem:s15+$0x1510];
	[tilespmem:s15+$0x1130] =	vst v18  }
0x10e: {  	p0 =	por p1, p1;
	s16 =	simm.s32 $0x1;
	v18 =	vadd.f32 v50, v63;
	[tilespmem:s15+$0x1120] =	vst v13;
	v13 =	vld [tilespmem:s15+$0x1520]  }
.LBB2_3:
0x10f: {  	s3 =	sshrl.u32 s16, $0x3;
	p1 =	sne.s32 s16, $0x3F;
	[tilespmem:s15+$0x1140] =	vst v19;
	v12 =	vadd.f32 v12, v17;
	v17 =	vld [tilespmem:s15+$0x1530]  }
0x110: {  	s3 =	smul.u32 $0x6000, s3;
	[tilespmem:s15+$0x1150] =	vst v18;
	v11 =	vadd.f32 v11, v16;
	v16 =	vld [tilespmem:s15+$0x1540]  }
0x111: {  	s14 =	sadd.s32 $0x80, s14;
	[tilespmem:s15+$0x1160] =	vst v12;
	v10 =	vadd.f32 v10, v15;
	v12 =	vld [tilespmem:s15+$0x1550]  }
0x112: {  	s17 =	sand.u32 $0x380, s14;
	s3 =	sshra.s32 s3, $0x2;
	[tilespmem:s15+$0x1170] =	vst v11;
	v9 =	vadd.f32 v9, v14;
	v11 =	vld [tilespmem:s15+$0x1560]  }
0x113: {  	s3 =	sor.u32 s17, s3;
	[tilespmem:s15+$0x1500] =	vst v10;
	v8 =	vadd.f32 v8, v13;
	v10 =	vld [tilespmem:s15+$0x1570]  }
0x114: {  	v39 =	vld [tilespmem:s3+$0xC100];
	[tilespmem:s15+$0x1510] =	vst v9;
	v7 =	vadd.f32 v7, v17  }
0x115: {  	v40 =	vld [tilespmem:s3+$0xC110];
	[tilespmem:s15+$0x1520] =	vst v8;
	v6 =	vadd.f32 v6, v16  }
0x116: {  	v41 =	vld [tilespmem:s3+$0xC120];
	[tilespmem:s15+$0x1530] =	vst v7;
	v5 =	vadd.f32 v5, v12  }
0x117: {  	v42 =	vld [tilespmem:s3+$0xC130];
	[tilespmem:s15+$0x1540] =	vst v6;
	v4 =	vadd.f32 v4, v11  }
0x118: {  	v43 =	vld [tilespmem:s3+$0xC140];
	[tilespmem:s15+$0x1550] =	vst v5;
	v3 =	vadd.f32 v3, v10  }
0x119: {  	v44 =	vld [tilespmem:s3+$0xC150];
	[tilespmem:s15+$0x1560] =	vst v4  }
0x11a: {  	v45 =	vld [tilespmem:s3+$0xC160];
	[tilespmem:s15+$0x1570] =	vst v3;
	s15 =	smov.u32 s3  }
0x11b: {  	v46 =	vld [tilespmem:s15+$0xC170]  }
0x11c: {  	v47 =	vld [tilespmem:s15+$0xC500]  }
0x11d: {  	v48 =	vld [tilespmem:s15+$0xC510]  }
0x11e: {  	v49 =	vld [tilespmem:s15+$0xC520]  }
0x11f: {  	v50 =	vld [tilespmem:s15+$0xC530]  }
0x120: {  	v38 =	vld [tilespmem:s15+$0xC540]  }
0x121: {  	v37 =	vld [tilespmem:s15+$0xC550]  }
0x122: {  	v36 =	vld [tilespmem:s15+$0xC560]  }
0x123: {  	v35 =	vld [tilespmem:s15+$0xC570]  }
0x124: {  	v34 =	vld [tilespmem:s15+$0xC900]  }
0x125: {  	v33 =	vld [tilespmem:s15+$0xC910]  }
0x126: {  	v32 =	vld [tilespmem:s15+$0xC920]  }
0x127: {  	v31 =	vld [tilespmem:s15+$0xC930]  }
0x128: {  	v30 =	vld [tilespmem:s15+$0xC940]  }
0x129: {  	v29 =	vld [tilespmem:s15+$0xC950]  }
0x12a: {  	v28 =	vld [tilespmem:s15+$0xC960]  }
0x12b: {  	v27 =	vld [tilespmem:s15+$0xC970]  }
0x12c: {  	v26 =	vld [tilespmem:s15+$0xCD00]  }
0x12d: {  	v25 =	vld [tilespmem:s15+$0xCD10]  }
0x12e: {  	v24 =	vld [tilespmem:s15+$0xCD20]  }
0x12f: {  	v23 =	vld [tilespmem:s15+$0xCD30]  }
0x130: {  	v22 =	vld [tilespmem:s15+$0xCD40]  }
0x131: {  	v21 =	vld [tilespmem:s15+$0xCD50]  }
0x132: {  	v20 =	vld [tilespmem:s15+$0xCD60]  }
0x133: {  	v19 =	vld [tilespmem:s15+$0xCD70]  }
0x134: {  	v18 =	vld [tilespmem:s15+$0xD100]  }
0x135: {  	v17 =	vld [tilespmem:s15+$0xD110]  }
0x136: {  	v16 =	vld [tilespmem:s15+$0xD120]  }
0x137: {  	v15 =	vld [tilespmem:s15+$0xD130]  }
0x138: {  	v14 =	vld [tilespmem:s15+$0xD140]  }
0x139: {  	v13 =	vld [tilespmem:s15+$0xD150]  }
0x13a: {  	v12 =	vld [tilespmem:s15+$0xD160]  }
0x13b: {  	v11 =	vld [tilespmem:s15+$0xD170]  }
0x13c: {  	v10 =	vld [tilespmem:s15+$0xD500]  }
0x13d: {  	v9 =	vld [tilespmem:s15+$0xD510]  }
0x13e: {  	v8 =	vld [tilespmem:s15+$0xD520]  }
0x13f: {  	v7 =	vld [tilespmem:s15+$0xD530]  }
0x140: {  	v6 =	vld [tilespmem:s15+$0xD540]  }
0x141: {  	v5 =	vld [tilespmem:s15+$0xD550]  }
0x142: {  	v4 =	vld [tilespmem:s15+$0xD560]  }
0x143: {  	v3 =	vld [tilespmem:s15+$0xD570]  }
0x144: {  	v51 =	vld [tilespmem:s15+$0x100]  }
0x145: {  	v52 =	vld [tilespmem:s15+$0x110]  }
0x146: {  	v53 =	vld [tilespmem:s15+$0x120]  }
0x147: {  	v54 =	vld [tilespmem:s15+$0x130]  }
0x148: {  	v55 =	vld [tilespmem:s15+$0x140]  }
0x149: {  	v39 =	vadd.f32 v39, v51;
	v51 =	vld [tilespmem:s15+$0x150]  }
0x14a: {  	v40 =	vadd.f32 v40, v52;
	v52 =	vld [tilespmem:s15+$0x160]  }
0x14b: {  	[tilespmem:s15+$0x100] =	vst v39;
	v39 =	vadd.f32 v41, v53;
	v41 =	vld [tilespmem:s15+$0x170]  }
0x14c: {  	[tilespmem:s15+$0x110] =	vst v40;
	v40 =	vadd.f32 v42, v54;
	v42 =	vld [tilespmem:s15+$0x500]  }
0x14d: {  	[tilespmem:s15+$0x120] =	vst v39;
	v39 =	vadd.f32 v43, v55;
	v43 =	vld [tilespmem:s15+$0x510]  }
0x14e: {  	[tilespmem:s15+$0x130] =	vst v40;
	v40 =	vadd.f32 v44, v51;
	v44 =	vld [tilespmem:s15+$0x520]  }
0x14f: {  	[tilespmem:s15+$0x140] =	vst v39;
	v39 =	vadd.f32 v45, v52;
	v45 =	vld [tilespmem:s15+$0x530]  }
0x150: {  	[tilespmem:s15+$0x150] =	vst v40;
	v40 =	vadd.f32 v46, v41;
	v41 =	vld [tilespmem:s15+$0x540]  }
0x151: {  	[tilespmem:s15+$0x160] =	vst v39;
	v39 =	vadd.f32 v47, v42;
	v42 =	vld [tilespmem:s15+$0x550]  }
0x152: {  	[tilespmem:s15+$0x170] =	vst v40;
	v40 =	vadd.f32 v48, v43;
	v43 =	vld [tilespmem:s15+$0x560]  }
0x153: {  	[tilespmem:s15+$0x500] =	vst v39;
	v39 =	vadd.f32 v49, v44;
	v44 =	vld [tilespmem:s15+$0x570]  }
0x154: {  	[tilespmem:s15+$0x510] =	vst v40;
	v40 =	vadd.f32 v50, v45;
	v45 =	vld [tilespmem:s15+$0x900]  }
0x155: {  	[tilespmem:s15+$0x520] =	vst v39;
	v38 =	vadd.f32 v38, v41;
	v39 =	vld [tilespmem:s15+$0x910]  }
0x156: {  	[tilespmem:s15+$0x530] =	vst v40;
	v37 =	vadd.f32 v37, v42;
	v40 =	vld [tilespmem:s15+$0x920]  }
0x157: {  	[tilespmem:s15+$0x540] =	vst v38;
	v36 =	vadd.f32 v36, v43;
	v38 =	vld [tilespmem:s15+$0x930]  }
0x158: {  	[tilespmem:s15+$0x550] =	vst v37;
	v35 =	vadd.f32 v35, v44;
	v37 =	vld [tilespmem:s15+$0x940]  }
0x159: {  	[tilespmem:s15+$0x560] =	vst v36;
	v34 =	vadd.f32 v34, v45;
	v36 =	vld [tilespmem:s15+$0x950]  }
0x15a: {  	[tilespmem:s15+$0x570] =	vst v35;
	v33 =	vadd.f32 v33, v39;
	v35 =	vld [tilespmem:s15+$0x960]  }
0x15b: {  	[tilespmem:s15+$0x900] =	vst v34;
	v32 =	vadd.f32 v32, v40;
	v34 =	vld [tilespmem:s15+$0x970]  }
0x15c: {  	[tilespmem:s15+$0x910] =	vst v33;
	v31 =	vadd.f32 v31, v38;
	v33 =	vld [tilespmem:s15+$0xD00]  }
0x15d: {  	[tilespmem:s15+$0x920] =	vst v32;
	v30 =	vadd.f32 v30, v37;
	v32 =	vld [tilespmem:s15+$0xD10]  }
0x15e: {  	[tilespmem:s15+$0x930] =	vst v31;
	v29 =	vadd.f32 v29, v36;
	v31 =	vld [tilespmem:s15+$0xD20]  }
0x15f: {  	[tilespmem:s15+$0x940] =	vst v30;
	v28 =	vadd.f32 v28, v35;
	v30 =	vld [tilespmem:s15+$0xD30]  }
0x160: {  	[tilespmem:s15+$0x950] =	vst v29;
	v27 =	vadd.f32 v27, v34;
	v29 =	vld [tilespmem:s15+$0xD40]  }
0x161: {  	[tilespmem:s15+$0x960] =	vst v28;
	v26 =	vadd.f32 v26, v33;
	v28 =	vld [tilespmem:s15+$0xD50]  }
0x162: {  	[tilespmem:s15+$0x970] =	vst v27;
	v25 =	vadd.f32 v25, v32;
	v27 =	vld [tilespmem:s15+$0xD60]  }
0x163: {  	[tilespmem:s15+$0xD00] =	vst v26;
	v24 =	vadd.f32 v24, v31;
	v26 =	vld [tilespmem:s15+$0xD70]  }
0x164: {  	[tilespmem:s15+$0xD10] =	vst v25;
	v23 =	vadd.f32 v23, v30;
	v25 =	vld [tilespmem:s15+$0x1100]  }
0x165: {  	[tilespmem:s15+$0xD20] =	vst v24;
	v22 =	vadd.f32 v22, v29;
	v24 =	vld [tilespmem:s15+$0x1110]  }
0x166: {  	[tilespmem:s15+$0xD30] =	vst v23;
	v21 =	vadd.f32 v21, v28;
	v23 =	vld [tilespmem:s15+$0x1120]  }
0x167: {  	[tilespmem:s15+$0xD40] =	vst v22;
	v20 =	vadd.f32 v20, v27;
	v22 =	vld [tilespmem:s15+$0x1130]  }
0x168: {  	[tilespmem:s15+$0xD50] =	vst v21;
	v19 =	vadd.f32 v19, v26;
	v21 =	vld [tilespmem:s15+$0x1140]  }
0x169: {  	[tilespmem:s15+$0xD60] =	vst v20;
	v18 =	vadd.f32 v18, v25;
	v20 =	vld [tilespmem:s15+$0x1150]  }
.Ltmp0:
0x16a: {  	[tilespmem:s15+$0xD70] =	vst v19;
	v19 =	vadd.f32 v17, v24;
	v17 =	vld [tilespmem:s15+$0x1160];
	(pc) =	sbr.rel @p1 .LBB2_3-.Ltmp0, $4  }
0x16b: {  	[tilespmem:s15+$0x1100] =	vst v18;
	v18 =	vadd.f32 v16, v23;
	v16 =	vld [tilespmem:s15+$0x1170]  }
0x16c: {  	[tilespmem:s15+$0x1110] =	vst v19;
	v22 =	vadd.f32 v15, v22;
	v15 =	vld [tilespmem:s15+$0x1500]  }
0x16d: {  	[tilespmem:s15+$0x1120] =	vst v18;
	v19 =	vadd.f32 v14, v21;
	v14 =	vld [tilespmem:s15+$0x1510]  }
0x16e: {  	s16 =	sadd.s32 $0x1, s16;
	[tilespmem:s15+$0x1130] =	vst v22;
	v18 =	vadd.f32 v13, v20;
	v13 =	vld [tilespmem:s15+$0x1520]  }
0x16f: {  	[tilespmem:s15+$0x1140] =	vst v19;
	v59 =	vld [tilespmem:s15+$0x1530];
	v12 =	vadd.f32 v12, v17  }
0x170: {  	v60 =	vld [tilespmem:s15+$0x1540];
	[tilespmem:s15+$0x1150] =	vst v18;
	v11 =	vadd.f32 v11, v16  }
0x171: {  	v61 =	vld [tilespmem:s15+$0x1550];
	[tilespmem:s15+$0x1160] =	vst v12;
	v10 =	vadd.f32 v10, v15  }
0x172: {  	v62 =	vld [tilespmem:s15+$0x1560];
	[tilespmem:s15+$0x1170] =	vst v11;
	v9 =	vadd.f32 v9, v14  }
0x173: {  	v63 =	vld [tilespmem:s15+$0x1570];
	[tilespmem:s15+$0x1500] =	vst v10;
	v8 =	vadd.f32 v8, v13  }
0x174: {  	[tilespmem:s15+$0x1510] =	vst v9;
	v7 =	vadd.f32 v7, v59  }
0x175: {  	v6 =	vadd.f32 v6, v60;
	[tilespmem:s15+$0x1520] =	vst v8  }
0x176: {  	s3 =	sshll.u32 s13, $0x3;
	v5 =	vadd.f32 v5, v61;
	[tilespmem:s15+$0x1530] =	vst v7  }
0x177: {  	s3 =	sor.u32 s8, s3;
	v4 =	vadd.f32 v4, v62;
	[tilespmem:s15+$0x1540] =	vst v6  }
0x178: {  	s3 =	smul.u32 $0x300, s3;
	v3 =	vadd.f32 v3, v63;
	[tilespmem:s15+$0x1550] =	vst v5  }
0x179: {  	[tilespmem:s15+$0x1560] =	vst v4  }
.Ltmp1:
0x17a: {  	s17 =	simm.s32 $0x0;
	s3 =	sadd.s32 s4, s3;
	[tilespmem:s15+$0x1570] =	vst v3;
	(pc) =	sbr.rel @p0 .LBB2_2-.Ltmp1, $4  }
0x17b: {  	[hbm4b:s3+s17] =	stream.linear.scatter [tilespmem:s11], [sflag:$0x2], $0xC000, $0x38;
	[tilespmem:$0x18100] =	vst v63  }
0x17c: {  	_ =	swait.ge [sflag:s10], $0xC000  }
0x17d: {  	[sflag:s10] =	ssyncset.done $0x0  }
0x17e: {  	s13 =	simm.s32 $0x1;
	p1 =	por $0x0, $0x0;
	[sflag:s10] =	ssyncadd.s32 $0xFFFF4000  }
0x17f: {  	s13 =	rddreg [dreg:$0x5]  }
0x180: {  	s3 =	rddreg [dreg:$0x4];
	s13 =	sadd.s32 $0x1, s13  }
0x181: {  	p0 =	sne.s32 s13, s3  }
.Ltmp2:
0x182: {  	_ = 	snop;
	(pc) =	sbr.rel @p0 .LBB2_1-.Ltmp2, $1  }
0x183: {  	_ =	sdelay $0x3  }
0x184: {  	_ =	sfence.sel $0x180000  }
0x185: {  	[bflag:$0x0] =	sbarrier.arrive $0xFFFF  }
0x186: {  	_ =	strace $0x9000004D  }
0x187: {  	s0 =	stileid.u32;
	[bflag:$0x2] =	sbarrier.arrive $0xFFFF  }
0x188: {  	p0 =	sne.s32 s0, $0x0;
	s0 =	rddreg [dreg:$0x2]  }
0x189: {  	s0 =	sadd.s32 @!p0 $0x100000, s0  }
0x18a: {  	[sflag:s0] =	ssyncadd.tile.s32 @!p0 $0x1;
	_ =	shalt  }
.Lfunc_end2:
_tile_overlayer_lowered:
.L_overlay_start_2:
0x18b: {  	(tag) =	ssettag $0x2  }
0x18c: {  	s0 =	rddreg [dreg:$0x0];
	s2 =	stileid.u32  }
0x18d: {  	s1 =	rddreg [dreg:$0x1];
	p0 =	sne.s32 s2, $0x0  }
0x18e: {  	s3 =	rddreg [dreg:$0x2];
	[bflag:$0x3] =	sbarrier.arrive $0xFFFF;
	s2 =	simm.s32 @!p0 $0x1C02  }
0x18f: {  	[timem:s3], [sflag:s2] =	dma.local @!p0 [hbm:s0], s1  }
0x190: {  	s0 =	simm.s32 @!p0 $0x2  }
0x191: {  	_ =	swait.ge @!p0 [sflag:s0], s1  }
0x192: {  	s1 =	ssub.s32 @!p0 $0x0, s1;
	[sflag:s0] =	ssyncset.done @!p0 $0x0  }
0x193: {  	[sflag:s0] =	ssyncadd.s32 @!p0 s1  }
0x194: {  	[bflag:$0x3] =	sbarrier.arrive $0xFFFF  }
0x195: {  	_ =	shalt  }

// kernel: kernel.8.cloned.1.call-start
scs
__scs_entry_jumppad:
0x0: {  	(pc) =	sbr.rel $0x88, $3  }
0x1: {  	(tag) =	ssettag $0x0;
	lr =	simm.s32 $0x1  }
0x2: {  	[smem:$0x3F9D] =	sst lr;
	_ =	strace $0xD0000000  }
0x3: {  	_ = 	snop  }
0x4: {  	_ = 	snop  }
0x5: {  	_ = 	snop  }
0x6: {  	_ = 	snop  }
0x7: {  	_ = 	snop  }
__scs_overlays_trampoline_lowered:
0x8: {  	[smem:$0x3FAC] =	sst s0  }
0x9: {  	[smem:$0x3FAD] =	sst s1  }
0xa: {  	[smem:$0x3FAE] =	sst s2  }
0xb: {  	[smem:$0x3FAF] =	sst s3  }
0xc: {  	[smem:$0x3FB0] =	sst s4  }
0xd: {  	[smem:$0x3FB1] =	sst s5  }
0xe: {  	[smem:$0x3FB2] =	sst s6  }
0xf: {  	[smem:$0x3FB3] =	sst s7  }
0x10: {  	[smem:$0x3FB4] =	sst s8  }
0x11: {  	[smem:$0x3FB5] =	sst s9;
	s0 =	simm.s32 @!p0 $0x0  }
0x12: {  	s1 =	sld [smem:$0x3F9B];
	s0 =	simm.s32 @p0 $0x1  }
0x13: {  	[smem:$0x3FB6] =	sst s0;
	s0 =	simm.s32 @!p1 $0x0  }
0x14: {  	s2 =	sld [smem:$0x3F9A];
	s0 =	simm.s32 @p1 $0x1  }
0x15: {  	[smem:$0x3FB7] =	sst s0;
	s0 =	simm.s32 @!p2 $0x0  }
0x16: {  	s3 =	sld [smem:$0x3FDB];
	s0 =	simm.s32 @p2 $0x1  }
0x17: {  	s4 =	simm.s32 $0x1BF5;
	[smem:$0x3FB9] =	sst s0  }
0x18: {  	s0 =	sld [smem:$0x3F9C];
	_ =	swait.ge [sflag:s4], $0x0  }
0x19: {  	s7 =	sld [smem:$0x3F9D]  }
0x1a: {  	s8 =	sadd.s32 $0xFFFFE003, lr  }
0x1b: {  	s9 =	sadd.s32 $0xFFFFFEF7, lr;
	s5 =	simm.s32 $0xFFFFFFFF;
	p2 =	slt.u32 s8, $0xFFFFF086  }
0x1c: {  	p1 =	slt.u32 s9, $0xF7A;
	s5 =	simm.s32 @!p2 $0x0  }
0x1d: {  	s5 =	simm.s32 @p1 $0x1;
	p0 =	seq.s32 s7, s2  }
0x1e: {  	s7 =	smul.u32 @!p0 $0xF7A, s2;
	p2 =	seq.s32 @!p0 s5, $0x0  }
0x1f: {  	s9 =	smul.u32 $0xF7A, s1;
	s8 =	simm.s32 @!p0 $0x1BF5;
	p2 =	por !p2, p0  }
0x20: {  	[sflag:s8] =	ssyncset.s32 @!p0 $0xFFFFF086;
	s6 =	sadd.s32 @!p0 s3, s7;
	s7 =	simm.s32 @!p0 $0x108  }
0x21: {  	s3 =	sadd.s32 s3, s9;
	s6 =	sadd.s32 @!p0 $0x88, s6;
	s7 =	simm.s32 @p2 $0x1082  }
0x22: {  	[simem:s7], [sflag:s8] =	dma.local @!p0 [hbm:s6], $0xF7A  }
0x23: {  	s9 =	sor.u32 $0xD0000000, s2;
	s6 =	simm.s32 $0x108;
	_ =	swait.ge @!p0 [sflag:s8], $0x0  }
0x24: {  	s3 =	sadd.s32 $0x88, s3;
	s6 =	simm.s32 @!p1 $0x1082;
	[sflag:s4] =	ssyncset.s32 $0xFFFFF086  }
0x25: {  	[simem:s6], [sflag:s4] =	dma.local [hbm:s3], $0xF7A  }
0x26: {  	[smem:$0x3F9D] =	sst s1;
	(tag) =	ssettag s2;
	_ =	strace s9  }
0x27: {  	s1 =	sld [smem:$0x3FAD]  }
0x28: {  	s2 =	sld [smem:$0x3FAE]  }
0x29: {  	s4 =	sld [smem:$0x3FB0]  }
0x2a: {  	p0 =	seq.s32 s5, $0x0;
	s5 =	sld [smem:$0x3FB1]  }
0x2b: {  	s6 =	sld [smem:$0x3FB2]  }
0x2c: {  	s7 =	sld [smem:$0x3FB3]  }
0x2d: {  	s3 =	simm.s32 $0x108;
	s8 =	sld [smem:$0x3FB4]  }
0x2e: {  	s3 =	simm.s32 @!p0 $0x1082;
	s9 =	sld [smem:$0x3FB5]  }
0x2f: {  	lr =	sadd.s32 s0, s3;
	s0 =	sld [smem:$0x3FAC]  }
0x30: {  	s3 =	sld [smem:$0x3FAF]  }
0x31: {  	[smem:$0x3FB8] =	sst s10  }
0x32: {  	s10 =	sld [smem:$0x3FB6];
	_ =	sdelay $0x3  }
0x33: {  	p0 =	seq.s32 s10, $0x1;
	s10 =	sld [smem:$0x3FB8];
	_ =	sdelay $0x3  }
0x34: {  	[smem:$0x3FB8] =	sst s10  }
0x35: {  	s10 =	sld [smem:$0x3FB7];
	_ =	sdelay $0x3  }
0x36: {  	p1 =	seq.s32 s10, $0x1;
	s10 =	sld [smem:$0x3FB8];
	_ =	sdelay $0x3  }
0x37: {  	[smem:$0x3FB8] =	sst s10  }
0x38: {  	s10 =	sld [smem:$0x3FB9]  }
0x39: {  	_ = 	snop;
	(pc) =	sbr.ind lr, $3  }
0x3a: {  	_ = 	snop  }
0x3b: {  	_ = 	snop  }
0x3c: {  	p2 =	seq.s32 s10, $0x1;
	s10 =	sld [smem:$0x3FB8]  }
0x3d: {  	_ =	shalt  }
0x3e: {  	_ =	shalt  }
0x3f: {  	_ =	shalt  }
0x40: {  	_ =	shalt  }
0x41: {  	_ =	shalt  }
0x42: {  	_ =	shalt  }
0x43: {  	_ =	shalt  }
0x44: {  	_ =	shalt  }
0x45: {  	_ =	shalt  }
0x46: {  	_ =	shalt  }
0x47: {  	_ =	shalt  }
0x48: {  	_ =	shalt  }
0x49: {  	_ =	shalt  }
0x4a: {  	_ =	shalt  }
0x4b: {  	_ =	shalt  }
0x4c: {  	_ =	shalt  }
0x4d: {  	_ =	shalt  }
0x4e: {  	_ =	shalt  }
0x4f: {  	_ =	shalt  }
0x50: {  	_ =	shalt  }
0x51: {  	_ =	shalt  }
0x52: {  	_ =	shalt  }
0x53: {  	_ =	shalt  }
0x54: {  	_ =	shalt  }
0x55: {  	_ =	shalt  }
0x56: {  	_ =	shalt  }
0x57: {  	_ =	shalt  }
0x58: {  	_ =	shalt  }
0x59: {  	_ =	shalt  }
0x5a: {  	_ =	shalt  }
0x5b: {  	_ =	shalt  }
0x5c: {  	_ =	shalt  }
0x5d: {  	_ =	shalt  }
0x5e: {  	_ =	shalt  }
0x5f: {  	_ =	shalt  }
0x60: {  	_ =	shalt  }
0x61: {  	_ =	shalt  }
0x62: {  	_ =	shalt  }
0x63: {  	_ =	shalt  }
0x64: {  	_ =	shalt  }
0x65: {  	_ =	shalt  }
0x66: {  	_ =	shalt  }
0x67: {  	_ =	shalt  }
0x68: {  	_ =	shalt  }
0x69: {  	_ =	shalt  }
0x6a: {  	_ =	shalt  }
0x6b: {  	_ =	shalt  }
0x6c: {  	_ =	shalt  }
0x6d: {  	_ =	shalt  }
0x6e: {  	_ =	shalt  }
0x6f: {  	_ =	shalt  }
0x70: {  	_ =	shalt  }
0x71: {  	_ =	shalt  }
0x72: {  	_ =	shalt  }
0x73: {  	_ =	shalt  }
0x74: {  	_ =	shalt  }
0x75: {  	_ =	shalt  }
0x76: {  	_ =	shalt  }
0x77: {  	_ =	shalt  }
0x78: {  	_ =	shalt  }
0x79: {  	_ =	shalt  }
0x7a: {  	_ =	shalt  }
0x7b: {  	_ =	shalt  }
0x7c: {  	_ =	shalt  }
0x7d: {  	_ =	shalt  }
0x7e: {  	_ =	shalt  }
0x7f: {  	_ =	shalt  }
0x80: {  	_ =	shalt  }
0x81: {  	_ =	shalt  }
0x82: {  	_ =	shalt  }
0x83: {  	_ =	shalt  }
0x84: {  	_ =	shalt  }
0x85: {  	_ =	shalt  }
0x86: {  	_ =	shalt  }
0x87: {  	_ =	shalt  }
.Lfunc_end0:
.L_simem_size_0:
called_computation_lowered:
.L_overlay_start_0:
0x88: {  	s2 =	sld [smem:$0x3FD9]  }
0x89: {  	s3 =	sld [smem:$0x3FFE];
	_ =	sdelay $0x1  }
0x8a: {  	s1 =	srdreg.scid  }
0x8b: {  	s0 =	sand.u32 $0x1, s1  }
0x8c: {  	s17 =	sshll.u32 s0, $0xA;
	s2 =	sadd.s32 s3, s2  }
0x8d: {  	s2 =	sadd.s32 s2, s17  }
0x8e: {  	[smem:$0x3FC4] =	sst s2  }
0x8f: {  	_ = 	snop  }
0x90: {  	s2 =	sld [smem:$0x3FC6]  }
0x91: {  	s18 =	sld [smem:$0x3FD0];
	(tm) =	ssettm $0x1  }
0x92: {  	s4 =	sld [smem:$0x3FFB];
	_ =	sdelay $0x3  }
0x93: {  	_ =	strace s4  }
0x94: {  	s4 =	sld [smem:$0x3FFC];
	_ =	sdelay $0x3  }
0x95: {  	_ =	strace s4  }
0x96: {  	s4 =	sld [smem:$0x3FFD];
	_ =	sdelay $0x3  }
0x97: {  	_ =	strace s4  }
0x98: {  	_ =	strace $0x8FFFFFFF  }
0x99: {  	s19 =	sld [smem:$0x3FDB];
	_ =	sdelay $0x1  }
0x9a: {  	s5 =	simm.s32 $_scs_section_size  }
0x9b: {  	s6 =	simm.s32 $_size__tile_overlayer_lowered;
	s7 =	simm.s32 $_tile_overlayer_lowered  }
0x9c: {  	s22 =	simm.s32 $0x1BFF;
	s21 =	sshll.u32 s7, $0x1;
	s4 =	sadd.s32 s5, s19  }
0x9d: {  	s8 =	simm.s32 $0x0;
	s20 =	sshll.u32 s6, $0x1;
	s6 =	sadd.s32 s21, s4  }
0x9e: {  	[timem:s8], [sflag:s22] =	dma.local [hbm:s6], s20  }
0x9f: {  	_ =	swait.ge [sflag:s22], s20  }
0xa0: {  	s5 =	ssub.s32 $0x0, s20;
	[sflag:s22] =	ssyncset.done $0x0  }
0xa1: {  	[sflag:s22] =	ssyncadd.s32 s5;
	_ =	sdelay $0x1  }
0xa2: {  	s23 =	simm.s32 $0x1B8B  }
0xa3: {  	_ =	swait.ge [sflag:s23], $0x1  }
0xa4: {  	[sflag:s23] =	ssyncset.done $0x0  }
0xa5: {  	s25 =	simm.s32 $0x1B8E;
	s24 =	sld [smem:$0x3FFE];
	[sflag:s23] =	ssyncadd.s32 $0xFFFFFFFF  }
0xa6: {  	s26 =	simm.s32 $execute0_lowered;
	[smem:$0x3FD2] =	sst s25  }
0xa7: {  	s6 =	sshll.u32 s26, $0x1;
	_ =	strace $0x80000046;
	[dreg:$0x1] =	wrdreg $0xFFFFFFFF  }
0xa8: {  	s28 =	simm.s32 $_size_execute0_lowered;
	s4 =	sadd.s32 s4, s6;
	[dreg:$0x0] =	wrdreg $0x0  }
0xa9: {  	s6 =	sshll.u32 s28, $0x1;
	[dreg:$0x2] =	wrdreg s4  }
0xaa: {  	[dreg:$0x3] =	wrdreg s6  }
0xab: {  	[dreg:$0x4] =	wrdreg $0xC0  }
0xac: {  	_ =	task [dreg:s8], $0x5FFFF  }
0xad: {  	[dreg:$0x1] =	wrdreg $0xFFFFFFFF  }
0xae: {  	[dreg:$0x0] =	wrdreg $0x60  }
0xaf: {  	[dreg:$0x2] =	wrdreg s2  }
0xb0: {  	[dreg:$0x3] =	wrdreg s24  }
0xb1: {  	[dreg:$0x4] =	wrdreg s18  }
0xb2: {  	[dreg:$0x5] =	wrdreg $0x9  }
0xb3: {  	_ =	task.clear_ibuf [dreg:s8], $0x6FFFF;
	_ =	strace $0x90000046  }
0xb4: {  	s29 =	simm.s32 $0x9;
	_ =	strace $0x80000048  }
0xb5: {  	_ =	swait.ge [sflag:s29], $0x1  }
0xb6: {  	[sflag:s29] =	ssyncadd.s32 $0xFFFFFFFF  }
0xb7: {  	_ =	strace $0x90000048  }
0xb8: {  	_ =	sfence  }
0xb9: {  	s30 =	sld [smem:$0x0];
	_ =	sdelay $0x2  }
0xba: {  	s31 =	sshll.u32 s1, $0xD;
	s1 =	sshrl.u32 s1, $0x2  }
0xbb: {  	s3 =	sand.u32 $0x4000, s31;
	s1 =	sadd.s32 s1, s30  }
0xbc: {  	s0 =	sor.u32 s3, s0;
	s1 =	sshll.u32 s1, $0x11  }
0xbd: {  	s0 =	sor.u32 s1, s0  }
0xbe: {  	s0 =	sadd.s32 $0x8F2B, s0  }
0xbf: {  	[sflag:s0] =	ssyncadd.remote.s32 $0x1  }
0xc0: {  	_ =	sfence.sel $0xFFFF  }
0xc1: {  	[dreg:$0x0] =	wrdreg $0xFFFFFFFF;
	(pc) =	sbr.abs _section_cstart, $3  }
0xc2: {  	[dreg:$0x1] =	wrdreg $0xFFFFFFFF  }
0xc3: {  	_ =	task.clear_ibuf [dreg:s8], $0x2FFFF;
	_ =	strace $0x9FFFFFFF  }
0xc4: {  	(tm) =	ssettm $0x7FFFFFFF  }
0xc5: {  	_ =	shalt  }
tec
execute0_lowered:
.L_overlay_start_1:
0x0: {  	(tag) =	ssettag $0x1  }
0x1: {  	s1 =	rddreg [dreg:$0x0]  }
0x2: {  	s0 =	rddreg [dreg:$0x1]  }
0x3: {  	s2 =	srdreg.scid;
	s3 =	stileid.u32;
	s4 =	simm.s32 $0x0  }
0x4: {  	s10 =	simm.s32 $0x2;
	s11 =	simm.s32 $0x100;
	s17 =	simm.s32 $0xF100  }
0x5: {  	s18 =	simm.s32 $0xF900;
	s19 =	simm.s32 $0x10100;
	s20 =	simm.s32 $0x11100  }
0x6: {  	s21 =	simm.s32 $0x11900;
	s22 =	simm.s32 $0x12100;
	s23 =	simm.s32 $0x12900  }
0x7: {  	s28 =	simm.s32 $0x14900;
	s29 =	simm.s32 $0x15100;
	s30 =	simm.s32 $0x15900  }
0x8: {  	s31 =	simm.s32 $0x16100;
	s5 =	simm.s32 $0x17900;
	s9 =	simm.s32 $0x1  }
0x9: {  	s12 =	simm.s32 $0x0;
	s2 =	sand.u32 $0x1, s2;
	s3 =	sshll.u32 s3, $0x1  }
0xa: {  	[smem:$0x7FF] =	sst s4;
	s6 =	sadd.s32 $0x100, s1;
	s7 =	sadd.s32 $0x200, s1  }
0xb: {  	s4 =	simm.s32 $0x10900;
	s3 =	sor.u32 s2, s3;
	s2 =	ssub.s32 $0x2, s2  }
0xc: {  	_ =	strace $0x80000047;
	s24 =	sshll.u32 s3, $0x5;
	s25 =	sshrl.u32 s2, $0x1  }
0xd: {  	s8 =	sshll.u32 s3, $0x4;
	s0 =	sadd.s32 s24, s0;
	s2 =	ssub.s32 s2, s25  }
0xe: {  	v2 =	vlaneseq.u32;
	s24 =	simm.s32 $0x13100;
	s25 =	simm.s32 $0x13900;
	s0 =	sadd.s32 $0xA00, s0  }
0xf: {  	vm0 =	vmmov $0xffff;
	v1 =	vshrl.u32 v2, $0x3;
	s26 =	smax.u32 s2, $0x1;
	s2 =	simm.s32 $0x16900;
	[dreg:$0x4] =	wrdreg s0  }
0x10: {  	v0 =	vand.u32 $0x7, v2;
	v2 =	vor.u32 $0x8, v2;
	v1 =	vmul.u32 $0x8, v1;
	[dreg:$0x5] =	wrdreg s26;
	s26 =	simm.s32 $0x14100;
	s0 =	simm.s32 $0x17100  }
.LBB2_1:
0x11: {  	[dreg:$0x6] =	wrdreg s12  }
0x12: {  	s3 =	simm.s32 $0x0;
	s16 =	rddreg [dreg:$0x4]  }
0x13: {  	[tilespmem:s3], [sflag:$0x2] =	stream.linear.gather [hbm4b:s16+s3], $0x100, $0x38;
	[tilespmem:$0x18100] =	vst v63  }
0x14: {  	_ =	swait.ge [sflag:s10], $0x100  }
0x15: {  	[sflag:s10] =	ssyncset.done $0x0  }
0x16: {  	p1 =	por $0x1, $0x1;
	s3 =	simm.s32 $0x0;
	[sflag:s10] =	ssyncadd.s32 $0xFFFFFF00  }
.LBB2_2:
0x17: {  	s12 =	sshll.u32 s3, $0x7  }
0x18: {  	s13 =	sand.u32 $0x3FFFFF80, s12  }
0x19: {  	v3 =	vld [tilespmem:s13+$0x0];
	_ =	sdelay $0x4  }
0x1a: {  	v4 =	vshrl.u32 v3, $0x3  }
0x1b: {  	v4 =	vmul.u32 $0x30, v4  }
0x1c: {  	v3 =	vand.u32 $0x7, v3  }
0x1d: {  	v3 =	vor.u32 v3, v4  }
0x1e: {  	v4 =	vperm.xlane v3, v0;
	_ =	sdelay $0x1  }
0x1f: {  	v4 =	vadd.s32 v1, v4;
	_ =	sdelay $0x3  }
0x20: {  	s12 =	simm.s32 $0x0;
	v3 =	vperm.xlane v3, v2  }
0x21: {  	[tilespmem:s11], [sflag:$0x1] =	stream.indirect_vreg.gather [hbm4b:s1+s12], $0x80, v4, vm0, $0xb8;
	[tilespmem:$0x18100] =	vst v63  }
0x22: {  	s14 =	simm.s32 $0x900;
	v3 =	vadd.s32 v1, v3  }
0x23: {  	[tilespmem:s14], [sflag:$0x1] =	stream.indirect_vreg.gather [hbm4b:s6+s12], $0x80, v4, vm0, $0xb8;
	[tilespmem:$0x18100] =	vst v63  }
0x24: {  	s15 =	simm.s32 $0x1100  }
0x25: {  	[tilespmem:s15], [sflag:$0x1] =	stream.indirect_vreg.gather [hbm4b:s7+s12], $0x80, v4, vm0, $0xb8;
	[tilespmem:$0x18100] =	vst v63  }
0x26: {  	s16 =	simm.s32 $0x1900  }
0x27: {  	[tilespmem:s16], [sflag:$0x1] =	stream.indirect_vreg.gather [hbm4b:s1+s12], $0x80, v3, vm0, $0xb8;
	[tilespmem:$0x18100] =	vst v63  }
0x28: {  	s15 =	simm.s32 $0x2100  }
0x29: {  	[tilespmem:s15], [sflag:$0x1] =	stream.indirect_vreg.gather [hbm4b:s6+s12], $0x80, v3, vm0, $0xb8;
	[tilespmem:$0x18100] =	vst v63  }
0x2a: {  	s16 =	simm.s32 $0x2900  }
0x2b: {  	[tilespmem:s16], [sflag:$0x1] =	stream.indirect_vreg.gather [hbm4b:s7+s12], $0x80, v3, vm0, $0xb8;
	[tilespmem:$0x18100] =	vst v63  }
0x2c: {  	v3 =	vld [tilespmem:s13+$0x10];
	_ =	sdelay $0x4  }
0x2d: {  	v4 =	vshrl.u32 v3, $0x3  }
0x2e: {  	v4 =	vmul.u32 $0x30, v4  }
0x2f: {  	v3 =	vand.u32 $0x7, v3  }
0x30: {  	v3 =	vor.u32 v3, v4  }
0x31: {  	v4 =	vperm.xlane v3, v0;
	_ =	sdelay $0x1  }
0x32: {  	v4 =	vadd.s32 v1, v4;
	_ =	sdelay $0x3  }
0x33: {  	s15 =	simm.s32 $0x3100;
	v3 =	vperm.xlane v3, v2  }
0x34: {  	[tilespmem:s15], [sflag:$0x1] =	stream.indirect_vreg.gather [hbm4b:s1+s12], $0x80, v4, vm0, $0xb8;
	[tilespmem:$0x18100] =	vst v63  }
0x35: {  	s16 =	simm.s32 $0x3900;
	v3 =	vadd.s32 v1, v3  }
0x36: {  	[tilespmem:s16], [sflag:$0x1] =	stream.indirect_vreg.gather [hbm4b:s6+s12], $0x80, v4, vm0, $0xb8;
	[tilespmem:$0x18100] =	vst v63  }
0x37: {  	s15 =	simm.s32 $0x4100  }
0x38: {  	[tilespmem:s15], [sflag:$0x1] =	stream.indirect_vreg.gather [hbm4b:s7+s12], $0x80, v4, vm0, $0xb8;
	[tilespmem:$0x18100] =	vst v63  }
0x39: {  	s16 =	simm.s32 $0x4900  }
0x3a: {  	[tilespmem:s16], [sflag:$0x1] =	stream.indirect_vreg.gather [hbm4b:s1+s12], $0x80, v3, vm0, $0xb8;
	[tilespmem:$0x18100] =	vst v63  }
0x3b: {  	s15 =	simm.s32 $0x5100  }
0x3c: {  	[tilespmem:s15], [sflag:$0x1] =	stream.indirect_vreg.gather [hbm4b:s6+s12], $0x80, v3, vm0, $0xb8;
	[tilespmem:$0x18100] =	vst v63  }
0x3d: {  	s16 =	simm.s32 $0x5900  }
0x3e: {  	[tilespmem:s16], [sflag:$0x1] =	stream.indirect_vreg.gather [hbm4b:s7+s12], $0x80, v3, vm0, $0xb8;
	[tilespmem:$0x18100] =	vst v63  }
0x3f: {  	v3 =	vld [tilespmem:s13+$0x20];
	_ =	sdelay $0x4  }
0x40: {  	v4 =	vshrl.u32 v3, $0x3  }
0x41: {  	v4 =	vmul.u32 $0x30, v4  }
0x42: {  	v3 =	vand.u32 $0x7, v3  }
0x43: {  	v3 =	vor.u32 v3, v4  }
0x44: {  	v4 =	vperm.xlane v3, v0;
	_ =	sdelay $0x1  }
0x45: {  	v4 =	vadd.s32 v1, v4;
	_ =	sdelay $0x3  }
0x46: {  	s15 =	simm.s32 $0x6100;
	v3 =	vperm.xlane v3, v2  }
0x47: {  	[tilespmem:s15], [sflag:$0x1] =	stream.indirect_vreg.gather [hbm4b:s1+s12], $0x80, v4, vm0, $0xb8;
	[tilespmem:$0x18100] =	vst v63  }
0x48: {  	s16 =	simm.s32 $0x6900;
	v3 =	vadd.s32 v1, v3  }
0x49: {  	[tilespmem:s16], [sflag:$0x1] =	stream.indirect_vreg.gather [hbm4b:s6+s12], $0x80, v4, vm0, $0xb8;
	[tilespmem:$0x18100] =	vst v63  }
0x4a: {  	s15 =	simm.s32 $0x7100  }
0x4b: {  	[tilespmem:s15], [sflag:$0x1] =	stream.indirect_vreg.gather [hbm4b:s7+s12], $0x80, v4, vm0, $0xb8;
	[tilespmem:$0x18100] =	vst v63  }
0x4c: {  	s16 =	simm.s32 $0x7900  }
0x4d: {  	[tilespmem:s16], [sflag:$0x1] =	stream.indirect_vreg.gather [hbm4b:s1+s12], $0x80, v3, vm0, $0xb8;
	[tilespmem:$0x18100] =	vst v63  }
0x4e: {  	s15 =	simm.s32 $0x8100  }
0x4f: {  	[tilespmem:s15], [sflag:$0x1] =	stream.indirect_vreg.gather [hbm4b:s6+s12], $0x80, v3, vm0, $0xb8;
	[tilespmem:$0x18100] =	vst v63  }
0x50: {  	s16 =	simm.s32 $0x8900  }
0x51: {  	[tilespmem:s16], [sflag:$0x1] =	stream.indirect_vreg.gather [hbm4b:s7+s12], $0x80, v3, vm0, $0xb8;
	[tilespmem:$0x18100] =	vst v63  }
0x52: {  	v3 =	vld [tilespmem:s13+$0x30];
	_ =	sdelay $0x4  }
0x53: {  	v4 =	vshrl.u32 v3, $0x3  }
0x54: {  	v4 =	vmul.u32 $0x30, v4  }
0x55: {  	v3 =	vand.u32 $0x7, v3  }
0x56: {  	v3 =	vor.u32 v3, v4  }
0x57: {  	v4 =	vperm.xlane v3, v0;
	_ =	sdelay $0x1  }
0x58: {  	v4 =	vadd.s32 v1, v4;
	_ =	sdelay $0x3  }
0x59: {  	s15 =	simm.s32 $0x9100;
	v3 =	vperm.xlane v3, v2  }
0x5a: {  	[tilespmem:s15], [sflag:$0x1] =	stream.indirect_vreg.gather [hbm4b:s1+s12], $0x80, v4, vm0, $0xb8;
	[tilespmem:$0x18100] =	vst v63  }
0x5b: {  	s16 =	simm.s32 $0x9900;
	v3 =	vadd.s32 v1, v3  }
0x5c: {  	[tilespmem:s16], [sflag:$0x1] =	stream.indirect_vreg.gather [hbm4b:s6+s12], $0x80, v4, vm0, $0xb8;
	[tilespmem:$0x18100] =	vst v63  }
0x5d: {  	s15 =	simm.s32 $0xA100  }
0x5e: {  	[tilespmem:s15], [sflag:$0x1] =	stream.indirect_vreg.gather [hbm4b:s7+s12], $0x80, v4, vm0, $0xb8;
	[tilespmem:$0x18100] =	vst v63  }
0x5f: {  	s16 =	simm.s32 $0xA900  }
0x60: {  	[tilespmem:s16], [sflag:$0x1] =	stream.indirect_vreg.gather [hbm4b:s1+s12], $0x80, v3, vm0, $0xb8;
	[tilespmem:$0x18100] =	vst v63  }
0x61: {  	s15 =	simm.s32 $0xB100  }
0x62: {  	[tilespmem:s15], [sflag:$0x1] =	stream.indirect_vreg.gather [hbm4b:s6+s12], $0x80, v3, vm0, $0xb8;
	[tilespmem:$0x18100] =	vst v63  }
0x63: {  	s16 =	simm.s32 $0xB900  }
0x64: {  	[tilespmem:s16], [sflag:$0x1] =	stream.indirect_vreg.gather [hbm4b:s7+s12], $0x80, v3, vm0, $0xb8;
	[tilespmem:$0x18100] =	vst v63  }
0x65: {  	v3 =	vld [tilespmem:s13+$0x40];
	_ =	sdelay $0x4  }
0x66: {  	v4 =	vshrl.u32 v3, $0x3  }
0x67: {  	v4 =	vmul.u32 $0x30, v4  }
0x68: {  	v3 =	vand.u32 $0x7, v3  }
0x69: {  	v3 =	vor.u32 v3, v4  }
0x6a: {  	v4 =	vperm.xlane v3, v0;
	_ =	sdelay $0x1  }
0x6b: {  	v4 =	vadd.s32 v1, v4;
	_ =	sdelay $0x3  }
0x6c: {  	s15 =	simm.s32 $0xC100;
	v3 =	vperm.xlane v3, v2  }
0x6d: {  	[tilespmem:s15], [sflag:$0x1] =	stream.indirect_vreg.gather [hbm4b:s1+s12], $0x80, v4, vm0, $0xb8;
	[tilespmem:$0x18100] =	vst v63  }
0x6e: {  	s16 =	simm.s32 $0xC900;
	v3 =	vadd.s32 v1, v3  }
0x6f: {  	[tilespmem:s16], [sflag:$0x1] =	stream.indirect_vreg.gather [hbm4b:s6+s12], $0x80, v4, vm0, $0xb8;
	[tilespmem:$0x18100] =	vst v63  }
0x70: {  	s15 =	simm.s32 $0xD100  }
0x71: {  	[tilespmem:s15], [sflag:$0x1] =	stream.indirect_vreg.gather [hbm4b:s7+s12], $0x80, v4, vm0, $0xb8;
	[tilespmem:$0x18100] =	vst v63  }
0x72: {  	s16 =	simm.s32 $0xD900  }
0x73: {  	[tilespmem:s16], [sflag:$0x1] =	stream.indirect_vreg.gather [hbm4b:s1+s12], $0x80, v3, vm0, $0xb8;
	[tilespmem:$0x18100] =	vst v63  }
0x74: {  	s15 =	simm.s32 $0xE100  }
0x75: {  	[tilespmem:s15], [sflag:$0x1] =	stream.indirect_vreg.gather [hbm4b:s6+s12], $0x80, v3, vm0, $0xb8;
	[tilespmem:$0x18100] =	vst v63  }
0x76: {  	s16 =	simm.s32 $0xE900  }
0x77: {  	[tilespmem:s16], [sflag:$0x1] =	stream.indirect_vreg.gather [hbm4b:s7+s12], $0x80, v3, vm0, $0xb8;
	[tilespmem:$0x18100] =	vst v63  }
0x78: {  	v3 =	vld [tilespmem:s13+$0x50];
	_ =	sdelay $0x4  }
0x79: {  	v4 =	vshrl.u32 v3, $0x3  }
0x7a: {  	v4 =	vmul.u32 $0x30, v4  }
0x7b: {  	v3 =	vand.u32 $0x7, v3  }
0x7c: {  	v3 =	vor.u32 v3, v4  }
0x7d: {  	v4 =	vperm.xlane v3, v0;
	_ =	sdelay $0x1  }
0x7e: {  	v4 =	vadd.s32 v1, v4;
	_ =	sdelay $0x3  }
0x7f: {  	v3 =	vperm.xlane v3, v2  }
0x80: {  	[tilespmem:s17], [sflag:$0x1] =	stream.indirect_vreg.gather [hbm4b:s1+s12], $0x80, v4, vm0, $0xb8;
	[tilespmem:$0x18100] =	vst v63  }
0x81: {  	v3 =	vadd.s32 v1, v3  }
0x82: {  	[tilespmem:s18], [sflag:$0x1] =	stream.indirect_vreg.gather [hbm4b:s6+s12], $0x80, v4, vm0, $0xb8;
	[tilespmem:$0x18100] =	vst v63  }
0x83: {  	_ = 	snop  }
0x84: {  	[tilespmem:s19], [sflag:$0x1] =	stream.indirect_vreg.gather [hbm4b:s7+s12], $0x80, v4, vm0, $0xb8;
	[tilespmem:$0x18100] =	vst v63  }
0x85: {  	_ = 	snop  }
0x86: {  	[tilespmem:s4], [sflag:$0x1] =	stream.indirect_vreg.gather [hbm4b:s1+s12], $0x80, v3, vm0, $0xb8;
	[tilespmem:$0x18100] =	vst v63  }
0x87: {  	_ = 	snop  }
0x88: {  	[tilespmem:s20], [sflag:$0x1] =	stream.indirect_vreg.gather [hbm4b:s6+s12], $0x80, v3, vm0, $0xb8;
	[tilespmem:$0x18100] =	vst v63  }
0x89: {  	_ = 	snop  }
0x8a: {  	[tilespmem:s21], [sflag:$0x1] =	stream.indirect_vreg.gather [hbm4b:s7+s12], $0x80, v3, vm0, $0xb8;
	[tilespmem:$0x18100] =	vst v63  }
0x8b: {  	v3 =	vld [tilespmem:s13+$0x60];
	_ =	sdelay $0x4  }
0x8c: {  	v4 =	vshrl.u32 v3, $0x3  }
0x8d: {  	v4 =	vmul.u32 $0x30, v4  }
0x8e: {  	v3 =	vand.u32 $0x7, v3  }
0x8f: {  	v3 =	vor.u32 v3, v4  }
0x90: {  	v4 =	vperm.xlane v3, v0;
	_ =	sdelay $0x1  }
0x91: {  	v4 =	vadd.s32 v1, v4;
	_ =	sdelay $0x3  }
0x92: {  	v3 =	vperm.xlane v3, v2  }
0x93: {  	[tilespmem:s22], [sflag:$0x1] =	stream.indirect_vreg.gather [hbm4b:s1+s12], $0x80, v4, vm0, $0xb8;
	[tilespmem:$0x18100] =	vst v63  }
0x94: {  	v3 =	vadd.s32 v1, v3  }
0x95: {  	[tilespmem:s23], [sflag:$0x1] =	stream.indirect_vreg.gather [hbm4b:s6+s12], $0x80, v4, vm0, $0xb8;
	[tilespmem:$0x18100] =	vst v63  }
0x96: {  	_ = 	snop  }
0x97: {  	[tilespmem:s24], [sflag:$0x1] =	stream.indirect_vreg.gather [hbm4b:s7+s12], $0x80, v4, vm0, $0xb8;
	[tilespmem:$0x18100] =	vst v63  }
0x98: {  	_ = 	snop  }
0x99: {  	[tilespmem:s25], [sflag:$0x1] =	stream.indirect_vreg.gather [hbm4b:s1+s12], $0x80, v3, vm0, $0xb8;
	[tilespmem:$0x18100] =	vst v63  }
0x9a: {  	_ = 	snop  }
0x9b: {  	[tilespmem:s26], [sflag:$0x1] =	stream.indirect_vreg.gather [hbm4b:s6+s12], $0x80, v3, vm0, $0xb8;
	[tilespmem:$0x18100] =	vst v63  }
0x9c: {  	_ = 	snop  }
0x9d: {  	[tilespmem:s28], [sflag:$0x1] =	stream.indirect_vreg.gather [hbm4b:s7+s12], $0x80, v3, vm0, $0xb8;
	[tilespmem:$0x18100] =	vst v63  }
0x9e: {  	v3 =	vld [tilespmem:s13+$0x70];
	_ =	sdelay $0x4  }
0x9f: {  	v4 =	vshrl.u32 v3, $0x3  }
0xa0: {  	v4 =	vmul.u32 $0x30, v4  }
0xa1: {  	v3 =	vand.u32 $0x7, v3  }
0xa2: {  	v3 =	vor.u32 v3, v4  }
0xa3: {  	v4 =	vperm.xlane v3, v0;
	_ =	sdelay $0x1  }
0xa4: {  	v4 =	vadd.s32 v1, v4;
	_ =	sdelay $0x3  }
0xa5: {  	v3 =	vperm.xlane v3, v2  }
0xa6: {  	[tilespmem:s29], [sflag:$0x1] =	stream.indirect_vreg.gather [hbm4b:s1+s12], $0x80, v4, vm0, $0xb8;
	[tilespmem:$0x18100] =	vst v63  }
0xa7: {  	v3 =	vadd.s32 v1, v3  }
0xa8: {  	[tilespmem:s30], [sflag:$0x1] =	stream.indirect_vreg.gather [hbm4b:s6+s12], $0x80, v4, vm0, $0xb8;
	[tilespmem:$0x18100] =	vst v63  }
0xa9: {  	_ = 	snop  }
0xaa: {  	[tilespmem:s31], [sflag:$0x1] =	stream.indirect_vreg.gather [hbm4b:s7+s12], $0x80, v4, vm0, $0xb8;
	[tilespmem:$0x18100] =	vst v63  }
0xab: {  	_ = 	snop  }
0xac: {  	[tilespmem:s2], [sflag:$0x1] =	stream.indirect_vreg.gather [hbm4b:s1+s12], $0x80, v3, vm0, $0xb8;
	[tilespmem:$0x18100] =	vst v63  }
0xad: {  	s15 =	simm.s32 $0x0  }
0xae: {  	[tilespmem:s0], [sflag:$0x1] =	stream.indirect_vreg.gather [hbm4b:s6+s12], $0x80, v3, vm0, $0xb8;
	[tilespmem:$0x18100] =	vst v63  }
0xaf: {  	s13 =	smul.u32 $0x6000, s15  }
0xb0: {  	[tilespmem:s5], [sflag:$0x1] =	stream.indirect_vreg.gather [hbm4b:s7+s12], $0x80, v3, vm0, $0xb8;
	[tilespmem:$0x18100] =	vst v63  }
0xb1: {  	_ =	swait.ge [sflag:s9], $0x18000  }
0xb2: {  	s16 =	sand.u32 $0x380, s12;
	s13 =	sshra.s32 s13, $0x2;
	[sflag:s9] =	ssyncset.done $0x0  }
0xb3: {  	s13 =	sor.u32 s16, s13;
	[sflag:s9] =	ssyncadd.s32 $0xFFFE8000  }
0xb4: {  	v13 =	vld [tilespmem:s13+$0xC100]  }
0xb5: {  	v14 =	vld [tilespmem:s13+$0xC110]  }
0xb6: {  	v15 =	vld [tilespmem:s13+$0xC120]  }
0xb7: {  	v16 =	vld [tilespmem:s13+$0xC130]  }
0xb8: {  	v17 =	vld [tilespmem:s13+$0xC140]  }
0xb9: {  	v18 =	vld [tilespmem:s13+$0xC150]  }
0xba: {  	v19 =	vld [tilespmem:s13+$0xC160]  }
0xbb: {  	v20 =	vld [tilespmem:s13+$0xC170]  }
0xbc: {  	v21 =	vld [tilespmem:s13+$0xC500]  }
0xbd: {  	v22 =	vld [tilespmem:s13+$0xC510]  }
0xbe: {  	v23 =	vld [tilespmem:s13+$0xC520]  }
0xbf: {  	v24 =	vld [tilespmem:s13+$0xC530]  }
0xc0: {  	v25 =	vld [tilespmem:s13+$0xC540]  }
0xc1: {  	v26 =	vld [tilespmem:s13+$0xC550]  }
0xc2: {  	v27 =	vld [tilespmem:s13+$0xC560]  }
0xc3: {  	v28 =	vld [tilespmem:s13+$0xC570]  }
0xc4: {  	v29 =	vld [tilespmem:s13+$0xC900]  }
0xc5: {  	v30 =	vld [tilespmem:s13+$0xC910]  }
0xc6: {  	v31 =	vld [tilespmem:s13+$0xC920]  }
0xc7: {  	v32 =	vld [tilespmem:s13+$0xC930]  }
0xc8: {  	v33 =	vld [tilespmem:s13+$0xC940]  }
0xc9: {  	v34 =	vld [tilespmem:s13+$0xC950]  }
0xca: {  	v35 =	vld [tilespmem:s13+$0xC960]  }
0xcb: {  	v36 =	vld [tilespmem:s13+$0xC970]  }
0xcc: {  	v37 =	vld [tilespmem:s13+$0xCD00]  }
0xcd: {  	v38 =	vld [tilespmem:s13+$0xCD10]  }
0xce: {  	v39 =	vld [tilespmem:s13+$0xCD20]  }
0xcf: {  	v40 =	vld [tilespmem:s13+$0xCD30]  }
0xd0: {  	v41 =	vld [tilespmem:s13+$0xCD40]  }
0xd1: {  	v42 =	vld [tilespmem:s13+$0xCD50]  }
0xd2: {  	v43 =	vld [tilespmem:s13+$0xCD60]  }
0xd3: {  	v44 =	vld [tilespmem:s13+$0xCD70]  }
0xd4: {  	v45 =	vld [tilespmem:s13+$0xD100]  }
0xd5: {  	v46 =	vld [tilespmem:s13+$0xD110]  }
0xd6: {  	v47 =	vld [tilespmem:s13+$0xD120]  }
0xd7: {  	v48 =	vld [tilespmem:s13+$0xD130]  }
0xd8: {  	v49 =	vld [tilespmem:s13+$0xD140]  }
0xd9: {  	v50 =	vld [tilespmem:s13+$0xD150]  }
0xda: {  	v12 =	vld [tilespmem:s13+$0xD160]  }
0xdb: {  	v11 =	vld [tilespmem:s13+$0xD170]  }
0xdc: {  	v10 =	vld [tilespmem:s13+$0xD500]  }
0xdd: {  	v9 =	vld [tilespmem:s13+$0xD510]  }
0xde: {  	v8 =	vld [tilespmem:s13+$0xD520]  }
0xdf: {  	v7 =	vld [tilespmem:s13+$0xD530]  }
0xe0: {  	v6 =	vld [tilespmem:s13+$0xD540]  }
0xe1: {  	v51 =	vld [tilespmem:s13+$0x100]  }
0xe2: {  	v52 =	vld [tilespmem:s13+$0x110]  }
0xe3: {  	v53 =	vld [tilespmem:s13+$0x120]  }
0xe4: {  	v54 =	vld [tilespmem:s13+$0x130]  }
0xe5: {  	v55 =	vld [tilespmem:s13+$0x140]  }
0xe6: {  	v61 =	vld [tilespmem:s13+$0x150];
	v13 =	vadd.f32 v13, v51  }
0xe7: {  	v62 =	vld [tilespmem:s13+$0x160];
	v14 =	vadd.f32 v14, v52  }
0xe8: {  	[tilespmem:s13+$0x100] =	vst v13;
	v13 =	vadd.f32 v15, v53;
	v15 =	vld [tilespmem:s13+$0x170]  }
0xe9: {  	[tilespmem:s13+$0x110] =	vst v14;
	v14 =	vadd.f32 v16, v54;
	v16 =	vld [tilespmem:s13+$0x500]  }
0xea: {  	[tilespmem:s13+$0x120] =	vst v13;
	v13 =	vadd.f32 v17, v55;
	v17 =	vld [tilespmem:s13+$0x510]  }
0xeb: {  	[tilespmem:s13+$0x130] =	vst v14;
	v14 =	vadd.f32 v18, v61;
	v18 =	vld [tilespmem:s13+$0x520]  }
0xec: {  	v5 =	vld [tilespmem:s13+$0xD550]  }
0xed: {  	[tilespmem:s13+$0x140] =	vst v13;
	v13 =	vadd.f32 v19, v62;
	v19 =	vld [tilespmem:s13+$0x570]  }
0xee: {  	[tilespmem:s13+$0x150] =	vst v14;
	v14 =	vadd.f32 v20, v15;
	v15 =	vld [tilespmem:s13+$0x530]  }
0xef: {  	[tilespmem:s13+$0x160] =	vst v13;
	v13 =	vadd.f32 v21, v16;
	v16 =	vld [tilespmem:s13+$0x540]  }
0xf0: {  	[tilespmem:s13+$0x170] =	vst v14;
	v14 =	vadd.f32 v22, v17;
	v17 =	vadd.f32 v23, v18;
	v18 =	vld [tilespmem:s13+$0x560]  }
0xf1: {  	[tilespmem:s13+$0x500] =	vst v13;
	v13 =	vld [tilespmem:s13+$0x550]  }
0xf2: {  	[tilespmem:s13+$0x510] =	vst v14;
	v14 =	vld [tilespmem:s13+$0x900];
	v19 =	vadd.f32 v28, v19  }
0xf3: {  	[tilespmem:s13+$0x520] =	vst v17;
	v17 =	vld [tilespmem:s13+$0x910];
	v15 =	vadd.f32 v24, v15  }
0xf4: {  	v4 =	vld [tilespmem:s13+$0xD560];
	v16 =	vadd.f32 v25, v16;
	[tilespmem:s13+$0x570] =	vst v19  }
0xf5: {  	[tilespmem:s13+$0x530] =	vst v15;
	v15 =	vld [tilespmem:s13+$0x920];
	v18 =	vadd.f32 v27, v18  }
0xf6: {  	v13 =	vadd.f32 v26, v13;
	[tilespmem:s13+$0x540] =	vst v16;
	v16 =	vld [tilespmem:s13+$0x930]  }
0xf7: {  	v19 =	vld [tilespmem:s13+$0x970];
	[tilespmem:s13+$0x560] =	vst v18;
	v14 =	vadd.f32 v29, v14  }
0xf8: {  	v18 =	vld [tilespmem:s13+$0x950];
	v17 =	vadd.f32 v30, v17;
	[tilespmem:s13+$0x550] =	vst v13  }
0xf9: {  	v13 =	vld [tilespmem:s13+$0x940];
	[tilespmem:s13+$0x900] =	vst v14  }
0xfa: {  	[tilespmem:s13+$0x910] =	vst v17;
	v17 =	vld [tilespmem:s13+$0x960];
	v14 =	vadd.f32 v31, v15  }
0xfb: {  	v15 =	vld [tilespmem:s13+$0xD00];
	v16 =	vadd.f32 v32, v16  }
0xfc: {  	[tilespmem:s13+$0x920] =	vst v14;
	v14 =	vld [tilespmem:s13+$0xD10]  }
0xfd: {  	v18 =	vadd.f32 v34, v18;
	[tilespmem:s13+$0x930] =	vst v16;
	v16 =	vld [tilespmem:s13+$0xD20]  }
0xfe: {  	v3 =	vld [tilespmem:s13+$0xD570];
	v13 =	vadd.f32 v33, v13  }
0xff: {  	v17 =	vadd.f32 v35, v17;
	[tilespmem:s13+$0x950] =	vst v18;
	v18 =	vld [tilespmem:s13+$0xD40]  }
0x100: {  	[tilespmem:s13+$0x940] =	vst v13;
	v13 =	vld [tilespmem:s13+$0xD30];
	v15 =	vadd.f32 v37, v15  }
0x101: {  	v19 =	vadd.f32 v36, v19;
	[tilespmem:s13+$0x960] =	vst v17;
	v17 =	vld [tilespmem:s13+$0xD50]  }
0x102: {  	v14 =	vadd.f32 v38, v14;
	[tilespmem:s13+$0xD00] =	vst v15;
	v15 =	vadd.f32 v39, v16;
	v16 =	vld [tilespmem:s13+$0xD60]  }
0x103: {  	[tilespmem:s13+$0x970] =	vst v19;
	v19 =	vld [tilespmem:s13+$0xD70]  }
0x104: {  	[tilespmem:s13+$0xD10] =	vst v14;
	v14 =	vld [tilespmem:s13+$0x1100];
	v18 =	vadd.f32 v41, v18  }
0x105: {  	v13 =	vadd.f32 v40, v13;
	[tilespmem:s13+$0xD20] =	vst v15;
	v15 =	vld [tilespmem:s13+$0x1110]  }
0x106: {  	v17 =	vadd.f32 v42, v17;
	[tilespmem:s13+$0xD40] =	vst v18;
	v18 =	vld [tilespmem:s13+$0x1130]  }
0x107: {  	[tilespmem:s13+$0xD30] =	vst v13;
	v13 =	vld [tilespmem:s13+$0x1120];
	v16 =	vadd.f32 v43, v16  }
0x108: {  	v20 =	vld [tilespmem:s13+$0x1140];
	[tilespmem:s13+$0xD50] =	vst v17;
	v17 =	vadd.f32 v44, v19  }
0x109: {  	v63 =	vld [tilespmem:s13+$0x1150];
	v14 =	vadd.f32 v45, v14;
	[tilespmem:s13+$0xD60] =	vst v16  }
0x10a: {  	[tilespmem:s13+$0xD70] =	vst v17;
	v15 =	vadd.f32 v46, v15;
	v17 =	vld [tilespmem:s13+$0x1160]  }
0x10b: {  	v16 =	vld [tilespmem:s13+$0x1170];
	[tilespmem:s13+$0x1100] =	vst v14;
	v18 =	vadd.f32 v48, v18  }
0x10c: {  	v13 =	vadd.f32 v47, v13;
	[tilespmem:s13+$0x1110] =	vst v15;
	v15 =	vld [tilespmem:s13+$0x1500]  }
0x10d: {  	v19 =	vadd.f32 v49, v20;
	v14 =	vld [tilespmem:s13+$0x1510];
	[tilespmem:s13+$0x1130] =	vst v18  }
0x10e: {  	p0 =	por p1, p1;
	s14 =	simm.s32 $0x1;
	v18 =	vadd.f32 v50, v63;
	[tilespmem:s13+$0x1120] =	vst v13;
	v13 =	vld [tilespmem:s13+$0x1520]  }
.LBB2_3:
0x10f: {  	s15 =	sshrl.u32 s14, $0x3;
	p1 =	sne.s32 s14, $0x3F;
	[tilespmem:s13+$0x1140] =	vst v19;
	v12 =	vadd.f32 v12, v17;
	v17 =	vld [tilespmem:s13+$0x1530]  }
0x110: {  	s15 =	smul.u32 $0x6000, s15;
	[tilespmem:s13+$0x1150] =	vst v18;
	v11 =	vadd.f32 v11, v16;
	v16 =	vld [tilespmem:s13+$0x1540]  }
0x111: {  	s12 =	sadd.s32 $0x80, s12;
	[tilespmem:s13+$0x1160] =	vst v12;
	v10 =	vadd.f32 v10, v15;
	v12 =	vld [tilespmem:s13+$0x1550]  }
0x112: {  	s16 =	sand.u32 $0x380, s12;
	s15 =	sshra.s32 s15, $0x2;
	[tilespmem:s13+$0x1170] =	vst v11;
	v9 =	vadd.f32 v9, v14;
	v11 =	vld [tilespmem:s13+$0x1560]  }
0x113: {  	s15 =	sor.u32 s16, s15;
	[tilespmem:s13+$0x1500] =	vst v10;
	v8 =	vadd.f32 v8, v13;
	v10 =	vld [tilespmem:s13+$0x1570]  }
0x114: {  	v39 =	vld [tilespmem:s15+$0xC100];
	[tilespmem:s13+$0x1510] =	vst v9;
	v7 =	vadd.f32 v7, v17  }
0x115: {  	v40 =	vld [tilespmem:s15+$0xC110];
	[tilespmem:s13+$0x1520] =	vst v8;
	v6 =	vadd.f32 v6, v16  }
0x116: {  	v41 =	vld [tilespmem:s15+$0xC120];
	[tilespmem:s13+$0x1530] =	vst v7;
	v5 =	vadd.f32 v5, v12  }
0x117: {  	v42 =	vld [tilespmem:s15+$0xC130];
	[tilespmem:s13+$0x1540] =	vst v6;
	v4 =	vadd.f32 v4, v11  }
0x118: {  	v43 =	vld [tilespmem:s15+$0xC140];
	[tilespmem:s13+$0x1550] =	vst v5;
	v3 =	vadd.f32 v3, v10  }
0x119: {  	v44 =	vld [tilespmem:s15+$0xC150];
	[tilespmem:s13+$0x1560] =	vst v4  }
0x11a: {  	v45 =	vld [tilespmem:s15+$0xC160];
	[tilespmem:s13+$0x1570] =	vst v3;
	s13 =	smov.u32 s15  }
0x11b: {  	v46 =	vld [tilespmem:s13+$0xC170]  }
0x11c: {  	v47 =	vld [tilespmem:s13+$0xC500]  }
0x11d: {  	v48 =	vld [tilespmem:s13+$0xC510]  }
0x11e: {  	v49 =	vld [tilespmem:s13+$0xC520]  }
0x11f: {  	v50 =	vld [tilespmem:s13+$0xC530]  }
0x120: {  	v38 =	vld [tilespmem:s13+$0xC540]  }
0x121: {  	v37 =	vld [tilespmem:s13+$0xC550]  }
0x122: {  	v36 =	vld [tilespmem:s13+$0xC560]  }
0x123: {  	v35 =	vld [tilespmem:s13+$0xC570]  }
0x124: {  	v34 =	vld [tilespmem:s13+$0xC900]  }
0x125: {  	v33 =	vld [tilespmem:s13+$0xC910]  }
0x126: {  	v32 =	vld [tilespmem:s13+$0xC920]  }
0x127: {  	v31 =	vld [tilespmem:s13+$0xC930]  }
0x128: {  	v30 =	vld [tilespmem:s13+$0xC940]  }
0x129: {  	v29 =	vld [tilespmem:s13+$0xC950]  }
0x12a: {  	v28 =	vld [tilespmem:s13+$0xC960]  }
0x12b: {  	v27 =	vld [tilespmem:s13+$0xC970]  }
0x12c: {  	v26 =	vld [tilespmem:s13+$0xCD00]  }
0x12d: {  	v25 =	vld [tilespmem:s13+$0xCD10]  }
0x12e: {  	v24 =	vld [tilespmem:s13+$0xCD20]  }
0x12f: {  	v23 =	vld [tilespmem:s13+$0xCD30]  }
0x130: {  	v22 =	vld [tilespmem:s13+$0xCD40]  }
0x131: {  	v21 =	vld [tilespmem:s13+$0xCD50]  }
0x132: {  	v20 =	vld [tilespmem:s13+$0xCD60]  }
0x133: {  	v19 =	vld [tilespmem:s13+$0xCD70]  }
0x134: {  	v18 =	vld [tilespmem:s13+$0xD100]  }
0x135: {  	v17 =	vld [tilespmem:s13+$0xD110]  }
0x136: {  	v16 =	vld [tilespmem:s13+$0xD120]  }
0x137: {  	v15 =	vld [tilespmem:s13+$0xD130]  }
0x138: {  	v14 =	vld [tilespmem:s13+$0xD140]  }
0x139: {  	v13 =	vld [tilespmem:s13+$0xD150]  }
0x13a: {  	v12 =	vld [tilespmem:s13+$0xD160]  }
0x13b: {  	v11 =	vld [tilespmem:s13+$0xD170]  }
0x13c: {  	v10 =	vld [tilespmem:s13+$0xD500]  }
0x13d: {  	v9 =	vld [tilespmem:s13+$0xD510]  }
0x13e: {  	v8 =	vld [tilespmem:s13+$0xD520]  }
0x13f: {  	v7 =	vld [tilespmem:s13+$0xD530]  }
0x140: {  	v6 =	vld [tilespmem:s13+$0xD540]  }
0x141: {  	v5 =	vld [tilespmem:s13+$0xD550]  }
0x142: {  	v4 =	vld [tilespmem:s13+$0xD560]  }
0x143: {  	v3 =	vld [tilespmem:s13+$0xD570]  }
0x144: {  	v51 =	vld [tilespmem:s13+$0x100]  }
0x145: {  	v52 =	vld [tilespmem:s13+$0x110]  }
0x146: {  	v53 =	vld [tilespmem:s13+$0x120]  }
0x147: {  	v54 =	vld [tilespmem:s13+$0x130]  }
0x148: {  	v55 =	vld [tilespmem:s13+$0x140]  }
0x149: {  	v39 =	vadd.f32 v39, v51;
	v51 =	vld [tilespmem:s13+$0x150]  }
0x14a: {  	v40 =	vadd.f32 v40, v52;
	v52 =	vld [tilespmem:s13+$0x160]  }
0x14b: {  	[tilespmem:s13+$0x100] =	vst v39;
	v39 =	vadd.f32 v41, v53;
	v41 =	vld [tilespmem:s13+$0x170]  }
0x14c: {  	[tilespmem:s13+$0x110] =	vst v40;
	v40 =	vadd.f32 v42, v54;
	v42 =	vld [tilespmem:s13+$0x500]  }
0x14d: {  	[tilespmem:s13+$0x120] =	vst v39;
	v39 =	vadd.f32 v43, v55;
	v43 =	vld [tilespmem:s13+$0x510]  }
0x14e: {  	[tilespmem:s13+$0x130] =	vst v40;
	v40 =	vadd.f32 v44, v51;
	v44 =	vld [tilespmem:s13+$0x520]  }
0x14f: {  	[tilespmem:s13+$0x140] =	vst v39;
	v39 =	vadd.f32 v45, v52;
	v45 =	vld [tilespmem:s13+$0x530]  }
0x150: {  	[tilespmem:s13+$0x150] =	vst v40;
	v40 =	vadd.f32 v46, v41;
	v41 =	vld [tilespmem:s13+$0x540]  }
0x151: {  	[tilespmem:s13+$0x160] =	vst v39;
	v39 =	vadd.f32 v47, v42;
	v42 =	vld [tilespmem:s13+$0x550]  }
0x152: {  	[tilespmem:s13+$0x170] =	vst v40;
	v40 =	vadd.f32 v48, v43;
	v43 =	vld [tilespmem:s13+$0x560]  }
0x153: {  	[tilespmem:s13+$0x500] =	vst v39;
	v39 =	vadd.f32 v49, v44;
	v44 =	vld [tilespmem:s13+$0x570]  }
0x154: {  	[tilespmem:s13+$0x510] =	vst v40;
	v40 =	vadd.f32 v50, v45;
	v45 =	vld [tilespmem:s13+$0x900]  }
0x155: {  	[tilespmem:s13+$0x520] =	vst v39;
	v38 =	vadd.f32 v38, v41;
	v39 =	vld [tilespmem:s13+$0x910]  }
0x156: {  	[tilespmem:s13+$0x530] =	vst v40;
	v37 =	vadd.f32 v37, v42;
	v40 =	vld [tilespmem:s13+$0x920]  }
0x157: {  	[tilespmem:s13+$0x540] =	vst v38;
	v36 =	vadd.f32 v36, v43;
	v38 =	vld [tilespmem:s13+$0x930]  }
0x158: {  	[tilespmem:s13+$0x550] =	vst v37;
	v35 =	vadd.f32 v35, v44;
	v37 =	vld [tilespmem:s13+$0x940]  }
0x159: {  	[tilespmem:s13+$0x560] =	vst v36;
	v34 =	vadd.f32 v34, v45;
	v36 =	vld [tilespmem:s13+$0x950]  }
0x15a: {  	[tilespmem:s13+$0x570] =	vst v35;
	v33 =	vadd.f32 v33, v39;
	v35 =	vld [tilespmem:s13+$0x960]  }
0x15b: {  	[tilespmem:s13+$0x900] =	vst v34;
	v32 =	vadd.f32 v32, v40;
	v34 =	vld [tilespmem:s13+$0x970]  }
0x15c: {  	[tilespmem:s13+$0x910] =	vst v33;
	v31 =	vadd.f32 v31, v38;
	v33 =	vld [tilespmem:s13+$0xD00]  }
0x15d: {  	[tilespmem:s13+$0x920] =	vst v32;
	v30 =	vadd.f32 v30, v37;
	v32 =	vld [tilespmem:s13+$0xD10]  }
0x15e: {  	[tilespmem:s13+$0x930] =	vst v31;
	v29 =	vadd.f32 v29, v36;
	v31 =	vld [tilespmem:s13+$0xD20]  }
0x15f: {  	[tilespmem:s13+$0x940] =	vst v30;
	v28 =	vadd.f32 v28, v35;
	v30 =	vld [tilespmem:s13+$0xD30]  }
0x160: {  	[tilespmem:s13+$0x950] =	vst v29;
	v27 =	vadd.f32 v27, v34;
	v29 =	vld [tilespmem:s13+$0xD40]  }
0x161: {  	[tilespmem:s13+$0x960] =	vst v28;
	v26 =	vadd.f32 v26, v33;
	v28 =	vld [tilespmem:s13+$0xD50]  }
0x162: {  	[tilespmem:s13+$0x970] =	vst v27;
	v25 =	vadd.f32 v25, v32;
	v27 =	vld [tilespmem:s13+$0xD60]  }
0x163: {  	[tilespmem:s13+$0xD00] =	vst v26;
	v24 =	vadd.f32 v24, v31;
	v26 =	vld [tilespmem:s13+$0xD70]  }
0x164: {  	[tilespmem:s13+$0xD10] =	vst v25;
	v23 =	vadd.f32 v23, v30;
	v25 =	vld [tilespmem:s13+$0x1100]  }
0x165: {  	[tilespmem:s13+$0xD20] =	vst v24;
	v22 =	vadd.f32 v22, v29;
	v24 =	vld [tilespmem:s13+$0x1110]  }
0x166: {  	[tilespmem:s13+$0xD30] =	vst v23;
	v21 =	vadd.f32 v21, v28;
	v23 =	vld [tilespmem:s13+$0x1120]  }
0x167: {  	[tilespmem:s13+$0xD40] =	vst v22;
	v20 =	vadd.f32 v20, v27;
	v22 =	vld [tilespmem:s13+$0x1130]  }
0x168: {  	[tilespmem:s13+$0xD50] =	vst v21;
	v19 =	vadd.f32 v19, v26;
	v21 =	vld [tilespmem:s13+$0x1140]  }
0x169: {  	[tilespmem:s13+$0xD60] =	vst v20;
	v18 =	vadd.f32 v18, v25;
	v20 =	vld [tilespmem:s13+$0x1150]  }
.Ltmp0:
0x16a: {  	[tilespmem:s13+$0xD70] =	vst v19;
	v19 =	vadd.f32 v17, v24;
	v17 =	vld [tilespmem:s13+$0x1160];
	(pc) =	sbr.rel @p1 .LBB2_3-.Ltmp0, $4  }
0x16b: {  	[tilespmem:s13+$0x1100] =	vst v18;
	v18 =	vadd.f32 v16, v23;
	v16 =	vld [tilespmem:s13+$0x1170]  }
0x16c: {  	[tilespmem:s13+$0x1110] =	vst v19;
	v22 =	vadd.f32 v15, v22;
	v15 =	vld [tilespmem:s13+$0x1500]  }
0x16d: {  	[tilespmem:s13+$0x1120] =	vst v18;
	v19 =	vadd.f32 v14, v21;
	v14 =	vld [tilespmem:s13+$0x1510]  }
0x16e: {  	s14 =	sadd.s32 $0x1, s14;
	[tilespmem:s13+$0x1130] =	vst v22;
	v18 =	vadd.f32 v13, v20;
	v13 =	vld [tilespmem:s13+$0x1520]  }
0x16f: {  	[tilespmem:s13+$0x1140] =	vst v19;
	v59 =	vld [tilespmem:s13+$0x1530];
	v12 =	vadd.f32 v12, v17  }
0x170: {  	v60 =	vld [tilespmem:s13+$0x1540];
	[tilespmem:s13+$0x1150] =	vst v18;
	v11 =	vadd.f32 v11, v16  }
0x171: {  	v61 =	vld [tilespmem:s13+$0x1550];
	[tilespmem:s13+$0x1160] =	vst v12;
	v10 =	vadd.f32 v10, v15  }
0x172: {  	v62 =	vld [tilespmem:s13+$0x1560];
	[tilespmem:s13+$0x1170] =	vst v11;
	v9 =	vadd.f32 v9, v14  }
0x173: {  	v63 =	vld [tilespmem:s13+$0x1570];
	[tilespmem:s13+$0x1500] =	vst v10;
	v8 =	vadd.f32 v8, v13  }
0x174: {  	[tilespmem:s13+$0x1510] =	vst v9;
	v7 =	vadd.f32 v7, v59  }
0x175: {  	v6 =	vadd.f32 v6, v60;
	[tilespmem:s13+$0x1520] =	vst v8  }
0x176: {  	s3 =	sshll.u32 s3, $0x3;
	v5 =	vadd.f32 v5, v61;
	[tilespmem:s13+$0x1530] =	vst v7  }
0x177: {  	s3 =	sor.u32 s8, s3;
	v4 =	vadd.f32 v4, v62;
	[tilespmem:s13+$0x1540] =	vst v6  }
0x178: {  	s3 =	smul.u32 $0x300, s3;
	v3 =	vadd.f32 v3, v63;
	[tilespmem:s13+$0x1550] =	vst v5  }
0x179: {  	s12 =	rddreg [dreg:$0x2];
	[tilespmem:s13+$0x1560] =	vst v4  }
.Ltmp1:
0x17a: {  	s16 =	simm.s32 $0x0;
	s3 =	sadd.s32 s12, s3;
	[tilespmem:s13+$0x1570] =	vst v3;
	(pc) =	sbr.rel @p0 .LBB2_2-.Ltmp1, $4  }
0x17b: {  	[hbm4b:s3+s16] =	stream.linear.scatter [tilespmem:s11], [sflag:$0x2], $0xC000, $0x38;
	[tilespmem:$0x18100] =	vst v63  }
0x17c: {  	_ =	swait.ge [sflag:s10], $0xC000  }
0x17d: {  	[sflag:s10] =	ssyncset.done $0x0  }
0x17e: {  	p1 =	por $0x0, $0x0;
	s3 =	simm.s32 $0x1;
	[sflag:s10] =	ssyncadd.s32 $0xFFFF4000  }
0x17f: {  	s12 =	rddreg [dreg:$0x6]  }
0x180: {  	s3 =	rddreg [dreg:$0x5];
	s12 =	sadd.s32 $0x1, s12  }
0x181: {  	p0 =	sne.s32 s12, s3  }
.Ltmp2:
0x182: {  	_ = 	snop;
	(pc) =	sbr.rel @p0 .LBB2_1-.Ltmp2, $1  }
0x183: {  	_ =	sdelay $0x3  }
0x184: {  	_ =	sfence.sel $0x180000  }
0x185: {  	[bflag:$0x0] =	sbarrier.arrive $0xFFFF  }
0x186: {  	_ =	strace $0x90000047  }
0x187: {  	s0 =	stileid.u32;
	[bflag:$0x2] =	sbarrier.arrive $0xFFFF  }
0x188: {  	p0 =	sne.s32 s0, $0x0;
	s0 =	rddreg [dreg:$0x3]  }
0x189: {  	s0 =	sadd.s32 @!p0 $0x100000, s0  }
0x18a: {  	[sflag:s0] =	ssyncadd.tile.s32 @!p0 $0x1;
	_ =	shalt  }
.Lfunc_end2:
_tile_overlayer_lowered:
.L_overlay_start_2:
0x18b: {  	(tag) =	ssettag $0x2  }
0x18c: {  	s0 =	rddreg [dreg:$0x0];
	s2 =	stileid.u32  }
0x18d: {  	s1 =	rddreg [dreg:$0x1];
	p0 =	sne.s32 s2, $0x0  }
0x18e: {  	s3 =	rddreg [dreg:$0x2];
	[bflag:$0x3] =	sbarrier.arrive $0xFFFF;
	s2 =	simm.s32 @!p0 $0x1C02  }
0x18f: {  	[timem:s3], [sflag:s2] =	dma.local @!p0 [hbm:s0], s1  }
0x190: {  	s0 =	simm.s32 @!p0 $0x2  }
0x191: {  	_ =	swait.ge @!p0 [sflag:s0], s1  }
0x192: {  	s1 =	ssub.s32 @!p0 $0x0, s1;
	[sflag:s0] =	ssyncset.done @!p0 $0x0  }
0x193: {  	[sflag:s0] =	ssyncadd.s32 @!p0 s1  }
0x194: {  	[bflag:$0x3] =	sbarrier.arrive $0xFFFF  }
0x195: {  	_ =	shalt  }

</sc_bundles>
